<compile_context>
chip_gen: v7x
topology: tpu7x:2x2x1
jax: 0.10.2.dev20260603
libtpu: 0.0.44.dev20260713+nightly
codegen_flags: <defaults>
</compile_context>

<pallas_src>
import functools

import jax
import jax.numpy as jnp
from jax import lax
from jax.experimental import pallas as pl
from jax.experimental.pallas import tpu as pltpu
from jax.experimental.pallas import tpu_sc as plsc

NC = 2
NS = 16
CH = 128
LANES = 16
NB = 4


def _sc_segment_sums(x2, row, col, eattr, zx, ze):
    N2, DH = x2.shape
    N = N2 // NC
    E, DE = eattr.shape
    n = E // CH
    base = n // NS
    extra = n - base * NS
    assert base % NB == 0 and base >= 3 * NB

    mesh = plsc.VectorSubcoreMesh(core_axis_name="c", subcore_axis_name="s")

    @functools.partial(
        pl.kernel,
        out_type=(
            jax.ShapeDtypeStruct((NC, N, DH), jnp.float32),
            jax.ShapeDtypeStruct((NC, N, DE), jnp.float32),
        ),
        mesh=mesh,
        compiler_params=pltpu.CompilerParams(use_tc_tiling_on_sc=False),
        scratch_types=[
            pltpu.VMEM((NB, CH), jnp.int32),
            pltpu.VMEM((NB, CH), jnp.int32),
            pltpu.VMEM((NB, CH, DH), jnp.float32),
            pltpu.VMEM((NB, CH, DE), jnp.float32),
            pltpu.VMEM_SHARED((N, DH), jnp.float32),
            pltpu.VMEM_SHARED((N, DE), jnp.float32),
        ] + [pltpu.SemaphoreType.DMA] * (4 * NB + 1),
    )
    def sc_kernel(x2_hbm, row_hbm, col_hbm, ea_hbm, zx_hbm, ze_hbm,
                  ox_hbm, o2_hbm,
                  ridx_v, cidx_v, msg_v, ea_v, accx_s, acc2_s,
                  *sems):
        cid = lax.axis_index("c")
        sid = lax.axis_index("s")
        sI = sems[0:NB]
        sE = sems[NB:2 * NB]
        sG = sems[2 * NB:3 * NB]
        sS = sems[3 * NB:4 * NB]
        sZ = sems[4 * NB]

        @pl.loop(0, CH)
        def _(i):
            for b in range(NB):
                ea_v[b, i, :] = jnp.full((DE,), 1.0, dtype=jnp.float32)

        rpt = (N // NS) // 8 * 8
        rem = N - NS * rpt
        zbase = sid * rpt

        def zero_rows(rb, size):
            pltpu.async_copy(zx_hbm.at[pl.ds(rb, size)],
                             accx_s.at[pl.ds(rb, size)], sZ).wait()
            pltpu.async_copy(ze_hbm.at[pl.ds(rb, size)],
                             acc2_s.at[pl.ds(rb, size)], sZ).wait()

        def ebase(i):
            return (i * NS + sid) * CH

        def idx_start(i, b):
            eb = ebase(i)
            pltpu.async_copy(row_hbm.at[pl.ds(eb, CH)], ridx_v.at[b], sI[b])
            pltpu.async_copy(col_hbm.at[pl.ds(eb, CH)], cidx_v.at[b], sI[b])

            @pl.when(cid == 0)
            def _():
                pltpu.async_copy(ea_hbm.at[pl.ds(eb, CH)], ea_v.at[b], sE[b])

        def stage_a(b):
            pltpu.make_async_copy(row_hbm.at[pl.ds(0, CH)],
                                  ridx_v.at[b], sI[b]).wait()
            pltpu.make_async_copy(col_hbm.at[pl.ds(0, CH)],
                                  cidx_v.at[b], sI[b]).wait()
            for j in range(CH // LANES):
                sl = pl.ds(j * LANES, LANES)
                ridx_v[b, sl] = ridx_v[b, sl] * 2 + cid
            pltpu.async_copy(x2_hbm.at[ridx_v.at[b]], msg_v.at[b], sG[b])

        def stage_b(b):
            pltpu.make_async_copy(x2_hbm.at[ridx_v.at[b]],
                                  msg_v.at[b], sG[b]).wait()

            @pl.when(cid == 0)
            def _():
                pltpu.make_async_copy(ea_hbm.at[pl.ds(0, CH)],
                                      ea_v.at[b], sE[b]).wait()
            pltpu.async_copy(msg_v.at[b], accx_s.at[cidx_v.at[b]],
                             sS[b], add=True)
            pltpu.async_copy(ea_v.at[b], acc2_s.at[cidx_v.at[b]],
                             sS[b], add=True)

        def stage_c(b):
            pltpu.make_async_copy(msg_v.at[b],
                                  accx_s.at[cidx_v.at[b]], sS[b]).wait()
            pltpu.make_async_copy(ea_v.at[b],
                                  acc2_s.at[cidx_v.at[b]], sS[b]).wait()

        def run_chunks():
            for b in range(NB):
                idx_start(b, b)
            stage_a(0)
            stage_a(1)
            stage_b(0)
            stage_a(2)
            stage_b(1)
            stage_c(0)
            idx_start(NB, 0)
            stage_a(3)
            stage_b(2)
            stage_c(1)
            idx_start(NB + 1, 1)

            @pl.loop(0, (base - 2 * NB) // NB)
            def _(k):
                for b in range(NB):
                    i = NB + k * NB + b
                    stage_a(b)
                    stage_b((b - 1) % NB)
                    stage_c((b - 2) % NB)
                    idx_start(i + 2, (b + 2) % NB)

            for i in range(base - NB, base):
                b = i % NB
                stage_a(b)
                stage_b((b - 1) % NB)
                stage_c((b - 2) % NB)
                if i + 2 < base:
                    idx_start(i + 2, (b + 2) % NB)
            stage_b((base - 1) % NB)
            stage_c((base - 2) % NB)
            stage_c((base - 1) % NB)

            if extra:
                @pl.when(sid < extra)
                def _():
                    idx_start(base, 0)
                    stage_a(0)
                    stage_b(0)
                    stage_c(0)

        def out_rows(rb, size):
            pltpu.sync_copy(accx_s.at[pl.ds(rb, size)],
                            ox_hbm.at[cid, pl.ds(rb, size)])
            pltpu.sync_copy(acc2_s.at[pl.ds(rb, size)],
                            o2_hbm.at[cid, pl.ds(rb, size)])

        zero_rows(zbase, rpt)
        if rem:
            @pl.when(sid == NS - 1)
            def _():
                zero_rows(NS * rpt, rem)
        plsc.subcore_barrier()
        run_chunks()
        plsc.subcore_barrier()
        out_rows(zbase, rpt)
        if rem:
            @pl.when(sid == NS - 1)
            def _():
                out_rows(NS * rpt, rem)

    return sc_kernel(x2, row, col, eattr, zx, ze)


def _tc_body(x_ref, sxlo_ref, sxhi_ref, se_ref, cnt_ref,
             w_ref, b_ref, o_ref):
    D = x_ref.shape[1]
    DH = sxlo_ref.shape[2]
    DE = se_ref.shape[2]
    cnt = cnt_ref[0][:, 0:1]
    inv = 1.0 / jnp.maximum(cnt, 1.0)
    acc = jnp.dot(x_ref[...], w_ref[0:D, :], preferred_element_type=jnp.float32)
    agg = jnp.dot(sxlo_ref[0], w_ref[D:D + DH, :],
                  preferred_element_type=jnp.float32)
    agg = agg + jnp.dot(sxhi_ref[0], w_ref[D + DH:2 * D, :],
                        preferred_element_type=jnp.float32)
    agg = agg + jnp.dot(se_ref[0], w_ref[2 * D:2 * D + DE, :],
                        preferred_element_type=jnp.float32)
    o_ref[...] = jnp.maximum(acc + agg * inv + b_ref[...], 0.0)


def _tc_update(x, ox, o2, W, b):
    N, D = x.shape
    DH = ox.shape[2]
    DE = o2.shape[2]
    BN = 1000
    grid = (N // BN,)
    fan_in = W.shape[0]
    return pl.pallas_call(
        _tc_body,
        grid=grid,
        in_specs=[
            pl.BlockSpec((BN, D), lambda i: (i, 0)),
            pl.BlockSpec((1, BN, DH), lambda i: (0, i, 0)),
            pl.BlockSpec((1, BN, DH), lambda i: (1, i, 0)),
            pl.BlockSpec((1, BN, DE), lambda i: (0, i, 0)),
            pl.BlockSpec((1, BN, DE), lambda i: (1, i, 0)),
            pl.BlockSpec((fan_in, D), lambda i: (0, 0)),
            pl.BlockSpec((1, D), lambda i: (0, 0)),
        ],
        out_specs=pl.BlockSpec((BN, D), lambda i: (i, 0)),
        out_shape=jax.ShapeDtypeStruct((N, D), jnp.float32),
    )(x, ox, ox, o2, o2, W, b.reshape(1, D))


def kernel(x, edge_index, edge_attr, W, b):
    N, D = x.shape
    DH = D // 2
    DE = edge_attr.shape[1]
    row = edge_index[0]
    col = edge_index[1]
    x2 = x.reshape(NC * N, DH)
    zx = jnp.zeros((N, DH), jnp.float32)
    ze = jnp.zeros((N, DE), jnp.float32)
    ox, o2 = _sc_segment_sums(x2, row, col, edge_attr, zx, ze)
    x_new = _tc_update(x, ox, o2, W, b)
    return (x_new, edge_attr)

# --- scband reference (transcript-rebuilt; emitter-appended) ---
"""Pipeline reference for scband-static-conv-9964324127377 (READ-ONLY COPY).

The authoritative reference and input builder live on the scoring server;
editing this copy changes nothing except your own understanding.
"""

import jax, jax.numpy as jnp
import numpy as np

N = 10000
E = 320000
D = 128
DE = 16

def setup_inputs(seed: int = 0) -> dict:
    key = jax.random.key(seed)
    k1, k2, k3, k4 = jax.random.split(key, 4)
    x = jax.random.normal(k1, (N, D), dtype=jnp.float32)
    edge_index = jax.random.randint(k2, (2, E), 0, N, dtype=jnp.int32)
    edge_attr = jax.random.normal(k3, (E, DE), dtype=jnp.float32)
    fan_in = 2 * D + DE
    W = jax.random.normal(k4, (fan_in, D), dtype=jnp.float32) / np.sqrt(fan_in)
    b = jnp.zeros((D,), dtype=jnp.float32)
    return {"x": x, "edge_index": edge_index, "edge_attr": edge_attr, "W": W, "b": b}

def reference(x, edge_index, edge_attr, W, b):
    # StaticConv.forward with edge_update_model=None:
    #   edge_attr passes through unchanged; NodeUpdater (MetaLayer-style node model)
    #   gathers source-node features + edge attrs, scatter-means by destination node,
    #   concats with x and applies a linear + ReLU update.
    row = edge_index[0]
    col = edge_index[1]
    msg = jnp.concatenate([jnp.take(x, row, axis=0), edge_attr], axis=1)
    summed = jax.ops.segment_sum(msg, col, num_segments=N)
    cnt = jax.ops.segment_sum(jnp.ones((E,), dtype=jnp.float32), col, num_segments=N)
    agg = summed / jnp.maximum(cnt, 1.0)[:, None]
    h = jnp.concatenate([x, agg], axis=1)
    x_new = jax.nn.relu(h @ W + b)
    return (x_new, edge_attr)

if __name__ == "__main__":
    import jax
    _d = setup_inputs()
    print(jax.jit(kernel)(*tuple(_d.values())))

</pallas_src>

<mosaic_0001>
#map = affine_map<(d0, d1) -> (0, 0)>
#map1 = affine_map<(d0, d1) -> (0)>
#map2 = affine_map<(d0, d1) -> (0, 0, 0)>
module attributes {stable_mosaic.version = 14 : i64} {
  func.func @sc_kernel(%arg0: i32, %arg1: i32, %arg2: memref<20000x64xf32, #tpu.memory_space<hbm>>, %arg3: memref<320000xi32, #tpu.memory_space<hbm>>, %arg4: memref<320000xi32, #tpu.memory_space<hbm>>, %arg5: memref<320000x16xf32, #tpu.memory_space<hbm>>, %arg6: memref<10000x64xf32, #tpu.memory_space<hbm>>, %arg7: memref<10000x16xf32, #tpu.memory_space<hbm>>, %arg8: memref<2x10000x64xf32, #tpu.memory_space<hbm>>, %arg9: memref<2x10000x16xf32, #tpu.memory_space<hbm>>, %arg10: memref<4x128xi32, #tpu.memory_space<vmem>>, %arg11: memref<4x128xi32, #tpu.memory_space<vmem>>, %arg12: memref<4x128x64xf32, #tpu.memory_space<vmem>>, %arg13: memref<4x128x16xf32, #tpu.memory_space<vmem>>, %arg14: memref<10000x64xf32, #tpu.memory_space<vmem_shared>>, %arg15: memref<10000x16xf32, #tpu.memory_space<vmem_shared>>, %arg16: memref<!tpu.dma_semaphore, #tpu.memory_space<semaphore_mem>>, %arg17: memref<!tpu.dma_semaphore, #tpu.memory_space<semaphore_mem>>, %arg18: memref<!tpu.dma_semaphore, #tpu.memory_space<semaphore_mem>>, %arg19: memref<!tpu.dma_semaphore, #tpu.memory_space<semaphore_mem>>, %arg20: memref<!tpu.dma_semaphore, #tpu.memory_space<semaphore_mem>>, %arg21: memref<!tpu.dma_semaphore, #tpu.memory_space<semaphore_mem>>, %arg22: memref<!tpu.dma_semaphore, #tpu.memory_space<semaphore_mem>>, %arg23: memref<!tpu.dma_semaphore, #tpu.memory_space<semaphore_mem>>, %arg24: memref<!tpu.dma_semaphore, #tpu.memory_space<semaphore_mem>>, %arg25: memref<!tpu.dma_semaphore, #tpu.memory_space<semaphore_mem>>, %arg26: memref<!tpu.dma_semaphore, #tpu.memory_space<semaphore_mem>>, %arg27: memref<!tpu.dma_semaphore, #tpu.memory_space<semaphore_mem>>, %arg28: memref<!tpu.dma_semaphore, #tpu.memory_space<semaphore_mem>>, %arg29: memref<!tpu.dma_semaphore, #tpu.memory_space<semaphore_mem>>, %arg30: memref<!tpu.dma_semaphore, #tpu.memory_space<semaphore_mem>>, %arg31: memref<!tpu.dma_semaphore, #tpu.memory_space<semaphore_mem>>, %arg32: memref<!tpu.dma_semaphore, #tpu.memory_space<semaphore_mem>>) attributes {dimension_semantics = [#tpu.dimension_semantics<core_parallel>, #tpu.dimension_semantics<subcore_parallel>], iteration_bounds = array<i64: 2, 16>, scalar_prefetch = 0 : i64, scratch_operands = 23 : i64, tpu.core_type = #tpu.core_type<sc_vector_subcore>, window_params = [{transform_indices = #map}, {transform_indices = #map1}, {transform_indices = #map1}, {transform_indices = #map}, {transform_indices = #map}, {transform_indices = #map}, {transform_indices = #map2}, {transform_indices = #map2}]} {
    %scan3A = arith.constant 0 : i32
    %scan3A_0 = arith.constant 128 : i32
    %scan3A_1 = arith.addi %scan3A, %scan3A_0 : i32
    %scan3A_2 = arith.constant 1 : i32
    scf.for %scan3A_2065 = %scan3A to %scan3A_1 step %scan3A_2  : i32 {
      %mul3A_2066 = arith.constant 1 : i32
      %mul3A_2067 = arith.muli %scan3A_2065, %mul3A_2066 : i32
      %add3A_2068 = arith.constant 0 : i32
      %add3A_2069 = arith.addi %add3A_2068, %mul3A_2067 : i32
      %broadcast_in_dim3A = arith.constant 1.000000e+00 : f32
      %broadcast_in_dim3A_2070 = vector.broadcast %broadcast_in_dim3A : f32 to vector<16xf32>
      %swap3A_2071 = arith.constant 0 : i32
      %swap3A_2072 = arith.index_cast %swap3A_2071 : i32 to index
      %swap3A_2073 = arith.index_cast %add3A_2069 : i32 to index
      %swap3A_2074 = arith.constant 0 : index
      %swap3A_2075 = tpu.vector_load %arg13[%swap3A_2072, %swap3A_2073, %swap3A_2074] {strides = array<i32>} : memref<4x128x16xf32, #tpu.memory_space<vmem>>, vector<1x1x16xf32>,
      %swap3A_2076 = vector.shape_cast %swap3A_2075 : vector<1x1x16xf32> to vector<16xf32>
      %swap3A_2077 = vector.shape_cast %broadcast_in_dim3A_2070 : vector<16xf32> to vector<1x1x16xf32>
      tpu.vector_store %arg13[%swap3A_2072, %swap3A_2073, %swap3A_2074], %swap3A_2077 {strides = array<i32>} : memref<4x128x16xf32, #tpu.memory_space<vmem>>, vector<1x1x16xf32>,
      %broadcast_in_dim3A_2078 = arith.constant 1.000000e+00 : f32
      %broadcast_in_dim3A_2079 = vector.broadcast %broadcast_in_dim3A_2078 : f32 to vector<16xf32>
      %swap3A_2080 = arith.constant 1 : i32
      %swap3A_2081 = arith.index_cast %swap3A_2080 : i32 to index
      %swap3A_2082 = arith.index_cast %add3A_2069 : i32 to index
      %swap3A_2083 = arith.constant 0 : index
      %swap3A_2084 = tpu.vector_load %arg13[%swap3A_2081, %swap3A_2082, %swap3A_2083] {strides = array<i32>} : memref<4x128x16xf32, #tpu.memory_space<vmem>>, vector<1x1x16xf32>,
      %swap3A_2085 = vector.shape_cast %swap3A_2084 : vector<1x1x16xf32> to vector<16xf32>
      %swap3A_2086 = vector.shape_cast %broadcast_in_dim3A_2079 : vector<16xf32> to vector<1x1x16xf32>
      tpu.vector_store %arg13[%swap3A_2081, %swap3A_2082, %swap3A_2083], %swap3A_2086 {strides = array<i32>} : memref<4x128x16xf32, #tpu.memory_space<vmem>>, vector<1x1x16xf32>,
      %broadcast_in_dim3A_2087 = arith.constant 1.000000e+00 : f32
      %broadcast_in_dim3A_2088 = vector.broadcast %broadcast_in_dim3A_2087 : f32 to vector<16xf32>
      %swap3A_2089 = arith.constant 2 : i32
      %swap3A_2090 = arith.index_cast %swap3A_2089 : i32 to index
      %swap3A_2091 = arith.index_cast %add3A_2069 : i32 to index
      %swap3A_2092 = arith.constant 0 : index
      %swap3A_2093 = tpu.vector_load %arg13[%swap3A_2090, %swap3A_2091, %swap3A_2092] {strides = array<i32>} : memref<4x128x16xf32, #tpu.memory_space<vmem>>, vector<1x1x16xf32>,
      %swap3A_2094 = vector.shape_cast %swap3A_2093 : vector<1x1x16xf32> to vector<16xf32>
      %swap3A_2095 = vector.shape_cast %broadcast_in_dim3A_2088 : vector<16xf32> to vector<1x1x16xf32>
      tpu.vector_store %arg13[%swap3A_2090, %swap3A_2091, %swap3A_2092], %swap3A_2095 {strides = array<i32>} : memref<4x128x16xf32, #tpu.memory_space<vmem>>, vector<1x1x16xf32>,
      %broadcast_in_dim3A_2096 = arith.constant 1.000000e+00 : f32
      %broadcast_in_dim3A_2097 = vector.broadcast %broadcast_in_dim3A_2096 : f32 to vector<16xf32>
      %swap3A_2098 = arith.constant 3 : i32
      %swap3A_2099 = arith.index_cast %swap3A_2098 : i32 to index
      %swap3A_2100 = arith.index_cast %add3A_2069 : i32 to index
      %swap3A_2101 = arith.constant 0 : index
      %swap3A_2102 = tpu.vector_load %arg13[%swap3A_2099, %swap3A_2100, %swap3A_2101] {strides = array<i32>} : memref<4x128x16xf32, #tpu.memory_space<vmem>>, vector<1x1x16xf32>,
      %swap3A_2103 = vector.shape_cast %swap3A_2102 : vector<1x1x16xf32> to vector<16xf32>
      %swap3A_2104 = vector.shape_cast %broadcast_in_dim3A_2097 : vector<16xf32> to vector<1x1x16xf32>
      tpu.vector_store %arg13[%swap3A_2099, %swap3A_2100, %swap3A_2101], %swap3A_2104 {strides = array<i32>} : memref<4x128x16xf32, #tpu.memory_space<vmem>>, vector<1x1x16xf32>,
    }
    %scan3A_3 = arith.constant 128 : i32
    %mul3A = arith.constant 624 : i32
    %mul3A_4 = arith.muli %arg1, %mul3A : i32
    %dma_start3A = arith.constant 0 : i32
    %dma_start3A_5 = tpu.memref_slice %arg14[%mul3A_4, %dma_start3A] : memref<10000x64xf32, #tpu.memory_space<vmem_shared>> -> memref<624x64xf32, #tpu.memory_space<vmem_shared>>
    %dma_start3A_6 = arith.constant 0 : i32
    %dma_start3A_7 = tpu.memref_slice %arg6[%mul3A_4, %dma_start3A_6] : memref<10000x64xf32, #tpu.memory_space<hbm>> -> memref<624x64xf32, #tpu.memory_space<hbm>>
    tpu.enqueue_dma source(%dma_start3A_7 : memref<624x64xf32, #tpu.memory_space<hbm>>) target(%dma_start3A_5 : memref<624x64xf32, #tpu.memory_space<vmem_shared>>) target_semaphore(%arg32 : memref<!tpu.dma_semaphore, #tpu.memory_space<semaphore_mem>>)
    %dma_wait3A = arith.constant 0 : i32
    %dma_wait3A_8 = tpu.memref_slice %arg14[%mul3A_4, %dma_wait3A] : memref<10000x64xf32, #tpu.memory_space<vmem_shared>> -> memref<624x64xf32, #tpu.memory_space<vmem_shared>>
    %dma_wait3A_9 = arith.constant 0 : i32
    %dma_wait3A_10 = tpu.memref_slice %arg6[%mul3A_4, %dma_wait3A_9] : memref<10000x64xf32, #tpu.memory_space<hbm>> -> memref<624x64xf32, #tpu.memory_space<hbm>>
    tpu.wait_dma2 semaphore(%arg32 : memref<!tpu.dma_semaphore, #tpu.memory_space<semaphore_mem>>) src(%dma_wait3A_10 : memref<624x64xf32, #tpu.memory_space<hbm>>) dst(%dma_wait3A_8 : memref<624x64xf32, #tpu.memory_space<vmem_shared>>)
    %dma_start3A_11 = arith.constant 0 : i32
    %dma_start3A_12 = tpu.memref_slice %arg15[%mul3A_4, %dma_start3A_11] : memref<10000x16xf32, #tpu.memory_space<vmem_shared>> -> memref<624x16xf32, #tpu.memory_space<vmem_shared>>
    %dma_start3A_13 = arith.constant 0 : i32
    %dma_start3A_14 = tpu.memref_slice %arg7[%mul3A_4, %dma_start3A_13] : memref<10000x16xf32, #tpu.memory_space<hbm>> -> memref<624x16xf32, #tpu.memory_space<hbm>>
    tpu.enqueue_dma source(%dma_start3A_14 : memref<624x16xf32, #tpu.memory_space<hbm>>) target(%dma_start3A_12 : memref<624x16xf32, #tpu.memory_space<vmem_shared>>) target_semaphore(%arg32 : memref<!tpu.dma_semaphore, #tpu.memory_space<semaphore_mem>>)
    %dma_wait3A_15 = arith.constant 0 : i32
    %dma_wait3A_16 = tpu.memref_slice %arg15[%mul3A_4, %dma_wait3A_15] : memref<10000x16xf32, #tpu.memory_space<vmem_shared>> -> memref<624x16xf32, #tpu.memory_space<vmem_shared>>
    %dma_wait3A_17 = arith.constant 0 : i32
    %dma_wait3A_18 = tpu.memref_slice %arg7[%mul3A_4, %dma_wait3A_17] : memref<10000x16xf32, #tpu.memory_space<hbm>> -> memref<624x16xf32, #tpu.memory_space<hbm>>
    tpu.wait_dma2 semaphore(%arg32 : memref<!tpu.dma_semaphore, #tpu.memory_space<semaphore_mem>>) src(%dma_wait3A_18 : memref<624x16xf32, #tpu.memory_space<hbm>>) dst(%dma_wait3A_16 : memref<624x16xf32, #tpu.memory_space<vmem_shared>>)
    %eq3A = arith.constant 15 : i32
    %eq3A_19 = arith.cmpi eq, %arg1, %eq3A : i32
    %convert_element_type3A = arith.extui %eq3A_19 : i1 to i32
    %cond3A = arith.constant 0 : i32
    %cond3A_20 = arith.cmpi ne, %convert_element_type3A, %cond3A : i32
    scf.if %cond3A_20 {
      %dma_start3A_2065 = arith.constant 9984 : i32
      %dma_start3A_2066 = arith.constant 0 : i32
      %dma_start3A_2067 = tpu.memref_slice %arg14[%dma_start3A_2065, %dma_start3A_2066] : memref<10000x64xf32, #tpu.memory_space<vmem_shared>> -> memref<16x64xf32, #tpu.memory_space<vmem_shared>>
      %dma_start3A_2068 = arith.constant 9984 : i32
      %dma_start3A_2069 = arith.constant 0 : i32
      %dma_start3A_2070 = tpu.memref_slice %arg6[%dma_start3A_2068, %dma_start3A_2069] : memref<10000x64xf32, #tpu.memory_space<hbm>> -> memref<16x64xf32, #tpu.memory_space<hbm>>
      tpu.enqueue_dma source(%dma_start3A_2070 : memref<16x64xf32, #tpu.memory_space<hbm>>) target(%dma_start3A_2067 : memref<16x64xf32, #tpu.memory_space<vmem_shared>>) target_semaphore(%arg32 : memref<!tpu.dma_semaphore, #tpu.memory_space<semaphore_mem>>)
      %dma_wait3A_2071 = arith.constant 9984 : i32
      %dma_wait3A_2072 = arith.constant 0 : i32
      %dma_wait3A_2073 = tpu.memref_slice %arg14[%dma_wait3A_2071, %dma_wait3A_2072] : memref<10000x64xf32, #tpu.memory_space<vmem_shared>> -> memref<16x64xf32, #tpu.memory_space<vmem_shared>>
      %dma_wait3A_2074 = arith.constant 9984 : i32
      %dma_wait3A_2075 = arith.constant 0 : i32
      %dma_wait3A_2076 = tpu.memref_slice %arg6[%dma_wait3A_2074, %dma_wait3A_2075] : memref<10000x64xf32, #tpu.memory_space<hbm>> -> memref<16x64xf32, #tpu.memory_space<hbm>>
      tpu.wait_dma2 semaphore(%arg32 : memref<!tpu.dma_semaphore, #tpu.memory_space<semaphore_mem>>) src(%dma_wait3A_2076 : memref<16x64xf32, #tpu.memory_space<hbm>>) dst(%dma_wait3A_2073 : memref<16x64xf32, #tpu.memory_space<vmem_shared>>)
      %dma_start3A_2077 = arith.constant 9984 : i32
      %dma_start3A_2078 = arith.constant 0 : i32
      %dma_start3A_2079 = tpu.memref_slice %arg15[%dma_start3A_2077, %dma_start3A_2078] : memref<10000x16xf32, #tpu.memory_space<vmem_shared>> -> memref<16x16xf32, #tpu.memory_space<vmem_shared>>
      %dma_start3A_2080 = arith.constant 9984 : i32
      %dma_start3A_2081 = arith.constant 0 : i32
      %dma_start3A_2082 = tpu.memref_slice %arg7[%dma_start3A_2080, %dma_start3A_2081] : memref<10000x16xf32, #tpu.memory_space<hbm>> -> memref<16x16xf32, #tpu.memory_space<hbm>>
      tpu.enqueue_dma source(%dma_start3A_2082 : memref<16x16xf32, #tpu.memory_space<hbm>>) target(%dma_start3A_2079 : memref<16x16xf32, #tpu.memory_space<vmem_shared>>) target_semaphore(%arg32 : memref<!tpu.dma_semaphore, #tpu.memory_space<semaphore_mem>>)
      %dma_wait3A_2083 = arith.constant 9984 : i32
      %dma_wait3A_2084 = arith.constant 0 : i32
      %dma_wait3A_2085 = tpu.memref_slice %arg15[%dma_wait3A_2083, %dma_wait3A_2084] : memref<10000x16xf32, #tpu.memory_space<vmem_shared>> -> memref<16x16xf32, #tpu.memory_space<vmem_shared>>
      %dma_wait3A_2086 = arith.constant 9984 : i32
      %dma_wait3A_2087 = arith.constant 0 : i32
      %dma_wait3A_2088 = tpu.memref_slice %arg7[%dma_wait3A_2086, %dma_wait3A_2087] : memref<10000x16xf32, #tpu.memory_space<hbm>> -> memref<16x16xf32, #tpu.memory_space<hbm>>
      tpu.wait_dma2 semaphore(%arg32 : memref<!tpu.dma_semaphore, #tpu.memory_space<semaphore_mem>>) src(%dma_wait3A_2088 : memref<16x16xf32, #tpu.memory_space<hbm>>) dst(%dma_wait3A_2085 : memref<16x16xf32, #tpu.memory_space<vmem_shared>>)
    } else {
    }
    %barrier3A = arith.constant 0 : index
    tpu.barrier barrier_id(%barrier3A)
    %add3A = arith.constant 0 : i32
    %add3A_21 = arith.addi %add3A, %arg1 : i32
    %mul3A_22 = arith.constant 128 : i32
    %mul3A_23 = arith.muli %add3A_21, %mul3A_22 : i32
    %dma_start3A_24 = arith.constant 0 : i32
    %dma_start3A_25 = arith.constant 0 : i32
    %dma_start3A_26 = tpu.memref_slice %arg10[%dma_start3A_24, %dma_start3A_25] : memref<4x128xi32, #tpu.memory_space<vmem>> -> memref<1x128xi32, #tpu.memory_space<vmem>>
    %dma_start3A_27 = tpu.memref_squeeze %dma_start3A_26 : memref<1x128xi32, #tpu.memory_space<vmem>> -> memref<128xi32, #tpu.memory_space<vmem>>
    %dma_start3A_28 = tpu.memref_slice %arg3[%mul3A_23] : memref<320000xi32, #tpu.memory_space<hbm>> -> memref<128xi32, #tpu.memory_space<hbm>>
    %dma_start3A_29 = arith.constant 0 : i32
    %dma_start3A_30 = tpu.memref_slice %arg10[%dma_start3A_24, %dma_start3A_29] : memref<4x128xi32, #tpu.memory_space<vmem>> -> memref<1x128xi32, #tpu.memory_space<vmem>>
    %dma_start3A_31 = tpu.memref_squeeze %dma_start3A_30 : memref<1x128xi32, #tpu.memory_space<vmem>> -> memref<128xi32, #tpu.memory_space<vmem>>
    %dma_start3A_32 = tpu.memref_slice %arg3[%mul3A_23] : memref<320000xi32, #tpu.memory_space<hbm>> -> memref<128xi32, #tpu.memory_space<hbm>>
    tpu.enqueue_dma source(%dma_start3A_32 : memref<128xi32, #tpu.memory_space<hbm>>) target(%dma_start3A_31 : memref<128xi32, #tpu.memory_space<vmem>>) target_semaphore(%arg16 : memref<!tpu.dma_semaphore, #tpu.memory_space<semaphore_mem>>)
    %dma_start3A_33 = arith.constant 0 : i32
    %dma_start3A_34 = arith.constant 0 : i32
    %dma_start3A_35 = tpu.memref_slice %arg11[%dma_start3A_33, %dma_start3A_34] : memref<4x128xi32, #tpu.memory_space<vmem>> -> memref<1x128xi32, #tpu.memory_space<vmem>>
    %dma_start3A_36 = tpu.memref_squeeze %dma_start3A_35 : memref<1x128xi32, #tpu.memory_space<vmem>> -> memref<128xi32, #tpu.memory_space<vmem>>
    %dma_start3A_37 = tpu.memref_slice %arg4[%mul3A_23] : memref<320000xi32, #tpu.memory_space<hbm>> -> memref<128xi32, #tpu.memory_space<hbm>>
    %dma_start3A_38 = arith.constant 0 : i32
    %dma_start3A_39 = tpu.memref_slice %arg11[%dma_start3A_33, %dma_start3A_38] : memref<4x128xi32, #tpu.memory_space<vmem>> -> memref<1x128xi32, #tpu.memory_space<vmem>>
    %dma_start3A_40 = tpu.memref_squeeze %dma_start3A_39 : memref<1x128xi32, #tpu.memory_space<vmem>> -> memref<128xi32, #tpu.memory_space<vmem>>
    %dma_start3A_41 = tpu.memref_slice %arg4[%mul3A_23] : memref<320000xi32, #tpu.memory_space<hbm>> -> memref<128xi32, #tpu.memory_space<hbm>>
    tpu.enqueue_dma source(%dma_start3A_41 : memref<128xi32, #tpu.memory_space<hbm>>) target(%dma_start3A_40 : memref<128xi32, #tpu.memory_space<vmem>>) target_semaphore(%arg16 : memref<!tpu.dma_semaphore, #tpu.memory_space<semaphore_mem>>)
    %eq3A_42 = arith.constant 0 : i32
    %eq3A_43 = arith.cmpi eq, %arg0, %eq3A_42 : i32
    %convert_element_type3A_44 = arith.extui %eq3A_43 : i1 to i32
    %cond3A_45 = arith.constant 0 : i32
    %cond3A_46 = arith.cmpi ne, %convert_element_type3A_44, %cond3A_45 : i32
    scf.if %cond3A_46 {
      %dma_start3A_2065 = arith.constant 0 : i32
      %dma_start3A_2066 = arith.constant 0 : i32
      %dma_start3A_2067 = arith.constant 0 : i32
      %dma_start3A_2068 = tpu.memref_slice %arg13[%dma_start3A_2065, %dma_start3A_2066, %dma_start3A_2067] : memref<4x128x16xf32, #tpu.memory_space<vmem>> -> memref<1x128x16xf32, #tpu.memory_space<vmem>>
      %dma_start3A_2069 = tpu.memref_squeeze %dma_start3A_2068 : memref<1x128x16xf32, #tpu.memory_space<vmem>> -> memref<128x16xf32, #tpu.memory_space<vmem>>
      %dma_start3A_2070 = arith.constant 0 : i32
      %dma_start3A_2071 = tpu.memref_slice %arg5[%mul3A_23, %dma_start3A_2070] : memref<320000x16xf32, #tpu.memory_space<hbm>> -> memref<128x16xf32, #tpu.memory_space<hbm>>
      %dma_start3A_2072 = arith.constant 0 : i32
      %dma_start3A_2073 = arith.constant 0 : i32
      %dma_start3A_2074 = tpu.memref_slice %arg13[%dma_start3A_2065, %dma_start3A_2072, %dma_start3A_2073] : memref<4x128x16xf32, #tpu.memory_space<vmem>> -> memref<1x128x16xf32, #tpu.memory_space<vmem>>
      %dma_start3A_2075 = tpu.memref_squeeze %dma_start3A_2074 : memref<1x128x16xf32, #tpu.memory_space<vmem>> -> memref<128x16xf32, #tpu.memory_space<vmem>>
      %dma_start3A_2076 = arith.constant 0 : i32
      %dma_start3A_2077 = tpu.memref_slice %arg5[%mul3A_23, %dma_start3A_2076] : memref<320000x16xf32, #tpu.memory_space<hbm>> -> memref<128x16xf32, #tpu.memory_space<hbm>>
      tpu.enqueue_dma source(%dma_start3A_2077 : memref<128x16xf32, #tpu.memory_space<hbm>>) target(%dma_start3A_2075 : memref<128x16xf32, #tpu.memory_space<vmem>>) target_semaphore(%arg20 : memref<!tpu.dma_semaphore, #tpu.memory_space<semaphore_mem>>)
    } else {
    }
    %add3A_47 = arith.constant 16 : i32
    %add3A_48 = arith.addi %add3A_47, %arg1 : i32
    %mul3A_49 = arith.constant 128 : i32
    %mul3A_50 = arith.muli %add3A_48, %mul3A_49 : i32
    %dma_start3A_51 = arith.constant 1 : i32
    %dma_start3A_52 = arith.constant 0 : i32
    %dma_start3A_53 = tpu.memref_slice %arg10[%dma_start3A_51, %dma_start3A_52] : memref<4x128xi32, #tpu.memory_space<vmem>> -> memref<1x128xi32, #tpu.memory_space<vmem>>
    %dma_start3A_54 = tpu.memref_squeeze %dma_start3A_53 : memref<1x128xi32, #tpu.memory_space<vmem>> -> memref<128xi32, #tpu.memory_space<vmem>>
    %dma_start3A_55 = tpu.memref_slice %arg3[%mul3A_50] : memref<320000xi32, #tpu.memory_space<hbm>> -> memref<128xi32, #tpu.memory_space<hbm>>
    %dma_start3A_56 = arith.constant 0 : i32
    %dma_start3A_57 = tpu.memref_slice %arg10[%dma_start3A_51, %dma_start3A_56] : memref<4x128xi32, #tpu.memory_space<vmem>> -> memref<1x128xi32, #tpu.memory_space<vmem>>
    %dma_start3A_58 = tpu.memref_squeeze %dma_start3A_57 : memref<1x128xi32, #tpu.memory_space<vmem>> -> memref<128xi32, #tpu.memory_space<vmem>>
    %dma_start3A_59 = tpu.memref_slice %arg3[%mul3A_50] : memref<320000xi32, #tpu.memory_space<hbm>> -> memref<128xi32, #tpu.memory_space<hbm>>
    tpu.enqueue_dma source(%dma_start3A_59 : memref<128xi32, #tpu.memory_space<hbm>>) target(%dma_start3A_58 : memref<128xi32, #tpu.memory_space<vmem>>) target_semaphore(%arg17 : memref<!tpu.dma_semaphore, #tpu.memory_space<semaphore_mem>>)
    %dma_start3A_60 = arith.constant 1 : i32
    %dma_start3A_61 = arith.constant 0 : i32
    %dma_start3A_62 = tpu.memref_slice %arg11[%dma_start3A_60, %dma_start3A_61] : memref<4x128xi32, #tpu.memory_space<vmem>> -> memref<1x128xi32, #tpu.memory_space<vmem>>
    %dma_start3A_63 = tpu.memref_squeeze %dma_start3A_62 : memref<1x128xi32, #tpu.memory_space<vmem>> -> memref<128xi32, #tpu.memory_space<vmem>>
    %dma_start3A_64 = tpu.memref_slice %arg4[%mul3A_50] : memref<320000xi32, #tpu.memory_space<hbm>> -> memref<128xi32, #tpu.memory_space<hbm>>
    %dma_start3A_65 = arith.constant 0 : i32
    %dma_start3A_66 = tpu.memref_slice %arg11[%dma_start3A_60, %dma_start3A_65] : memref<4x128xi32, #tpu.memory_space<vmem>> -> memref<1x128xi32, #tpu.memory_space<vmem>>
    %dma_start3A_67 = tpu.memref_squeeze %dma_start3A_66 : memref<1x128xi32, #tpu.memory_space<vmem>> -> memref<128xi32, #tpu.memory_space<vmem>>
    %dma_start3A_68 = tpu.memref_slice %arg4[%mul3A_50] : memref<320000xi32, #tpu.memory_space<hbm>> -> memref<128xi32, #tpu.memory_space<hbm>>
    tpu.enqueue_dma source(%dma_start3A_68 : memref<128xi32, #tpu.memory_space<hbm>>) target(%dma_start3A_67 : memref<128xi32, #tpu.memory_space<vmem>>) target_semaphore(%arg17 : memref<!tpu.dma_semaphore, #tpu.memory_space<semaphore_mem>>)
    %eq3A_69 = arith.constant 0 : i32
    %eq3A_70 = arith.cmpi eq, %arg0, %eq3A_69 : i32
    %convert_element_type3A_71 = arith.extui %eq3A_70 : i1 to i32
    %cond3A_72 = arith.constant 0 : i32
    %cond3A_73 = arith.cmpi ne, %convert_element_type3A_71, %cond3A_72 : i32
    scf.if %cond3A_73 {
      %dma_start3A_2065 = arith.constant 1 : i32
      %dma_start3A_2066 = arith.constant 0 : i32
      %dma_start3A_2067 = arith.constant 0 : i32
      %dma_start3A_2068 = tpu.memref_slice %arg13[%dma_start3A_2065, %dma_start3A_2066, %dma_start3A_2067] : memref<4x128x16xf32, #tpu.memory_space<vmem>> -> memref<1x128x16xf32, #tpu.memory_space<vmem>>
      %dma_start3A_2069 = tpu.memref_squeeze %dma_start3A_2068 : memref<1x128x16xf32, #tpu.memory_space<vmem>> -> memref<128x16xf32, #tpu.memory_space<vmem>>
      %dma_start3A_2070 = arith.constant 0 : i32
      %dma_start3A_2071 = tpu.memref_slice %arg5[%mul3A_50, %dma_start3A_2070] : memref<320000x16xf32, #tpu.memory_space<hbm>> -> memref<128x16xf32, #tpu.memory_space<hbm>>
      %dma_start3A_2072 = arith.constant 0 : i32
      %dma_start3A_2073 = arith.constant 0 : i32
      %dma_start3A_2074 = tpu.memref_slice %arg13[%dma_start3A_2065, %dma_start3A_2072, %dma_start3A_2073] : memref<4x128x16xf32, #tpu.memory_space<vmem>> -> memref<1x128x16xf32, #tpu.memory_space<vmem>>
      %dma_start3A_2075 = tpu.memref_squeeze %dma_start3A_2074 : memref<1x128x16xf32, #tpu.memory_space<vmem>> -> memref<128x16xf32, #tpu.memory_space<vmem>>
      %dma_start3A_2076 = arith.constant 0 : i32
      %dma_start3A_2077 = tpu.memref_slice %arg5[%mul3A_50, %dma_start3A_2076] : memref<320000x16xf32, #tpu.memory_space<hbm>> -> memref<128x16xf32, #tpu.memory_space<hbm>>
      tpu.enqueue_dma source(%dma_start3A_2077 : memref<128x16xf32, #tpu.memory_space<hbm>>) target(%dma_start3A_2075 : memref<128x16xf32, #tpu.memory_space<vmem>>) target_semaphore(%arg21 : memref<!tpu.dma_semaphore, #tpu.memory_space<semaphore_mem>>)
    } else {
    }
    %add3A_74 = arith.constant 32 : i32
    %add3A_75 = arith.addi %add3A_74, %arg1 : i32
    %mul3A_76 = arith.constant 128 : i32
    %mul3A_77 = arith.muli %add3A_75, %mul3A_76 : i32
    %dma_start3A_78 = arith.constant 2 : i32
    %dma_start3A_79 = arith.constant 0 : i32
    %dma_start3A_80 = tpu.memref_slice %arg10[%dma_start3A_78, %dma_start3A_79] : memref<4x128xi32, #tpu.memory_space<vmem>> -> memref<1x128xi32, #tpu.memory_space<vmem>>
    %dma_start3A_81 = tpu.memref_squeeze %dma_start3A_80 : memref<1x128xi32, #tpu.memory_space<vmem>> -> memref<128xi32, #tpu.memory_space<vmem>>
    %dma_start3A_82 = tpu.memref_slice %arg3[%mul3A_77] : memref<320000xi32, #tpu.memory_space<hbm>> -> memref<128xi32, #tpu.memory_space<hbm>>
    %dma_start3A_83 = arith.constant 0 : i32
    %dma_start3A_84 = tpu.memref_slice %arg10[%dma_start3A_78, %dma_start3A_83] : memref<4x128xi32, #tpu.memory_space<vmem>> -> memref<1x128xi32, #tpu.memory_space<vmem>>
    %dma_start3A_85 = tpu.memref_squeeze %dma_start3A_84 : memref<1x128xi32, #tpu.memory_space<vmem>> -> memref<128xi32, #tpu.memory_space<vmem>>
    %dma_start3A_86 = tpu.memref_slice %arg3[%mul3A_77] : memref<320000xi32, #tpu.memory_space<hbm>> -> memref<128xi32, #tpu.memory_space<hbm>>
    tpu.enqueue_dma source(%dma_start3A_86 : memref<128xi32, #tpu.memory_space<hbm>>) target(%dma_start3A_85 : memref<128xi32, #tpu.memory_space<vmem>>) target_semaphore(%arg18 : memref<!tpu.dma_semaphore, #tpu.memory_space<semaphore_mem>>)
    %dma_start3A_87 = arith.constant 2 : i32
    %dma_start3A_88 = arith.constant 0 : i32
    %dma_start3A_89 = tpu.memref_slice %arg11[%dma_start3A_87, %dma_start3A_88] : memref<4x128xi32, #tpu.memory_space<vmem>> -> memref<1x128xi32, #tpu.memory_space<vmem>>
    %dma_start3A_90 = tpu.memref_squeeze %dma_start3A_89 : memref<1x128xi32, #tpu.memory_space<vmem>> -> memref<128xi32, #tpu.memory_space<vmem>>
    %dma_start3A_91 = tpu.memref_slice %arg4[%mul3A_77] : memref<320000xi32, #tpu.memory_space<hbm>> -> memref<128xi32, #tpu.memory_space<hbm>>
    %dma_start3A_92 = arith.constant 0 : i32
    %dma_start3A_93 = tpu.memref_slice %arg11[%dma_start3A_87, %dma_start3A_92] : memref<4x128xi32, #tpu.memory_space<vmem>> -> memref<1x128xi32, #tpu.memory_space<vmem>>
    %dma_start3A_94 = tpu.memref_squeeze %dma_start3A_93 : memref<1x128xi32, #tpu.memory_space<vmem>> -> memref<128xi32, #tpu.memory_space<vmem>>
    %dma_start3A_95 = tpu.memref_slice %arg4[%mul3A_77] : memref<320000xi32, #tpu.memory_space<hbm>> -> memref<128xi32, #tpu.memory_space<hbm>>
    tpu.enqueue_dma source(%dma_start3A_95 : memref<128xi32, #tpu.memory_space<hbm>>) target(%dma_start3A_94 : memref<128xi32, #tpu.memory_space<vmem>>) target_semaphore(%arg18 : memref<!tpu.dma_semaphore, #tpu.memory_space<semaphore_mem>>)
    %eq3A_96 = arith.constant 0 : i32
    %eq3A_97 = arith.cmpi eq, %arg0, %eq3A_96 : i32
    %convert_element_type3A_98 = arith.extui %eq3A_97 : i1 to i32
    %cond3A_99 = arith.constant 0 : i32
    %cond3A_100 = arith.cmpi ne, %convert_element_type3A_98, %cond3A_99 : i32
    scf.if %cond3A_100 {
      %dma_start3A_2065 = arith.constant 2 : i32
      %dma_start3A_2066 = arith.constant 0 : i32
      %dma_start3A_2067 = arith.constant 0 : i32
      %dma_start3A_2068 = tpu.memref_slice %arg13[%dma_start3A_2065, %dma_start3A_2066, %dma_start3A_2067] : memref<4x128x16xf32, #tpu.memory_space<vmem>> -> memref<1x128x16xf32, #tpu.memory_space<vmem>>
      %dma_start3A_2069 = tpu.memref_squeeze %dma_start3A_2068 : memref<1x128x16xf32, #tpu.memory_space<vmem>> -> memref<128x16xf32, #tpu.memory_space<vmem>>
      %dma_start3A_2070 = arith.constant 0 : i32
      %dma_start3A_2071 = tpu.memref_slice %arg5[%mul3A_77, %dma_start3A_2070] : memref<320000x16xf32, #tpu.memory_space<hbm>> -> memref<128x16xf32, #tpu.memory_space<hbm>>
      %dma_start3A_2072 = arith.constant 0 : i32
      %dma_start3A_2073 = arith.constant 0 : i32
      %dma_start3A_2074 = tpu.memref_slice %arg13[%dma_start3A_2065, %dma_start3A_2072, %dma_start3A_2073] : memref<4x128x16xf32, #tpu.memory_space<vmem>> -> memref<1x128x16xf32, #tpu.memory_space<vmem>>
      %dma_start3A_2075 = tpu.memref_squeeze %dma_start3A_2074 : memref<1x128x16xf32, #tpu.memory_space<vmem>> -> memref<128x16xf32, #tpu.memory_space<vmem>>
      %dma_start3A_2076 = arith.constant 0 : i32
      %dma_start3A_2077 = tpu.memref_slice %arg5[%mul3A_77, %dma_start3A_2076] : memref<320000x16xf32, #tpu.memory_space<hbm>> -> memref<128x16xf32, #tpu.memory_space<hbm>>
      tpu.enqueue_dma source(%dma_start3A_2077 : memref<128x16xf32, #tpu.memory_space<hbm>>) target(%dma_start3A_2075 : memref<128x16xf32, #tpu.memory_space<vmem>>) target_semaphore(%arg22 : memref<!tpu.dma_semaphore, #tpu.memory_space<semaphore_mem>>)
    } else {
    }
    %add3A_101 = arith.constant 48 : i32
    %add3A_102 = arith.addi %add3A_101, %arg1 : i32
    %mul3A_103 = arith.constant 128 : i32
    %mul3A_104 = arith.muli %add3A_102, %mul3A_103 : i32
    %dma_start3A_105 = arith.constant 3 : i32
    %dma_start3A_106 = arith.constant 0 : i32
    %dma_start3A_107 = tpu.memref_slice %arg10[%dma_start3A_105, %dma_start3A_106] : memref<4x128xi32, #tpu.memory_space<vmem>> -> memref<1x128xi32, #tpu.memory_space<vmem>>
    %dma_start3A_108 = tpu.memref_squeeze %dma_start3A_107 : memref<1x128xi32, #tpu.memory_space<vmem>> -> memref<128xi32, #tpu.memory_space<vmem>>
    %dma_start3A_109 = tpu.memref_slice %arg3[%mul3A_104] : memref<320000xi32, #tpu.memory_space<hbm>> -> memref<128xi32, #tpu.memory_space<hbm>>
    %dma_start3A_110 = arith.constant 0 : i32
    %dma_start3A_111 = tpu.memref_slice %arg10[%dma_start3A_105, %dma_start3A_110] : memref<4x128xi32, #tpu.memory_space<vmem>> -> memref<1x128xi32, #tpu.memory_space<vmem>>
    %dma_start3A_112 = tpu.memref_squeeze %dma_start3A_111 : memref<1x128xi32, #tpu.memory_space<vmem>> -> memref<128xi32, #tpu.memory_space<vmem>>
    %dma_start3A_113 = tpu.memref_slice %arg3[%mul3A_104] : memref<320000xi32, #tpu.memory_space<hbm>> -> memref<128xi32, #tpu.memory_space<hbm>>
    tpu.enqueue_dma source(%dma_start3A_113 : memref<128xi32, #tpu.memory_space<hbm>>) target(%dma_start3A_112 : memref<128xi32, #tpu.memory_space<vmem>>) target_semaphore(%arg19 : memref<!tpu.dma_semaphore, #tpu.memory_space<semaphore_mem>>)
    %dma_start3A_114 = arith.constant 3 : i32
    %dma_start3A_115 = arith.constant 0 : i32
    %dma_start3A_116 = tpu.memref_slice %arg11[%dma_start3A_114, %dma_start3A_115] : memref<4x128xi32, #tpu.memory_space<vmem>> -> memref<1x128xi32, #tpu.memory_space<vmem>>
    %dma_start3A_117 = tpu.memref_squeeze %dma_start3A_116 : memref<1x128xi32, #tpu.memory_space<vmem>> -> memref<128xi32, #tpu.memory_space<vmem>>
    %dma_start3A_118 = tpu.memref_slice %arg4[%mul3A_104] : memref<320000xi32, #tpu.memory_space<hbm>> -> memref<128xi32, #tpu.memory_space<hbm>>
    %dma_start3A_119 = arith.constant 0 : i32
    %dma_start3A_120 = tpu.memref_slice %arg11[%dma_start3A_114, %dma_start3A_119] : memref<4x128xi32, #tpu.memory_space<vmem>> -> memref<1x128xi32, #tpu.memory_space<vmem>>
    %dma_start3A_121 = tpu.memref_squeeze %dma_start3A_120 : memref<1x128xi32, #tpu.memory_space<vmem>> -> memref<128xi32, #tpu.memory_space<vmem>>
    %dma_start3A_122 = tpu.memref_slice %arg4[%mul3A_104] : memref<320000xi32, #tpu.memory_space<hbm>> -> memref<128xi32, #tpu.memory_space<hbm>>
    tpu.enqueue_dma source(%dma_start3A_122 : memref<128xi32, #tpu.memory_space<hbm>>) target(%dma_start3A_121 : memref<128xi32, #tpu.memory_space<vmem>>) target_semaphore(%arg19 : memref<!tpu.dma_semaphore, #tpu.memory_space<semaphore_mem>>)
    %eq3A_123 = arith.constant 0 : i32
    %eq3A_124 = arith.cmpi eq, %arg0, %eq3A_123 : i32
    %convert_element_type3A_125 = arith.extui %eq3A_124 : i1 to i32
    %cond3A_126 = arith.constant 0 : i32
    %cond3A_127 = arith.cmpi ne, %convert_element_type3A_125, %cond3A_126 : i32
    scf.if %cond3A_127 {
      %dma_start3A_2065 = arith.constant 3 : i32
      %dma_start3A_2066 = arith.constant 0 : i32
      %dma_start3A_2067 = arith.constant 0 : i32
      %dma_start3A_2068 = tpu.memref_slice %arg13[%dma_start3A_2065, %dma_start3A_2066, %dma_start3A_2067] : memref<4x128x16xf32, #tpu.memory_space<vmem>> -> memref<1x128x16xf32, #tpu.memory_space<vmem>>
      %dma_start3A_2069 = tpu.memref_squeeze %dma_start3A_2068 : memref<1x128x16xf32, #tpu.memory_space<vmem>> -> memref<128x16xf32, #tpu.memory_space<vmem>>
      %dma_start3A_2070 = arith.constant 0 : i32
      %dma_start3A_2071 = tpu.memref_slice %arg5[%mul3A_104, %dma_start3A_2070] : memref<320000x16xf32, #tpu.memory_space<hbm>> -> memref<128x16xf32, #tpu.memory_space<hbm>>
      %dma_start3A_2072 = arith.constant 0 : i32
      %dma_start3A_2073 = arith.constant 0 : i32
      %dma_start3A_2074 = tpu.memref_slice %arg13[%dma_start3A_2065, %dma_start3A_2072, %dma_start3A_2073] : memref<4x128x16xf32, #tpu.memory_space<vmem>> -> memref<1x128x16xf32, #tpu.memory_space<vmem>>
      %dma_start3A_2075 = tpu.memref_squeeze %dma_start3A_2074 : memref<1x128x16xf32, #tpu.memory_space<vmem>> -> memref<128x16xf32, #tpu.memory_space<vmem>>
      %dma_start3A_2076 = arith.constant 0 : i32
      %dma_start3A_2077 = tpu.memref_slice %arg5[%mul3A_104, %dma_start3A_2076] : memref<320000x16xf32, #tpu.memory_space<hbm>> -> memref<128x16xf32, #tpu.memory_space<hbm>>
      tpu.enqueue_dma source(%dma_start3A_2077 : memref<128x16xf32, #tpu.memory_space<hbm>>) target(%dma_start3A_2075 : memref<128x16xf32, #tpu.memory_space<vmem>>) target_semaphore(%arg23 : memref<!tpu.dma_semaphore, #tpu.memory_space<semaphore_mem>>)
    } else {
    }
    %dma_wait3A_128 = arith.constant 0 : i32
    %dma_wait3A_129 = arith.constant 0 : i32
    %dma_wait3A_130 = tpu.memref_slice %arg10[%dma_wait3A_128, %dma_wait3A_129] : memref<4x128xi32, #tpu.memory_space<vmem>> -> memref<1x128xi32, #tpu.memory_space<vmem>>
    %dma_wait3A_131 = tpu.memref_squeeze %dma_wait3A_130 : memref<1x128xi32, #tpu.memory_space<vmem>> -> memref<128xi32, #tpu.memory_space<vmem>>
    %dma_wait3A_132 = arith.constant 0 : i32
    %dma_wait3A_133 = tpu.memref_slice %arg3[%dma_wait3A_132] : memref<320000xi32, #tpu.memory_space<hbm>> -> memref<128xi32, #tpu.memory_space<hbm>>
    %dma_wait3A_134 = arith.constant 0 : i32
    %dma_wait3A_135 = tpu.memref_slice %arg10[%dma_wait3A_128, %dma_wait3A_134] : memref<4x128xi32, #tpu.memory_space<vmem>> -> memref<1x128xi32, #tpu.memory_space<vmem>>
    %dma_wait3A_136 = tpu.memref_squeeze %dma_wait3A_135 : memref<1x128xi32, #tpu.memory_space<vmem>> -> memref<128xi32, #tpu.memory_space<vmem>>
    %dma_wait3A_137 = arith.constant 0 : i32
    %dma_wait3A_138 = tpu.memref_slice %arg3[%dma_wait3A_137] : memref<320000xi32, #tpu.memory_space<hbm>> -> memref<128xi32, #tpu.memory_space<hbm>>
    tpu.wait_dma2 semaphore(%arg16 : memref<!tpu.dma_semaphore, #tpu.memory_space<semaphore_mem>>) src(%dma_wait3A_138 : memref<128xi32, #tpu.memory_space<hbm>>) dst(%dma_wait3A_136 : memref<128xi32, #tpu.memory_space<vmem>>)
    %dma_wait3A_139 = arith.constant 0 : i32
    %dma_wait3A_140 = arith.constant 0 : i32
    %dma_wait3A_141 = tpu.memref_slice %arg11[%dma_wait3A_139, %dma_wait3A_140] : memref<4x128xi32, #tpu.memory_space<vmem>> -> memref<1x128xi32, #tpu.memory_space<vmem>>
    %dma_wait3A_142 = tpu.memref_squeeze %dma_wait3A_141 : memref<1x128xi32, #tpu.memory_space<vmem>> -> memref<128xi32, #tpu.memory_space<vmem>>
    %dma_wait3A_143 = arith.constant 0 : i32
    %dma_wait3A_144 = tpu.memref_slice %arg4[%dma_wait3A_143] : memref<320000xi32, #tpu.memory_space<hbm>> -> memref<128xi32, #tpu.memory_space<hbm>>
    %dma_wait3A_145 = arith.constant 0 : i32
    %dma_wait3A_146 = tpu.memref_slice %arg11[%dma_wait3A_139, %dma_wait3A_145] : memref<4x128xi32, #tpu.memory_space<vmem>> -> memref<1x128xi32, #tpu.memory_space<vmem>>
    %dma_wait3A_147 = tpu.memref_squeeze %dma_wait3A_146 : memref<1x128xi32, #tpu.memory_space<vmem>> -> memref<128xi32, #tpu.memory_space<vmem>>
    %dma_wait3A_148 = arith.constant 0 : i32
    %dma_wait3A_149 = tpu.memref_slice %arg4[%dma_wait3A_148] : memref<320000xi32, #tpu.memory_space<hbm>> -> memref<128xi32, #tpu.memory_space<hbm>>
    tpu.wait_dma2 semaphore(%arg16 : memref<!tpu.dma_semaphore, #tpu.memory_space<semaphore_mem>>) src(%dma_wait3A_149 : memref<128xi32, #tpu.memory_space<hbm>>) dst(%dma_wait3A_147 : memref<128xi32, #tpu.memory_space<vmem>>)
    %get3A = arith.constant 0 : i32
    %get3A_150 = arith.index_cast %get3A : i32 to index
    %get3A_151 = arith.constant 0 : index
    %get3A_152 = tpu.vector_load %arg10[%get3A_150, %get3A_151] {strides = array<i32>} : memref<4x128xi32, #tpu.memory_space<vmem>>, vector<1x16xi32>,
    %get3A_153 = vector.shape_cast %get3A_152 : vector<1x16xi32> to vector<16xi32>
    %mul3A_154 = arith.constant 2 : i32
    %mul3A_155 = vector.broadcast %mul3A_154 : i32 to vector<16xi32>
    %mul3A_156 = arith.muli %get3A_153, %mul3A_155 : vector<16xi32>
    %add3A_157 = vector.broadcast %arg0 : i32 to vector<16xi32>
    %add3A_158 = arith.addi %mul3A_156, %add3A_157 : vector<16xi32>
    %swap3A = arith.constant 0 : i32
    %swap3A_159 = arith.index_cast %swap3A : i32 to index
    %swap3A_160 = arith.constant 0 : index
    %swap3A_161 = tpu.vector_load %arg10[%swap3A_159, %swap3A_160] {strides = array<i32>} : memref<4x128xi32, #tpu.memory_space<vmem>>, vector<1x16xi32>,
    %swap3A_162 = vector.shape_cast %swap3A_161 : vector<1x16xi32> to vector<16xi32>
    %swap3A_163 = vector.shape_cast %add3A_158 : vector<16xi32> to vector<1x16xi32>
    tpu.vector_store %arg10[%swap3A_159, %swap3A_160], %swap3A_163 {strides = array<i32>} : memref<4x128xi32, #tpu.memory_space<vmem>>, vector<1x16xi32>,
    %get3A_164 = arith.constant 0 : i32
    %get3A_165 = arith.index_cast %get3A_164 : i32 to index
    %get3A_166 = arith.constant 16 : index
    %get3A_167 = tpu.vector_load %arg10[%get3A_165, %get3A_166] {strides = array<i32>} : memref<4x128xi32, #tpu.memory_space<vmem>>, vector<1x16xi32>,
    %get3A_168 = vector.shape_cast %get3A_167 : vector<1x16xi32> to vector<16xi32>
    %mul3A_169 = arith.constant 2 : i32
    %mul3A_170 = vector.broadcast %mul3A_169 : i32 to vector<16xi32>
    %mul3A_171 = arith.muli %get3A_168, %mul3A_170 : vector<16xi32>
    %add3A_172 = vector.broadcast %arg0 : i32 to vector<16xi32>
    %add3A_173 = arith.addi %mul3A_171, %add3A_172 : vector<16xi32>
    %swap3A_174 = arith.constant 0 : i32
    %swap3A_175 = arith.index_cast %swap3A_174 : i32 to index
    %swap3A_176 = arith.constant 16 : index
    %swap3A_177 = tpu.vector_load %arg10[%swap3A_175, %swap3A_176] {strides = array<i32>} : memref<4x128xi32, #tpu.memory_space<vmem>>, vector<1x16xi32>,
    %swap3A_178 = vector.shape_cast %swap3A_177 : vector<1x16xi32> to vector<16xi32>
    %swap3A_179 = vector.shape_cast %add3A_173 : vector<16xi32> to vector<1x16xi32>
    tpu.vector_store %arg10[%swap3A_175, %swap3A_176], %swap3A_179 {strides = array<i32>} : memref<4x128xi32, #tpu.memory_space<vmem>>, vector<1x16xi32>,
    %get3A_180 = arith.constant 0 : i32
    %get3A_181 = arith.index_cast %get3A_180 : i32 to index
    %get3A_182 = arith.constant 32 : index
    %get3A_183 = tpu.vector_load %arg10[%get3A_181, %get3A_182] {strides = array<i32>} : memref<4x128xi32, #tpu.memory_space<vmem>>, vector<1x16xi32>,
    %get3A_184 = vector.shape_cast %get3A_183 : vector<1x16xi32> to vector<16xi32>
    %mul3A_185 = arith.constant 2 : i32
    %mul3A_186 = vector.broadcast %mul3A_185 : i32 to vector<16xi32>
    %mul3A_187 = arith.muli %get3A_184, %mul3A_186 : vector<16xi32>
    %add3A_188 = vector.broadcast %arg0 : i32 to vector<16xi32>
    %add3A_189 = arith.addi %mul3A_187, %add3A_188 : vector<16xi32>
    %swap3A_190 = arith.constant 0 : i32
    %swap3A_191 = arith.index_cast %swap3A_190 : i32 to index
    %swap3A_192 = arith.constant 32 : index
    %swap3A_193 = tpu.vector_load %arg10[%swap3A_191, %swap3A_192] {strides = array<i32>} : memref<4x128xi32, #tpu.memory_space<vmem>>, vector<1x16xi32>,
    %swap3A_194 = vector.shape_cast %swap3A_193 : vector<1x16xi32> to vector<16xi32>
    %swap3A_195 = vector.shape_cast %add3A_189 : vector<16xi32> to vector<1x16xi32>
    tpu.vector_store %arg10[%swap3A_191, %swap3A_192], %swap3A_195 {strides = array<i32>} : memref<4x128xi32, #tpu.memory_space<vmem>>, vector<1x16xi32>,
    %get3A_196 = arith.constant 0 : i32
    %get3A_197 = arith.index_cast %get3A_196 : i32 to index
    %get3A_198 = arith.constant 48 : index
    %get3A_199 = tpu.vector_load %arg10[%get3A_197, %get3A_198] {strides = array<i32>} : memref<4x128xi32, #tpu.memory_space<vmem>>, vector<1x16xi32>,
    %get3A_200 = vector.shape_cast %get3A_199 : vector<1x16xi32> to vector<16xi32>
    %mul3A_201 = arith.constant 2 : i32
    %mul3A_202 = vector.broadcast %mul3A_201 : i32 to vector<16xi32>
    %mul3A_203 = arith.muli %get3A_200, %mul3A_202 : vector<16xi32>
    %add3A_204 = vector.broadcast %arg0 : i32 to vector<16xi32>
    %add3A_205 = arith.addi %mul3A_203, %add3A_204 : vector<16xi32>
    %swap3A_206 = arith.constant 0 : i32
    %swap3A_207 = arith.index_cast %swap3A_206 : i32 to index
    %swap3A_208 = arith.constant 48 : index
    %swap3A_209 = tpu.vector_load %arg10[%swap3A_207, %swap3A_208] {strides = array<i32>} : memref<4x128xi32, #tpu.memory_space<vmem>>, vector<1x16xi32>,
    %swap3A_210 = vector.shape_cast %swap3A_209 : vector<1x16xi32> to vector<16xi32>
    %swap3A_211 = vector.shape_cast %add3A_205 : vector<16xi32> to vector<1x16xi32>
    tpu.vector_store %arg10[%swap3A_207, %swap3A_208], %swap3A_211 {strides = array<i32>} : memref<4x128xi32, #tpu.memory_space<vmem>>, vector<1x16xi32>,
    %get3A_212 = arith.constant 0 : i32
    %get3A_213 = arith.index_cast %get3A_212 : i32 to index
    %get3A_214 = arith.constant 64 : index
    %get3A_215 = tpu.vector_load %arg10[%get3A_213, %get3A_214] {strides = array<i32>} : memref<4x128xi32, #tpu.memory_space<vmem>>, vector<1x16xi32>,
    %get3A_216 = vector.shape_cast %get3A_215 : vector<1x16xi32> to vector<16xi32>
    %mul3A_217 = arith.constant 2 : i32
    %mul3A_218 = vector.broadcast %mul3A_217 : i32 to vector<16xi32>
    %mul3A_219 = arith.muli %get3A_216, %mul3A_218 : vector<16xi32>
    %add3A_220 = vector.broadcast %arg0 : i32 to vector<16xi32>
    %add3A_221 = arith.addi %mul3A_219, %add3A_220 : vector<16xi32>
    %swap3A_222 = arith.constant 0 : i32
    %swap3A_223 = arith.index_cast %swap3A_222 : i32 to index
    %swap3A_224 = arith.constant 64 : index
    %swap3A_225 = tpu.vector_load %arg10[%swap3A_223, %swap3A_224] {strides = array<i32>} : memref<4x128xi32, #tpu.memory_space<vmem>>, vector<1x16xi32>,
    %swap3A_226 = vector.shape_cast %swap3A_225 : vector<1x16xi32> to vector<16xi32>
    %swap3A_227 = vector.shape_cast %add3A_221 : vector<16xi32> to vector<1x16xi32>
    tpu.vector_store %arg10[%swap3A_223, %swap3A_224], %swap3A_227 {strides = array<i32>} : memref<4x128xi32, #tpu.memory_space<vmem>>, vector<1x16xi32>,
    %get3A_228 = arith.constant 0 : i32
    %get3A_229 = arith.index_cast %get3A_228 : i32 to index
    %get3A_230 = arith.constant 80 : index
    %get3A_231 = tpu.vector_load %arg10[%get3A_229, %get3A_230] {strides = array<i32>} : memref<4x128xi32, #tpu.memory_space<vmem>>, vector<1x16xi32>,
    %get3A_232 = vector.shape_cast %get3A_231 : vector<1x16xi32> to vector<16xi32>
    %mul3A_233 = arith.constant 2 : i32
    %mul3A_234 = vector.broadcast %mul3A_233 : i32 to vector<16xi32>
    %mul3A_235 = arith.muli %get3A_232, %mul3A_234 : vector<16xi32>
    %add3A_236 = vector.broadcast %arg0 : i32 to vector<16xi32>
    %add3A_237 = arith.addi %mul3A_235, %add3A_236 : vector<16xi32>
    %swap3A_238 = arith.constant 0 : i32
    %swap3A_239 = arith.index_cast %swap3A_238 : i32 to index
    %swap3A_240 = arith.constant 80 : index
    %swap3A_241 = tpu.vector_load %arg10[%swap3A_239, %swap3A_240] {strides = array<i32>} : memref<4x128xi32, #tpu.memory_space<vmem>>, vector<1x16xi32>,
    %swap3A_242 = vector.shape_cast %swap3A_241 : vector<1x16xi32> to vector<16xi32>
    %swap3A_243 = vector.shape_cast %add3A_237 : vector<16xi32> to vector<1x16xi32>
    tpu.vector_store %arg10[%swap3A_239, %swap3A_240], %swap3A_243 {strides = array<i32>} : memref<4x128xi32, #tpu.memory_space<vmem>>, vector<1x16xi32>,
    %get3A_244 = arith.constant 0 : i32
    %get3A_245 = arith.index_cast %get3A_244 : i32 to index
    %get3A_246 = arith.constant 96 : index
    %get3A_247 = tpu.vector_load %arg10[%get3A_245, %get3A_246] {strides = array<i32>} : memref<4x128xi32, #tpu.memory_space<vmem>>, vector<1x16xi32>,
    %get3A_248 = vector.shape_cast %get3A_247 : vector<1x16xi32> to vector<16xi32>
    %mul3A_249 = arith.constant 2 : i32
    %mul3A_250 = vector.broadcast %mul3A_249 : i32 to vector<16xi32>
    %mul3A_251 = arith.muli %get3A_248, %mul3A_250 : vector<16xi32>
    %add3A_252 = vector.broadcast %arg0 : i32 to vector<16xi32>
    %add3A_253 = arith.addi %mul3A_251, %add3A_252 : vector<16xi32>
    %swap3A_254 = arith.constant 0 : i32
    %swap3A_255 = arith.index_cast %swap3A_254 : i32 to index
    %swap3A_256 = arith.constant 96 : index
    %swap3A_257 = tpu.vector_load %arg10[%swap3A_255, %swap3A_256] {strides = array<i32>} : memref<4x128xi32, #tpu.memory_space<vmem>>, vector<1x16xi32>,
    %swap3A_258 = vector.shape_cast %swap3A_257 : vector<1x16xi32> to vector<16xi32>
    %swap3A_259 = vector.shape_cast %add3A_253 : vector<16xi32> to vector<1x16xi32>
    tpu.vector_store %arg10[%swap3A_255, %swap3A_256], %swap3A_259 {strides = array<i32>} : memref<4x128xi32, #tpu.memory_space<vmem>>, vector<1x16xi32>,
    %get3A_260 = arith.constant 0 : i32
    %get3A_261 = arith.index_cast %get3A_260 : i32 to index
    %get3A_262 = arith.constant 112 : index
    %get3A_263 = tpu.vector_load %arg10[%get3A_261, %get3A_262] {strides = array<i32>} : memref<4x128xi32, #tpu.memory_space<vmem>>, vector<1x16xi32>,
    %get3A_264 = vector.shape_cast %get3A_263 : vector<1x16xi32> to vector<16xi32>
    %mul3A_265 = arith.constant 2 : i32
    %mul3A_266 = vector.broadcast %mul3A_265 : i32 to vector<16xi32>
    %mul3A_267 = arith.muli %get3A_264, %mul3A_266 : vector<16xi32>
    %add3A_268 = vector.broadcast %arg0 : i32 to vector<16xi32>
    %add3A_269 = arith.addi %mul3A_267, %add3A_268 : vector<16xi32>
    %swap3A_270 = arith.constant 0 : i32
    %swap3A_271 = arith.index_cast %swap3A_270 : i32 to index
    %swap3A_272 = arith.constant 112 : index
    %swap3A_273 = tpu.vector_load %arg10[%swap3A_271, %swap3A_272] {strides = array<i32>} : memref<4x128xi32, #tpu.memory_space<vmem>>, vector<1x16xi32>,
    %swap3A_274 = vector.shape_cast %swap3A_273 : vector<1x16xi32> to vector<16xi32>
    %swap3A_275 = vector.shape_cast %add3A_269 : vector<16xi32> to vector<1x16xi32>
    tpu.vector_store %arg10[%swap3A_271, %swap3A_272], %swap3A_275 {strides = array<i32>} : memref<4x128xi32, #tpu.memory_space<vmem>>, vector<1x16xi32>,
    %dma_start3A_276 = arith.constant 0 : i32
    %dma_start3A_277 = arith.constant 0 : i32
    %dma_start3A_278 = arith.constant 0 : i32
    %dma_start3A_279 = arith.constant 0 : i32
    %dma_start3A_280 = tpu.memref_slice %arg12[%dma_start3A_277, %dma_start3A_278, %dma_start3A_279] : memref<4x128x64xf32, #tpu.memory_space<vmem>> -> memref<1x128x64xf32, #tpu.memory_space<vmem>>
    %dma_start3A_281 = tpu.memref_squeeze %dma_start3A_280 : memref<1x128x64xf32, #tpu.memory_space<vmem>> -> memref<128x64xf32, #tpu.memory_space<vmem>>
    %dma_start3A_282 = arith.constant 0 : i32
    %dma_start3A_283 = tpu.memref_slice %arg10[%dma_start3A_276, %dma_start3A_282] : memref<4x128xi32, #tpu.memory_space<vmem>> -> memref<1x128xi32, #tpu.memory_space<vmem>>
    %dma_start3A_284 = tpu.memref_squeeze %dma_start3A_283 : memref<1x128xi32, #tpu.memory_space<vmem>> -> memref<128xi32, #tpu.memory_space<vmem>>
    %dma_start3A_285 = arith.constant 0 : i32
    %dma_start3A_286 = arith.constant 0 : i32
    %dma_start3A_287 = tpu.memref_slice %arg2[%dma_start3A_285, %dma_start3A_286] : memref<20000x64xf32, #tpu.memory_space<hbm>> -> memref<20000x64xf32, #tpu.memory_space<hbm>>
    tpu.enqueue_indirect_dma source(%dma_start3A_287 : memref<20000x64xf32, #tpu.memory_space<hbm>>) target(%dma_start3A_281 : memref<128x64xf32, #tpu.memory_space<vmem>>) offsets(%dma_start3A_284 : memref<128xi32, #tpu.memory_space<vmem>>) semaphore(%arg24 : memref<!tpu.dma_semaphore, #tpu.memory_space<semaphore_mem>>)
    %dma_wait3A_288 = arith.constant 1 : i32
    %dma_wait3A_289 = arith.constant 0 : i32
    %dma_wait3A_290 = tpu.memref_slice %arg10[%dma_wait3A_288, %dma_wait3A_289] : memref<4x128xi32, #tpu.memory_space<vmem>> -> memref<1x128xi32, #tpu.memory_space<vmem>>
    %dma_wait3A_291 = tpu.memref_squeeze %dma_wait3A_290 : memref<1x128xi32, #tpu.memory_space<vmem>> -> memref<128xi32, #tpu.memory_space<vmem>>
    %dma_wait3A_292 = arith.constant 0 : i32
    %dma_wait3A_293 = tpu.memref_slice %arg3[%dma_wait3A_292] : memref<320000xi32, #tpu.memory_space<hbm>> -> memref<128xi32, #tpu.memory_space<hbm>>
    %dma_wait3A_294 = arith.constant 0 : i32
    %dma_wait3A_295 = tpu.memref_slice %arg10[%dma_wait3A_288, %dma_wait3A_294] : memref<4x128xi32, #tpu.memory_space<vmem>> -> memref<1x128xi32, #tpu.memory_space<vmem>>
    %dma_wait3A_296 = tpu.memref_squeeze %dma_wait3A_295 : memref<1x128xi32, #tpu.memory_space<vmem>> -> memref<128xi32, #tpu.memory_space<vmem>>
    %dma_wait3A_297 = arith.constant 0 : i32
    %dma_wait3A_298 = tpu.memref_slice %arg3[%dma_wait3A_297] : memref<320000xi32, #tpu.memory_space<hbm>> -> memref<128xi32, #tpu.memory_space<hbm>>
    tpu.wait_dma2 semaphore(%arg17 : memref<!tpu.dma_semaphore, #tpu.memory_space<semaphore_mem>>) src(%dma_wait3A_298 : memref<128xi32, #tpu.memory_space<hbm>>) dst(%dma_wait3A_296 : memref<128xi32, #tpu.memory_space<vmem>>)
    %dma_wait3A_299 = arith.constant 1 : i32
    %dma_wait3A_300 = arith.constant 0 : i32
    %dma_wait3A_301 = tpu.memref_slice %arg11[%dma_wait3A_299, %dma_wait3A_300] : memref<4x128xi32, #tpu.memory_space<vmem>> -> memref<1x128xi32, #tpu.memory_space<vmem>>
    %dma_wait3A_302 = tpu.memref_squeeze %dma_wait3A_301 : memref<1x128xi32, #tpu.memory_space<vmem>> -> memref<128xi32, #tpu.memory_space<vmem>>
    %dma_wait3A_303 = arith.constant 0 : i32
    %dma_wait3A_304 = tpu.memref_slice %arg4[%dma_wait3A_303] : memref<320000xi32, #tpu.memory_space<hbm>> -> memref<128xi32, #tpu.memory_space<hbm>>
    %dma_wait3A_305 = arith.constant 0 : i32
    %dma_wait3A_306 = tpu.memref_slice %arg11[%dma_wait3A_299, %dma_wait3A_305] : memref<4x128xi32, #tpu.memory_space<vmem>> -> memref<1x128xi32, #tpu.memory_space<vmem>>
    %dma_wait3A_307 = tpu.memref_squeeze %dma_wait3A_306 : memref<1x128xi32, #tpu.memory_space<vmem>> -> memref<128xi32, #tpu.memory_space<vmem>>
    %dma_wait3A_308 = arith.constant 0 : i32
    %dma_wait3A_309 = tpu.memref_slice %arg4[%dma_wait3A_308] : memref<320000xi32, #tpu.memory_space<hbm>> -> memref<128xi32, #tpu.memory_space<hbm>>
    tpu.wait_dma2 semaphore(%arg17 : memref<!tpu.dma_semaphore, #tpu.memory_space<semaphore_mem>>) src(%dma_wait3A_309 : memref<128xi32, #tpu.memory_space<hbm>>) dst(%dma_wait3A_307 : memref<128xi32, #tpu.memory_space<vmem>>)
    %get3A_310 = arith.constant 1 : i32
    %get3A_311 = arith.index_cast %get3A_310 : i32 to index
    %get3A_312 = arith.constant 0 : index
    %get3A_313 = tpu.vector_load %arg10[%get3A_311, %get3A_312] {strides = array<i32>} : memref<4x128xi32, #tpu.memory_space<vmem>>, vector<1x16xi32>,
    %get3A_314 = vector.shape_cast %get3A_313 : vector<1x16xi32> to vector<16xi32>
    %mul3A_315 = arith.constant 2 : i32
    %mul3A_316 = vector.broadcast %mul3A_315 : i32 to vector<16xi32>
    %mul3A_317 = arith.muli %get3A_314, %mul3A_316 : vector<16xi32>
    %add3A_318 = vector.broadcast %arg0 : i32 to vector<16xi32>
    %add3A_319 = arith.addi %mul3A_317, %add3A_318 : vector<16xi32>
    %swap3A_320 = arith.constant 1 : i32
    %swap3A_321 = arith.index_cast %swap3A_320 : i32 to index
    %swap3A_322 = arith.constant 0 : index
    %swap3A_323 = tpu.vector_load %arg10[%swap3A_321, %swap3A_322] {strides = array<i32>} : memref<4x128xi32, #tpu.memory_space<vmem>>, vector<1x16xi32>,
    %swap3A_324 = vector.shape_cast %swap3A_323 : vector<1x16xi32> to vector<16xi32>
    %swap3A_325 = vector.shape_cast %add3A_319 : vector<16xi32> to vector<1x16xi32>
    tpu.vector_store %arg10[%swap3A_321, %swap3A_322], %swap3A_325 {strides = array<i32>} : memref<4x128xi32, #tpu.memory_space<vmem>>, vector<1x16xi32>,
    %get3A_326 = arith.constant 1 : i32
    %get3A_327 = arith.index_cast %get3A_326 : i32 to index
    %get3A_328 = arith.constant 16 : index
    %get3A_329 = tpu.vector_load %arg10[%get3A_327, %get3A_328] {strides = array<i32>} : memref<4x128xi32, #tpu.memory_space<vmem>>, vector<1x16xi32>,
    %get3A_330 = vector.shape_cast %get3A_329 : vector<1x16xi32> to vector<16xi32>
    %mul3A_331 = arith.constant 2 : i32
    %mul3A_332 = vector.broadcast %mul3A_331 : i32 to vector<16xi32>
    %mul3A_333 = arith.muli %get3A_330, %mul3A_332 : vector<16xi32>
    %add3A_334 = vector.broadcast %arg0 : i32 to vector<16xi32>
    %add3A_335 = arith.addi %mul3A_333, %add3A_334 : vector<16xi32>
    %swap3A_336 = arith.constant 1 : i32
    %swap3A_337 = arith.index_cast %swap3A_336 : i32 to index
    %swap3A_338 = arith.constant 16 : index
    %swap3A_339 = tpu.vector_load %arg10[%swap3A_337, %swap3A_338] {strides = array<i32>} : memref<4x128xi32, #tpu.memory_space<vmem>>, vector<1x16xi32>,
    %swap3A_340 = vector.shape_cast %swap3A_339 : vector<1x16xi32> to vector<16xi32>
    %swap3A_341 = vector.shape_cast %add3A_335 : vector<16xi32> to vector<1x16xi32>
    tpu.vector_store %arg10[%swap3A_337, %swap3A_338], %swap3A_341 {strides = array<i32>} : memref<4x128xi32, #tpu.memory_space<vmem>>, vector<1x16xi32>,
    %get3A_342 = arith.constant 1 : i32
    %get3A_343 = arith.index_cast %get3A_342 : i32 to index
    %get3A_344 = arith.constant 32 : index
    %get3A_345 = tpu.vector_load %arg10[%get3A_343, %get3A_344] {strides = array<i32>} : memref<4x128xi32, #tpu.memory_space<vmem>>, vector<1x16xi32>,
    %get3A_346 = vector.shape_cast %get3A_345 : vector<1x16xi32> to vector<16xi32>
    %mul3A_347 = arith.constant 2 : i32
    %mul3A_348 = vector.broadcast %mul3A_347 : i32 to vector<16xi32>
    %mul3A_349 = arith.muli %get3A_346, %mul3A_348 : vector<16xi32>
    %add3A_350 = vector.broadcast %arg0 : i32 to vector<16xi32>
    %add3A_351 = arith.addi %mul3A_349, %add3A_350 : vector<16xi32>
    %swap3A_352 = arith.constant 1 : i32
    %swap3A_353 = arith.index_cast %swap3A_352 : i32 to index
    %swap3A_354 = arith.constant 32 : index
    %swap3A_355 = tpu.vector_load %arg10[%swap3A_353, %swap3A_354] {strides = array<i32>} : memref<4x128xi32, #tpu.memory_space<vmem>>, vector<1x16xi32>,
    %swap3A_356 = vector.shape_cast %swap3A_355 : vector<1x16xi32> to vector<16xi32>
    %swap3A_357 = vector.shape_cast %add3A_351 : vector<16xi32> to vector<1x16xi32>
    tpu.vector_store %arg10[%swap3A_353, %swap3A_354], %swap3A_357 {strides = array<i32>} : memref<4x128xi32, #tpu.memory_space<vmem>>, vector<1x16xi32>,
    %get3A_358 = arith.constant 1 : i32
    %get3A_359 = arith.index_cast %get3A_358 : i32 to index
    %get3A_360 = arith.constant 48 : index
    %get3A_361 = tpu.vector_load %arg10[%get3A_359, %get3A_360] {strides = array<i32>} : memref<4x128xi32, #tpu.memory_space<vmem>>, vector<1x16xi32>,
    %get3A_362 = vector.shape_cast %get3A_361 : vector<1x16xi32> to vector<16xi32>
    %mul3A_363 = arith.constant 2 : i32
    %mul3A_364 = vector.broadcast %mul3A_363 : i32 to vector<16xi32>
    %mul3A_365 = arith.muli %get3A_362, %mul3A_364 : vector<16xi32>
    %add3A_366 = vector.broadcast %arg0 : i32 to vector<16xi32>
    %add3A_367 = arith.addi %mul3A_365, %add3A_366 : vector<16xi32>
    %swap3A_368 = arith.constant 1 : i32
    %swap3A_369 = arith.index_cast %swap3A_368 : i32 to index
    %swap3A_370 = arith.constant 48 : index
    %swap3A_371 = tpu.vector_load %arg10[%swap3A_369, %swap3A_370] {strides = array<i32>} : memref<4x128xi32, #tpu.memory_space<vmem>>, vector<1x16xi32>,
    %swap3A_372 = vector.shape_cast %swap3A_371 : vector<1x16xi32> to vector<16xi32>
    %swap3A_373 = vector.shape_cast %add3A_367 : vector<16xi32> to vector<1x16xi32>
    tpu.vector_store %arg10[%swap3A_369, %swap3A_370], %swap3A_373 {strides = array<i32>} : memref<4x128xi32, #tpu.memory_space<vmem>>, vector<1x16xi32>,
    %get3A_374 = arith.constant 1 : i32
    %get3A_375 = arith.index_cast %get3A_374 : i32 to index
    %get3A_376 = arith.constant 64 : index
    %get3A_377 = tpu.vector_load %arg10[%get3A_375, %get3A_376] {strides = array<i32>} : memref<4x128xi32, #tpu.memory_space<vmem>>, vector<1x16xi32>,
    %get3A_378 = vector.shape_cast %get3A_377 : vector<1x16xi32> to vector<16xi32>
    %mul3A_379 = arith.constant 2 : i32
    %mul3A_380 = vector.broadcast %mul3A_379 : i32 to vector<16xi32>
    %mul3A_381 = arith.muli %get3A_378, %mul3A_380 : vector<16xi32>
    %add3A_382 = vector.broadcast %arg0 : i32 to vector<16xi32>
    %add3A_383 = arith.addi %mul3A_381, %add3A_382 : vector<16xi32>
    %swap3A_384 = arith.constant 1 : i32
    %swap3A_385 = arith.index_cast %swap3A_384 : i32 to index
    %swap3A_386 = arith.constant 64 : index
    %swap3A_387 = tpu.vector_load %arg10[%swap3A_385, %swap3A_386] {strides = array<i32>} : memref<4x128xi32, #tpu.memory_space<vmem>>, vector<1x16xi32>,
    %swap3A_388 = vector.shape_cast %swap3A_387 : vector<1x16xi32> to vector<16xi32>
    %swap3A_389 = vector.shape_cast %add3A_383 : vector<16xi32> to vector<1x16xi32>
    tpu.vector_store %arg10[%swap3A_385, %swap3A_386], %swap3A_389 {strides = array<i32>} : memref<4x128xi32, #tpu.memory_space<vmem>>, vector<1x16xi32>,
    %get3A_390 = arith.constant 1 : i32
    %get3A_391 = arith.index_cast %get3A_390 : i32 to index
    %get3A_392 = arith.constant 80 : index
    %get3A_393 = tpu.vector_load %arg10[%get3A_391, %get3A_392] {strides = array<i32>} : memref<4x128xi32, #tpu.memory_space<vmem>>, vector<1x16xi32>,
    %get3A_394 = vector.shape_cast %get3A_393 : vector<1x16xi32> to vector<16xi32>
    %mul3A_395 = arith.constant 2 : i32
    %mul3A_396 = vector.broadcast %mul3A_395 : i32 to vector<16xi32>
    %mul3A_397 = arith.muli %get3A_394, %mul3A_396 : vector<16xi32>
    %add3A_398 = vector.broadcast %arg0 : i32 to vector<16xi32>
    %add3A_399 = arith.addi %mul3A_397, %add3A_398 : vector<16xi32>
    %swap3A_400 = arith.constant 1 : i32
    %swap3A_401 = arith.index_cast %swap3A_400 : i32 to index
    %swap3A_402 = arith.constant 80 : index
    %swap3A_403 = tpu.vector_load %arg10[%swap3A_401, %swap3A_402] {strides = array<i32>} : memref<4x128xi32, #tpu.memory_space<vmem>>, vector<1x16xi32>,
    %swap3A_404 = vector.shape_cast %swap3A_403 : vector<1x16xi32> to vector<16xi32>
    %swap3A_405 = vector.shape_cast %add3A_399 : vector<16xi32> to vector<1x16xi32>
    tpu.vector_store %arg10[%swap3A_401, %swap3A_402], %swap3A_405 {strides = array<i32>} : memref<4x128xi32, #tpu.memory_space<vmem>>, vector<1x16xi32>,
    %get3A_406 = arith.constant 1 : i32
    %get3A_407 = arith.index_cast %get3A_406 : i32 to index
    %get3A_408 = arith.constant 96 : index
    %get3A_409 = tpu.vector_load %arg10[%get3A_407, %get3A_408] {strides = array<i32>} : memref<4x128xi32, #tpu.memory_space<vmem>>, vector<1x16xi32>,
    %get3A_410 = vector.shape_cast %get3A_409 : vector<1x16xi32> to vector<16xi32>
    %mul3A_411 = arith.constant 2 : i32
    %mul3A_412 = vector.broadcast %mul3A_411 : i32 to vector<16xi32>
    %mul3A_413 = arith.muli %get3A_410, %mul3A_412 : vector<16xi32>
    %add3A_414 = vector.broadcast %arg0 : i32 to vector<16xi32>
    %add3A_415 = arith.addi %mul3A_413, %add3A_414 : vector<16xi32>
    %swap3A_416 = arith.constant 1 : i32
    %swap3A_417 = arith.index_cast %swap3A_416 : i32 to index
    %swap3A_418 = arith.constant 96 : index
    %swap3A_419 = tpu.vector_load %arg10[%swap3A_417, %swap3A_418] {strides = array<i32>} : memref<4x128xi32, #tpu.memory_space<vmem>>, vector<1x16xi32>,
    %swap3A_420 = vector.shape_cast %swap3A_419 : vector<1x16xi32> to vector<16xi32>
    %swap3A_421 = vector.shape_cast %add3A_415 : vector<16xi32> to vector<1x16xi32>
    tpu.vector_store %arg10[%swap3A_417, %swap3A_418], %swap3A_421 {strides = array<i32>} : memref<4x128xi32, #tpu.memory_space<vmem>>, vector<1x16xi32>,
    %get3A_422 = arith.constant 1 : i32
    %get3A_423 = arith.index_cast %get3A_422 : i32 to index
    %get3A_424 = arith.constant 112 : index
    %get3A_425 = tpu.vector_load %arg10[%get3A_423, %get3A_424] {strides = array<i32>} : memref<4x128xi32, #tpu.memory_space<vmem>>, vector<1x16xi32>,
    %get3A_426 = vector.shape_cast %get3A_425 : vector<1x16xi32> to vector<16xi32>
    %mul3A_427 = arith.constant 2 : i32
    %mul3A_428 = vector.broadcast %mul3A_427 : i32 to vector<16xi32>
    %mul3A_429 = arith.muli %get3A_426, %mul3A_428 : vector<16xi32>
    %add3A_430 = vector.broadcast %arg0 : i32 to vector<16xi32>
    %add3A_431 = arith.addi %mul3A_429, %add3A_430 : vector<16xi32>
    %swap3A_432 = arith.constant 1 : i32
    %swap3A_433 = arith.index_cast %swap3A_432 : i32 to index
    %swap3A_434 = arith.constant 112 : index
    %swap3A_435 = tpu.vector_load %arg10[%swap3A_433, %swap3A_434] {strides = array<i32>} : memref<4x128xi32, #tpu.memory_space<vmem>>, vector<1x16xi32>,
    %swap3A_436 = vector.shape_cast %swap3A_435 : vector<1x16xi32> to vector<16xi32>
    %swap3A_437 = vector.shape_cast %add3A_431 : vector<16xi32> to vector<1x16xi32>
    tpu.vector_store %arg10[%swap3A_433, %swap3A_434], %swap3A_437 {strides = array<i32>} : memref<4x128xi32, #tpu.memory_space<vmem>>, vector<1x16xi32>,
    %dma_start3A_438 = arith.constant 1 : i32
    %dma_start3A_439 = arith.constant 1 : i32
    %dma_start3A_440 = arith.constant 0 : i32
    %dma_start3A_441 = arith.constant 0 : i32
    %dma_start3A_442 = tpu.memref_slice %arg12[%dma_start3A_439, %dma_start3A_440, %dma_start3A_441] : memref<4x128x64xf32, #tpu.memory_space<vmem>> -> memref<1x128x64xf32, #tpu.memory_space<vmem>>
    %dma_start3A_443 = tpu.memref_squeeze %dma_start3A_442 : memref<1x128x64xf32, #tpu.memory_space<vmem>> -> memref<128x64xf32, #tpu.memory_space<vmem>>
    %dma_start3A_444 = arith.constant 0 : i32
    %dma_start3A_445 = tpu.memref_slice %arg10[%dma_start3A_438, %dma_start3A_444] : memref<4x128xi32, #tpu.memory_space<vmem>> -> memref<1x128xi32, #tpu.memory_space<vmem>>
    %dma_start3A_446 = tpu.memref_squeeze %dma_start3A_445 : memref<1x128xi32, #tpu.memory_space<vmem>> -> memref<128xi32, #tpu.memory_space<vmem>>
    %dma_start3A_447 = arith.constant 0 : i32
    %dma_start3A_448 = arith.constant 0 : i32
    %dma_start3A_449 = tpu.memref_slice %arg2[%dma_start3A_447, %dma_start3A_448] : memref<20000x64xf32, #tpu.memory_space<hbm>> -> memref<20000x64xf32, #tpu.memory_space<hbm>>
    tpu.enqueue_indirect_dma source(%dma_start3A_449 : memref<20000x64xf32, #tpu.memory_space<hbm>>) target(%dma_start3A_443 : memref<128x64xf32, #tpu.memory_space<vmem>>) offsets(%dma_start3A_446 : memref<128xi32, #tpu.memory_space<vmem>>) semaphore(%arg25 : memref<!tpu.dma_semaphore, #tpu.memory_space<semaphore_mem>>)
    %dma_wait3A_450 = arith.constant 0 : i32
    %dma_wait3A_451 = arith.constant 0 : i32
    %dma_wait3A_452 = arith.constant 0 : i32
    %dma_wait3A_453 = arith.constant 0 : i32
    %dma_wait3A_454 = tpu.memref_slice %arg12[%dma_wait3A_451, %dma_wait3A_452, %dma_wait3A_453] : memref<4x128x64xf32, #tpu.memory_space<vmem>> -> memref<1x128x64xf32, #tpu.memory_space<vmem>>
    %dma_wait3A_455 = tpu.memref_squeeze %dma_wait3A_454 : memref<1x128x64xf32, #tpu.memory_space<vmem>> -> memref<128x64xf32, #tpu.memory_space<vmem>>
    %dma_wait3A_456 = arith.constant 0 : i32
    %dma_wait3A_457 = tpu.memref_slice %arg10[%dma_wait3A_450, %dma_wait3A_456] : memref<4x128xi32, #tpu.memory_space<vmem>> -> memref<1x128xi32, #tpu.memory_space<vmem>>
    %dma_wait3A_458 = tpu.memref_squeeze %dma_wait3A_457 : memref<1x128xi32, #tpu.memory_space<vmem>> -> memref<128xi32, #tpu.memory_space<vmem>>
    %dma_wait3A_459 = arith.constant 0 : i32
    %dma_wait3A_460 = arith.constant 0 : i32
    %dma_wait3A_461 = tpu.memref_slice %arg2[%dma_wait3A_459, %dma_wait3A_460] : memref<20000x64xf32, #tpu.memory_space<hbm>> -> memref<20000x64xf32, #tpu.memory_space<hbm>>
    tpu.wait_indirect_dma semaphore(%arg24 : memref<!tpu.dma_semaphore, #tpu.memory_space<semaphore_mem>>) src(%dma_wait3A_461 : memref<20000x64xf32, #tpu.memory_space<hbm>>) dst(%dma_wait3A_455 : memref<128x64xf32, #tpu.memory_space<vmem>>)
    %eq3A_462 = arith.constant 0 : i32
    %eq3A_463 = arith.cmpi eq, %arg0, %eq3A_462 : i32
    %convert_element_type3A_464 = arith.extui %eq3A_463 : i1 to i32
    %cond3A_465 = arith.constant 0 : i32
    %cond3A_466 = arith.cmpi ne, %convert_element_type3A_464, %cond3A_465 : i32
    scf.if %cond3A_466 {
      %dma_wait3A_2065 = arith.constant 0 : i32
      %dma_wait3A_2066 = arith.constant 0 : i32
      %dma_wait3A_2067 = arith.constant 0 : i32
      %dma_wait3A_2068 = tpu.memref_slice %arg13[%dma_wait3A_2065, %dma_wait3A_2066, %dma_wait3A_2067] : memref<4x128x16xf32, #tpu.memory_space<vmem>> -> memref<1x128x16xf32, #tpu.memory_space<vmem>>
      %dma_wait3A_2069 = tpu.memref_squeeze %dma_wait3A_2068 : memref<1x128x16xf32, #tpu.memory_space<vmem>> -> memref<128x16xf32, #tpu.memory_space<vmem>>
      %dma_wait3A_2070 = arith.constant 0 : i32
      %dma_wait3A_2071 = arith.constant 0 : i32
      %dma_wait3A_2072 = tpu.memref_slice %arg5[%dma_wait3A_2070, %dma_wait3A_2071] : memref<320000x16xf32, #tpu.memory_space<hbm>> -> memref<128x16xf32, #tpu.memory_space<hbm>>
      %dma_wait3A_2073 = arith.constant 0 : i32
      %dma_wait3A_2074 = arith.constant 0 : i32
      %dma_wait3A_2075 = tpu.memref_slice %arg13[%dma_wait3A_2065, %dma_wait3A_2073, %dma_wait3A_2074] : memref<4x128x16xf32, #tpu.memory_space<vmem>> -> memref<1x128x16xf32, #tpu.memory_space<vmem>>
      %dma_wait3A_2076 = tpu.memref_squeeze %dma_wait3A_2075 : memref<1x128x16xf32, #tpu.memory_space<vmem>> -> memref<128x16xf32, #tpu.memory_space<vmem>>
      %dma_wait3A_2077 = arith.constant 0 : i32
      %dma_wait3A_2078 = arith.constant 0 : i32
      %dma_wait3A_2079 = tpu.memref_slice %arg5[%dma_wait3A_2077, %dma_wait3A_2078] : memref<320000x16xf32, #tpu.memory_space<hbm>> -> memref<128x16xf32, #tpu.memory_space<hbm>>
      tpu.wait_dma2 semaphore(%arg20 : memref<!tpu.dma_semaphore, #tpu.memory_space<semaphore_mem>>) src(%dma_wait3A_2079 : memref<128x16xf32, #tpu.memory_space<hbm>>) dst(%dma_wait3A_2076 : memref<128x16xf32, #tpu.memory_space<vmem>>)
    } else {
    }
    %dma_start3A_467 = arith.constant 0 : i32
    %dma_start3A_468 = arith.constant 0 : i32
    %dma_start3A_469 = arith.constant 0 : i32
    %dma_start3A_470 = arith.constant 0 : i32
    %dma_start3A_471 = tpu.memref_slice %arg12[%dma_start3A_467, %dma_start3A_469, %dma_start3A_470] : memref<4x128x64xf32, #tpu.memory_space<vmem>> -> memref<1x128x64xf32, #tpu.memory_space<vmem>>
    %dma_start3A_472 = tpu.memref_squeeze %dma_start3A_471 : memref<1x128x64xf32, #tpu.memory_space<vmem>> -> memref<128x64xf32, #tpu.memory_space<vmem>>
    %dma_start3A_473 = arith.constant 0 : i32
    %dma_start3A_474 = tpu.memref_slice %arg11[%dma_start3A_468, %dma_start3A_473] : memref<4x128xi32, #tpu.memory_space<vmem>> -> memref<1x128xi32, #tpu.memory_space<vmem>>
    %dma_start3A_475 = tpu.memref_squeeze %dma_start3A_474 : memref<1x128xi32, #tpu.memory_space<vmem>> -> memref<128xi32, #tpu.memory_space<vmem>>
    %dma_start3A_476 = arith.constant 0 : i32
    %dma_start3A_477 = arith.constant 0 : i32
    %dma_start3A_478 = tpu.memref_slice %arg14[%dma_start3A_476, %dma_start3A_477] : memref<10000x64xf32, #tpu.memory_space<vmem_shared>> -> memref<10000x64xf32, #tpu.memory_space<vmem_shared>>
    tpu.enqueue_indirect_dma source(%dma_start3A_472 : memref<128x64xf32, #tpu.memory_space<vmem>>) target(%dma_start3A_478 : memref<10000x64xf32, #tpu.memory_space<vmem_shared>>) offsets(%dma_start3A_475 : memref<128xi32, #tpu.memory_space<vmem>>) semaphore(%arg28 : memref<!tpu.dma_semaphore, #tpu.memory_space<semaphore_mem>>) {add = true}
    %dma_start3A_479 = arith.constant 0 : i32
    %dma_start3A_480 = arith.constant 0 : i32
    %dma_start3A_481 = arith.constant 0 : i32
    %dma_start3A_482 = arith.constant 0 : i32
    %dma_start3A_483 = tpu.memref_slice %arg13[%dma_start3A_479, %dma_start3A_481, %dma_start3A_482] : memref<4x128x16xf32, #tpu.memory_space<vmem>> -> memref<1x128x16xf32, #tpu.memory_space<vmem>>
    %dma_start3A_484 = tpu.memref_squeeze %dma_start3A_483 : memref<1x128x16xf32, #tpu.memory_space<vmem>> -> memref<128x16xf32, #tpu.memory_space<vmem>>
    %dma_start3A_485 = arith.constant 0 : i32
    %dma_start3A_486 = tpu.memref_slice %arg11[%dma_start3A_480, %dma_start3A_485] : memref<4x128xi32, #tpu.memory_space<vmem>> -> memref<1x128xi32, #tpu.memory_space<vmem>>
    %dma_start3A_487 = tpu.memref_squeeze %dma_start3A_486 : memref<1x128xi32, #tpu.memory_space<vmem>> -> memref<128xi32, #tpu.memory_space<vmem>>
    %dma_start3A_488 = arith.constant 0 : i32
    %dma_start3A_489 = arith.constant 0 : i32
    %dma_start3A_490 = tpu.memref_slice %arg15[%dma_start3A_488, %dma_start3A_489] : memref<10000x16xf32, #tpu.memory_space<vmem_shared>> -> memref<10000x16xf32, #tpu.memory_space<vmem_shared>>
    tpu.enqueue_indirect_dma source(%dma_start3A_484 : memref<128x16xf32, #tpu.memory_space<vmem>>) target(%dma_start3A_490 : memref<10000x16xf32, #tpu.memory_space<vmem_shared>>) offsets(%dma_start3A_487 : memref<128xi32, #tpu.memory_space<vmem>>) semaphore(%arg28 : memref<!tpu.dma_semaphore, #tpu.memory_space<semaphore_mem>>) {add = true}
    %dma_wait3A_491 = arith.constant 2 : i32
    %dma_wait3A_492 = arith.constant 0 : i32
    %dma_wait3A_493 = tpu.memref_slice %arg10[%dma_wait3A_491, %dma_wait3A_492] : memref<4x128xi32, #tpu.memory_space<vmem>> -> memref<1x128xi32, #tpu.memory_space<vmem>>
    %dma_wait3A_494 = tpu.memref_squeeze %dma_wait3A_493 : memref<1x128xi32, #tpu.memory_space<vmem>> -> memref<128xi32, #tpu.memory_space<vmem>>
    %dma_wait3A_495 = arith.constant 0 : i32
    %dma_wait3A_496 = tpu.memref_slice %arg3[%dma_wait3A_495] : memref<320000xi32, #tpu.memory_space<hbm>> -> memref<128xi32, #tpu.memory_space<hbm>>
    %dma_wait3A_497 = arith.constant 0 : i32
    %dma_wait3A_498 = tpu.memref_slice %arg10[%dma_wait3A_491, %dma_wait3A_497] : memref<4x128xi32, #tpu.memory_space<vmem>> -> memref<1x128xi32, #tpu.memory_space<vmem>>
    %dma_wait3A_499 = tpu.memref_squeeze %dma_wait3A_498 : memref<1x128xi32, #tpu.memory_space<vmem>> -> memref<128xi32, #tpu.memory_space<vmem>>
    %dma_wait3A_500 = arith.constant 0 : i32
    %dma_wait3A_501 = tpu.memref_slice %arg3[%dma_wait3A_500] : memref<320000xi32, #tpu.memory_space<hbm>> -> memref<128xi32, #tpu.memory_space<hbm>>
    tpu.wait_dma2 semaphore(%arg18 : memref<!tpu.dma_semaphore, #tpu.memory_space<semaphore_mem>>) src(%dma_wait3A_501 : memref<128xi32, #tpu.memory_space<hbm>>) dst(%dma_wait3A_499 : memref<128xi32, #tpu.memory_space<vmem>>)
    %dma_wait3A_502 = arith.constant 2 : i32
    %dma_wait3A_503 = arith.constant 0 : i32
    %dma_wait3A_504 = tpu.memref_slice %arg11[%dma_wait3A_502, %dma_wait3A_503] : memref<4x128xi32, #tpu.memory_space<vmem>> -> memref<1x128xi32, #tpu.memory_space<vmem>>
    %dma_wait3A_505 = tpu.memref_squeeze %dma_wait3A_504 : memref<1x128xi32, #tpu.memory_space<vmem>> -> memref<128xi32, #tpu.memory_space<vmem>>
    %dma_wait3A_506 = arith.constant 0 : i32
    %dma_wait3A_507 = tpu.memref_slice %arg4[%dma_wait3A_506] : memref<320000xi32, #tpu.memory_space<hbm>> -> memref<128xi32, #tpu.memory_space<hbm>>
    %dma_wait3A_508 = arith.constant 0 : i32
    %dma_wait3A_509 = tpu.memref_slice %arg11[%dma_wait3A_502, %dma_wait3A_508] : memref<4x128xi32, #tpu.memory_space<vmem>> -> memref<1x128xi32, #tpu.memory_space<vmem>>
    %dma_wait3A_510 = tpu.memref_squeeze %dma_wait3A_509 : memref<1x128xi32, #tpu.memory_space<vmem>> -> memref<128xi32, #tpu.memory_space<vmem>>
    %dma_wait3A_511 = arith.constant 0 : i32
    %dma_wait3A_512 = tpu.memref_slice %arg4[%dma_wait3A_511] : memref<320000xi32, #tpu.memory_space<hbm>> -> memref<128xi32, #tpu.memory_space<hbm>>
    tpu.wait_dma2 semaphore(%arg18 : memref<!tpu.dma_semaphore, #tpu.memory_space<semaphore_mem>>) src(%dma_wait3A_512 : memref<128xi32, #tpu.memory_space<hbm>>) dst(%dma_wait3A_510 : memref<128xi32, #tpu.memory_space<vmem>>)
    %get3A_513 = arith.constant 2 : i32
    %get3A_514 = arith.index_cast %get3A_513 : i32 to index
    %get3A_515 = arith.constant 0 : index
    %get3A_516 = tpu.vector_load %arg10[%get3A_514, %get3A_515] {strides = array<i32>} : memref<4x128xi32, #tpu.memory_space<vmem>>, vector<1x16xi32>,
    %get3A_517 = vector.shape_cast %get3A_516 : vector<1x16xi32> to vector<16xi32>
    %mul3A_518 = arith.constant 2 : i32
    %mul3A_519 = vector.broadcast %mul3A_518 : i32 to vector<16xi32>
    %mul3A_520 = arith.muli %get3A_517, %mul3A_519 : vector<16xi32>
    %add3A_521 = vector.broadcast %arg0 : i32 to vector<16xi32>
    %add3A_522 = arith.addi %mul3A_520, %add3A_521 : vector<16xi32>
    %swap3A_523 = arith.constant 2 : i32
    %swap3A_524 = arith.index_cast %swap3A_523 : i32 to index
    %swap3A_525 = arith.constant 0 : index
    %swap3A_526 = tpu.vector_load %arg10[%swap3A_524, %swap3A_525] {strides = array<i32>} : memref<4x128xi32, #tpu.memory_space<vmem>>, vector<1x16xi32>,
    %swap3A_527 = vector.shape_cast %swap3A_526 : vector<1x16xi32> to vector<16xi32>
    %swap3A_528 = vector.shape_cast %add3A_522 : vector<16xi32> to vector<1x16xi32>
    tpu.vector_store %arg10[%swap3A_524, %swap3A_525], %swap3A_528 {strides = array<i32>} : memref<4x128xi32, #tpu.memory_space<vmem>>, vector<1x16xi32>,
    %get3A_529 = arith.constant 2 : i32
    %get3A_530 = arith.index_cast %get3A_529 : i32 to index
    %get3A_531 = arith.constant 16 : index
    %get3A_532 = tpu.vector_load %arg10[%get3A_530, %get3A_531] {strides = array<i32>} : memref<4x128xi32, #tpu.memory_space<vmem>>, vector<1x16xi32>,
    %get3A_533 = vector.shape_cast %get3A_532 : vector<1x16xi32> to vector<16xi32>
    %mul3A_534 = arith.constant 2 : i32
    %mul3A_535 = vector.broadcast %mul3A_534 : i32 to vector<16xi32>
    %mul3A_536 = arith.muli %get3A_533, %mul3A_535 : vector<16xi32>
    %add3A_537 = vector.broadcast %arg0 : i32 to vector<16xi32>
    %add3A_538 = arith.addi %mul3A_536, %add3A_537 : vector<16xi32>
    %swap3A_539 = arith.constant 2 : i32
    %swap3A_540 = arith.index_cast %swap3A_539 : i32 to index
    %swap3A_541 = arith.constant 16 : index
    %swap3A_542 = tpu.vector_load %arg10[%swap3A_540, %swap3A_541] {strides = array<i32>} : memref<4x128xi32, #tpu.memory_space<vmem>>, vector<1x16xi32>,
    %swap3A_543 = vector.shape_cast %swap3A_542 : vector<1x16xi32> to vector<16xi32>
    %swap3A_544 = vector.shape_cast %add3A_538 : vector<16xi32> to vector<1x16xi32>
    tpu.vector_store %arg10[%swap3A_540, %swap3A_541], %swap3A_544 {strides = array<i32>} : memref<4x128xi32, #tpu.memory_space<vmem>>, vector<1x16xi32>,
    %get3A_545 = arith.constant 2 : i32
    %get3A_546 = arith.index_cast %get3A_545 : i32 to index
    %get3A_547 = arith.constant 32 : index
    %get3A_548 = tpu.vector_load %arg10[%get3A_546, %get3A_547] {strides = array<i32>} : memref<4x128xi32, #tpu.memory_space<vmem>>, vector<1x16xi32>,
    %get3A_549 = vector.shape_cast %get3A_548 : vector<1x16xi32> to vector<16xi32>
    %mul3A_550 = arith.constant 2 : i32
    %mul3A_551 = vector.broadcast %mul3A_550 : i32 to vector<16xi32>
    %mul3A_552 = arith.muli %get3A_549, %mul3A_551 : vector<16xi32>
    %add3A_553 = vector.broadcast %arg0 : i32 to vector<16xi32>
    %add3A_554 = arith.addi %mul3A_552, %add3A_553 : vector<16xi32>
    %swap3A_555 = arith.constant 2 : i32
    %swap3A_556 = arith.index_cast %swap3A_555 : i32 to index
    %swap3A_557 = arith.constant 32 : index
    %swap3A_558 = tpu.vector_load %arg10[%swap3A_556, %swap3A_557] {strides = array<i32>} : memref<4x128xi32, #tpu.memory_space<vmem>>, vector<1x16xi32>,
    %swap3A_559 = vector.shape_cast %swap3A_558 : vector<1x16xi32> to vector<16xi32>
    %swap3A_560 = vector.shape_cast %add3A_554 : vector<16xi32> to vector<1x16xi32>
    tpu.vector_store %arg10[%swap3A_556, %swap3A_557], %swap3A_560 {strides = array<i32>} : memref<4x128xi32, #tpu.memory_space<vmem>>, vector<1x16xi32>,
    %get3A_561 = arith.constant 2 : i32
    %get3A_562 = arith.index_cast %get3A_561 : i32 to index
    %get3A_563 = arith.constant 48 : index
    %get3A_564 = tpu.vector_load %arg10[%get3A_562, %get3A_563] {strides = array<i32>} : memref<4x128xi32, #tpu.memory_space<vmem>>, vector<1x16xi32>,
    %get3A_565 = vector.shape_cast %get3A_564 : vector<1x16xi32> to vector<16xi32>
    %mul3A_566 = arith.constant 2 : i32
    %mul3A_567 = vector.broadcast %mul3A_566 : i32 to vector<16xi32>
    %mul3A_568 = arith.muli %get3A_565, %mul3A_567 : vector<16xi32>
    %add3A_569 = vector.broadcast %arg0 : i32 to vector<16xi32>
    %add3A_570 = arith.addi %mul3A_568, %add3A_569 : vector<16xi32>
    %swap3A_571 = arith.constant 2 : i32
    %swap3A_572 = arith.index_cast %swap3A_571 : i32 to index
    %swap3A_573 = arith.constant 48 : index
    %swap3A_574 = tpu.vector_load %arg10[%swap3A_572, %swap3A_573] {strides = array<i32>} : memref<4x128xi32, #tpu.memory_space<vmem>>, vector<1x16xi32>,
    %swap3A_575 = vector.shape_cast %swap3A_574 : vector<1x16xi32> to vector<16xi32>
    %swap3A_576 = vector.shape_cast %add3A_570 : vector<16xi32> to vector<1x16xi32>
    tpu.vector_store %arg10[%swap3A_572, %swap3A_573], %swap3A_576 {strides = array<i32>} : memref<4x128xi32, #tpu.memory_space<vmem>>, vector<1x16xi32>,
    %get3A_577 = arith.constant 2 : i32
    %get3A_578 = arith.index_cast %get3A_577 : i32 to index
    %get3A_579 = arith.constant 64 : index
    %get3A_580 = tpu.vector_load %arg10[%get3A_578, %get3A_579] {strides = array<i32>} : memref<4x128xi32, #tpu.memory_space<vmem>>, vector<1x16xi32>,
    %get3A_581 = vector.shape_cast %get3A_580 : vector<1x16xi32> to vector<16xi32>
    %mul3A_582 = arith.constant 2 : i32
    %mul3A_583 = vector.broadcast %mul3A_582 : i32 to vector<16xi32>
    %mul3A_584 = arith.muli %get3A_581, %mul3A_583 : vector<16xi32>
    %add3A_585 = vector.broadcast %arg0 : i32 to vector<16xi32>
    %add3A_586 = arith.addi %mul3A_584, %add3A_585 : vector<16xi32>
    %swap3A_587 = arith.constant 2 : i32
    %swap3A_588 = arith.index_cast %swap3A_587 : i32 to index
    %swap3A_589 = arith.constant 64 : index
    %swap3A_590 = tpu.vector_load %arg10[%swap3A_588, %swap3A_589] {strides = array<i32>} : memref<4x128xi32, #tpu.memory_space<vmem>>, vector<1x16xi32>,
    %swap3A_591 = vector.shape_cast %swap3A_590 : vector<1x16xi32> to vector<16xi32>
    %swap3A_592 = vector.shape_cast %add3A_586 : vector<16xi32> to vector<1x16xi32>
    tpu.vector_store %arg10[%swap3A_588, %swap3A_589], %swap3A_592 {strides = array<i32>} : memref<4x128xi32, #tpu.memory_space<vmem>>, vector<1x16xi32>,
    %get3A_593 = arith.constant 2 : i32
    %get3A_594 = arith.index_cast %get3A_593 : i32 to index
    %get3A_595 = arith.constant 80 : index
    %get3A_596 = tpu.vector_load %arg10[%get3A_594, %get3A_595] {strides = array<i32>} : memref<4x128xi32, #tpu.memory_space<vmem>>, vector<1x16xi32>,
    %get3A_597 = vector.shape_cast %get3A_596 : vector<1x16xi32> to vector<16xi32>
    %mul3A_598 = arith.constant 2 : i32
    %mul3A_599 = vector.broadcast %mul3A_598 : i32 to vector<16xi32>
    %mul3A_600 = arith.muli %get3A_597, %mul3A_599 : vector<16xi32>
    %add3A_601 = vector.broadcast %arg0 : i32 to vector<16xi32>
    %add3A_602 = arith.addi %mul3A_600, %add3A_601 : vector<16xi32>
    %swap3A_603 = arith.constant 2 : i32
    %swap3A_604 = arith.index_cast %swap3A_603 : i32 to index
    %swap3A_605 = arith.constant 80 : index
    %swap3A_606 = tpu.vector_load %arg10[%swap3A_604, %swap3A_605] {strides = array<i32>} : memref<4x128xi32, #tpu.memory_space<vmem>>, vector<1x16xi32>,
    %swap3A_607 = vector.shape_cast %swap3A_606 : vector<1x16xi32> to vector<16xi32>
    %swap3A_608 = vector.shape_cast %add3A_602 : vector<16xi32> to vector<1x16xi32>
    tpu.vector_store %arg10[%swap3A_604, %swap3A_605], %swap3A_608 {strides = array<i32>} : memref<4x128xi32, #tpu.memory_space<vmem>>, vector<1x16xi32>,
    %get3A_609 = arith.constant 2 : i32
    %get3A_610 = arith.index_cast %get3A_609 : i32 to index
    %get3A_611 = arith.constant 96 : index
    %get3A_612 = tpu.vector_load %arg10[%get3A_610, %get3A_611] {strides = array<i32>} : memref<4x128xi32, #tpu.memory_space<vmem>>, vector<1x16xi32>,
    %get3A_613 = vector.shape_cast %get3A_612 : vector<1x16xi32> to vector<16xi32>
    %mul3A_614 = arith.constant 2 : i32
    %mul3A_615 = vector.broadcast %mul3A_614 : i32 to vector<16xi32>
    %mul3A_616 = arith.muli %get3A_613, %mul3A_615 : vector<16xi32>
    %add3A_617 = vector.broadcast %arg0 : i32 to vector<16xi32>
    %add3A_618 = arith.addi %mul3A_616, %add3A_617 : vector<16xi32>
    %swap3A_619 = arith.constant 2 : i32
    %swap3A_620 = arith.index_cast %swap3A_619 : i32 to index
    %swap3A_621 = arith.constant 96 : index
    %swap3A_622 = tpu.vector_load %arg10[%swap3A_620, %swap3A_621] {strides = array<i32>} : memref<4x128xi32, #tpu.memory_space<vmem>>, vector<1x16xi32>,
    %swap3A_623 = vector.shape_cast %swap3A_622 : vector<1x16xi32> to vector<16xi32>
    %swap3A_624 = vector.shape_cast %add3A_618 : vector<16xi32> to vector<1x16xi32>
    tpu.vector_store %arg10[%swap3A_620, %swap3A_621], %swap3A_624 {strides = array<i32>} : memref<4x128xi32, #tpu.memory_space<vmem>>, vector<1x16xi32>,
    %get3A_625 = arith.constant 2 : i32
    %get3A_626 = arith.index_cast %get3A_625 : i32 to index
    %get3A_627 = arith.constant 112 : index
    %get3A_628 = tpu.vector_load %arg10[%get3A_626, %get3A_627] {strides = array<i32>} : memref<4x128xi32, #tpu.memory_space<vmem>>, vector<1x16xi32>,
    %get3A_629 = vector.shape_cast %get3A_628 : vector<1x16xi32> to vector<16xi32>
    %mul3A_630 = arith.constant 2 : i32
    %mul3A_631 = vector.broadcast %mul3A_630 : i32 to vector<16xi32>
    %mul3A_632 = arith.muli %get3A_629, %mul3A_631 : vector<16xi32>
    %add3A_633 = vector.broadcast %arg0 : i32 to vector<16xi32>
    %add3A_634 = arith.addi %mul3A_632, %add3A_633 : vector<16xi32>
    %swap3A_635 = arith.constant 2 : i32
    %swap3A_636 = arith.index_cast %swap3A_635 : i32 to index
    %swap3A_637 = arith.constant 112 : index
    %swap3A_638 = tpu.vector_load %arg10[%swap3A_636, %swap3A_637] {strides = array<i32>} : memref<4x128xi32, #tpu.memory_space<vmem>>, vector<1x16xi32>,
    %swap3A_639 = vector.shape_cast %swap3A_638 : vector<1x16xi32> to vector<16xi32>
    %swap3A_640 = vector.shape_cast %add3A_634 : vector<16xi32> to vector<1x16xi32>
    tpu.vector_store %arg10[%swap3A_636, %swap3A_637], %swap3A_640 {strides = array<i32>} : memref<4x128xi32, #tpu.memory_space<vmem>>, vector<1x16xi32>,
    %dma_start3A_641 = arith.constant 2 : i32
    %dma_start3A_642 = arith.constant 2 : i32
    %dma_start3A_643 = arith.constant 0 : i32
    %dma_start3A_644 = arith.constant 0 : i32
    %dma_start3A_645 = tpu.memref_slice %arg12[%dma_start3A_642, %dma_start3A_643, %dma_start3A_644] : memref<4x128x64xf32, #tpu.memory_space<vmem>> -> memref<1x128x64xf32, #tpu.memory_space<vmem>>
    %dma_start3A_646 = tpu.memref_squeeze %dma_start3A_645 : memref<1x128x64xf32, #tpu.memory_space<vmem>> -> memref<128x64xf32, #tpu.memory_space<vmem>>
    %dma_start3A_647 = arith.constant 0 : i32
    %dma_start3A_648 = tpu.memref_slice %arg10[%dma_start3A_641, %dma_start3A_647] : memref<4x128xi32, #tpu.memory_space<vmem>> -> memref<1x128xi32, #tpu.memory_space<vmem>>
    %dma_start3A_649 = tpu.memref_squeeze %dma_start3A_648 : memref<1x128xi32, #tpu.memory_space<vmem>> -> memref<128xi32, #tpu.memory_space<vmem>>
    %dma_start3A_650 = arith.constant 0 : i32
    %dma_start3A_651 = arith.constant 0 : i32
    %dma_start3A_652 = tpu.memref_slice %arg2[%dma_start3A_650, %dma_start3A_651] : memref<20000x64xf32, #tpu.memory_space<hbm>> -> memref<20000x64xf32, #tpu.memory_space<hbm>>
    tpu.enqueue_indirect_dma source(%dma_start3A_652 : memref<20000x64xf32, #tpu.memory_space<hbm>>) target(%dma_start3A_646 : memref<128x64xf32, #tpu.memory_space<vmem>>) offsets(%dma_start3A_649 : memref<128xi32, #tpu.memory_space<vmem>>) semaphore(%arg26 : memref<!tpu.dma_semaphore, #tpu.memory_space<semaphore_mem>>)
    %dma_wait3A_653 = arith.constant 1 : i32
    %dma_wait3A_654 = arith.constant 1 : i32
    %dma_wait3A_655 = arith.constant 0 : i32
    %dma_wait3A_656 = arith.constant 0 : i32
    %dma_wait3A_657 = tpu.memref_slice %arg12[%dma_wait3A_654, %dma_wait3A_655, %dma_wait3A_656] : memref<4x128x64xf32, #tpu.memory_space<vmem>> -> memref<1x128x64xf32, #tpu.memory_space<vmem>>
    %dma_wait3A_658 = tpu.memref_squeeze %dma_wait3A_657 : memref<1x128x64xf32, #tpu.memory_space<vmem>> -> memref<128x64xf32, #tpu.memory_space<vmem>>
    %dma_wait3A_659 = arith.constant 0 : i32
    %dma_wait3A_660 = tpu.memref_slice %arg10[%dma_wait3A_653, %dma_wait3A_659] : memref<4x128xi32, #tpu.memory_space<vmem>> -> memref<1x128xi32, #tpu.memory_space<vmem>>
    %dma_wait3A_661 = tpu.memref_squeeze %dma_wait3A_660 : memref<1x128xi32, #tpu.memory_space<vmem>> -> memref<128xi32, #tpu.memory_space<vmem>>
    %dma_wait3A_662 = arith.constant 0 : i32
    %dma_wait3A_663 = arith.constant 0 : i32
    %dma_wait3A_664 = tpu.memref_slice %arg2[%dma_wait3A_662, %dma_wait3A_663] : memref<20000x64xf32, #tpu.memory_space<hbm>> -> memref<20000x64xf32, #tpu.memory_space<hbm>>
    tpu.wait_indirect_dma semaphore(%arg25 : memref<!tpu.dma_semaphore, #tpu.memory_space<semaphore_mem>>) src(%dma_wait3A_664 : memref<20000x64xf32, #tpu.memory_space<hbm>>) dst(%dma_wait3A_658 : memref<128x64xf32, #tpu.memory_space<vmem>>)
    %eq3A_665 = arith.constant 0 : i32
    %eq3A_666 = arith.cmpi eq, %arg0, %eq3A_665 : i32
    %convert_element_type3A_667 = arith.extui %eq3A_666 : i1 to i32
    %cond3A_668 = arith.constant 0 : i32
    %cond3A_669 = arith.cmpi ne, %convert_element_type3A_667, %cond3A_668 : i32
    scf.if %cond3A_669 {
      %dma_wait3A_2065 = arith.constant 1 : i32
      %dma_wait3A_2066 = arith.constant 0 : i32
      %dma_wait3A_2067 = arith.constant 0 : i32
      %dma_wait3A_2068 = tpu.memref_slice %arg13[%dma_wait3A_2065, %dma_wait3A_2066, %dma_wait3A_2067] : memref<4x128x16xf32, #tpu.memory_space<vmem>> -> memref<1x128x16xf32, #tpu.memory_space<vmem>>
      %dma_wait3A_2069 = tpu.memref_squeeze %dma_wait3A_2068 : memref<1x128x16xf32, #tpu.memory_space<vmem>> -> memref<128x16xf32, #tpu.memory_space<vmem>>
      %dma_wait3A_2070 = arith.constant 0 : i32
      %dma_wait3A_2071 = arith.constant 0 : i32
      %dma_wait3A_2072 = tpu.memref_slice %arg5[%dma_wait3A_2070, %dma_wait3A_2071] : memref<320000x16xf32, #tpu.memory_space<hbm>> -> memref<128x16xf32, #tpu.memory_space<hbm>>
      %dma_wait3A_2073 = arith.constant 0 : i32
      %dma_wait3A_2074 = arith.constant 0 : i32
      %dma_wait3A_2075 = tpu.memref_slice %arg13[%dma_wait3A_2065, %dma_wait3A_2073, %dma_wait3A_2074] : memref<4x128x16xf32, #tpu.memory_space<vmem>> -> memref<1x128x16xf32, #tpu.memory_space<vmem>>
      %dma_wait3A_2076 = tpu.memref_squeeze %dma_wait3A_2075 : memref<1x128x16xf32, #tpu.memory_space<vmem>> -> memref<128x16xf32, #tpu.memory_space<vmem>>
      %dma_wait3A_2077 = arith.constant 0 : i32
      %dma_wait3A_2078 = arith.constant 0 : i32
      %dma_wait3A_2079 = tpu.memref_slice %arg5[%dma_wait3A_2077, %dma_wait3A_2078] : memref<320000x16xf32, #tpu.memory_space<hbm>> -> memref<128x16xf32, #tpu.memory_space<hbm>>
      tpu.wait_dma2 semaphore(%arg21 : memref<!tpu.dma_semaphore, #tpu.memory_space<semaphore_mem>>) src(%dma_wait3A_2079 : memref<128x16xf32, #tpu.memory_space<hbm>>) dst(%dma_wait3A_2076 : memref<128x16xf32, #tpu.memory_space<vmem>>)
    } else {
    }
    %dma_start3A_670 = arith.constant 1 : i32
    %dma_start3A_671 = arith.constant 1 : i32
    %dma_start3A_672 = arith.constant 0 : i32
    %dma_start3A_673 = arith.constant 0 : i32
    %dma_start3A_674 = tpu.memref_slice %arg12[%dma_start3A_670, %dma_start3A_672, %dma_start3A_673] : memref<4x128x64xf32, #tpu.memory_space<vmem>> -> memref<1x128x64xf32, #tpu.memory_space<vmem>>
    %dma_start3A_675 = tpu.memref_squeeze %dma_start3A_674 : memref<1x128x64xf32, #tpu.memory_space<vmem>> -> memref<128x64xf32, #tpu.memory_space<vmem>>
    %dma_start3A_676 = arith.constant 0 : i32
    %dma_start3A_677 = tpu.memref_slice %arg11[%dma_start3A_671, %dma_start3A_676] : memref<4x128xi32, #tpu.memory_space<vmem>> -> memref<1x128xi32, #tpu.memory_space<vmem>>
    %dma_start3A_678 = tpu.memref_squeeze %dma_start3A_677 : memref<1x128xi32, #tpu.memory_space<vmem>> -> memref<128xi32, #tpu.memory_space<vmem>>
    %dma_start3A_679 = arith.constant 0 : i32
    %dma_start3A_680 = arith.constant 0 : i32
    %dma_start3A_681 = tpu.memref_slice %arg14[%dma_start3A_679, %dma_start3A_680] : memref<10000x64xf32, #tpu.memory_space<vmem_shared>> -> memref<10000x64xf32, #tpu.memory_space<vmem_shared>>
    tpu.enqueue_indirect_dma source(%dma_start3A_675 : memref<128x64xf32, #tpu.memory_space<vmem>>) target(%dma_start3A_681 : memref<10000x64xf32, #tpu.memory_space<vmem_shared>>) offsets(%dma_start3A_678 : memref<128xi32, #tpu.memory_space<vmem>>) semaphore(%arg29 : memref<!tpu.dma_semaphore, #tpu.memory_space<semaphore_mem>>) {add = true}
    %dma_start3A_682 = arith.constant 1 : i32
    %dma_start3A_683 = arith.constant 1 : i32
    %dma_start3A_684 = arith.constant 0 : i32
    %dma_start3A_685 = arith.constant 0 : i32
    %dma_start3A_686 = tpu.memref_slice %arg13[%dma_start3A_682, %dma_start3A_684, %dma_start3A_685] : memref<4x128x16xf32, #tpu.memory_space<vmem>> -> memref<1x128x16xf32, #tpu.memory_space<vmem>>
    %dma_start3A_687 = tpu.memref_squeeze %dma_start3A_686 : memref<1x128x16xf32, #tpu.memory_space<vmem>> -> memref<128x16xf32, #tpu.memory_space<vmem>>
    %dma_start3A_688 = arith.constant 0 : i32
    %dma_start3A_689 = tpu.memref_slice %arg11[%dma_start3A_683, %dma_start3A_688] : memref<4x128xi32, #tpu.memory_space<vmem>> -> memref<1x128xi32, #tpu.memory_space<vmem>>
    %dma_start3A_690 = tpu.memref_squeeze %dma_start3A_689 : memref<1x128xi32, #tpu.memory_space<vmem>> -> memref<128xi32, #tpu.memory_space<vmem>>
    %dma_start3A_691 = arith.constant 0 : i32
    %dma_start3A_692 = arith.constant 0 : i32
    %dma_start3A_693 = tpu.memref_slice %arg15[%dma_start3A_691, %dma_start3A_692] : memref<10000x16xf32, #tpu.memory_space<vmem_shared>> -> memref<10000x16xf32, #tpu.memory_space<vmem_shared>>
    tpu.enqueue_indirect_dma source(%dma_start3A_687 : memref<128x16xf32, #tpu.memory_space<vmem>>) target(%dma_start3A_693 : memref<10000x16xf32, #tpu.memory_space<vmem_shared>>) offsets(%dma_start3A_690 : memref<128xi32, #tpu.memory_space<vmem>>) semaphore(%arg29 : memref<!tpu.dma_semaphore, #tpu.memory_space<semaphore_mem>>) {add = true}
    %dma_wait3A_694 = arith.constant 0 : i32
    %dma_wait3A_695 = arith.constant 0 : i32
    %dma_wait3A_696 = arith.constant 0 : i32
    %dma_wait3A_697 = arith.constant 0 : i32
    %dma_wait3A_698 = tpu.memref_slice %arg12[%dma_wait3A_694, %dma_wait3A_696, %dma_wait3A_697] : memref<4x128x64xf32, #tpu.memory_space<vmem>> -> memref<1x128x64xf32, #tpu.memory_space<vmem>>
    %dma_wait3A_699 = tpu.memref_squeeze %dma_wait3A_698 : memref<1x128x64xf32, #tpu.memory_space<vmem>> -> memref<128x64xf32, #tpu.memory_space<vmem>>
    %dma_wait3A_700 = arith.constant 0 : i32
    %dma_wait3A_701 = tpu.memref_slice %arg11[%dma_wait3A_695, %dma_wait3A_700] : memref<4x128xi32, #tpu.memory_space<vmem>> -> memref<1x128xi32, #tpu.memory_space<vmem>>
    %dma_wait3A_702 = tpu.memref_squeeze %dma_wait3A_701 : memref<1x128xi32, #tpu.memory_space<vmem>> -> memref<128xi32, #tpu.memory_space<vmem>>
    %dma_wait3A_703 = arith.constant 0 : i32
    %dma_wait3A_704 = arith.constant 0 : i32
    %dma_wait3A_705 = tpu.memref_slice %arg14[%dma_wait3A_703, %dma_wait3A_704] : memref<10000x64xf32, #tpu.memory_space<vmem_shared>> -> memref<10000x64xf32, #tpu.memory_space<vmem_shared>>
    tpu.wait_indirect_dma semaphore(%arg28 : memref<!tpu.dma_semaphore, #tpu.memory_space<semaphore_mem>>) src(%dma_wait3A_699 : memref<128x64xf32, #tpu.memory_space<vmem>>) dst(%dma_wait3A_705 : memref<10000x64xf32, #tpu.memory_space<vmem_shared>>)
    %dma_wait3A_706 = arith.constant 0 : i32
    %dma_wait3A_707 = arith.constant 0 : i32
    %dma_wait3A_708 = arith.constant 0 : i32
    %dma_wait3A_709 = arith.constant 0 : i32
    %dma_wait3A_710 = tpu.memref_slice %arg13[%dma_wait3A_706, %dma_wait3A_708, %dma_wait3A_709] : memref<4x128x16xf32, #tpu.memory_space<vmem>> -> memref<1x128x16xf32, #tpu.memory_space<vmem>>
    %dma_wait3A_711 = tpu.memref_squeeze %dma_wait3A_710 : memref<1x128x16xf32, #tpu.memory_space<vmem>> -> memref<128x16xf32, #tpu.memory_space<vmem>>
    %dma_wait3A_712 = arith.constant 0 : i32
    %dma_wait3A_713 = tpu.memref_slice %arg11[%dma_wait3A_707, %dma_wait3A_712] : memref<4x128xi32, #tpu.memory_space<vmem>> -> memref<1x128xi32, #tpu.memory_space<vmem>>
    %dma_wait3A_714 = tpu.memref_squeeze %dma_wait3A_713 : memref<1x128xi32, #tpu.memory_space<vmem>> -> memref<128xi32, #tpu.memory_space<vmem>>
    %dma_wait3A_715 = arith.constant 0 : i32
    %dma_wait3A_716 = arith.constant 0 : i32
    %dma_wait3A_717 = tpu.memref_slice %arg15[%dma_wait3A_715, %dma_wait3A_716] : memref<10000x16xf32, #tpu.memory_space<vmem_shared>> -> memref<10000x16xf32, #tpu.memory_space<vmem_shared>>
    tpu.wait_indirect_dma semaphore(%arg28 : memref<!tpu.dma_semaphore, #tpu.memory_space<semaphore_mem>>) src(%dma_wait3A_711 : memref<128x16xf32, #tpu.memory_space<vmem>>) dst(%dma_wait3A_717 : memref<10000x16xf32, #tpu.memory_space<vmem_shared>>)
    %add3A_718 = arith.constant 64 : i32
    %add3A_719 = arith.addi %add3A_718, %arg1 : i32
    %mul3A_720 = arith.constant 128 : i32
    %mul3A_721 = arith.muli %add3A_719, %mul3A_720 : i32
    %dma_start3A_722 = arith.constant 0 : i32
    %dma_start3A_723 = arith.constant 0 : i32
    %dma_start3A_724 = tpu.memref_slice %arg10[%dma_start3A_722, %dma_start3A_723] : memref<4x128xi32, #tpu.memory_space<vmem>> -> memref<1x128xi32, #tpu.memory_space<vmem>>
    %dma_start3A_725 = tpu.memref_squeeze %dma_start3A_724 : memref<1x128xi32, #tpu.memory_space<vmem>> -> memref<128xi32, #tpu.memory_space<vmem>>
    %dma_start3A_726 = tpu.memref_slice %arg3[%mul3A_721] : memref<320000xi32, #tpu.memory_space<hbm>> -> memref<128xi32, #tpu.memory_space<hbm>>
    %dma_start3A_727 = arith.constant 0 : i32
    %dma_start3A_728 = tpu.memref_slice %arg10[%dma_start3A_722, %dma_start3A_727] : memref<4x128xi32, #tpu.memory_space<vmem>> -> memref<1x128xi32, #tpu.memory_space<vmem>>
    %dma_start3A_729 = tpu.memref_squeeze %dma_start3A_728 : memref<1x128xi32, #tpu.memory_space<vmem>> -> memref<128xi32, #tpu.memory_space<vmem>>
    %dma_start3A_730 = tpu.memref_slice %arg3[%mul3A_721] : memref<320000xi32, #tpu.memory_space<hbm>> -> memref<128xi32, #tpu.memory_space<hbm>>
    tpu.enqueue_dma source(%dma_start3A_730 : memref<128xi32, #tpu.memory_space<hbm>>) target(%dma_start3A_729 : memref<128xi32, #tpu.memory_space<vmem>>) target_semaphore(%arg16 : memref<!tpu.dma_semaphore, #tpu.memory_space<semaphore_mem>>)
    %dma_start3A_731 = arith.constant 0 : i32
    %dma_start3A_732 = arith.constant 0 : i32
    %dma_start3A_733 = tpu.memref_slice %arg11[%dma_start3A_731, %dma_start3A_732] : memref<4x128xi32, #tpu.memory_space<vmem>> -> memref<1x128xi32, #tpu.memory_space<vmem>>
    %dma_start3A_734 = tpu.memref_squeeze %dma_start3A_733 : memref<1x128xi32, #tpu.memory_space<vmem>> -> memref<128xi32, #tpu.memory_space<vmem>>
    %dma_start3A_735 = tpu.memref_slice %arg4[%mul3A_721] : memref<320000xi32, #tpu.memory_space<hbm>> -> memref<128xi32, #tpu.memory_space<hbm>>
    %dma_start3A_736 = arith.constant 0 : i32
    %dma_start3A_737 = tpu.memref_slice %arg11[%dma_start3A_731, %dma_start3A_736] : memref<4x128xi32, #tpu.memory_space<vmem>> -> memref<1x128xi32, #tpu.memory_space<vmem>>
    %dma_start3A_738 = tpu.memref_squeeze %dma_start3A_737 : memref<1x128xi32, #tpu.memory_space<vmem>> -> memref<128xi32, #tpu.memory_space<vmem>>
    %dma_start3A_739 = tpu.memref_slice %arg4[%mul3A_721] : memref<320000xi32, #tpu.memory_space<hbm>> -> memref<128xi32, #tpu.memory_space<hbm>>
    tpu.enqueue_dma source(%dma_start3A_739 : memref<128xi32, #tpu.memory_space<hbm>>) target(%dma_start3A_738 : memref<128xi32, #tpu.memory_space<vmem>>) target_semaphore(%arg16 : memref<!tpu.dma_semaphore, #tpu.memory_space<semaphore_mem>>)
    %eq3A_740 = arith.constant 0 : i32
    %eq3A_741 = arith.cmpi eq, %arg0, %eq3A_740 : i32
    %convert_element_type3A_742 = arith.extui %eq3A_741 : i1 to i32
    %cond3A_743 = arith.constant 0 : i32
    %cond3A_744 = arith.cmpi ne, %convert_element_type3A_742, %cond3A_743 : i32
    scf.if %cond3A_744 {
      %dma_start3A_2065 = arith.constant 0 : i32
      %dma_start3A_2066 = arith.constant 0 : i32
      %dma_start3A_2067 = arith.constant 0 : i32
      %dma_start3A_2068 = tpu.memref_slice %arg13[%dma_start3A_2065, %dma_start3A_2066, %dma_start3A_2067] : memref<4x128x16xf32, #tpu.memory_space<vmem>> -> memref<1x128x16xf32, #tpu.memory_space<vmem>>
      %dma_start3A_2069 = tpu.memref_squeeze %dma_start3A_2068 : memref<1x128x16xf32, #tpu.memory_space<vmem>> -> memref<128x16xf32, #tpu.memory_space<vmem>>
      %dma_start3A_2070 = arith.constant 0 : i32
      %dma_start3A_2071 = tpu.memref_slice %arg5[%mul3A_721, %dma_start3A_2070] : memref<320000x16xf32, #tpu.memory_space<hbm>> -> memref<128x16xf32, #tpu.memory_space<hbm>>
      %dma_start3A_2072 = arith.constant 0 : i32
      %dma_start3A_2073 = arith.constant 0 : i32
      %dma_start3A_2074 = tpu.memref_slice %arg13[%dma_start3A_2065, %dma_start3A_2072, %dma_start3A_2073] : memref<4x128x16xf32, #tpu.memory_space<vmem>> -> memref<1x128x16xf32, #tpu.memory_space<vmem>>
      %dma_start3A_2075 = tpu.memref_squeeze %dma_start3A_2074 : memref<1x128x16xf32, #tpu.memory_space<vmem>> -> memref<128x16xf32, #tpu.memory_space<vmem>>
      %dma_start3A_2076 = arith.constant 0 : i32
      %dma_start3A_2077 = tpu.memref_slice %arg5[%mul3A_721, %dma_start3A_2076] : memref<320000x16xf32, #tpu.memory_space<hbm>> -> memref<128x16xf32, #tpu.memory_space<hbm>>
      tpu.enqueue_dma source(%dma_start3A_2077 : memref<128x16xf32, #tpu.memory_space<hbm>>) target(%dma_start3A_2075 : memref<128x16xf32, #tpu.memory_space<vmem>>) target_semaphore(%arg20 : memref<!tpu.dma_semaphore, #tpu.memory_space<semaphore_mem>>)
    } else {
    }
    %dma_wait3A_745 = arith.constant 3 : i32
    %dma_wait3A_746 = arith.constant 0 : i32
    %dma_wait3A_747 = tpu.memref_slice %arg10[%dma_wait3A_745, %dma_wait3A_746] : memref<4x128xi32, #tpu.memory_space<vmem>> -> memref<1x128xi32, #tpu.memory_space<vmem>>
    %dma_wait3A_748 = tpu.memref_squeeze %dma_wait3A_747 : memref<1x128xi32, #tpu.memory_space<vmem>> -> memref<128xi32, #tpu.memory_space<vmem>>
    %dma_wait3A_749 = arith.constant 0 : i32
    %dma_wait3A_750 = tpu.memref_slice %arg3[%dma_wait3A_749] : memref<320000xi32, #tpu.memory_space<hbm>> -> memref<128xi32, #tpu.memory_space<hbm>>
    %dma_wait3A_751 = arith.constant 0 : i32
    %dma_wait3A_752 = tpu.memref_slice %arg10[%dma_wait3A_745, %dma_wait3A_751] : memref<4x128xi32, #tpu.memory_space<vmem>> -> memref<1x128xi32, #tpu.memory_space<vmem>>
    %dma_wait3A_753 = tpu.memref_squeeze %dma_wait3A_752 : memref<1x128xi32, #tpu.memory_space<vmem>> -> memref<128xi32, #tpu.memory_space<vmem>>
    %dma_wait3A_754 = arith.constant 0 : i32
    %dma_wait3A_755 = tpu.memref_slice %arg3[%dma_wait3A_754] : memref<320000xi32, #tpu.memory_space<hbm>> -> memref<128xi32, #tpu.memory_space<hbm>>
    tpu.wait_dma2 semaphore(%arg19 : memref<!tpu.dma_semaphore, #tpu.memory_space<semaphore_mem>>) src(%dma_wait3A_755 : memref<128xi32, #tpu.memory_space<hbm>>) dst(%dma_wait3A_753 : memref<128xi32, #tpu.memory_space<vmem>>)
    %dma_wait3A_756 = arith.constant 3 : i32
    %dma_wait3A_757 = arith.constant 0 : i32
    %dma_wait3A_758 = tpu.memref_slice %arg11[%dma_wait3A_756, %dma_wait3A_757] : memref<4x128xi32, #tpu.memory_space<vmem>> -> memref<1x128xi32, #tpu.memory_space<vmem>>
    %dma_wait3A_759 = tpu.memref_squeeze %dma_wait3A_758 : memref<1x128xi32, #tpu.memory_space<vmem>> -> memref<128xi32, #tpu.memory_space<vmem>>
    %dma_wait3A_760 = arith.constant 0 : i32
    %dma_wait3A_761 = tpu.memref_slice %arg4[%dma_wait3A_760] : memref<320000xi32, #tpu.memory_space<hbm>> -> memref<128xi32, #tpu.memory_space<hbm>>
    %dma_wait3A_762 = arith.constant 0 : i32
    %dma_wait3A_763 = tpu.memref_slice %arg11[%dma_wait3A_756, %dma_wait3A_762] : memref<4x128xi32, #tpu.memory_space<vmem>> -> memref<1x128xi32, #tpu.memory_space<vmem>>
    %dma_wait3A_764 = tpu.memref_squeeze %dma_wait3A_763 : memref<1x128xi32, #tpu.memory_space<vmem>> -> memref<128xi32, #tpu.memory_space<vmem>>
    %dma_wait3A_765 = arith.constant 0 : i32
    %dma_wait3A_766 = tpu.memref_slice %arg4[%dma_wait3A_765] : memref<320000xi32, #tpu.memory_space<hbm>> -> memref<128xi32, #tpu.memory_space<hbm>>
    tpu.wait_dma2 semaphore(%arg19 : memref<!tpu.dma_semaphore, #tpu.memory_space<semaphore_mem>>) src(%dma_wait3A_766 : memref<128xi32, #tpu.memory_space<hbm>>) dst(%dma_wait3A_764 : memref<128xi32, #tpu.memory_space<vmem>>)
    %get3A_767 = arith.constant 3 : i32
    %get3A_768 = arith.index_cast %get3A_767 : i32 to index
    %get3A_769 = arith.constant 0 : index
    %get3A_770 = tpu.vector_load %arg10[%get3A_768, %get3A_769] {strides = array<i32>} : memref<4x128xi32, #tpu.memory_space<vmem>>, vector<1x16xi32>,
    %get3A_771 = vector.shape_cast %get3A_770 : vector<1x16xi32> to vector<16xi32>
    %mul3A_772 = arith.constant 2 : i32
    %mul3A_773 = vector.broadcast %mul3A_772 : i32 to vector<16xi32>
    %mul3A_774 = arith.muli %get3A_771, %mul3A_773 : vector<16xi32>
    %add3A_775 = vector.broadcast %arg0 : i32 to vector<16xi32>
    %add3A_776 = arith.addi %mul3A_774, %add3A_775 : vector<16xi32>
    %swap3A_777 = arith.constant 3 : i32
    %swap3A_778 = arith.index_cast %swap3A_777 : i32 to index
    %swap3A_779 = arith.constant 0 : index
    %swap3A_780 = tpu.vector_load %arg10[%swap3A_778, %swap3A_779] {strides = array<i32>} : memref<4x128xi32, #tpu.memory_space<vmem>>, vector<1x16xi32>,
    %swap3A_781 = vector.shape_cast %swap3A_780 : vector<1x16xi32> to vector<16xi32>
    %swap3A_782 = vector.shape_cast %add3A_776 : vector<16xi32> to vector<1x16xi32>
    tpu.vector_store %arg10[%swap3A_778, %swap3A_779], %swap3A_782 {strides = array<i32>} : memref<4x128xi32, #tpu.memory_space<vmem>>, vector<1x16xi32>,
    %get3A_783 = arith.constant 3 : i32
    %get3A_784 = arith.index_cast %get3A_783 : i32 to index
    %get3A_785 = arith.constant 16 : index
    %get3A_786 = tpu.vector_load %arg10[%get3A_784, %get3A_785] {strides = array<i32>} : memref<4x128xi32, #tpu.memory_space<vmem>>, vector<1x16xi32>,
    %get3A_787 = vector.shape_cast %get3A_786 : vector<1x16xi32> to vector<16xi32>
    %mul3A_788 = arith.constant 2 : i32
    %mul3A_789 = vector.broadcast %mul3A_788 : i32 to vector<16xi32>
    %mul3A_790 = arith.muli %get3A_787, %mul3A_789 : vector<16xi32>
    %add3A_791 = vector.broadcast %arg0 : i32 to vector<16xi32>
    %add3A_792 = arith.addi %mul3A_790, %add3A_791 : vector<16xi32>
    %swap3A_793 = arith.constant 3 : i32
    %swap3A_794 = arith.index_cast %swap3A_793 : i32 to index
    %swap3A_795 = arith.constant 16 : index
    %swap3A_796 = tpu.vector_load %arg10[%swap3A_794, %swap3A_795] {strides = array<i32>} : memref<4x128xi32, #tpu.memory_space<vmem>>, vector<1x16xi32>,
    %swap3A_797 = vector.shape_cast %swap3A_796 : vector<1x16xi32> to vector<16xi32>
    %swap3A_798 = vector.shape_cast %add3A_792 : vector<16xi32> to vector<1x16xi32>
    tpu.vector_store %arg10[%swap3A_794, %swap3A_795], %swap3A_798 {strides = array<i32>} : memref<4x128xi32, #tpu.memory_space<vmem>>, vector<1x16xi32>,
    %get3A_799 = arith.constant 3 : i32
    %get3A_800 = arith.index_cast %get3A_799 : i32 to index
    %get3A_801 = arith.constant 32 : index
    %get3A_802 = tpu.vector_load %arg10[%get3A_800, %get3A_801] {strides = array<i32>} : memref<4x128xi32, #tpu.memory_space<vmem>>, vector<1x16xi32>,
    %get3A_803 = vector.shape_cast %get3A_802 : vector<1x16xi32> to vector<16xi32>
    %mul3A_804 = arith.constant 2 : i32
    %mul3A_805 = vector.broadcast %mul3A_804 : i32 to vector<16xi32>
    %mul3A_806 = arith.muli %get3A_803, %mul3A_805 : vector<16xi32>
    %add3A_807 = vector.broadcast %arg0 : i32 to vector<16xi32>
    %add3A_808 = arith.addi %mul3A_806, %add3A_807 : vector<16xi32>
    %swap3A_809 = arith.constant 3 : i32
    %swap3A_810 = arith.index_cast %swap3A_809 : i32 to index
    %swap3A_811 = arith.constant 32 : index
    %swap3A_812 = tpu.vector_load %arg10[%swap3A_810, %swap3A_811] {strides = array<i32>} : memref<4x128xi32, #tpu.memory_space<vmem>>, vector<1x16xi32>,
    %swap3A_813 = vector.shape_cast %swap3A_812 : vector<1x16xi32> to vector<16xi32>
    %swap3A_814 = vector.shape_cast %add3A_808 : vector<16xi32> to vector<1x16xi32>
    tpu.vector_store %arg10[%swap3A_810, %swap3A_811], %swap3A_814 {strides = array<i32>} : memref<4x128xi32, #tpu.memory_space<vmem>>, vector<1x16xi32>,
    %get3A_815 = arith.constant 3 : i32
    %get3A_816 = arith.index_cast %get3A_815 : i32 to index
    %get3A_817 = arith.constant 48 : index
    %get3A_818 = tpu.vector_load %arg10[%get3A_816, %get3A_817] {strides = array<i32>} : memref<4x128xi32, #tpu.memory_space<vmem>>, vector<1x16xi32>,
    %get3A_819 = vector.shape_cast %get3A_818 : vector<1x16xi32> to vector<16xi32>
    %mul3A_820 = arith.constant 2 : i32
    %mul3A_821 = vector.broadcast %mul3A_820 : i32 to vector<16xi32>
    %mul3A_822 = arith.muli %get3A_819, %mul3A_821 : vector<16xi32>
    %add3A_823 = vector.broadcast %arg0 : i32 to vector<16xi32>
    %add3A_824 = arith.addi %mul3A_822, %add3A_823 : vector<16xi32>
    %swap3A_825 = arith.constant 3 : i32
    %swap3A_826 = arith.index_cast %swap3A_825 : i32 to index
    %swap3A_827 = arith.constant 48 : index
    %swap3A_828 = tpu.vector_load %arg10[%swap3A_826, %swap3A_827] {strides = array<i32>} : memref<4x128xi32, #tpu.memory_space<vmem>>, vector<1x16xi32>,
    %swap3A_829 = vector.shape_cast %swap3A_828 : vector<1x16xi32> to vector<16xi32>
    %swap3A_830 = vector.shape_cast %add3A_824 : vector<16xi32> to vector<1x16xi32>
    tpu.vector_store %arg10[%swap3A_826, %swap3A_827], %swap3A_830 {strides = array<i32>} : memref<4x128xi32, #tpu.memory_space<vmem>>, vector<1x16xi32>,
    %get3A_831 = arith.constant 3 : i32
    %get3A_832 = arith.index_cast %get3A_831 : i32 to index
    %get3A_833 = arith.constant 64 : index
    %get3A_834 = tpu.vector_load %arg10[%get3A_832, %get3A_833] {strides = array<i32>} : memref<4x128xi32, #tpu.memory_space<vmem>>, vector<1x16xi32>,
    %get3A_835 = vector.shape_cast %get3A_834 : vector<1x16xi32> to vector<16xi32>
    %mul3A_836 = arith.constant 2 : i32
    %mul3A_837 = vector.broadcast %mul3A_836 : i32 to vector<16xi32>
    %mul3A_838 = arith.muli %get3A_835, %mul3A_837 : vector<16xi32>
    %add3A_839 = vector.broadcast %arg0 : i32 to vector<16xi32>
    %add3A_840 = arith.addi %mul3A_838, %add3A_839 : vector<16xi32>
    %swap3A_841 = arith.constant 3 : i32
    %swap3A_842 = arith.index_cast %swap3A_841 : i32 to index
    %swap3A_843 = arith.constant 64 : index
    %swap3A_844 = tpu.vector_load %arg10[%swap3A_842, %swap3A_843] {strides = array<i32>} : memref<4x128xi32, #tpu.memory_space<vmem>>, vector<1x16xi32>,
    %swap3A_845 = vector.shape_cast %swap3A_844 : vector<1x16xi32> to vector<16xi32>
    %swap3A_846 = vector.shape_cast %add3A_840 : vector<16xi32> to vector<1x16xi32>
    tpu.vector_store %arg10[%swap3A_842, %swap3A_843], %swap3A_846 {strides = array<i32>} : memref<4x128xi32, #tpu.memory_space<vmem>>, vector<1x16xi32>,
    %get3A_847 = arith.constant 3 : i32
    %get3A_848 = arith.index_cast %get3A_847 : i32 to index
    %get3A_849 = arith.constant 80 : index
    %get3A_850 = tpu.vector_load %arg10[%get3A_848, %get3A_849] {strides = array<i32>} : memref<4x128xi32, #tpu.memory_space<vmem>>, vector<1x16xi32>,
    %get3A_851 = vector.shape_cast %get3A_850 : vector<1x16xi32> to vector<16xi32>
    %mul3A_852 = arith.constant 2 : i32
    %mul3A_853 = vector.broadcast %mul3A_852 : i32 to vector<16xi32>
    %mul3A_854 = arith.muli %get3A_851, %mul3A_853 : vector<16xi32>
    %add3A_855 = vector.broadcast %arg0 : i32 to vector<16xi32>
    %add3A_856 = arith.addi %mul3A_854, %add3A_855 : vector<16xi32>
    %swap3A_857 = arith.constant 3 : i32
    %swap3A_858 = arith.index_cast %swap3A_857 : i32 to index
    %swap3A_859 = arith.constant 80 : index
    %swap3A_860 = tpu.vector_load %arg10[%swap3A_858, %swap3A_859] {strides = array<i32>} : memref<4x128xi32, #tpu.memory_space<vmem>>, vector<1x16xi32>,
    %swap3A_861 = vector.shape_cast %swap3A_860 : vector<1x16xi32> to vector<16xi32>
    %swap3A_862 = vector.shape_cast %add3A_856 : vector<16xi32> to vector<1x16xi32>
    tpu.vector_store %arg10[%swap3A_858, %swap3A_859], %swap3A_862 {strides = array<i32>} : memref<4x128xi32, #tpu.memory_space<vmem>>, vector<1x16xi32>,
    %get3A_863 = arith.constant 3 : i32
    %get3A_864 = arith.index_cast %get3A_863 : i32 to index
    %get3A_865 = arith.constant 96 : index
    %get3A_866 = tpu.vector_load %arg10[%get3A_864, %get3A_865] {strides = array<i32>} : memref<4x128xi32, #tpu.memory_space<vmem>>, vector<1x16xi32>,
    %get3A_867 = vector.shape_cast %get3A_866 : vector<1x16xi32> to vector<16xi32>
    %mul3A_868 = arith.constant 2 : i32
    %mul3A_869 = vector.broadcast %mul3A_868 : i32 to vector<16xi32>
    %mul3A_870 = arith.muli %get3A_867, %mul3A_869 : vector<16xi32>
    %add3A_871 = vector.broadcast %arg0 : i32 to vector<16xi32>
    %add3A_872 = arith.addi %mul3A_870, %add3A_871 : vector<16xi32>
    %swap3A_873 = arith.constant 3 : i32
    %swap3A_874 = arith.index_cast %swap3A_873 : i32 to index
    %swap3A_875 = arith.constant 96 : index
    %swap3A_876 = tpu.vector_load %arg10[%swap3A_874, %swap3A_875] {strides = array<i32>} : memref<4x128xi32, #tpu.memory_space<vmem>>, vector<1x16xi32>,
    %swap3A_877 = vector.shape_cast %swap3A_876 : vector<1x16xi32> to vector<16xi32>
    %swap3A_878 = vector.shape_cast %add3A_872 : vector<16xi32> to vector<1x16xi32>
    tpu.vector_store %arg10[%swap3A_874, %swap3A_875], %swap3A_878 {strides = array<i32>} : memref<4x128xi32, #tpu.memory_space<vmem>>, vector<1x16xi32>,
    %get3A_879 = arith.constant 3 : i32
    %get3A_880 = arith.index_cast %get3A_879 : i32 to index
    %get3A_881 = arith.constant 112 : index
    %get3A_882 = tpu.vector_load %arg10[%get3A_880, %get3A_881] {strides = array<i32>} : memref<4x128xi32, #tpu.memory_space<vmem>>, vector<1x16xi32>,
    %get3A_883 = vector.shape_cast %get3A_882 : vector<1x16xi32> to vector<16xi32>
    %mul3A_884 = arith.constant 2 : i32
    %mul3A_885 = vector.broadcast %mul3A_884 : i32 to vector<16xi32>
    %mul3A_886 = arith.muli %get3A_883, %mul3A_885 : vector<16xi32>
    %add3A_887 = vector.broadcast %arg0 : i32 to vector<16xi32>
    %add3A_888 = arith.addi %mul3A_886, %add3A_887 : vector<16xi32>
    %swap3A_889 = arith.constant 3 : i32
    %swap3A_890 = arith.index_cast %swap3A_889 : i32 to index
    %swap3A_891 = arith.constant 112 : index
    %swap3A_892 = tpu.vector_load %arg10[%swap3A_890, %swap3A_891] {strides = array<i32>} : memref<4x128xi32, #tpu.memory_space<vmem>>, vector<1x16xi32>,
    %swap3A_893 = vector.shape_cast %swap3A_892 : vector<1x16xi32> to vector<16xi32>
    %swap3A_894 = vector.shape_cast %add3A_888 : vector<16xi32> to vector<1x16xi32>
    tpu.vector_store %arg10[%swap3A_890, %swap3A_891], %swap3A_894 {strides = array<i32>} : memref<4x128xi32, #tpu.memory_space<vmem>>, vector<1x16xi32>,
    %dma_start3A_895 = arith.constant 3 : i32
    %dma_start3A_896 = arith.constant 3 : i32
    %dma_start3A_897 = arith.constant 0 : i32
    %dma_start3A_898 = arith.constant 0 : i32
    %dma_start3A_899 = tpu.memref_slice %arg12[%dma_start3A_896, %dma_start3A_897, %dma_start3A_898] : memref<4x128x64xf32, #tpu.memory_space<vmem>> -> memref<1x128x64xf32, #tpu.memory_space<vmem>>
    %dma_start3A_900 = tpu.memref_squeeze %dma_start3A_899 : memref<1x128x64xf32, #tpu.memory_space<vmem>> -> memref<128x64xf32, #tpu.memory_space<vmem>>
    %dma_start3A_901 = arith.constant 0 : i32
    %dma_start3A_902 = tpu.memref_slice %arg10[%dma_start3A_895, %dma_start3A_901] : memref<4x128xi32, #tpu.memory_space<vmem>> -> memref<1x128xi32, #tpu.memory_space<vmem>>
    %dma_start3A_903 = tpu.memref_squeeze %dma_start3A_902 : memref<1x128xi32, #tpu.memory_space<vmem>> -> memref<128xi32, #tpu.memory_space<vmem>>
    %dma_start3A_904 = arith.constant 0 : i32
    %dma_start3A_905 = arith.constant 0 : i32
    %dma_start3A_906 = tpu.memref_slice %arg2[%dma_start3A_904, %dma_start3A_905] : memref<20000x64xf32, #tpu.memory_space<hbm>> -> memref<20000x64xf32, #tpu.memory_space<hbm>>
    tpu.enqueue_indirect_dma source(%dma_start3A_906 : memref<20000x64xf32, #tpu.memory_space<hbm>>) target(%dma_start3A_900 : memref<128x64xf32, #tpu.memory_space<vmem>>) offsets(%dma_start3A_903 : memref<128xi32, #tpu.memory_space<vmem>>) semaphore(%arg27 : memref<!tpu.dma_semaphore, #tpu.memory_space<semaphore_mem>>)
    %dma_wait3A_907 = arith.constant 2 : i32
    %dma_wait3A_908 = arith.constant 2 : i32
    %dma_wait3A_909 = arith.constant 0 : i32
    %dma_wait3A_910 = arith.constant 0 : i32
    %dma_wait3A_911 = tpu.memref_slice %arg12[%dma_wait3A_908, %dma_wait3A_909, %dma_wait3A_910] : memref<4x128x64xf32, #tpu.memory_space<vmem>> -> memref<1x128x64xf32, #tpu.memory_space<vmem>>
    %dma_wait3A_912 = tpu.memref_squeeze %dma_wait3A_911 : memref<1x128x64xf32, #tpu.memory_space<vmem>> -> memref<128x64xf32, #tpu.memory_space<vmem>>
    %dma_wait3A_913 = arith.constant 0 : i32
    %dma_wait3A_914 = tpu.memref_slice %arg10[%dma_wait3A_907, %dma_wait3A_913] : memref<4x128xi32, #tpu.memory_space<vmem>> -> memref<1x128xi32, #tpu.memory_space<vmem>>
    %dma_wait3A_915 = tpu.memref_squeeze %dma_wait3A_914 : memref<1x128xi32, #tpu.memory_space<vmem>> -> memref<128xi32, #tpu.memory_space<vmem>>
    %dma_wait3A_916 = arith.constant 0 : i32
    %dma_wait3A_917 = arith.constant 0 : i32
    %dma_wait3A_918 = tpu.memref_slice %arg2[%dma_wait3A_916, %dma_wait3A_917] : memref<20000x64xf32, #tpu.memory_space<hbm>> -> memref<20000x64xf32, #tpu.memory_space<hbm>>
    tpu.wait_indirect_dma semaphore(%arg26 : memref<!tpu.dma_semaphore, #tpu.memory_space<semaphore_mem>>) src(%dma_wait3A_918 : memref<20000x64xf32, #tpu.memory_space<hbm>>) dst(%dma_wait3A_912 : memref<128x64xf32, #tpu.memory_space<vmem>>)
    %eq3A_919 = arith.constant 0 : i32
    %eq3A_920 = arith.cmpi eq, %arg0, %eq3A_919 : i32
    %convert_element_type3A_921 = arith.extui %eq3A_920 : i1 to i32
    %cond3A_922 = arith.constant 0 : i32
    %cond3A_923 = arith.cmpi ne, %convert_element_type3A_921, %cond3A_922 : i32
    scf.if %cond3A_923 {
      %dma_wait3A_2065 = arith.constant 2 : i32
      %dma_wait3A_2066 = arith.constant 0 : i32
      %dma_wait3A_2067 = arith.constant 0 : i32
      %dma_wait3A_2068 = tpu.memref_slice %arg13[%dma_wait3A_2065, %dma_wait3A_2066, %dma_wait3A_2067] : memref<4x128x16xf32, #tpu.memory_space<vmem>> -> memref<1x128x16xf32, #tpu.memory_space<vmem>>
      %dma_wait3A_2069 = tpu.memref_squeeze %dma_wait3A_2068 : memref<1x128x16xf32, #tpu.memory_space<vmem>> -> memref<128x16xf32, #tpu.memory_space<vmem>>
      %dma_wait3A_2070 = arith.constant 0 : i32
      %dma_wait3A_2071 = arith.constant 0 : i32
      %dma_wait3A_2072 = tpu.memref_slice %arg5[%dma_wait3A_2070, %dma_wait3A_2071] : memref<320000x16xf32, #tpu.memory_space<hbm>> -> memref<128x16xf32, #tpu.memory_space<hbm>>
      %dma_wait3A_2073 = arith.constant 0 : i32
      %dma_wait3A_2074 = arith.constant 0 : i32
      %dma_wait3A_2075 = tpu.memref_slice %arg13[%dma_wait3A_2065, %dma_wait3A_2073, %dma_wait3A_2074] : memref<4x128x16xf32, #tpu.memory_space<vmem>> -> memref<1x128x16xf32, #tpu.memory_space<vmem>>
      %dma_wait3A_2076 = tpu.memref_squeeze %dma_wait3A_2075 : memref<1x128x16xf32, #tpu.memory_space<vmem>> -> memref<128x16xf32, #tpu.memory_space<vmem>>
      %dma_wait3A_2077 = arith.constant 0 : i32
      %dma_wait3A_2078 = arith.constant 0 : i32
      %dma_wait3A_2079 = tpu.memref_slice %arg5[%dma_wait3A_2077, %dma_wait3A_2078] : memref<320000x16xf32, #tpu.memory_space<hbm>> -> memref<128x16xf32, #tpu.memory_space<hbm>>
      tpu.wait_dma2 semaphore(%arg22 : memref<!tpu.dma_semaphore, #tpu.memory_space<semaphore_mem>>) src(%dma_wait3A_2079 : memref<128x16xf32, #tpu.memory_space<hbm>>) dst(%dma_wait3A_2076 : memref<128x16xf32, #tpu.memory_space<vmem>>)
    } else {
    }
    %dma_start3A_924 = arith.constant 2 : i32
    %dma_start3A_925 = arith.constant 2 : i32
    %dma_start3A_926 = arith.constant 0 : i32
    %dma_start3A_927 = arith.constant 0 : i32
    %dma_start3A_928 = tpu.memref_slice %arg12[%dma_start3A_924, %dma_start3A_926, %dma_start3A_927] : memref<4x128x64xf32, #tpu.memory_space<vmem>> -> memref<1x128x64xf32, #tpu.memory_space<vmem>>
    %dma_start3A_929 = tpu.memref_squeeze %dma_start3A_928 : memref<1x128x64xf32, #tpu.memory_space<vmem>> -> memref<128x64xf32, #tpu.memory_space<vmem>>
    %dma_start3A_930 = arith.constant 0 : i32
    %dma_start3A_931 = tpu.memref_slice %arg11[%dma_start3A_925, %dma_start3A_930] : memref<4x128xi32, #tpu.memory_space<vmem>> -> memref<1x128xi32, #tpu.memory_space<vmem>>
    %dma_start3A_932 = tpu.memref_squeeze %dma_start3A_931 : memref<1x128xi32, #tpu.memory_space<vmem>> -> memref<128xi32, #tpu.memory_space<vmem>>
    %dma_start3A_933 = arith.constant 0 : i32
    %dma_start3A_934 = arith.constant 0 : i32
    %dma_start3A_935 = tpu.memref_slice %arg14[%dma_start3A_933, %dma_start3A_934] : memref<10000x64xf32, #tpu.memory_space<vmem_shared>> -> memref<10000x64xf32, #tpu.memory_space<vmem_shared>>
    tpu.enqueue_indirect_dma source(%dma_start3A_929 : memref<128x64xf32, #tpu.memory_space<vmem>>) target(%dma_start3A_935 : memref<10000x64xf32, #tpu.memory_space<vmem_shared>>) offsets(%dma_start3A_932 : memref<128xi32, #tpu.memory_space<vmem>>) semaphore(%arg30 : memref<!tpu.dma_semaphore, #tpu.memory_space<semaphore_mem>>) {add = true}
    %dma_start3A_936 = arith.constant 2 : i32
    %dma_start3A_937 = arith.constant 2 : i32
    %dma_start3A_938 = arith.constant 0 : i32
    %dma_start3A_939 = arith.constant 0 : i32
    %dma_start3A_940 = tpu.memref_slice %arg13[%dma_start3A_936, %dma_start3A_938, %dma_start3A_939] : memref<4x128x16xf32, #tpu.memory_space<vmem>> -> memref<1x128x16xf32, #tpu.memory_space<vmem>>
    %dma_start3A_941 = tpu.memref_squeeze %dma_start3A_940 : memref<1x128x16xf32, #tpu.memory_space<vmem>> -> memref<128x16xf32, #tpu.memory_space<vmem>>
    %dma_start3A_942 = arith.constant 0 : i32
    %dma_start3A_943 = tpu.memref_slice %arg11[%dma_start3A_937, %dma_start3A_942] : memref<4x128xi32, #tpu.memory_space<vmem>> -> memref<1x128xi32, #tpu.memory_space<vmem>>
    %dma_start3A_944 = tpu.memref_squeeze %dma_start3A_943 : memref<1x128xi32, #tpu.memory_space<vmem>> -> memref<128xi32, #tpu.memory_space<vmem>>
    %dma_start3A_945 = arith.constant 0 : i32
    %dma_start3A_946 = arith.constant 0 : i32
    %dma_start3A_947 = tpu.memref_slice %arg15[%dma_start3A_945, %dma_start3A_946] : memref<10000x16xf32, #tpu.memory_space<vmem_shared>> -> memref<10000x16xf32, #tpu.memory_space<vmem_shared>>
    tpu.enqueue_indirect_dma source(%dma_start3A_941 : memref<128x16xf32, #tpu.memory_space<vmem>>) target(%dma_start3A_947 : memref<10000x16xf32, #tpu.memory_space<vmem_shared>>) offsets(%dma_start3A_944 : memref<128xi32, #tpu.memory_space<vmem>>) semaphore(%arg30 : memref<!tpu.dma_semaphore, #tpu.memory_space<semaphore_mem>>) {add = true}
    %dma_wait3A_948 = arith.constant 1 : i32
    %dma_wait3A_949 = arith.constant 1 : i32
    %dma_wait3A_950 = arith.constant 0 : i32
    %dma_wait3A_951 = arith.constant 0 : i32
    %dma_wait3A_952 = tpu.memref_slice %arg12[%dma_wait3A_948, %dma_wait3A_950, %dma_wait3A_951] : memref<4x128x64xf32, #tpu.memory_space<vmem>> -> memref<1x128x64xf32, #tpu.memory_space<vmem>>
    %dma_wait3A_953 = tpu.memref_squeeze %dma_wait3A_952 : memref<1x128x64xf32, #tpu.memory_space<vmem>> -> memref<128x64xf32, #tpu.memory_space<vmem>>
    %dma_wait3A_954 = arith.constant 0 : i32
    %dma_wait3A_955 = tpu.memref_slice %arg11[%dma_wait3A_949, %dma_wait3A_954] : memref<4x128xi32, #tpu.memory_space<vmem>> -> memref<1x128xi32, #tpu.memory_space<vmem>>
    %dma_wait3A_956 = tpu.memref_squeeze %dma_wait3A_955 : memref<1x128xi32, #tpu.memory_space<vmem>> -> memref<128xi32, #tpu.memory_space<vmem>>
    %dma_wait3A_957 = arith.constant 0 : i32
    %dma_wait3A_958 = arith.constant 0 : i32
    %dma_wait3A_959 = tpu.memref_slice %arg14[%dma_wait3A_957, %dma_wait3A_958] : memref<10000x64xf32, #tpu.memory_space<vmem_shared>> -> memref<10000x64xf32, #tpu.memory_space<vmem_shared>>
    tpu.wait_indirect_dma semaphore(%arg29 : memref<!tpu.dma_semaphore, #tpu.memory_space<semaphore_mem>>) src(%dma_wait3A_953 : memref<128x64xf32, #tpu.memory_space<vmem>>) dst(%dma_wait3A_959 : memref<10000x64xf32, #tpu.memory_space<vmem_shared>>)
    %dma_wait3A_960 = arith.constant 1 : i32
    %dma_wait3A_961 = arith.constant 1 : i32
    %dma_wait3A_962 = arith.constant 0 : i32
    %dma_wait3A_963 = arith.constant 0 : i32
    %dma_wait3A_964 = tpu.memref_slice %arg13[%dma_wait3A_960, %dma_wait3A_962, %dma_wait3A_963] : memref<4x128x16xf32, #tpu.memory_space<vmem>> -> memref<1x128x16xf32, #tpu.memory_space<vmem>>
    %dma_wait3A_965 = tpu.memref_squeeze %dma_wait3A_964 : memref<1x128x16xf32, #tpu.memory_space<vmem>> -> memref<128x16xf32, #tpu.memory_space<vmem>>
    %dma_wait3A_966 = arith.constant 0 : i32
    %dma_wait3A_967 = tpu.memref_slice %arg11[%dma_wait3A_961, %dma_wait3A_966] : memref<4x128xi32, #tpu.memory_space<vmem>> -> memref<1x128xi32, #tpu.memory_space<vmem>>
    %dma_wait3A_968 = tpu.memref_squeeze %dma_wait3A_967 : memref<1x128xi32, #tpu.memory_space<vmem>> -> memref<128xi32, #tpu.memory_space<vmem>>
    %dma_wait3A_969 = arith.constant 0 : i32
    %dma_wait3A_970 = arith.constant 0 : i32
    %dma_wait3A_971 = tpu.memref_slice %arg15[%dma_wait3A_969, %dma_wait3A_970] : memref<10000x16xf32, #tpu.memory_space<vmem_shared>> -> memref<10000x16xf32, #tpu.memory_space<vmem_shared>>
    tpu.wait_indirect_dma semaphore(%arg29 : memref<!tpu.dma_semaphore, #tpu.memory_space<semaphore_mem>>) src(%dma_wait3A_965 : memref<128x16xf32, #tpu.memory_space<vmem>>) dst(%dma_wait3A_971 : memref<10000x16xf32, #tpu.memory_space<vmem_shared>>)
    %add3A_972 = arith.constant 80 : i32
    %add3A_973 = arith.addi %add3A_972, %arg1 : i32
    %mul3A_974 = arith.constant 128 : i32
    %mul3A_975 = arith.muli %add3A_973, %mul3A_974 : i32
    %dma_start3A_976 = arith.constant 1 : i32
    %dma_start3A_977 = arith.constant 0 : i32
    %dma_start3A_978 = tpu.memref_slice %arg10[%dma_start3A_976, %dma_start3A_977] : memref<4x128xi32, #tpu.memory_space<vmem>> -> memref<1x128xi32, #tpu.memory_space<vmem>>
    %dma_start3A_979 = tpu.memref_squeeze %dma_start3A_978 : memref<1x128xi32, #tpu.memory_space<vmem>> -> memref<128xi32, #tpu.memory_space<vmem>>
    %dma_start3A_980 = tpu.memref_slice %arg3[%mul3A_975] : memref<320000xi32, #tpu.memory_space<hbm>> -> memref<128xi32, #tpu.memory_space<hbm>>
    %dma_start3A_981 = arith.constant 0 : i32
    %dma_start3A_982 = tpu.memref_slice %arg10[%dma_start3A_976, %dma_start3A_981] : memref<4x128xi32, #tpu.memory_space<vmem>> -> memref<1x128xi32, #tpu.memory_space<vmem>>
    %dma_start3A_983 = tpu.memref_squeeze %dma_start3A_982 : memref<1x128xi32, #tpu.memory_space<vmem>> -> memref<128xi32, #tpu.memory_space<vmem>>
    %dma_start3A_984 = tpu.memref_slice %arg3[%mul3A_975] : memref<320000xi32, #tpu.memory_space<hbm>> -> memref<128xi32, #tpu.memory_space<hbm>>
    tpu.enqueue_dma source(%dma_start3A_984 : memref<128xi32, #tpu.memory_space<hbm>>) target(%dma_start3A_983 : memref<128xi32, #tpu.memory_space<vmem>>) target_semaphore(%arg17 : memref<!tpu.dma_semaphore, #tpu.memory_space<semaphore_mem>>)
    %dma_start3A_985 = arith.constant 1 : i32
    %dma_start3A_986 = arith.constant 0 : i32
    %dma_start3A_987 = tpu.memref_slice %arg11[%dma_start3A_985, %dma_start3A_986] : memref<4x128xi32, #tpu.memory_space<vmem>> -> memref<1x128xi32, #tpu.memory_space<vmem>>
    %dma_start3A_988 = tpu.memref_squeeze %dma_start3A_987 : memref<1x128xi32, #tpu.memory_space<vmem>> -> memref<128xi32, #tpu.memory_space<vmem>>
    %dma_start3A_989 = tpu.memref_slice %arg4[%mul3A_975] : memref<320000xi32, #tpu.memory_space<hbm>> -> memref<128xi32, #tpu.memory_space<hbm>>
    %dma_start3A_990 = arith.constant 0 : i32
    %dma_start3A_991 = tpu.memref_slice %arg11[%dma_start3A_985, %dma_start3A_990] : memref<4x128xi32, #tpu.memory_space<vmem>> -> memref<1x128xi32, #tpu.memory_space<vmem>>
    %dma_start3A_992 = tpu.memref_squeeze %dma_start3A_991 : memref<1x128xi32, #tpu.memory_space<vmem>> -> memref<128xi32, #tpu.memory_space<vmem>>
    %dma_start3A_993 = tpu.memref_slice %arg4[%mul3A_975] : memref<320000xi32, #tpu.memory_space<hbm>> -> memref<128xi32, #tpu.memory_space<hbm>>
    tpu.enqueue_dma source(%dma_start3A_993 : memref<128xi32, #tpu.memory_space<hbm>>) target(%dma_start3A_992 : memref<128xi32, #tpu.memory_space<vmem>>) target_semaphore(%arg17 : memref<!tpu.dma_semaphore, #tpu.memory_space<semaphore_mem>>)
    %eq3A_994 = arith.constant 0 : i32
    %eq3A_995 = arith.cmpi eq, %arg0, %eq3A_994 : i32
    %convert_element_type3A_996 = arith.extui %eq3A_995 : i1 to i32
    %cond3A_997 = arith.constant 0 : i32
    %cond3A_998 = arith.cmpi ne, %convert_element_type3A_996, %cond3A_997 : i32
    scf.if %cond3A_998 {
      %dma_start3A_2065 = arith.constant 1 : i32
      %dma_start3A_2066 = arith.constant 0 : i32
      %dma_start3A_2067 = arith.constant 0 : i32
      %dma_start3A_2068 = tpu.memref_slice %arg13[%dma_start3A_2065, %dma_start3A_2066, %dma_start3A_2067] : memref<4x128x16xf32, #tpu.memory_space<vmem>> -> memref<1x128x16xf32, #tpu.memory_space<vmem>>
      %dma_start3A_2069 = tpu.memref_squeeze %dma_start3A_2068 : memref<1x128x16xf32, #tpu.memory_space<vmem>> -> memref<128x16xf32, #tpu.memory_space<vmem>>
      %dma_start3A_2070 = arith.constant 0 : i32
      %dma_start3A_2071 = tpu.memref_slice %arg5[%mul3A_975, %dma_start3A_2070] : memref<320000x16xf32, #tpu.memory_space<hbm>> -> memref<128x16xf32, #tpu.memory_space<hbm>>
      %dma_start3A_2072 = arith.constant 0 : i32
      %dma_start3A_2073 = arith.constant 0 : i32
      %dma_start3A_2074 = tpu.memref_slice %arg13[%dma_start3A_2065, %dma_start3A_2072, %dma_start3A_2073] : memref<4x128x16xf32, #tpu.memory_space<vmem>> -> memref<1x128x16xf32, #tpu.memory_space<vmem>>
      %dma_start3A_2075 = tpu.memref_squeeze %dma_start3A_2074 : memref<1x128x16xf32, #tpu.memory_space<vmem>> -> memref<128x16xf32, #tpu.memory_space<vmem>>
      %dma_start3A_2076 = arith.constant 0 : i32
      %dma_start3A_2077 = tpu.memref_slice %arg5[%mul3A_975, %dma_start3A_2076] : memref<320000x16xf32, #tpu.memory_space<hbm>> -> memref<128x16xf32, #tpu.memory_space<hbm>>
      tpu.enqueue_dma source(%dma_start3A_2077 : memref<128x16xf32, #tpu.memory_space<hbm>>) target(%dma_start3A_2075 : memref<128x16xf32, #tpu.memory_space<vmem>>) target_semaphore(%arg21 : memref<!tpu.dma_semaphore, #tpu.memory_space<semaphore_mem>>)
    } else {
    }
    %scan3A_999 = arith.constant 0 : i32
    %scan3A_1000 = arith.constant 37 : i32
    %scan3A_1001 = arith.addi %scan3A_999, %scan3A_1000 : i32
    %scan3A_1002 = arith.constant 1 : i32
    scf.for %scan3A_2065 = %scan3A_999 to %scan3A_1001 step %scan3A_1002  : i32 {
      %mul3A_2066 = arith.constant 1 : i32
      %mul3A_2067 = arith.muli %scan3A_2065, %mul3A_2066 : i32
      %add3A_2068 = arith.constant 0 : i32
      %add3A_2069 = arith.addi %add3A_2068, %mul3A_2067 : i32
      %mul3A_2070 = arith.constant 4 : i32
      %mul3A_2071 = arith.muli %add3A_2069, %mul3A_2070 : i32
      %add3A_2072 = arith.constant 4 : i32
      %add3A_2073 = arith.addi %add3A_2072, %mul3A_2071 : i32
      %add3A_2074 = arith.constant 0 : i32
      %add3A_2075 = arith.addi %add3A_2073, %add3A_2074 : i32
      %dma_wait3A_2076 = arith.constant 0 : i32
      %dma_wait3A_2077 = arith.constant 0 : i32
      %dma_wait3A_2078 = tpu.memref_slice %arg10[%dma_wait3A_2076, %dma_wait3A_2077] : memref<4x128xi32, #tpu.memory_space<vmem>> -> memref<1x128xi32, #tpu.memory_space<vmem>>
      %dma_wait3A_2079 = tpu.memref_squeeze %dma_wait3A_2078 : memref<1x128xi32, #tpu.memory_space<vmem>> -> memref<128xi32, #tpu.memory_space<vmem>>
      %dma_wait3A_2080 = arith.constant 0 : i32
      %dma_wait3A_2081 = tpu.memref_slice %arg3[%dma_wait3A_2080] : memref<320000xi32, #tpu.memory_space<hbm>> -> memref<128xi32, #tpu.memory_space<hbm>>
      %dma_wait3A_2082 = arith.constant 0 : i32
      %dma_wait3A_2083 = tpu.memref_slice %arg10[%dma_wait3A_2076, %dma_wait3A_2082] : memref<4x128xi32, #tpu.memory_space<vmem>> -> memref<1x128xi32, #tpu.memory_space<vmem>>
      %dma_wait3A_2084 = tpu.memref_squeeze %dma_wait3A_2083 : memref<1x128xi32, #tpu.memory_space<vmem>> -> memref<128xi32, #tpu.memory_space<vmem>>
      %dma_wait3A_2085 = arith.constant 0 : i32
      %dma_wait3A_2086 = tpu.memref_slice %arg3[%dma_wait3A_2085] : memref<320000xi32, #tpu.memory_space<hbm>> -> memref<128xi32, #tpu.memory_space<hbm>>
      tpu.wait_dma2 semaphore(%arg16 : memref<!tpu.dma_semaphore, #tpu.memory_space<semaphore_mem>>) src(%dma_wait3A_2086 : memref<128xi32, #tpu.memory_space<hbm>>) dst(%dma_wait3A_2084 : memref<128xi32, #tpu.memory_space<vmem>>)
      %dma_wait3A_2087 = arith.constant 0 : i32
      %dma_wait3A_2088 = arith.constant 0 : i32
      %dma_wait3A_2089 = tpu.memref_slice %arg11[%dma_wait3A_2087, %dma_wait3A_2088] : memref<4x128xi32, #tpu.memory_space<vmem>> -> memref<1x128xi32, #tpu.memory_space<vmem>>
      %dma_wait3A_2090 = tpu.memref_squeeze %dma_wait3A_2089 : memref<1x128xi32, #tpu.memory_space<vmem>> -> memref<128xi32, #tpu.memory_space<vmem>>
      %dma_wait3A_2091 = arith.constant 0 : i32
      %dma_wait3A_2092 = tpu.memref_slice %arg4[%dma_wait3A_2091] : memref<320000xi32, #tpu.memory_space<hbm>> -> memref<128xi32, #tpu.memory_space<hbm>>
      %dma_wait3A_2093 = arith.constant 0 : i32
      %dma_wait3A_2094 = tpu.memref_slice %arg11[%dma_wait3A_2087, %dma_wait3A_2093] : memref<4x128xi32, #tpu.memory_space<vmem>> -> memref<1x128xi32, #tpu.memory_space<vmem>>
      %dma_wait3A_2095 = tpu.memref_squeeze %dma_wait3A_2094 : memref<1x128xi32, #tpu.memory_space<vmem>> -> memref<128xi32, #tpu.memory_space<vmem>>
      %dma_wait3A_2096 = arith.constant 0 : i32
      %dma_wait3A_2097 = tpu.memref_slice %arg4[%dma_wait3A_2096] : memref<320000xi32, #tpu.memory_space<hbm>> -> memref<128xi32, #tpu.memory_space<hbm>>
      tpu.wait_dma2 semaphore(%arg16 : memref<!tpu.dma_semaphore, #tpu.memory_space<semaphore_mem>>) src(%dma_wait3A_2097 : memref<128xi32, #tpu.memory_space<hbm>>) dst(%dma_wait3A_2095 : memref<128xi32, #tpu.memory_space<vmem>>)
      %get3A_2098 = arith.constant 0 : i32
      %get3A_2099 = arith.index_cast %get3A_2098 : i32 to index
      %get3A_2100 = arith.constant 0 : index
      %get3A_2101 = tpu.vector_load %arg10[%get3A_2099, %get3A_2100] {strides = array<i32>} : memref<4x128xi32, #tpu.memory_space<vmem>>, vector<1x16xi32>,
      %get3A_2102 = vector.shape_cast %get3A_2101 : vector<1x16xi32> to vector<16xi32>
      %mul3A_2103 = arith.constant 2 : i32
      %mul3A_2104 = vector.broadcast %mul3A_2103 : i32 to vector<16xi32>
      %mul3A_2105 = arith.muli %get3A_2102, %mul3A_2104 : vector<16xi32>
      %add3A_2106 = vector.broadcast %arg0 : i32 to vector<16xi32>
      %add3A_2107 = arith.addi %mul3A_2105, %add3A_2106 : vector<16xi32>
      %swap3A_2108 = arith.constant 0 : i32
      %swap3A_2109 = arith.index_cast %swap3A_2108 : i32 to index
      %swap3A_2110 = arith.constant 0 : index
      %swap3A_2111 = tpu.vector_load %arg10[%swap3A_2109, %swap3A_2110] {strides = array<i32>} : memref<4x128xi32, #tpu.memory_space<vmem>>, vector<1x16xi32>,
      %swap3A_2112 = vector.shape_cast %swap3A_2111 : vector<1x16xi32> to vector<16xi32>
      %swap3A_2113 = vector.shape_cast %add3A_2107 : vector<16xi32> to vector<1x16xi32>
      tpu.vector_store %arg10[%swap3A_2109, %swap3A_2110], %swap3A_2113 {strides = array<i32>} : memref<4x128xi32, #tpu.memory_space<vmem>>, vector<1x16xi32>,
      %get3A_2114 = arith.constant 0 : i32
      %get3A_2115 = arith.index_cast %get3A_2114 : i32 to index
      %get3A_2116 = arith.constant 16 : index
      %get3A_2117 = tpu.vector_load %arg10[%get3A_2115, %get3A_2116] {strides = array<i32>} : memref<4x128xi32, #tpu.memory_space<vmem>>, vector<1x16xi32>,
      %get3A_2118 = vector.shape_cast %get3A_2117 : vector<1x16xi32> to vector<16xi32>
      %mul3A_2119 = arith.constant 2 : i32
      %mul3A_2120 = vector.broadcast %mul3A_2119 : i32 to vector<16xi32>
      %mul3A_2121 = arith.muli %get3A_2118, %mul3A_2120 : vector<16xi32>
      %add3A_2122 = vector.broadcast %arg0 : i32 to vector<16xi32>
      %add3A_2123 = arith.addi %mul3A_2121, %add3A_2122 : vector<16xi32>
      %swap3A_2124 = arith.constant 0 : i32
      %swap3A_2125 = arith.index_cast %swap3A_2124 : i32 to index
      %swap3A_2126 = arith.constant 16 : index
      %swap3A_2127 = tpu.vector_load %arg10[%swap3A_2125, %swap3A_2126] {strides = array<i32>} : memref<4x128xi32, #tpu.memory_space<vmem>>, vector<1x16xi32>,
      %swap3A_2128 = vector.shape_cast %swap3A_2127 : vector<1x16xi32> to vector<16xi32>
      %swap3A_2129 = vector.shape_cast %add3A_2123 : vector<16xi32> to vector<1x16xi32>
      tpu.vector_store %arg10[%swap3A_2125, %swap3A_2126], %swap3A_2129 {strides = array<i32>} : memref<4x128xi32, #tpu.memory_space<vmem>>, vector<1x16xi32>,
      %get3A_2130 = arith.constant 0 : i32
      %get3A_2131 = arith.index_cast %get3A_2130 : i32 to index
      %get3A_2132 = arith.constant 32 : index
      %get3A_2133 = tpu.vector_load %arg10[%get3A_2131, %get3A_2132] {strides = array<i32>} : memref<4x128xi32, #tpu.memory_space<vmem>>, vector<1x16xi32>,
      %get3A_2134 = vector.shape_cast %get3A_2133 : vector<1x16xi32> to vector<16xi32>
      %mul3A_2135 = arith.constant 2 : i32
      %mul3A_2136 = vector.broadcast %mul3A_2135 : i32 to vector<16xi32>
      %mul3A_2137 = arith.muli %get3A_2134, %mul3A_2136 : vector<16xi32>
      %add3A_2138 = vector.broadcast %arg0 : i32 to vector<16xi32>
      %add3A_2139 = arith.addi %mul3A_2137, %add3A_2138 : vector<16xi32>
      %swap3A_2140 = arith.constant 0 : i32
      %swap3A_2141 = arith.index_cast %swap3A_2140 : i32 to index
      %swap3A_2142 = arith.constant 32 : index
      %swap3A_2143 = tpu.vector_load %arg10[%swap3A_2141, %swap3A_2142] {strides = array<i32>} : memref<4x128xi32, #tpu.memory_space<vmem>>, vector<1x16xi32>,
      %swap3A_2144 = vector.shape_cast %swap3A_2143 : vector<1x16xi32> to vector<16xi32>
      %swap3A_2145 = vector.shape_cast %add3A_2139 : vector<16xi32> to vector<1x16xi32>
      tpu.vector_store %arg10[%swap3A_2141, %swap3A_2142], %swap3A_2145 {strides = array<i32>} : memref<4x128xi32, #tpu.memory_space<vmem>>, vector<1x16xi32>,
      %get3A_2146 = arith.constant 0 : i32
      %get3A_2147 = arith.index_cast %get3A_2146 : i32 to index
      %get3A_2148 = arith.constant 48 : index
      %get3A_2149 = tpu.vector_load %arg10[%get3A_2147, %get3A_2148] {strides = array<i32>} : memref<4x128xi32, #tpu.memory_space<vmem>>, vector<1x16xi32>,
      %get3A_2150 = vector.shape_cast %get3A_2149 : vector<1x16xi32> to vector<16xi32>
      %mul3A_2151 = arith.constant 2 : i32
      %mul3A_2152 = vector.broadcast %mul3A_2151 : i32 to vector<16xi32>
      %mul3A_2153 = arith.muli %get3A_2150, %mul3A_2152 : vector<16xi32>
      %add3A_2154 = vector.broadcast %arg0 : i32 to vector<16xi32>
      %add3A_2155 = arith.addi %mul3A_2153, %add3A_2154 : vector<16xi32>
      %swap3A_2156 = arith.constant 0 : i32
      %swap3A_2157 = arith.index_cast %swap3A_2156 : i32 to index
      %swap3A_2158 = arith.constant 48 : index
      %swap3A_2159 = tpu.vector_load %arg10[%swap3A_2157, %swap3A_2158] {strides = array<i32>} : memref<4x128xi32, #tpu.memory_space<vmem>>, vector<1x16xi32>,
      %swap3A_2160 = vector.shape_cast %swap3A_2159 : vector<1x16xi32> to vector<16xi32>
      %swap3A_2161 = vector.shape_cast %add3A_2155 : vector<16xi32> to vector<1x16xi32>
      tpu.vector_store %arg10[%swap3A_2157, %swap3A_2158], %swap3A_2161 {strides = array<i32>} : memref<4x128xi32, #tpu.memory_space<vmem>>, vector<1x16xi32>,
      %get3A_2162 = arith.constant 0 : i32
      %get3A_2163 = arith.index_cast %get3A_2162 : i32 to index
      %get3A_2164 = arith.constant 64 : index
      %get3A_2165 = tpu.vector_load %arg10[%get3A_2163, %get3A_2164] {strides = array<i32>} : memref<4x128xi32, #tpu.memory_space<vmem>>, vector<1x16xi32>,
      %get3A_2166 = vector.shape_cast %get3A_2165 : vector<1x16xi32> to vector<16xi32>
      %mul3A_2167 = arith.constant 2 : i32
      %mul3A_2168 = vector.broadcast %mul3A_2167 : i32 to vector<16xi32>
      %mul3A_2169 = arith.muli %get3A_2166, %mul3A_2168 : vector<16xi32>
      %add3A_2170 = vector.broadcast %arg0 : i32 to vector<16xi32>
      %add3A_2171 = arith.addi %mul3A_2169, %add3A_2170 : vector<16xi32>
      %swap3A_2172 = arith.constant 0 : i32
      %swap3A_2173 = arith.index_cast %swap3A_2172 : i32 to index
      %swap3A_2174 = arith.constant 64 : index
      %swap3A_2175 = tpu.vector_load %arg10[%swap3A_2173, %swap3A_2174] {strides = array<i32>} : memref<4x128xi32, #tpu.memory_space<vmem>>, vector<1x16xi32>,
      %swap3A_2176 = vector.shape_cast %swap3A_2175 : vector<1x16xi32> to vector<16xi32>
      %swap3A_2177 = vector.shape_cast %add3A_2171 : vector<16xi32> to vector<1x16xi32>
      tpu.vector_store %arg10[%swap3A_2173, %swap3A_2174], %swap3A_2177 {strides = array<i32>} : memref<4x128xi32, #tpu.memory_space<vmem>>, vector<1x16xi32>,
      %get3A_2178 = arith.constant 0 : i32
      %get3A_2179 = arith.index_cast %get3A_2178 : i32 to index
      %get3A_2180 = arith.constant 80 : index
      %get3A_2181 = tpu.vector_load %arg10[%get3A_2179, %get3A_2180] {strides = array<i32>} : memref<4x128xi32, #tpu.memory_space<vmem>>, vector<1x16xi32>,
      %get3A_2182 = vector.shape_cast %get3A_2181 : vector<1x16xi32> to vector<16xi32>
      %mul3A_2183 = arith.constant 2 : i32
      %mul3A_2184 = vector.broadcast %mul3A_2183 : i32 to vector<16xi32>
      %mul3A_2185 = arith.muli %get3A_2182, %mul3A_2184 : vector<16xi32>
      %add3A_2186 = vector.broadcast %arg0 : i32 to vector<16xi32>
      %add3A_2187 = arith.addi %mul3A_2185, %add3A_2186 : vector<16xi32>
      %swap3A_2188 = arith.constant 0 : i32
      %swap3A_2189 = arith.index_cast %swap3A_2188 : i32 to index
      %swap3A_2190 = arith.constant 80 : index
      %swap3A_2191 = tpu.vector_load %arg10[%swap3A_2189, %swap3A_2190] {strides = array<i32>} : memref<4x128xi32, #tpu.memory_space<vmem>>, vector<1x16xi32>,
      %swap3A_2192 = vector.shape_cast %swap3A_2191 : vector<1x16xi32> to vector<16xi32>
      %swap3A_2193 = vector.shape_cast %add3A_2187 : vector<16xi32> to vector<1x16xi32>
      tpu.vector_store %arg10[%swap3A_2189, %swap3A_2190], %swap3A_2193 {strides = array<i32>} : memref<4x128xi32, #tpu.memory_space<vmem>>, vector<1x16xi32>,
      %get3A_2194 = arith.constant 0 : i32
      %get3A_2195 = arith.index_cast %get3A_2194 : i32 to index
      %get3A_2196 = arith.constant 96 : index
      %get3A_2197 = tpu.vector_load %arg10[%get3A_2195, %get3A_2196] {strides = array<i32>} : memref<4x128xi32, #tpu.memory_space<vmem>>, vector<1x16xi32>,
      %get3A_2198 = vector.shape_cast %get3A_2197 : vector<1x16xi32> to vector<16xi32>
      %mul3A_2199 = arith.constant 2 : i32
      %mul3A_2200 = vector.broadcast %mul3A_2199 : i32 to vector<16xi32>
      %mul3A_2201 = arith.muli %get3A_2198, %mul3A_2200 : vector<16xi32>
      %add3A_2202 = vector.broadcast %arg0 : i32 to vector<16xi32>
      %add3A_2203 = arith.addi %mul3A_2201, %add3A_2202 : vector<16xi32>
      %swap3A_2204 = arith.constant 0 : i32
      %swap3A_2205 = arith.index_cast %swap3A_2204 : i32 to index
      %swap3A_2206 = arith.constant 96 : index
      %swap3A_2207 = tpu.vector_load %arg10[%swap3A_2205, %swap3A_2206] {strides = array<i32>} : memref<4x128xi32, #tpu.memory_space<vmem>>, vector<1x16xi32>,
      %swap3A_2208 = vector.shape_cast %swap3A_2207 : vector<1x16xi32> to vector<16xi32>
      %swap3A_2209 = vector.shape_cast %add3A_2203 : vector<16xi32> to vector<1x16xi32>
      tpu.vector_store %arg10[%swap3A_2205, %swap3A_2206], %swap3A_2209 {strides = array<i32>} : memref<4x128xi32, #tpu.memory_space<vmem>>, vector<1x16xi32>,
      %get3A_2210 = arith.constant 0 : i32
      %get3A_2211 = arith.index_cast %get3A_2210 : i32 to index
      %get3A_2212 = arith.constant 112 : index
      %get3A_2213 = tpu.vector_load %arg10[%get3A_2211, %get3A_2212] {strides = array<i32>} : memref<4x128xi32, #tpu.memory_space<vmem>>, vector<1x16xi32>,
      %get3A_2214 = vector.shape_cast %get3A_2213 : vector<1x16xi32> to vector<16xi32>
      %mul3A_2215 = arith.constant 2 : i32
      %mul3A_2216 = vector.broadcast %mul3A_2215 : i32 to vector<16xi32>
      %mul3A_2217 = arith.muli %get3A_2214, %mul3A_2216 : vector<16xi32>
      %add3A_2218 = vector.broadcast %arg0 : i32 to vector<16xi32>
      %add3A_2219 = arith.addi %mul3A_2217, %add3A_2218 : vector<16xi32>
      %swap3A_2220 = arith.constant 0 : i32
      %swap3A_2221 = arith.index_cast %swap3A_2220 : i32 to index
      %swap3A_2222 = arith.constant 112 : index
      %swap3A_2223 = tpu.vector_load %arg10[%swap3A_2221, %swap3A_2222] {strides = array<i32>} : memref<4x128xi32, #tpu.memory_space<vmem>>, vector<1x16xi32>,
      %swap3A_2224 = vector.shape_cast %swap3A_2223 : vector<1x16xi32> to vector<16xi32>
      %swap3A_2225 = vector.shape_cast %add3A_2219 : vector<16xi32> to vector<1x16xi32>
      tpu.vector_store %arg10[%swap3A_2221, %swap3A_2222], %swap3A_2225 {strides = array<i32>} : memref<4x128xi32, #tpu.memory_space<vmem>>, vector<1x16xi32>,
      %dma_start3A_2226 = arith.constant 0 : i32
      %dma_start3A_2227 = arith.constant 0 : i32
      %dma_start3A_2228 = arith.constant 0 : i32
      %dma_start3A_2229 = arith.constant 0 : i32
      %dma_start3A_2230 = tpu.memref_slice %arg12[%dma_start3A_2227, %dma_start3A_2228, %dma_start3A_2229] : memref<4x128x64xf32, #tpu.memory_space<vmem>> -> memref<1x128x64xf32, #tpu.memory_space<vmem>>
      %dma_start3A_2231 = tpu.memref_squeeze %dma_start3A_2230 : memref<1x128x64xf32, #tpu.memory_space<vmem>> -> memref<128x64xf32, #tpu.memory_space<vmem>>
      %dma_start3A_2232 = arith.constant 0 : i32
      %dma_start3A_2233 = tpu.memref_slice %arg10[%dma_start3A_2226, %dma_start3A_2232] : memref<4x128xi32, #tpu.memory_space<vmem>> -> memref<1x128xi32, #tpu.memory_space<vmem>>
      %dma_start3A_2234 = tpu.memref_squeeze %dma_start3A_2233 : memref<1x128xi32, #tpu.memory_space<vmem>> -> memref<128xi32, #tpu.memory_space<vmem>>
      %dma_start3A_2235 = arith.constant 0 : i32
      %dma_start3A_2236 = arith.constant 0 : i32
      %dma_start3A_2237 = tpu.memref_slice %arg2[%dma_start3A_2235, %dma_start3A_2236] : memref<20000x64xf32, #tpu.memory_space<hbm>> -> memref<20000x64xf32, #tpu.memory_space<hbm>>
      tpu.enqueue_indirect_dma source(%dma_start3A_2237 : memref<20000x64xf32, #tpu.memory_space<hbm>>) target(%dma_start3A_2231 : memref<128x64xf32, #tpu.memory_space<vmem>>) offsets(%dma_start3A_2234 : memref<128xi32, #tpu.memory_space<vmem>>) semaphore(%arg24 : memref<!tpu.dma_semaphore, #tpu.memory_space<semaphore_mem>>)
      %dma_wait3A_2238 = arith.constant 3 : i32
      %dma_wait3A_2239 = arith.constant 3 : i32
      %dma_wait3A_2240 = arith.constant 0 : i32
      %dma_wait3A_2241 = arith.constant 0 : i32
      %dma_wait3A_2242 = tpu.memref_slice %arg12[%dma_wait3A_2239, %dma_wait3A_2240, %dma_wait3A_2241] : memref<4x128x64xf32, #tpu.memory_space<vmem>> -> memref<1x128x64xf32, #tpu.memory_space<vmem>>
      %dma_wait3A_2243 = tpu.memref_squeeze %dma_wait3A_2242 : memref<1x128x64xf32, #tpu.memory_space<vmem>> -> memref<128x64xf32, #tpu.memory_space<vmem>>
      %dma_wait3A_2244 = arith.constant 0 : i32
      %dma_wait3A_2245 = tpu.memref_slice %arg10[%dma_wait3A_2238, %dma_wait3A_2244] : memref<4x128xi32, #tpu.memory_space<vmem>> -> memref<1x128xi32, #tpu.memory_space<vmem>>
      %dma_wait3A_2246 = tpu.memref_squeeze %dma_wait3A_2245 : memref<1x128xi32, #tpu.memory_space<vmem>> -> memref<128xi32, #tpu.memory_space<vmem>>
      %dma_wait3A_2247 = arith.constant 0 : i32
      %dma_wait3A_2248 = arith.constant 0 : i32
      %dma_wait3A_2249 = tpu.memref_slice %arg2[%dma_wait3A_2247, %dma_wait3A_2248] : memref<20000x64xf32, #tpu.memory_space<hbm>> -> memref<20000x64xf32, #tpu.memory_space<hbm>>
      tpu.wait_indirect_dma semaphore(%arg27 : memref<!tpu.dma_semaphore, #tpu.memory_space<semaphore_mem>>) src(%dma_wait3A_2249 : memref<20000x64xf32, #tpu.memory_space<hbm>>) dst(%dma_wait3A_2243 : memref<128x64xf32, #tpu.memory_space<vmem>>)
      %eq3A_2250 = arith.constant 0 : i32
      %eq3A_2251 = arith.cmpi eq, %arg0, %eq3A_2250 : i32
      %convert_element_type3A_2252 = arith.extui %eq3A_2251 : i1 to i32
      %cond3A_2253 = arith.constant 0 : i32
      %cond3A_2254 = arith.cmpi ne, %convert_element_type3A_2252, %cond3A_2253 : i32
      scf.if %cond3A_2254 {
        %dma_wait3A_3122 = arith.constant 3 : i32
        %dma_wait3A_3123 = arith.constant 0 : i32
        %dma_wait3A_3124 = arith.constant 0 : i32
        %dma_wait3A_3125 = tpu.memref_slice %arg13[%dma_wait3A_3122, %dma_wait3A_3123, %dma_wait3A_3124] : memref<4x128x16xf32, #tpu.memory_space<vmem>> -> memref<1x128x16xf32, #tpu.memory_space<vmem>>
        %dma_wait3A_3126 = tpu.memref_squeeze %dma_wait3A_3125 : memref<1x128x16xf32, #tpu.memory_space<vmem>> -> memref<128x16xf32, #tpu.memory_space<vmem>>
        %dma_wait3A_3127 = arith.constant 0 : i32
        %dma_wait3A_3128 = arith.constant 0 : i32
        %dma_wait3A_3129 = tpu.memref_slice %arg5[%dma_wait3A_3127, %dma_wait3A_3128] : memref<320000x16xf32, #tpu.memory_space<hbm>> -> memref<128x16xf32, #tpu.memory_space<hbm>>
        %dma_wait3A_3130 = arith.constant 0 : i32
        %dma_wait3A_3131 = arith.constant 0 : i32
        %dma_wait3A_3132 = tpu.memref_slice %arg13[%dma_wait3A_3122, %dma_wait3A_3130, %dma_wait3A_3131] : memref<4x128x16xf32, #tpu.memory_space<vmem>> -> memref<1x128x16xf32, #tpu.memory_space<vmem>>
        %dma_wait3A_3133 = tpu.memref_squeeze %dma_wait3A_3132 : memref<1x128x16xf32, #tpu.memory_space<vmem>> -> memref<128x16xf32, #tpu.memory_space<vmem>>
        %dma_wait3A_3134 = arith.constant 0 : i32
        %dma_wait3A_3135 = arith.constant 0 : i32
        %dma_wait3A_3136 = tpu.memref_slice %arg5[%dma_wait3A_3134, %dma_wait3A_3135] : memref<320000x16xf32, #tpu.memory_space<hbm>> -> memref<128x16xf32, #tpu.memory_space<hbm>>
        tpu.wait_dma2 semaphore(%arg23 : memref<!tpu.dma_semaphore, #tpu.memory_space<semaphore_mem>>) src(%dma_wait3A_3136 : memref<128x16xf32, #tpu.memory_space<hbm>>) dst(%dma_wait3A_3133 : memref<128x16xf32, #tpu.memory_space<vmem>>)
      } else {
      }
      %dma_start3A_2255 = arith.constant 3 : i32
      %dma_start3A_2256 = arith.constant 3 : i32
      %dma_start3A_2257 = arith.constant 0 : i32
      %dma_start3A_2258 = arith.constant 0 : i32
      %dma_start3A_2259 = tpu.memref_slice %arg12[%dma_start3A_2255, %dma_start3A_2257, %dma_start3A_2258] : memref<4x128x64xf32, #tpu.memory_space<vmem>> -> memref<1x128x64xf32, #tpu.memory_space<vmem>>
      %dma_start3A_2260 = tpu.memref_squeeze %dma_start3A_2259 : memref<1x128x64xf32, #tpu.memory_space<vmem>> -> memref<128x64xf32, #tpu.memory_space<vmem>>
      %dma_start3A_2261 = arith.constant 0 : i32
      %dma_start3A_2262 = tpu.memref_slice %arg11[%dma_start3A_2256, %dma_start3A_2261] : memref<4x128xi32, #tpu.memory_space<vmem>> -> memref<1x128xi32, #tpu.memory_space<vmem>>
      %dma_start3A_2263 = tpu.memref_squeeze %dma_start3A_2262 : memref<1x128xi32, #tpu.memory_space<vmem>> -> memref<128xi32, #tpu.memory_space<vmem>>
      %dma_start3A_2264 = arith.constant 0 : i32
      %dma_start3A_2265 = arith.constant 0 : i32
      %dma_start3A_2266 = tpu.memref_slice %arg14[%dma_start3A_2264, %dma_start3A_2265] : memref<10000x64xf32, #tpu.memory_space<vmem_shared>> -> memref<10000x64xf32, #tpu.memory_space<vmem_shared>>
      tpu.enqueue_indirect_dma source(%dma_start3A_2260 : memref<128x64xf32, #tpu.memory_space<vmem>>) target(%dma_start3A_2266 : memref<10000x64xf32, #tpu.memory_space<vmem_shared>>) offsets(%dma_start3A_2263 : memref<128xi32, #tpu.memory_space<vmem>>) semaphore(%arg31 : memref<!tpu.dma_semaphore, #tpu.memory_space<semaphore_mem>>) {add = true}
      %dma_start3A_2267 = arith.constant 3 : i32
      %dma_start3A_2268 = arith.constant 3 : i32
      %dma_start3A_2269 = arith.constant 0 : i32
      %dma_start3A_2270 = arith.constant 0 : i32
      %dma_start3A_2271 = tpu.memref_slice %arg13[%dma_start3A_2267, %dma_start3A_2269, %dma_start3A_2270] : memref<4x128x16xf32, #tpu.memory_space<vmem>> -> memref<1x128x16xf32, #tpu.memory_space<vmem>>
      %dma_start3A_2272 = tpu.memref_squeeze %dma_start3A_2271 : memref<1x128x16xf32, #tpu.memory_space<vmem>> -> memref<128x16xf32, #tpu.memory_space<vmem>>
      %dma_start3A_2273 = arith.constant 0 : i32
      %dma_start3A_2274 = tpu.memref_slice %arg11[%dma_start3A_2268, %dma_start3A_2273] : memref<4x128xi32, #tpu.memory_space<vmem>> -> memref<1x128xi32, #tpu.memory_space<vmem>>
      %dma_start3A_2275 = tpu.memref_squeeze %dma_start3A_2274 : memref<1x128xi32, #tpu.memory_space<vmem>> -> memref<128xi32, #tpu.memory_space<vmem>>
      %dma_start3A_2276 = arith.constant 0 : i32
      %dma_start3A_2277 = arith.constant 0 : i32
      %dma_start3A_2278 = tpu.memref_slice %arg15[%dma_start3A_2276, %dma_start3A_2277] : memref<10000x16xf32, #tpu.memory_space<vmem_shared>> -> memref<10000x16xf32, #tpu.memory_space<vmem_shared>>
      tpu.enqueue_indirect_dma source(%dma_start3A_2272 : memref<128x16xf32, #tpu.memory_space<vmem>>) target(%dma_start3A_2278 : memref<10000x16xf32, #tpu.memory_space<vmem_shared>>) offsets(%dma_start3A_2275 : memref<128xi32, #tpu.memory_space<vmem>>) semaphore(%arg31 : memref<!tpu.dma_semaphore, #tpu.memory_space<semaphore_mem>>) {add = true}
      %dma_wait3A_2279 = arith.constant 2 : i32
      %dma_wait3A_2280 = arith.constant 2 : i32
      %dma_wait3A_2281 = arith.constant 0 : i32
      %dma_wait3A_2282 = arith.constant 0 : i32
      %dma_wait3A_2283 = tpu.memref_slice %arg12[%dma_wait3A_2279, %dma_wait3A_2281, %dma_wait3A_2282] : memref<4x128x64xf32, #tpu.memory_space<vmem>> -> memref<1x128x64xf32, #tpu.memory_space<vmem>>
      %dma_wait3A_2284 = tpu.memref_squeeze %dma_wait3A_2283 : memref<1x128x64xf32, #tpu.memory_space<vmem>> -> memref<128x64xf32, #tpu.memory_space<vmem>>
      %dma_wait3A_2285 = arith.constant 0 : i32
      %dma_wait3A_2286 = tpu.memref_slice %arg11[%dma_wait3A_2280, %dma_wait3A_2285] : memref<4x128xi32, #tpu.memory_space<vmem>> -> memref<1x128xi32, #tpu.memory_space<vmem>>
      %dma_wait3A_2287 = tpu.memref_squeeze %dma_wait3A_2286 : memref<1x128xi32, #tpu.memory_space<vmem>> -> memref<128xi32, #tpu.memory_space<vmem>>
      %dma_wait3A_2288 = arith.constant 0 : i32
      %dma_wait3A_2289 = arith.constant 0 : i32
      %dma_wait3A_2290 = tpu.memref_slice %arg14[%dma_wait3A_2288, %dma_wait3A_2289] : memref<10000x64xf32, #tpu.memory_space<vmem_shared>> -> memref<10000x64xf32, #tpu.memory_space<vmem_shared>>
      tpu.wait_indirect_dma semaphore(%arg30 : memref<!tpu.dma_semaphore, #tpu.memory_space<semaphore_mem>>) src(%dma_wait3A_2284 : memref<128x64xf32, #tpu.memory_space<vmem>>) dst(%dma_wait3A_2290 : memref<10000x64xf32, #tpu.memory_space<vmem_shared>>)
      %dma_wait3A_2291 = arith.constant 2 : i32
      %dma_wait3A_2292 = arith.constant 2 : i32
      %dma_wait3A_2293 = arith.constant 0 : i32
      %dma_wait3A_2294 = arith.constant 0 : i32
      %dma_wait3A_2295 = tpu.memref_slice %arg13[%dma_wait3A_2291, %dma_wait3A_2293, %dma_wait3A_2294] : memref<4x128x16xf32, #tpu.memory_space<vmem>> -> memref<1x128x16xf32, #tpu.memory_space<vmem>>
      %dma_wait3A_2296 = tpu.memref_squeeze %dma_wait3A_2295 : memref<1x128x16xf32, #tpu.memory_space<vmem>> -> memref<128x16xf32, #tpu.memory_space<vmem>>
      %dma_wait3A_2297 = arith.constant 0 : i32
      %dma_wait3A_2298 = tpu.memref_slice %arg11[%dma_wait3A_2292, %dma_wait3A_2297] : memref<4x128xi32, #tpu.memory_space<vmem>> -> memref<1x128xi32, #tpu.memory_space<vmem>>
      %dma_wait3A_2299 = tpu.memref_squeeze %dma_wait3A_2298 : memref<1x128xi32, #tpu.memory_space<vmem>> -> memref<128xi32, #tpu.memory_space<vmem>>
      %dma_wait3A_2300 = arith.constant 0 : i32
      %dma_wait3A_2301 = arith.constant 0 : i32
      %dma_wait3A_2302 = tpu.memref_slice %arg15[%dma_wait3A_2300, %dma_wait3A_2301] : memref<10000x16xf32, #tpu.memory_space<vmem_shared>> -> memref<10000x16xf32, #tpu.memory_space<vmem_shared>>
      tpu.wait_indirect_dma semaphore(%arg30 : memref<!tpu.dma_semaphore, #tpu.memory_space<semaphore_mem>>) src(%dma_wait3A_2296 : memref<128x16xf32, #tpu.memory_space<vmem>>) dst(%dma_wait3A_2302 : memref<10000x16xf32, #tpu.memory_space<vmem_shared>>)
      %add3A_2303 = arith.constant 2 : i32
      %add3A_2304 = arith.addi %add3A_2075, %add3A_2303 : i32
      %mul3A_2305 = arith.constant 16 : i32
      %mul3A_2306 = arith.muli %add3A_2304, %mul3A_2305 : i32
      %add3A_2307 = arith.addi %mul3A_2306, %arg1 : i32
      %mul3A_2308 = arith.constant 128 : i32
      %mul3A_2309 = arith.muli %add3A_2307, %mul3A_2308 : i32
      %dma_start3A_2310 = arith.constant 2 : i32
      %dma_start3A_2311 = arith.constant 0 : i32
      %dma_start3A_2312 = tpu.memref_slice %arg10[%dma_start3A_2310, %dma_start3A_2311] : memref<4x128xi32, #tpu.memory_space<vmem>> -> memref<1x128xi32, #tpu.memory_space<vmem>>
      %dma_start3A_2313 = tpu.memref_squeeze %dma_start3A_2312 : memref<1x128xi32, #tpu.memory_space<vmem>> -> memref<128xi32, #tpu.memory_space<vmem>>
      %dma_start3A_2314 = tpu.memref_slice %arg3[%mul3A_2309] : memref<320000xi32, #tpu.memory_space<hbm>> -> memref<128xi32, #tpu.memory_space<hbm>>
      %dma_start3A_2315 = arith.constant 0 : i32
      %dma_start3A_2316 = tpu.memref_slice %arg10[%dma_start3A_2310, %dma_start3A_2315] : memref<4x128xi32, #tpu.memory_space<vmem>> -> memref<1x128xi32, #tpu.memory_space<vmem>>
      %dma_start3A_2317 = tpu.memref_squeeze %dma_start3A_2316 : memref<1x128xi32, #tpu.memory_space<vmem>> -> memref<128xi32, #tpu.memory_space<vmem>>
      %dma_start3A_2318 = tpu.memref_slice %arg3[%mul3A_2309] : memref<320000xi32, #tpu.memory_space<hbm>> -> memref<128xi32, #tpu.memory_space<hbm>>
      tpu.enqueue_dma source(%dma_start3A_2318 : memref<128xi32, #tpu.memory_space<hbm>>) target(%dma_start3A_2317 : memref<128xi32, #tpu.memory_space<vmem>>) target_semaphore(%arg18 : memref<!tpu.dma_semaphore, #tpu.memory_space<semaphore_mem>>)
      %dma_start3A_2319 = arith.constant 2 : i32
      %dma_start3A_2320 = arith.constant 0 : i32
      %dma_start3A_2321 = tpu.memref_slice %arg11[%dma_start3A_2319, %dma_start3A_2320] : memref<4x128xi32, #tpu.memory_space<vmem>> -> memref<1x128xi32, #tpu.memory_space<vmem>>
      %dma_start3A_2322 = tpu.memref_squeeze %dma_start3A_2321 : memref<1x128xi32, #tpu.memory_space<vmem>> -> memref<128xi32, #tpu.memory_space<vmem>>
      %dma_start3A_2323 = tpu.memref_slice %arg4[%mul3A_2309] : memref<320000xi32, #tpu.memory_space<hbm>> -> memref<128xi32, #tpu.memory_space<hbm>>
      %dma_start3A_2324 = arith.constant 0 : i32
      %dma_start3A_2325 = tpu.memref_slice %arg11[%dma_start3A_2319, %dma_start3A_2324] : memref<4x128xi32, #tpu.memory_space<vmem>> -> memref<1x128xi32, #tpu.memory_space<vmem>>
      %dma_start3A_2326 = tpu.memref_squeeze %dma_start3A_2325 : memref<1x128xi32, #tpu.memory_space<vmem>> -> memref<128xi32, #tpu.memory_space<vmem>>
      %dma_start3A_2327 = tpu.memref_slice %arg4[%mul3A_2309] : memref<320000xi32, #tpu.memory_space<hbm>> -> memref<128xi32, #tpu.memory_space<hbm>>
      tpu.enqueue_dma source(%dma_start3A_2327 : memref<128xi32, #tpu.memory_space<hbm>>) target(%dma_start3A_2326 : memref<128xi32, #tpu.memory_space<vmem>>) target_semaphore(%arg18 : memref<!tpu.dma_semaphore, #tpu.memory_space<semaphore_mem>>)
      %eq3A_2328 = arith.constant 0 : i32
      %eq3A_2329 = arith.cmpi eq, %arg0, %eq3A_2328 : i32
      %convert_element_type3A_2330 = arith.extui %eq3A_2329 : i1 to i32
      %cond3A_2331 = arith.constant 0 : i32
      %cond3A_2332 = arith.cmpi ne, %convert_element_type3A_2330, %cond3A_2331 : i32
      scf.if %cond3A_2332 {
        %dma_start3A_3122 = arith.constant 2 : i32
        %dma_start3A_3123 = arith.constant 0 : i32
        %dma_start3A_3124 = arith.constant 0 : i32
        %dma_start3A_3125 = tpu.memref_slice %arg13[%dma_start3A_3122, %dma_start3A_3123, %dma_start3A_3124] : memref<4x128x16xf32, #tpu.memory_space<vmem>> -> memref<1x128x16xf32, #tpu.memory_space<vmem>>
        %dma_start3A_3126 = tpu.memref_squeeze %dma_start3A_3125 : memref<1x128x16xf32, #tpu.memory_space<vmem>> -> memref<128x16xf32, #tpu.memory_space<vmem>>
        %dma_start3A_3127 = arith.constant 0 : i32
        %dma_start3A_3128 = tpu.memref_slice %arg5[%mul3A_2309, %dma_start3A_3127] : memref<320000x16xf32, #tpu.memory_space<hbm>> -> memref<128x16xf32, #tpu.memory_space<hbm>>
        %dma_start3A_3129 = arith.constant 0 : i32
        %dma_start3A_3130 = arith.constant 0 : i32
        %dma_start3A_3131 = tpu.memref_slice %arg13[%dma_start3A_3122, %dma_start3A_3129, %dma_start3A_3130] : memref<4x128x16xf32, #tpu.memory_space<vmem>> -> memref<1x128x16xf32, #tpu.memory_space<vmem>>
        %dma_start3A_3132 = tpu.memref_squeeze %dma_start3A_3131 : memref<1x128x16xf32, #tpu.memory_space<vmem>> -> memref<128x16xf32, #tpu.memory_space<vmem>>
        %dma_start3A_3133 = arith.constant 0 : i32
        %dma_start3A_3134 = tpu.memref_slice %arg5[%mul3A_2309, %dma_start3A_3133] : memref<320000x16xf32, #tpu.memory_space<hbm>> -> memref<128x16xf32, #tpu.memory_space<hbm>>
        tpu.enqueue_dma source(%dma_start3A_3134 : memref<128x16xf32, #tpu.memory_space<hbm>>) target(%dma_start3A_3132 : memref<128x16xf32, #tpu.memory_space<vmem>>) target_semaphore(%arg22 : memref<!tpu.dma_semaphore, #tpu.memory_space<semaphore_mem>>)
      } else {
      }
      %mul3A_2333 = arith.constant 4 : i32
      %mul3A_2334 = arith.muli %add3A_2069, %mul3A_2333 : i32
      %add3A_2335 = arith.constant 4 : i32
      %add3A_2336 = arith.addi %add3A_2335, %mul3A_2334 : i32
      %add3A_2337 = arith.constant 1 : i32
      %add3A_2338 = arith.addi %add3A_2336, %add3A_2337 : i32
      %dma_wait3A_2339 = arith.constant 1 : i32
      %dma_wait3A_2340 = arith.constant 0 : i32
      %dma_wait3A_2341 = tpu.memref_slice %arg10[%dma_wait3A_2339, %dma_wait3A_2340] : memref<4x128xi32, #tpu.memory_space<vmem>> -> memref<1x128xi32, #tpu.memory_space<vmem>>
      %dma_wait3A_2342 = tpu.memref_squeeze %dma_wait3A_2341 : memref<1x128xi32, #tpu.memory_space<vmem>> -> memref<128xi32, #tpu.memory_space<vmem>>
      %dma_wait3A_2343 = arith.constant 0 : i32
      %dma_wait3A_2344 = tpu.memref_slice %arg3[%dma_wait3A_2343] : memref<320000xi32, #tpu.memory_space<hbm>> -> memref<128xi32, #tpu.memory_space<hbm>>
      %dma_wait3A_2345 = arith.constant 0 : i32
      %dma_wait3A_2346 = tpu.memref_slice %arg10[%dma_wait3A_2339, %dma_wait3A_2345] : memref<4x128xi32, #tpu.memory_space<vmem>> -> memref<1x128xi32, #tpu.memory_space<vmem>>
      %dma_wait3A_2347 = tpu.memref_squeeze %dma_wait3A_2346 : memref<1x128xi32, #tpu.memory_space<vmem>> -> memref<128xi32, #tpu.memory_space<vmem>>
      %dma_wait3A_2348 = arith.constant 0 : i32
      %dma_wait3A_2349 = tpu.memref_slice %arg3[%dma_wait3A_2348] : memref<320000xi32, #tpu.memory_space<hbm>> -> memref<128xi32, #tpu.memory_space<hbm>>
      tpu.wait_dma2 semaphore(%arg17 : memref<!tpu.dma_semaphore, #tpu.memory_space<semaphore_mem>>) src(%dma_wait3A_2349 : memref<128xi32, #tpu.memory_space<hbm>>) dst(%dma_wait3A_2347 : memref<128xi32, #tpu.memory_space<vmem>>)
      %dma_wait3A_2350 = arith.constant 1 : i32
      %dma_wait3A_2351 = arith.constant 0 : i32
      %dma_wait3A_2352 = tpu.memref_slice %arg11[%dma_wait3A_2350, %dma_wait3A_2351] : memref<4x128xi32, #tpu.memory_space<vmem>> -> memref<1x128xi32, #tpu.memory_space<vmem>>
      %dma_wait3A_2353 = tpu.memref_squeeze %dma_wait3A_2352 : memref<1x128xi32, #tpu.memory_space<vmem>> -> memref<128xi32, #tpu.memory_space<vmem>>
      %dma_wait3A_2354 = arith.constant 0 : i32
      %dma_wait3A_2355 = tpu.memref_slice %arg4[%dma_wait3A_2354] : memref<320000xi32, #tpu.memory_space<hbm>> -> memref<128xi32, #tpu.memory_space<hbm>>
      %dma_wait3A_2356 = arith.constant 0 : i32
      %dma_wait3A_2357 = tpu.memref_slice %arg11[%dma_wait3A_2350, %dma_wait3A_2356] : memref<4x128xi32, #tpu.memory_space<vmem>> -> memref<1x128xi32, #tpu.memory_space<vmem>>
      %dma_wait3A_2358 = tpu.memref_squeeze %dma_wait3A_2357 : memref<1x128xi32, #tpu.memory_space<vmem>> -> memref<128xi32, #tpu.memory_space<vmem>>
      %dma_wait3A_2359 = arith.constant 0 : i32
      %dma_wait3A_2360 = tpu.memref_slice %arg4[%dma_wait3A_2359] : memref<320000xi32, #tpu.memory_space<hbm>> -> memref<128xi32, #tpu.memory_space<hbm>>
      tpu.wait_dma2 semaphore(%arg17 : memref<!tpu.dma_semaphore, #tpu.memory_space<semaphore_mem>>) src(%dma_wait3A_2360 : memref<128xi32, #tpu.memory_space<hbm>>) dst(%dma_wait3A_2358 : memref<128xi32, #tpu.memory_space<vmem>>)
      %get3A_2361 = arith.constant 1 : i32
      %get3A_2362 = arith.index_cast %get3A_2361 : i32 to index
      %get3A_2363 = arith.constant 0 : index
      %get3A_2364 = tpu.vector_load %arg10[%get3A_2362, %get3A_2363] {strides = array<i32>} : memref<4x128xi32, #tpu.memory_space<vmem>>, vector<1x16xi32>,
      %get3A_2365 = vector.shape_cast %get3A_2364 : vector<1x16xi32> to vector<16xi32>
      %mul3A_2366 = arith.constant 2 : i32
      %mul3A_2367 = vector.broadcast %mul3A_2366 : i32 to vector<16xi32>
      %mul3A_2368 = arith.muli %get3A_2365, %mul3A_2367 : vector<16xi32>
      %add3A_2369 = vector.broadcast %arg0 : i32 to vector<16xi32>
      %add3A_2370 = arith.addi %mul3A_2368, %add3A_2369 : vector<16xi32>
      %swap3A_2371 = arith.constant 1 : i32
      %swap3A_2372 = arith.index_cast %swap3A_2371 : i32 to index
      %swap3A_2373 = arith.constant 0 : index
      %swap3A_2374 = tpu.vector_load %arg10[%swap3A_2372, %swap3A_2373] {strides = array<i32>} : memref<4x128xi32, #tpu.memory_space<vmem>>, vector<1x16xi32>,
      %swap3A_2375 = vector.shape_cast %swap3A_2374 : vector<1x16xi32> to vector<16xi32>
      %swap3A_2376 = vector.shape_cast %add3A_2370 : vector<16xi32> to vector<1x16xi32>
      tpu.vector_store %arg10[%swap3A_2372, %swap3A_2373], %swap3A_2376 {strides = array<i32>} : memref<4x128xi32, #tpu.memory_space<vmem>>, vector<1x16xi32>,
      %get3A_2377 = arith.constant 1 : i32
      %get3A_2378 = arith.index_cast %get3A_2377 : i32 to index
      %get3A_2379 = arith.constant 16 : index
      %get3A_2380 = tpu.vector_load %arg10[%get3A_2378, %get3A_2379] {strides = array<i32>} : memref<4x128xi32, #tpu.memory_space<vmem>>, vector<1x16xi32>,
      %get3A_2381 = vector.shape_cast %get3A_2380 : vector<1x16xi32> to vector<16xi32>
      %mul3A_2382 = arith.constant 2 : i32
      %mul3A_2383 = vector.broadcast %mul3A_2382 : i32 to vector<16xi32>
      %mul3A_2384 = arith.muli %get3A_2381, %mul3A_2383 : vector<16xi32>
      %add3A_2385 = vector.broadcast %arg0 : i32 to vector<16xi32>
      %add3A_2386 = arith.addi %mul3A_2384, %add3A_2385 : vector<16xi32>
      %swap3A_2387 = arith.constant 1 : i32
      %swap3A_2388 = arith.index_cast %swap3A_2387 : i32 to index
      %swap3A_2389 = arith.constant 16 : index
      %swap3A_2390 = tpu.vector_load %arg10[%swap3A_2388, %swap3A_2389] {strides = array<i32>} : memref<4x128xi32, #tpu.memory_space<vmem>>, vector<1x16xi32>,
      %swap3A_2391 = vector.shape_cast %swap3A_2390 : vector<1x16xi32> to vector<16xi32>
      %swap3A_2392 = vector.shape_cast %add3A_2386 : vector<16xi32> to vector<1x16xi32>
      tpu.vector_store %arg10[%swap3A_2388, %swap3A_2389], %swap3A_2392 {strides = array<i32>} : memref<4x128xi32, #tpu.memory_space<vmem>>, vector<1x16xi32>,
      %get3A_2393 = arith.constant 1 : i32
      %get3A_2394 = arith.index_cast %get3A_2393 : i32 to index
      %get3A_2395 = arith.constant 32 : index
      %get3A_2396 = tpu.vector_load %arg10[%get3A_2394, %get3A_2395] {strides = array<i32>} : memref<4x128xi32, #tpu.memory_space<vmem>>, vector<1x16xi32>,
      %get3A_2397 = vector.shape_cast %get3A_2396 : vector<1x16xi32> to vector<16xi32>
      %mul3A_2398 = arith.constant 2 : i32
      %mul3A_2399 = vector.broadcast %mul3A_2398 : i32 to vector<16xi32>
      %mul3A_2400 = arith.muli %get3A_2397, %mul3A_2399 : vector<16xi32>
      %add3A_2401 = vector.broadcast %arg0 : i32 to vector<16xi32>
      %add3A_2402 = arith.addi %mul3A_2400, %add3A_2401 : vector<16xi32>
      %swap3A_2403 = arith.constant 1 : i32
      %swap3A_2404 = arith.index_cast %swap3A_2403 : i32 to index
      %swap3A_2405 = arith.constant 32 : index
      %swap3A_2406 = tpu.vector_load %arg10[%swap3A_2404, %swap3A_2405] {strides = array<i32>} : memref<4x128xi32, #tpu.memory_space<vmem>>, vector<1x16xi32>,
      %swap3A_2407 = vector.shape_cast %swap3A_2406 : vector<1x16xi32> to vector<16xi32>
      %swap3A_2408 = vector.shape_cast %add3A_2402 : vector<16xi32> to vector<1x16xi32>
      tpu.vector_store %arg10[%swap3A_2404, %swap3A_2405], %swap3A_2408 {strides = array<i32>} : memref<4x128xi32, #tpu.memory_space<vmem>>, vector<1x16xi32>,
      %get3A_2409 = arith.constant 1 : i32
      %get3A_2410 = arith.index_cast %get3A_2409 : i32 to index
      %get3A_2411 = arith.constant 48 : index
      %get3A_2412 = tpu.vector_load %arg10[%get3A_2410, %get3A_2411] {strides = array<i32>} : memref<4x128xi32, #tpu.memory_space<vmem>>, vector<1x16xi32>,
      %get3A_2413 = vector.shape_cast %get3A_2412 : vector<1x16xi32> to vector<16xi32>
      %mul3A_2414 = arith.constant 2 : i32
      %mul3A_2415 = vector.broadcast %mul3A_2414 : i32 to vector<16xi32>
      %mul3A_2416 = arith.muli %get3A_2413, %mul3A_2415 : vector<16xi32>
      %add3A_2417 = vector.broadcast %arg0 : i32 to vector<16xi32>
      %add3A_2418 = arith.addi %mul3A_2416, %add3A_2417 : vector<16xi32>
      %swap3A_2419 = arith.constant 1 : i32
      %swap3A_2420 = arith.index_cast %swap3A_2419 : i32 to index
      %swap3A_2421 = arith.constant 48 : index
      %swap3A_2422 = tpu.vector_load %arg10[%swap3A_2420, %swap3A_2421] {strides = array<i32>} : memref<4x128xi32, #tpu.memory_space<vmem>>, vector<1x16xi32>,
      %swap3A_2423 = vector.shape_cast %swap3A_2422 : vector<1x16xi32> to vector<16xi32>
      %swap3A_2424 = vector.shape_cast %add3A_2418 : vector<16xi32> to vector<1x16xi32>
      tpu.vector_store %arg10[%swap3A_2420, %swap3A_2421], %swap3A_2424 {strides = array<i32>} : memref<4x128xi32, #tpu.memory_space<vmem>>, vector<1x16xi32>,
      %get3A_2425 = arith.constant 1 : i32
      %get3A_2426 = arith.index_cast %get3A_2425 : i32 to index
      %get3A_2427 = arith.constant 64 : index
      %get3A_2428 = tpu.vector_load %arg10[%get3A_2426, %get3A_2427] {strides = array<i32>} : memref<4x128xi32, #tpu.memory_space<vmem>>, vector<1x16xi32>,
      %get3A_2429 = vector.shape_cast %get3A_2428 : vector<1x16xi32> to vector<16xi32>
      %mul3A_2430 = arith.constant 2 : i32
      %mul3A_2431 = vector.broadcast %mul3A_2430 : i32 to vector<16xi32>
      %mul3A_2432 = arith.muli %get3A_2429, %mul3A_2431 : vector<16xi32>
      %add3A_2433 = vector.broadcast %arg0 : i32 to vector<16xi32>
      %add3A_2434 = arith.addi %mul3A_2432, %add3A_2433 : vector<16xi32>
      %swap3A_2435 = arith.constant 1 : i32
      %swap3A_2436 = arith.index_cast %swap3A_2435 : i32 to index
      %swap3A_2437 = arith.constant 64 : index
      %swap3A_2438 = tpu.vector_load %arg10[%swap3A_2436, %swap3A_2437] {strides = array<i32>} : memref<4x128xi32, #tpu.memory_space<vmem>>, vector<1x16xi32>,
      %swap3A_2439 = vector.shape_cast %swap3A_2438 : vector<1x16xi32> to vector<16xi32>
      %swap3A_2440 = vector.shape_cast %add3A_2434 : vector<16xi32> to vector<1x16xi32>
      tpu.vector_store %arg10[%swap3A_2436, %swap3A_2437], %swap3A_2440 {strides = array<i32>} : memref<4x128xi32, #tpu.memory_space<vmem>>, vector<1x16xi32>,
      %get3A_2441 = arith.constant 1 : i32
      %get3A_2442 = arith.index_cast %get3A_2441 : i32 to index
      %get3A_2443 = arith.constant 80 : index
      %get3A_2444 = tpu.vector_load %arg10[%get3A_2442, %get3A_2443] {strides = array<i32>} : memref<4x128xi32, #tpu.memory_space<vmem>>, vector<1x16xi32>,
      %get3A_2445 = vector.shape_cast %get3A_2444 : vector<1x16xi32> to vector<16xi32>
      %mul3A_2446 = arith.constant 2 : i32
      %mul3A_2447 = vector.broadcast %mul3A_2446 : i32 to vector<16xi32>
      %mul3A_2448 = arith.muli %get3A_2445, %mul3A_2447 : vector<16xi32>
      %add3A_2449 = vector.broadcast %arg0 : i32 to vector<16xi32>
      %add3A_2450 = arith.addi %mul3A_2448, %add3A_2449 : vector<16xi32>
      %swap3A_2451 = arith.constant 1 : i32
      %swap3A_2452 = arith.index_cast %swap3A_2451 : i32 to index
      %swap3A_2453 = arith.constant 80 : index
      %swap3A_2454 = tpu.vector_load %arg10[%swap3A_2452, %swap3A_2453] {strides = array<i32>} : memref<4x128xi32, #tpu.memory_space<vmem>>, vector<1x16xi32>,
      %swap3A_2455 = vector.shape_cast %swap3A_2454 : vector<1x16xi32> to vector<16xi32>
      %swap3A_2456 = vector.shape_cast %add3A_2450 : vector<16xi32> to vector<1x16xi32>
      tpu.vector_store %arg10[%swap3A_2452, %swap3A_2453], %swap3A_2456 {strides = array<i32>} : memref<4x128xi32, #tpu.memory_space<vmem>>, vector<1x16xi32>,
      %get3A_2457 = arith.constant 1 : i32
      %get3A_2458 = arith.index_cast %get3A_2457 : i32 to index
      %get3A_2459 = arith.constant 96 : index
      %get3A_2460 = tpu.vector_load %arg10[%get3A_2458, %get3A_2459] {strides = array<i32>} : memref<4x128xi32, #tpu.memory_space<vmem>>, vector<1x16xi32>,
      %get3A_2461 = vector.shape_cast %get3A_2460 : vector<1x16xi32> to vector<16xi32>
      %mul3A_2462 = arith.constant 2 : i32
      %mul3A_2463 = vector.broadcast %mul3A_2462 : i32 to vector<16xi32>
      %mul3A_2464 = arith.muli %get3A_2461, %mul3A_2463 : vector<16xi32>
      %add3A_2465 = vector.broadcast %arg0 : i32 to vector<16xi32>
      %add3A_2466 = arith.addi %mul3A_2464, %add3A_2465 : vector<16xi32>
      %swap3A_2467 = arith.constant 1 : i32
      %swap3A_2468 = arith.index_cast %swap3A_2467 : i32 to index
      %swap3A_2469 = arith.constant 96 : index
      %swap3A_2470 = tpu.vector_load %arg10[%swap3A_2468, %swap3A_2469] {strides = array<i32>} : memref<4x128xi32, #tpu.memory_space<vmem>>, vector<1x16xi32>,
      %swap3A_2471 = vector.shape_cast %swap3A_2470 : vector<1x16xi32> to vector<16xi32>
      %swap3A_2472 = vector.shape_cast %add3A_2466 : vector<16xi32> to vector<1x16xi32>
      tpu.vector_store %arg10[%swap3A_2468, %swap3A_2469], %swap3A_2472 {strides = array<i32>} : memref<4x128xi32, #tpu.memory_space<vmem>>, vector<1x16xi32>,
      %get3A_2473 = arith.constant 1 : i32
      %get3A_2474 = arith.index_cast %get3A_2473 : i32 to index
      %get3A_2475 = arith.constant 112 : index
      %get3A_2476 = tpu.vector_load %arg10[%get3A_2474, %get3A_2475] {strides = array<i32>} : memref<4x128xi32, #tpu.memory_space<vmem>>, vector<1x16xi32>,
      %get3A_2477 = vector.shape_cast %get3A_2476 : vector<1x16xi32> to vector<16xi32>
      %mul3A_2478 = arith.constant 2 : i32
      %mul3A_2479 = vector.broadcast %mul3A_2478 : i32 to vector<16xi32>
      %mul3A_2480 = arith.muli %get3A_2477, %mul3A_2479 : vector<16xi32>
      %add3A_2481 = vector.broadcast %arg0 : i32 to vector<16xi32>
      %add3A_2482 = arith.addi %mul3A_2480, %add3A_2481 : vector<16xi32>
      %swap3A_2483 = arith.constant 1 : i32
      %swap3A_2484 = arith.index_cast %swap3A_2483 : i32 to index
      %swap3A_2485 = arith.constant 112 : index
      %swap3A_2486 = tpu.vector_load %arg10[%swap3A_2484, %swap3A_2485] {strides = array<i32>} : memref<4x128xi32, #tpu.memory_space<vmem>>, vector<1x16xi32>,
      %swap3A_2487 = vector.shape_cast %swap3A_2486 : vector<1x16xi32> to vector<16xi32>
      %swap3A_2488 = vector.shape_cast %add3A_2482 : vector<16xi32> to vector<1x16xi32>
      tpu.vector_store %arg10[%swap3A_2484, %swap3A_2485], %swap3A_2488 {strides = array<i32>} : memref<4x128xi32, #tpu.memory_space<vmem>>, vector<1x16xi32>,
      %dma_start3A_2489 = arith.constant 1 : i32
      %dma_start3A_2490 = arith.constant 1 : i32
      %dma_start3A_2491 = arith.constant 0 : i32
      %dma_start3A_2492 = arith.constant 0 : i32
      %dma_start3A_2493 = tpu.memref_slice %arg12[%dma_start3A_2490, %dma_start3A_2491, %dma_start3A_2492] : memref<4x128x64xf32, #tpu.memory_space<vmem>> -> memref<1x128x64xf32, #tpu.memory_space<vmem>>
      %dma_start3A_2494 = tpu.memref_squeeze %dma_start3A_2493 : memref<1x128x64xf32, #tpu.memory_space<vmem>> -> memref<128x64xf32, #tpu.memory_space<vmem>>
      %dma_start3A_2495 = arith.constant 0 : i32
      %dma_start3A_2496 = tpu.memref_slice %arg10[%dma_start3A_2489, %dma_start3A_2495] : memref<4x128xi32, #tpu.memory_space<vmem>> -> memref<1x128xi32, #tpu.memory_space<vmem>>
      %dma_start3A_2497 = tpu.memref_squeeze %dma_start3A_2496 : memref<1x128xi32, #tpu.memory_space<vmem>> -> memref<128xi32, #tpu.memory_space<vmem>>
      %dma_start3A_2498 = arith.constant 0 : i32
      %dma_start3A_2499 = arith.constant 0 : i32
      %dma_start3A_2500 = tpu.memref_slice %arg2[%dma_start3A_2498, %dma_start3A_2499] : memref<20000x64xf32, #tpu.memory_space<hbm>> -> memref<20000x64xf32, #tpu.memory_space<hbm>>
      tpu.enqueue_indirect_dma source(%dma_start3A_2500 : memref<20000x64xf32, #tpu.memory_space<hbm>>) target(%dma_start3A_2494 : memref<128x64xf32, #tpu.memory_space<vmem>>) offsets(%dma_start3A_2497 : memref<128xi32, #tpu.memory_space<vmem>>) semaphore(%arg25 : memref<!tpu.dma_semaphore, #tpu.memory_space<semaphore_mem>>)
      %dma_wait3A_2501 = arith.constant 0 : i32
      %dma_wait3A_2502 = arith.constant 0 : i32
      %dma_wait3A_2503 = arith.constant 0 : i32
      %dma_wait3A_2504 = arith.constant 0 : i32
      %dma_wait3A_2505 = tpu.memref_slice %arg12[%dma_wait3A_2502, %dma_wait3A_2503, %dma_wait3A_2504] : memref<4x128x64xf32, #tpu.memory_space<vmem>> -> memref<1x128x64xf32, #tpu.memory_space<vmem>>
      %dma_wait3A_2506 = tpu.memref_squeeze %dma_wait3A_2505 : memref<1x128x64xf32, #tpu.memory_space<vmem>> -> memref<128x64xf32, #tpu.memory_space<vmem>>
      %dma_wait3A_2507 = arith.constant 0 : i32
      %dma_wait3A_2508 = tpu.memref_slice %arg10[%dma_wait3A_2501, %dma_wait3A_2507] : memref<4x128xi32, #tpu.memory_space<vmem>> -> memref<1x128xi32, #tpu.memory_space<vmem>>
      %dma_wait3A_2509 = tpu.memref_squeeze %dma_wait3A_2508 : memref<1x128xi32, #tpu.memory_space<vmem>> -> memref<128xi32, #tpu.memory_space<vmem>>
      %dma_wait3A_2510 = arith.constant 0 : i32
      %dma_wait3A_2511 = arith.constant 0 : i32
      %dma_wait3A_2512 = tpu.memref_slice %arg2[%dma_wait3A_2510, %dma_wait3A_2511] : memref<20000x64xf32, #tpu.memory_space<hbm>> -> memref<20000x64xf32, #tpu.memory_space<hbm>>
      tpu.wait_indirect_dma semaphore(%arg24 : memref<!tpu.dma_semaphore, #tpu.memory_space<semaphore_mem>>) src(%dma_wait3A_2512 : memref<20000x64xf32, #tpu.memory_space<hbm>>) dst(%dma_wait3A_2506 : memref<128x64xf32, #tpu.memory_space<vmem>>)
      %eq3A_2513 = arith.constant 0 : i32
      %eq3A_2514 = arith.cmpi eq, %arg0, %eq3A_2513 : i32
      %convert_element_type3A_2515 = arith.extui %eq3A_2514 : i1 to i32
      %cond3A_2516 = arith.constant 0 : i32
      %cond3A_2517 = arith.cmpi ne, %convert_element_type3A_2515, %cond3A_2516 : i32
      scf.if %cond3A_2517 {
        %dma_wait3A_3122 = arith.constant 0 : i32
        %dma_wait3A_3123 = arith.constant 0 : i32
        %dma_wait3A_3124 = arith.constant 0 : i32
        %dma_wait3A_3125 = tpu.memref_slice %arg13[%dma_wait3A_3122, %dma_wait3A_3123, %dma_wait3A_3124] : memref<4x128x16xf32, #tpu.memory_space<vmem>> -> memref<1x128x16xf32, #tpu.memory_space<vmem>>
        %dma_wait3A_3126 = tpu.memref_squeeze %dma_wait3A_3125 : memref<1x128x16xf32, #tpu.memory_space<vmem>> -> memref<128x16xf32, #tpu.memory_space<vmem>>
        %dma_wait3A_3127 = arith.constant 0 : i32
        %dma_wait3A_3128 = arith.constant 0 : i32
        %dma_wait3A_3129 = tpu.memref_slice %arg5[%dma_wait3A_3127, %dma_wait3A_3128] : memref<320000x16xf32, #tpu.memory_space<hbm>> -> memref<128x16xf32, #tpu.memory_space<hbm>>
        %dma_wait3A_3130 = arith.constant 0 : i32
        %dma_wait3A_3131 = arith.constant 0 : i32
        %dma_wait3A_3132 = tpu.memref_slice %arg13[%dma_wait3A_3122, %dma_wait3A_3130, %dma_wait3A_3131] : memref<4x128x16xf32, #tpu.memory_space<vmem>> -> memref<1x128x16xf32, #tpu.memory_space<vmem>>
        %dma_wait3A_3133 = tpu.memref_squeeze %dma_wait3A_3132 : memref<1x128x16xf32, #tpu.memory_space<vmem>> -> memref<128x16xf32, #tpu.memory_space<vmem>>
        %dma_wait3A_3134 = arith.constant 0 : i32
        %dma_wait3A_3135 = arith.constant 0 : i32
        %dma_wait3A_3136 = tpu.memref_slice %arg5[%dma_wait3A_3134, %dma_wait3A_3135] : memref<320000x16xf32, #tpu.memory_space<hbm>> -> memref<128x16xf32, #tpu.memory_space<hbm>>
        tpu.wait_dma2 semaphore(%arg20 : memref<!tpu.dma_semaphore, #tpu.memory_space<semaphore_mem>>) src(%dma_wait3A_3136 : memref<128x16xf32, #tpu.memory_space<hbm>>) dst(%dma_wait3A_3133 : memref<128x16xf32, #tpu.memory_space<vmem>>)
      } else {
      }
      %dma_start3A_2518 = arith.constant 0 : i32
      %dma_start3A_2519 = arith.constant 0 : i32
      %dma_start3A_2520 = arith.constant 0 : i32
      %dma_start3A_2521 = arith.constant 0 : i32
      %dma_start3A_2522 = tpu.memref_slice %arg12[%dma_start3A_2518, %dma_start3A_2520, %dma_start3A_2521] : memref<4x128x64xf32, #tpu.memory_space<vmem>> -> memref<1x128x64xf32, #tpu.memory_space<vmem>>
      %dma_start3A_2523 = tpu.memref_squeeze %dma_start3A_2522 : memref<1x128x64xf32, #tpu.memory_space<vmem>> -> memref<128x64xf32, #tpu.memory_space<vmem>>
      %dma_start3A_2524 = arith.constant 0 : i32
      %dma_start3A_2525 = tpu.memref_slice %arg11[%dma_start3A_2519, %dma_start3A_2524] : memref<4x128xi32, #tpu.memory_space<vmem>> -> memref<1x128xi32, #tpu.memory_space<vmem>>
      %dma_start3A_2526 = tpu.memref_squeeze %dma_start3A_2525 : memref<1x128xi32, #tpu.memory_space<vmem>> -> memref<128xi32, #tpu.memory_space<vmem>>
      %dma_start3A_2527 = arith.constant 0 : i32
      %dma_start3A_2528 = arith.constant 0 : i32
      %dma_start3A_2529 = tpu.memref_slice %arg14[%dma_start3A_2527, %dma_start3A_2528] : memref<10000x64xf32, #tpu.memory_space<vmem_shared>> -> memref<10000x64xf32, #tpu.memory_space<vmem_shared>>
      tpu.enqueue_indirect_dma source(%dma_start3A_2523 : memref<128x64xf32, #tpu.memory_space<vmem>>) target(%dma_start3A_2529 : memref<10000x64xf32, #tpu.memory_space<vmem_shared>>) offsets(%dma_start3A_2526 : memref<128xi32, #tpu.memory_space<vmem>>) semaphore(%arg28 : memref<!tpu.dma_semaphore, #tpu.memory_space<semaphore_mem>>) {add = true}
      %dma_start3A_2530 = arith.constant 0 : i32
      %dma_start3A_2531 = arith.constant 0 : i32
      %dma_start3A_2532 = arith.constant 0 : i32
      %dma_start3A_2533 = arith.constant 0 : i32
      %dma_start3A_2534 = tpu.memref_slice %arg13[%dma_start3A_2530, %dma_start3A_2532, %dma_start3A_2533] : memref<4x128x16xf32, #tpu.memory_space<vmem>> -> memref<1x128x16xf32, #tpu.memory_space<vmem>>
      %dma_start3A_2535 = tpu.memref_squeeze %dma_start3A_2534 : memref<1x128x16xf32, #tpu.memory_space<vmem>> -> memref<128x16xf32, #tpu.memory_space<vmem>>
      %dma_start3A_2536 = arith.constant 0 : i32
      %dma_start3A_2537 = tpu.memref_slice %arg11[%dma_start3A_2531, %dma_start3A_2536] : memref<4x128xi32, #tpu.memory_space<vmem>> -> memref<1x128xi32, #tpu.memory_space<vmem>>
      %dma_start3A_2538 = tpu.memref_squeeze %dma_start3A_2537 : memref<1x128xi32, #tpu.memory_space<vmem>> -> memref<128xi32, #tpu.memory_space<vmem>>
      %dma_start3A_2539 = arith.constant 0 : i32
      %dma_start3A_2540 = arith.constant 0 : i32
      %dma_start3A_2541 = tpu.memref_slice %arg15[%dma_start3A_2539, %dma_start3A_2540] : memref<10000x16xf32, #tpu.memory_space<vmem_shared>> -> memref<10000x16xf32, #tpu.memory_space<vmem_shared>>
      tpu.enqueue_indirect_dma source(%dma_start3A_2535 : memref<128x16xf32, #tpu.memory_space<vmem>>) target(%dma_start3A_2541 : memref<10000x16xf32, #tpu.memory_space<vmem_shared>>) offsets(%dma_start3A_2538 : memref<128xi32, #tpu.memory_space<vmem>>) semaphore(%arg28 : memref<!tpu.dma_semaphore, #tpu.memory_space<semaphore_mem>>) {add = true}
      %dma_wait3A_2542 = arith.constant 3 : i32
      %dma_wait3A_2543 = arith.constant 3 : i32
      %dma_wait3A_2544 = arith.constant 0 : i32
      %dma_wait3A_2545 = arith.constant 0 : i32
      %dma_wait3A_2546 = tpu.memref_slice %arg12[%dma_wait3A_2542, %dma_wait3A_2544, %dma_wait3A_2545] : memref<4x128x64xf32, #tpu.memory_space<vmem>> -> memref<1x128x64xf32, #tpu.memory_space<vmem>>
      %dma_wait3A_2547 = tpu.memref_squeeze %dma_wait3A_2546 : memref<1x128x64xf32, #tpu.memory_space<vmem>> -> memref<128x64xf32, #tpu.memory_space<vmem>>
      %dma_wait3A_2548 = arith.constant 0 : i32
      %dma_wait3A_2549 = tpu.memref_slice %arg11[%dma_wait3A_2543, %dma_wait3A_2548] : memref<4x128xi32, #tpu.memory_space<vmem>> -> memref<1x128xi32, #tpu.memory_space<vmem>>
      %dma_wait3A_2550 = tpu.memref_squeeze %dma_wait3A_2549 : memref<1x128xi32, #tpu.memory_space<vmem>> -> memref<128xi32, #tpu.memory_space<vmem>>
      %dma_wait3A_2551 = arith.constant 0 : i32
      %dma_wait3A_2552 = arith.constant 0 : i32
      %dma_wait3A_2553 = tpu.memref_slice %arg14[%dma_wait3A_2551, %dma_wait3A_2552] : memref<10000x64xf32, #tpu.memory_space<vmem_shared>> -> memref<10000x64xf32, #tpu.memory_space<vmem_shared>>
      tpu.wait_indirect_dma semaphore(%arg31 : memref<!tpu.dma_semaphore, #tpu.memory_space<semaphore_mem>>) src(%dma_wait3A_2547 : memref<128x64xf32, #tpu.memory_space<vmem>>) dst(%dma_wait3A_2553 : memref<10000x64xf32, #tpu.memory_space<vmem_shared>>)
      %dma_wait3A_2554 = arith.constant 3 : i32
      %dma_wait3A_2555 = arith.constant 3 : i32
      %dma_wait3A_2556 = arith.constant 0 : i32
      %dma_wait3A_2557 = arith.constant 0 : i32
      %dma_wait3A_2558 = tpu.memref_slice %arg13[%dma_wait3A_2554, %dma_wait3A_2556, %dma_wait3A_2557] : memref<4x128x16xf32, #tpu.memory_space<vmem>> -> memref<1x128x16xf32, #tpu.memory_space<vmem>>
      %dma_wait3A_2559 = tpu.memref_squeeze %dma_wait3A_2558 : memref<1x128x16xf32, #tpu.memory_space<vmem>> -> memref<128x16xf32, #tpu.memory_space<vmem>>
      %dma_wait3A_2560 = arith.constant 0 : i32
      %dma_wait3A_2561 = tpu.memref_slice %arg11[%dma_wait3A_2555, %dma_wait3A_2560] : memref<4x128xi32, #tpu.memory_space<vmem>> -> memref<1x128xi32, #tpu.memory_space<vmem>>
      %dma_wait3A_2562 = tpu.memref_squeeze %dma_wait3A_2561 : memref<1x128xi32, #tpu.memory_space<vmem>> -> memref<128xi32, #tpu.memory_space<vmem>>
      %dma_wait3A_2563 = arith.constant 0 : i32
      %dma_wait3A_2564 = arith.constant 0 : i32
      %dma_wait3A_2565 = tpu.memref_slice %arg15[%dma_wait3A_2563, %dma_wait3A_2564] : memref<10000x16xf32, #tpu.memory_space<vmem_shared>> -> memref<10000x16xf32, #tpu.memory_space<vmem_shared>>
      tpu.wait_indirect_dma semaphore(%arg31 : memref<!tpu.dma_semaphore, #tpu.memory_space<semaphore_mem>>) src(%dma_wait3A_2559 : memref<128x16xf32, #tpu.memory_space<vmem>>) dst(%dma_wait3A_2565 : memref<10000x16xf32, #tpu.memory_space<vmem_shared>>)
      %add3A_2566 = arith.constant 2 : i32
      %add3A_2567 = arith.addi %add3A_2338, %add3A_2566 : i32
      %mul3A_2568 = arith.constant 16 : i32
      %mul3A_2569 = arith.muli %add3A_2567, %mul3A_2568 : i32
      %add3A_2570 = arith.addi %mul3A_2569, %arg1 : i32
      %mul3A_2571 = arith.constant 128 : i32
      %mul3A_2572 = arith.muli %add3A_2570, %mul3A_2571 : i32
      %dma_start3A_2573 = arith.constant 3 : i32
      %dma_start3A_2574 = arith.constant 0 : i32
      %dma_start3A_2575 = tpu.memref_slice %arg10[%dma_start3A_2573, %dma_start3A_2574] : memref<4x128xi32, #tpu.memory_space<vmem>> -> memref<1x128xi32, #tpu.memory_space<vmem>>
      %dma_start3A_2576 = tpu.memref_squeeze %dma_start3A_2575 : memref<1x128xi32, #tpu.memory_space<vmem>> -> memref<128xi32, #tpu.memory_space<vmem>>
      %dma_start3A_2577 = tpu.memref_slice %arg3[%mul3A_2572] : memref<320000xi32, #tpu.memory_space<hbm>> -> memref<128xi32, #tpu.memory_space<hbm>>
      %dma_start3A_2578 = arith.constant 0 : i32
      %dma_start3A_2579 = tpu.memref_slice %arg10[%dma_start3A_2573, %dma_start3A_2578] : memref<4x128xi32, #tpu.memory_space<vmem>> -> memref<1x128xi32, #tpu.memory_space<vmem>>
      %dma_start3A_2580 = tpu.memref_squeeze %dma_start3A_2579 : memref<1x128xi32, #tpu.memory_space<vmem>> -> memref<128xi32, #tpu.memory_space<vmem>>
      %dma_start3A_2581 = tpu.memref_slice %arg3[%mul3A_2572] : memref<320000xi32, #tpu.memory_space<hbm>> -> memref<128xi32, #tpu.memory_space<hbm>>
      tpu.enqueue_dma source(%dma_start3A_2581 : memref<128xi32, #tpu.memory_space<hbm>>) target(%dma_start3A_2580 : memref<128xi32, #tpu.memory_space<vmem>>) target_semaphore(%arg19 : memref<!tpu.dma_semaphore, #tpu.memory_space<semaphore_mem>>)
      %dma_start3A_2582 = arith.constant 3 : i32
      %dma_start3A_2583 = arith.constant 0 : i32
      %dma_start3A_2584 = tpu.memref_slice %arg11[%dma_start3A_2582, %dma_start3A_2583] : memref<4x128xi32, #tpu.memory_space<vmem>> -> memref<1x128xi32, #tpu.memory_space<vmem>>
      %dma_start3A_2585 = tpu.memref_squeeze %dma_start3A_2584 : memref<1x128xi32, #tpu.memory_space<vmem>> -> memref<128xi32, #tpu.memory_space<vmem>>
      %dma_start3A_2586 = tpu.memref_slice %arg4[%mul3A_2572] : memref<320000xi32, #tpu.memory_space<hbm>> -> memref<128xi32, #tpu.memory_space<hbm>>
      %dma_start3A_2587 = arith.constant 0 : i32
      %dma_start3A_2588 = tpu.memref_slice %arg11[%dma_start3A_2582, %dma_start3A_2587] : memref<4x128xi32, #tpu.memory_space<vmem>> -> memref<1x128xi32, #tpu.memory_space<vmem>>
      %dma_start3A_2589 = tpu.memref_squeeze %dma_start3A_2588 : memref<1x128xi32, #tpu.memory_space<vmem>> -> memref<128xi32, #tpu.memory_space<vmem>>
      %dma_start3A_2590 = tpu.memref_slice %arg4[%mul3A_2572] : memref<320000xi32, #tpu.memory_space<hbm>> -> memref<128xi32, #tpu.memory_space<hbm>>
      tpu.enqueue_dma source(%dma_start3A_2590 : memref<128xi32, #tpu.memory_space<hbm>>) target(%dma_start3A_2589 : memref<128xi32, #tpu.memory_space<vmem>>) target_semaphore(%arg19 : memref<!tpu.dma_semaphore, #tpu.memory_space<semaphore_mem>>)
      %eq3A_2591 = arith.constant 0 : i32
      %eq3A_2592 = arith.cmpi eq, %arg0, %eq3A_2591 : i32
      %convert_element_type3A_2593 = arith.extui %eq3A_2592 : i1 to i32
      %cond3A_2594 = arith.constant 0 : i32
      %cond3A_2595 = arith.cmpi ne, %convert_element_type3A_2593, %cond3A_2594 : i32
      scf.if %cond3A_2595 {
        %dma_start3A_3122 = arith.constant 3 : i32
        %dma_start3A_3123 = arith.constant 0 : i32
        %dma_start3A_3124 = arith.constant 0 : i32
        %dma_start3A_3125 = tpu.memref_slice %arg13[%dma_start3A_3122, %dma_start3A_3123, %dma_start3A_3124] : memref<4x128x16xf32, #tpu.memory_space<vmem>> -> memref<1x128x16xf32, #tpu.memory_space<vmem>>
        %dma_start3A_3126 = tpu.memref_squeeze %dma_start3A_3125 : memref<1x128x16xf32, #tpu.memory_space<vmem>> -> memref<128x16xf32, #tpu.memory_space<vmem>>
        %dma_start3A_3127 = arith.constant 0 : i32
        %dma_start3A_3128 = tpu.memref_slice %arg5[%mul3A_2572, %dma_start3A_3127] : memref<320000x16xf32, #tpu.memory_space<hbm>> -> memref<128x16xf32, #tpu.memory_space<hbm>>
        %dma_start3A_3129 = arith.constant 0 : i32
        %dma_start3A_3130 = arith.constant 0 : i32
        %dma_start3A_3131 = tpu.memref_slice %arg13[%dma_start3A_3122, %dma_start3A_3129, %dma_start3A_3130] : memref<4x128x16xf32, #tpu.memory_space<vmem>> -> memref<1x128x16xf32, #tpu.memory_space<vmem>>
        %dma_start3A_3132 = tpu.memref_squeeze %dma_start3A_3131 : memref<1x128x16xf32, #tpu.memory_space<vmem>> -> memref<128x16xf32, #tpu.memory_space<vmem>>
        %dma_start3A_3133 = arith.constant 0 : i32
        %dma_start3A_3134 = tpu.memref_slice %arg5[%mul3A_2572, %dma_start3A_3133] : memref<320000x16xf32, #tpu.memory_space<hbm>> -> memref<128x16xf32, #tpu.memory_space<hbm>>
        tpu.enqueue_dma source(%dma_start3A_3134 : memref<128x16xf32, #tpu.memory_space<hbm>>) target(%dma_start3A_3132 : memref<128x16xf32, #tpu.memory_space<vmem>>) target_semaphore(%arg23 : memref<!tpu.dma_semaphore, #tpu.memory_space<semaphore_mem>>)
      } else {
      }
      %mul3A_2596 = arith.constant 4 : i32
      %mul3A_2597 = arith.muli %add3A_2069, %mul3A_2596 : i32
      %add3A_2598 = arith.constant 4 : i32
      %add3A_2599 = arith.addi %add3A_2598, %mul3A_2597 : i32
      %add3A_2600 = arith.constant 2 : i32
      %add3A_2601 = arith.addi %add3A_2599, %add3A_2600 : i32
      %dma_wait3A_2602 = arith.constant 2 : i32
      %dma_wait3A_2603 = arith.constant 0 : i32
      %dma_wait3A_2604 = tpu.memref_slice %arg10[%dma_wait3A_2602, %dma_wait3A_2603] : memref<4x128xi32, #tpu.memory_space<vmem>> -> memref<1x128xi32, #tpu.memory_space<vmem>>
      %dma_wait3A_2605 = tpu.memref_squeeze %dma_wait3A_2604 : memref<1x128xi32, #tpu.memory_space<vmem>> -> memref<128xi32, #tpu.memory_space<vmem>>
      %dma_wait3A_2606 = arith.constant 0 : i32
      %dma_wait3A_2607 = tpu.memref_slice %arg3[%dma_wait3A_2606] : memref<320000xi32, #tpu.memory_space<hbm>> -> memref<128xi32, #tpu.memory_space<hbm>>
      %dma_wait3A_2608 = arith.constant 0 : i32
      %dma_wait3A_2609 = tpu.memref_slice %arg10[%dma_wait3A_2602, %dma_wait3A_2608] : memref<4x128xi32, #tpu.memory_space<vmem>> -> memref<1x128xi32, #tpu.memory_space<vmem>>
      %dma_wait3A_2610 = tpu.memref_squeeze %dma_wait3A_2609 : memref<1x128xi32, #tpu.memory_space<vmem>> -> memref<128xi32, #tpu.memory_space<vmem>>
      %dma_wait3A_2611 = arith.constant 0 : i32
      %dma_wait3A_2612 = tpu.memref_slice %arg3[%dma_wait3A_2611] : memref<320000xi32, #tpu.memory_space<hbm>> -> memref<128xi32, #tpu.memory_space<hbm>>
      tpu.wait_dma2 semaphore(%arg18 : memref<!tpu.dma_semaphore, #tpu.memory_space<semaphore_mem>>) src(%dma_wait3A_2612 : memref<128xi32, #tpu.memory_space<hbm>>) dst(%dma_wait3A_2610 : memref<128xi32, #tpu.memory_space<vmem>>)
      %dma_wait3A_2613 = arith.constant 2 : i32
      %dma_wait3A_2614 = arith.constant 0 : i32
      %dma_wait3A_2615 = tpu.memref_slice %arg11[%dma_wait3A_2613, %dma_wait3A_2614] : memref<4x128xi32, #tpu.memory_space<vmem>> -> memref<1x128xi32, #tpu.memory_space<vmem>>
      %dma_wait3A_2616 = tpu.memref_squeeze %dma_wait3A_2615 : memref<1x128xi32, #tpu.memory_space<vmem>> -> memref<128xi32, #tpu.memory_space<vmem>>
      %dma_wait3A_2617 = arith.constant 0 : i32
      %dma_wait3A_2618 = tpu.memref_slice %arg4[%dma_wait3A_2617] : memref<320000xi32, #tpu.memory_space<hbm>> -> memref<128xi32, #tpu.memory_space<hbm>>
      %dma_wait3A_2619 = arith.constant 0 : i32
      %dma_wait3A_2620 = tpu.memref_slice %arg11[%dma_wait3A_2613, %dma_wait3A_2619] : memref<4x128xi32, #tpu.memory_space<vmem>> -> memref<1x128xi32, #tpu.memory_space<vmem>>
      %dma_wait3A_2621 = tpu.memref_squeeze %dma_wait3A_2620 : memref<1x128xi32, #tpu.memory_space<vmem>> -> memref<128xi32, #tpu.memory_space<vmem>>
      %dma_wait3A_2622 = arith.constant 0 : i32
      %dma_wait3A_2623 = tpu.memref_slice %arg4[%dma_wait3A_2622] : memref<320000xi32, #tpu.memory_space<hbm>> -> memref<128xi32, #tpu.memory_space<hbm>>
      tpu.wait_dma2 semaphore(%arg18 : memref<!tpu.dma_semaphore, #tpu.memory_space<semaphore_mem>>) src(%dma_wait3A_2623 : memref<128xi32, #tpu.memory_space<hbm>>) dst(%dma_wait3A_2621 : memref<128xi32, #tpu.memory_space<vmem>>)
      %get3A_2624 = arith.constant 2 : i32
      %get3A_2625 = arith.index_cast %get3A_2624 : i32 to index
      %get3A_2626 = arith.constant 0 : index
      %get3A_2627 = tpu.vector_load %arg10[%get3A_2625, %get3A_2626] {strides = array<i32>} : memref<4x128xi32, #tpu.memory_space<vmem>>, vector<1x16xi32>,
      %get3A_2628 = vector.shape_cast %get3A_2627 : vector<1x16xi32> to vector<16xi32>
      %mul3A_2629 = arith.constant 2 : i32
      %mul3A_2630 = vector.broadcast %mul3A_2629 : i32 to vector<16xi32>
      %mul3A_2631 = arith.muli %get3A_2628, %mul3A_2630 : vector<16xi32>
      %add3A_2632 = vector.broadcast %arg0 : i32 to vector<16xi32>
      %add3A_2633 = arith.addi %mul3A_2631, %add3A_2632 : vector<16xi32>
      %swap3A_2634 = arith.constant 2 : i32
      %swap3A_2635 = arith.index_cast %swap3A_2634 : i32 to index
      %swap3A_2636 = arith.constant 0 : index
      %swap3A_2637 = tpu.vector_load %arg10[%swap3A_2635, %swap3A_2636] {strides = array<i32>} : memref<4x128xi32, #tpu.memory_space<vmem>>, vector<1x16xi32>,
      %swap3A_2638 = vector.shape_cast %swap3A_2637 : vector<1x16xi32> to vector<16xi32>
      %swap3A_2639 = vector.shape_cast %add3A_2633 : vector<16xi32> to vector<1x16xi32>
      tpu.vector_store %arg10[%swap3A_2635, %swap3A_2636], %swap3A_2639 {strides = array<i32>} : memref<4x128xi32, #tpu.memory_space<vmem>>, vector<1x16xi32>,
      %get3A_2640 = arith.constant 2 : i32
      %get3A_2641 = arith.index_cast %get3A_2640 : i32 to index
      %get3A_2642 = arith.constant 16 : index
      %get3A_2643 = tpu.vector_load %arg10[%get3A_2641, %get3A_2642] {strides = array<i32>} : memref<4x128xi32, #tpu.memory_space<vmem>>, vector<1x16xi32>,
      %get3A_2644 = vector.shape_cast %get3A_2643 : vector<1x16xi32> to vector<16xi32>
      %mul3A_2645 = arith.constant 2 : i32
      %mul3A_2646 = vector.broadcast %mul3A_2645 : i32 to vector<16xi32>
      %mul3A_2647 = arith.muli %get3A_2644, %mul3A_2646 : vector<16xi32>
      %add3A_2648 = vector.broadcast %arg0 : i32 to vector<16xi32>
      %add3A_2649 = arith.addi %mul3A_2647, %add3A_2648 : vector<16xi32>
      %swap3A_2650 = arith.constant 2 : i32
      %swap3A_2651 = arith.index_cast %swap3A_2650 : i32 to index
      %swap3A_2652 = arith.constant 16 : index
      %swap3A_2653 = tpu.vector_load %arg10[%swap3A_2651, %swap3A_2652] {strides = array<i32>} : memref<4x128xi32, #tpu.memory_space<vmem>>, vector<1x16xi32>,
      %swap3A_2654 = vector.shape_cast %swap3A_2653 : vector<1x16xi32> to vector<16xi32>
      %swap3A_2655 = vector.shape_cast %add3A_2649 : vector<16xi32> to vector<1x16xi32>
      tpu.vector_store %arg10[%swap3A_2651, %swap3A_2652], %swap3A_2655 {strides = array<i32>} : memref<4x128xi32, #tpu.memory_space<vmem>>, vector<1x16xi32>,
      %get3A_2656 = arith.constant 2 : i32
      %get3A_2657 = arith.index_cast %get3A_2656 : i32 to index
      %get3A_2658 = arith.constant 32 : index
      %get3A_2659 = tpu.vector_load %arg10[%get3A_2657, %get3A_2658] {strides = array<i32>} : memref<4x128xi32, #tpu.memory_space<vmem>>, vector<1x16xi32>,
      %get3A_2660 = vector.shape_cast %get3A_2659 : vector<1x16xi32> to vector<16xi32>
      %mul3A_2661 = arith.constant 2 : i32
      %mul3A_2662 = vector.broadcast %mul3A_2661 : i32 to vector<16xi32>
      %mul3A_2663 = arith.muli %get3A_2660, %mul3A_2662 : vector<16xi32>
      %add3A_2664 = vector.broadcast %arg0 : i32 to vector<16xi32>
      %add3A_2665 = arith.addi %mul3A_2663, %add3A_2664 : vector<16xi32>
      %swap3A_2666 = arith.constant 2 : i32
      %swap3A_2667 = arith.index_cast %swap3A_2666 : i32 to index
      %swap3A_2668 = arith.constant 32 : index
      %swap3A_2669 = tpu.vector_load %arg10[%swap3A_2667, %swap3A_2668] {strides = array<i32>} : memref<4x128xi32, #tpu.memory_space<vmem>>, vector<1x16xi32>,
      %swap3A_2670 = vector.shape_cast %swap3A_2669 : vector<1x16xi32> to vector<16xi32>
      %swap3A_2671 = vector.shape_cast %add3A_2665 : vector<16xi32> to vector<1x16xi32>
      tpu.vector_store %arg10[%swap3A_2667, %swap3A_2668], %swap3A_2671 {strides = array<i32>} : memref<4x128xi32, #tpu.memory_space<vmem>>, vector<1x16xi32>,
      %get3A_2672 = arith.constant 2 : i32
      %get3A_2673 = arith.index_cast %get3A_2672 : i32 to index
      %get3A_2674 = arith.constant 48 : index
      %get3A_2675 = tpu.vector_load %arg10[%get3A_2673, %get3A_2674] {strides = array<i32>} : memref<4x128xi32, #tpu.memory_space<vmem>>, vector<1x16xi32>,
      %get3A_2676 = vector.shape_cast %get3A_2675 : vector<1x16xi32> to vector<16xi32>
      %mul3A_2677 = arith.constant 2 : i32
      %mul3A_2678 = vector.broadcast %mul3A_2677 : i32 to vector<16xi32>
      %mul3A_2679 = arith.muli %get3A_2676, %mul3A_2678 : vector<16xi32>
      %add3A_2680 = vector.broadcast %arg0 : i32 to vector<16xi32>
      %add3A_2681 = arith.addi %mul3A_2679, %add3A_2680 : vector<16xi32>
      %swap3A_2682 = arith.constant 2 : i32
      %swap3A_2683 = arith.index_cast %swap3A_2682 : i32 to index
      %swap3A_2684 = arith.constant 48 : index
      %swap3A_2685 = tpu.vector_load %arg10[%swap3A_2683, %swap3A_2684] {strides = array<i32>} : memref<4x128xi32, #tpu.memory_space<vmem>>, vector<1x16xi32>,
      %swap3A_2686 = vector.shape_cast %swap3A_2685 : vector<1x16xi32> to vector<16xi32>
      %swap3A_2687 = vector.shape_cast %add3A_2681 : vector<16xi32> to vector<1x16xi32>
      tpu.vector_store %arg10[%swap3A_2683, %swap3A_2684], %swap3A_2687 {strides = array<i32>} : memref<4x128xi32, #tpu.memory_space<vmem>>, vector<1x16xi32>,
      %get3A_2688 = arith.constant 2 : i32
      %get3A_2689 = arith.index_cast %get3A_2688 : i32 to index
      %get3A_2690 = arith.constant 64 : index
      %get3A_2691 = tpu.vector_load %arg10[%get3A_2689, %get3A_2690] {strides = array<i32>} : memref<4x128xi32, #tpu.memory_space<vmem>>, vector<1x16xi32>,
      %get3A_2692 = vector.shape_cast %get3A_2691 : vector<1x16xi32> to vector<16xi32>
      %mul3A_2693 = arith.constant 2 : i32
      %mul3A_2694 = vector.broadcast %mul3A_2693 : i32 to vector<16xi32>
      %mul3A_2695 = arith.muli %get3A_2692, %mul3A_2694 : vector<16xi32>
      %add3A_2696 = vector.broadcast %arg0 : i32 to vector<16xi32>
      %add3A_2697 = arith.addi %mul3A_2695, %add3A_2696 : vector<16xi32>
      %swap3A_2698 = arith.constant 2 : i32
      %swap3A_2699 = arith.index_cast %swap3A_2698 : i32 to index
      %swap3A_2700 = arith.constant 64 : index
      %swap3A_2701 = tpu.vector_load %arg10[%swap3A_2699, %swap3A_2700] {strides = array<i32>} : memref<4x128xi32, #tpu.memory_space<vmem>>, vector<1x16xi32>,
      %swap3A_2702 = vector.shape_cast %swap3A_2701 : vector<1x16xi32> to vector<16xi32>
      %swap3A_2703 = vector.shape_cast %add3A_2697 : vector<16xi32> to vector<1x16xi32>
      tpu.vector_store %arg10[%swap3A_2699, %swap3A_2700], %swap3A_2703 {strides = array<i32>} : memref<4x128xi32, #tpu.memory_space<vmem>>, vector<1x16xi32>,
      %get3A_2704 = arith.constant 2 : i32
      %get3A_2705 = arith.index_cast %get3A_2704 : i32 to index
      %get3A_2706 = arith.constant 80 : index
      %get3A_2707 = tpu.vector_load %arg10[%get3A_2705, %get3A_2706] {strides = array<i32>} : memref<4x128xi32, #tpu.memory_space<vmem>>, vector<1x16xi32>,
      %get3A_2708 = vector.shape_cast %get3A_2707 : vector<1x16xi32> to vector<16xi32>
      %mul3A_2709 = arith.constant 2 : i32
      %mul3A_2710 = vector.broadcast %mul3A_2709 : i32 to vector<16xi32>
      %mul3A_2711 = arith.muli %get3A_2708, %mul3A_2710 : vector<16xi32>
      %add3A_2712 = vector.broadcast %arg0 : i32 to vector<16xi32>
      %add3A_2713 = arith.addi %mul3A_2711, %add3A_2712 : vector<16xi32>
      %swap3A_2714 = arith.constant 2 : i32
      %swap3A_2715 = arith.index_cast %swap3A_2714 : i32 to index
      %swap3A_2716 = arith.constant 80 : index
      %swap3A_2717 = tpu.vector_load %arg10[%swap3A_2715, %swap3A_2716] {strides = array<i32>} : memref<4x128xi32, #tpu.memory_space<vmem>>, vector<1x16xi32>,
      %swap3A_2718 = vector.shape_cast %swap3A_2717 : vector<1x16xi32> to vector<16xi32>
      %swap3A_2719 = vector.shape_cast %add3A_2713 : vector<16xi32> to vector<1x16xi32>
      tpu.vector_store %arg10[%swap3A_2715, %swap3A_2716], %swap3A_2719 {strides = array<i32>} : memref<4x128xi32, #tpu.memory_space<vmem>>, vector<1x16xi32>,
      %get3A_2720 = arith.constant 2 : i32
      %get3A_2721 = arith.index_cast %get3A_2720 : i32 to index
      %get3A_2722 = arith.constant 96 : index
      %get3A_2723 = tpu.vector_load %arg10[%get3A_2721, %get3A_2722] {strides = array<i32>} : memref<4x128xi32, #tpu.memory_space<vmem>>, vector<1x16xi32>,
      %get3A_2724 = vector.shape_cast %get3A_2723 : vector<1x16xi32> to vector<16xi32>
      %mul3A_2725 = arith.constant 2 : i32
      %mul3A_2726 = vector.broadcast %mul3A_2725 : i32 to vector<16xi32>
      %mul3A_2727 = arith.muli %get3A_2724, %mul3A_2726 : vector<16xi32>
      %add3A_2728 = vector.broadcast %arg0 : i32 to vector<16xi32>
      %add3A_2729 = arith.addi %mul3A_2727, %add3A_2728 : vector<16xi32>
      %swap3A_2730 = arith.constant 2 : i32
      %swap3A_2731 = arith.index_cast %swap3A_2730 : i32 to index
      %swap3A_2732 = arith.constant 96 : index
      %swap3A_2733 = tpu.vector_load %arg10[%swap3A_2731, %swap3A_2732] {strides = array<i32>} : memref<4x128xi32, #tpu.memory_space<vmem>>, vector<1x16xi32>,
      %swap3A_2734 = vector.shape_cast %swap3A_2733 : vector<1x16xi32> to vector<16xi32>
      %swap3A_2735 = vector.shape_cast %add3A_2729 : vector<16xi32> to vector<1x16xi32>
      tpu.vector_store %arg10[%swap3A_2731, %swap3A_2732], %swap3A_2735 {strides = array<i32>} : memref<4x128xi32, #tpu.memory_space<vmem>>, vector<1x16xi32>,
      %get3A_2736 = arith.constant 2 : i32
      %get3A_2737 = arith.index_cast %get3A_2736 : i32 to index
      %get3A_2738 = arith.constant 112 : index
      %get3A_2739 = tpu.vector_load %arg10[%get3A_2737, %get3A_2738] {strides = array<i32>} : memref<4x128xi32, #tpu.memory_space<vmem>>, vector<1x16xi32>,
      %get3A_2740 = vector.shape_cast %get3A_2739 : vector<1x16xi32> to vector<16xi32>
      %mul3A_2741 = arith.constant 2 : i32
      %mul3A_2742 = vector.broadcast %mul3A_2741 : i32 to vector<16xi32>
      %mul3A_2743 = arith.muli %get3A_2740, %mul3A_2742 : vector<16xi32>
      %add3A_2744 = vector.broadcast %arg0 : i32 to vector<16xi32>
      %add3A_2745 = arith.addi %mul3A_2743, %add3A_2744 : vector<16xi32>
      %swap3A_2746 = arith.constant 2 : i32
      %swap3A_2747 = arith.index_cast %swap3A_2746 : i32 to index
      %swap3A_2748 = arith.constant 112 : index
      %swap3A_2749 = tpu.vector_load %arg10[%swap3A_2747, %swap3A_2748] {strides = array<i32>} : memref<4x128xi32, #tpu.memory_space<vmem>>, vector<1x16xi32>,
      %swap3A_2750 = vector.shape_cast %swap3A_2749 : vector<1x16xi32> to vector<16xi32>
      %swap3A_2751 = vector.shape_cast %add3A_2745 : vector<16xi32> to vector<1x16xi32>
      tpu.vector_store %arg10[%swap3A_2747, %swap3A_2748], %swap3A_2751 {strides = array<i32>} : memref<4x128xi32, #tpu.memory_space<vmem>>, vector<1x16xi32>,
      %dma_start3A_2752 = arith.constant 2 : i32
      %dma_start3A_2753 = arith.constant 2 : i32
      %dma_start3A_2754 = arith.constant 0 : i32
      %dma_start3A_2755 = arith.constant 0 : i32
      %dma_start3A_2756 = tpu.memref_slice %arg12[%dma_start3A_2753, %dma_start3A_2754, %dma_start3A_2755] : memref<4x128x64xf32, #tpu.memory_space<vmem>> -> memref<1x128x64xf32, #tpu.memory_space<vmem>>
      %dma_start3A_2757 = tpu.memref_squeeze %dma_start3A_2756 : memref<1x128x64xf32, #tpu.memory_space<vmem>> -> memref<128x64xf32, #tpu.memory_space<vmem>>
      %dma_start3A_2758 = arith.constant 0 : i32
      %dma_start3A_2759 = tpu.memref_slice %arg10[%dma_start3A_2752, %dma_start3A_2758] : memref<4x128xi32, #tpu.memory_space<vmem>> -> memref<1x128xi32, #tpu.memory_space<vmem>>
      %dma_start3A_2760 = tpu.memref_squeeze %dma_start3A_2759 : memref<1x128xi32, #tpu.memory_space<vmem>> -> memref<128xi32, #tpu.memory_space<vmem>>
      %dma_start3A_2761 = arith.constant 0 : i32
      %dma_start3A_2762 = arith.constant 0 : i32
      %dma_start3A_2763 = tpu.memref_slice %arg2[%dma_start3A_2761, %dma_start3A_2762] : memref<20000x64xf32, #tpu.memory_space<hbm>> -> memref<20000x64xf32, #tpu.memory_space<hbm>>
      tpu.enqueue_indirect_dma source(%dma_start3A_2763 : memref<20000x64xf32, #tpu.memory_space<hbm>>) target(%dma_start3A_2757 : memref<128x64xf32, #tpu.memory_space<vmem>>) offsets(%dma_start3A_2760 : memref<128xi32, #tpu.memory_space<vmem>>) semaphore(%arg26 : memref<!tpu.dma_semaphore, #tpu.memory_space<semaphore_mem>>)
      %dma_wait3A_2764 = arith.constant 1 : i32
      %dma_wait3A_2765 = arith.constant 1 : i32
      %dma_wait3A_2766 = arith.constant 0 : i32
      %dma_wait3A_2767 = arith.constant 0 : i32
      %dma_wait3A_2768 = tpu.memref_slice %arg12[%dma_wait3A_2765, %dma_wait3A_2766, %dma_wait3A_2767] : memref<4x128x64xf32, #tpu.memory_space<vmem>> -> memref<1x128x64xf32, #tpu.memory_space<vmem>>
      %dma_wait3A_2769 = tpu.memref_squeeze %dma_wait3A_2768 : memref<1x128x64xf32, #tpu.memory_space<vmem>> -> memref<128x64xf32, #tpu.memory_space<vmem>>
      %dma_wait3A_2770 = arith.constant 0 : i32
      %dma_wait3A_2771 = tpu.memref_slice %arg10[%dma_wait3A_2764, %dma_wait3A_2770] : memref<4x128xi32, #tpu.memory_space<vmem>> -> memref<1x128xi32, #tpu.memory_space<vmem>>
      %dma_wait3A_2772 = tpu.memref_squeeze %dma_wait3A_2771 : memref<1x128xi32, #tpu.memory_space<vmem>> -> memref<128xi32, #tpu.memory_space<vmem>>
      %dma_wait3A_2773 = arith.constant 0 : i32
      %dma_wait3A_2774 = arith.constant 0 : i32
      %dma_wait3A_2775 = tpu.memref_slice %arg2[%dma_wait3A_2773, %dma_wait3A_2774] : memref<20000x64xf32, #tpu.memory_space<hbm>> -> memref<20000x64xf32, #tpu.memory_space<hbm>>
      tpu.wait_indirect_dma semaphore(%arg25 : memref<!tpu.dma_semaphore, #tpu.memory_space<semaphore_mem>>) src(%dma_wait3A_2775 : memref<20000x64xf32, #tpu.memory_space<hbm>>) dst(%dma_wait3A_2769 : memref<128x64xf32, #tpu.memory_space<vmem>>)
      %eq3A_2776 = arith.constant 0 : i32
      %eq3A_2777 = arith.cmpi eq, %arg0, %eq3A_2776 : i32
      %convert_element_type3A_2778 = arith.extui %eq3A_2777 : i1 to i32
      %cond3A_2779 = arith.constant 0 : i32
      %cond3A_2780 = arith.cmpi ne, %convert_element_type3A_2778, %cond3A_2779 : i32
      scf.if %cond3A_2780 {
        %dma_wait3A_3122 = arith.constant 1 : i32
        %dma_wait3A_3123 = arith.constant 0 : i32
        %dma_wait3A_3124 = arith.constant 0 : i32
        %dma_wait3A_3125 = tpu.memref_slice %arg13[%dma_wait3A_3122, %dma_wait3A_3123, %dma_wait3A_3124] : memref<4x128x16xf32, #tpu.memory_space<vmem>> -> memref<1x128x16xf32, #tpu.memory_space<vmem>>
        %dma_wait3A_3126 = tpu.memref_squeeze %dma_wait3A_3125 : memref<1x128x16xf32, #tpu.memory_space<vmem>> -> memref<128x16xf32, #tpu.memory_space<vmem>>
        %dma_wait3A_3127 = arith.constant 0 : i32
        %dma_wait3A_3128 = arith.constant 0 : i32
        %dma_wait3A_3129 = tpu.memref_slice %arg5[%dma_wait3A_3127, %dma_wait3A_3128] : memref<320000x16xf32, #tpu.memory_space<hbm>> -> memref<128x16xf32, #tpu.memory_space<hbm>>
        %dma_wait3A_3130 = arith.constant 0 : i32
        %dma_wait3A_3131 = arith.constant 0 : i32
        %dma_wait3A_3132 = tpu.memref_slice %arg13[%dma_wait3A_3122, %dma_wait3A_3130, %dma_wait3A_3131] : memref<4x128x16xf32, #tpu.memory_space<vmem>> -> memref<1x128x16xf32, #tpu.memory_space<vmem>>
        %dma_wait3A_3133 = tpu.memref_squeeze %dma_wait3A_3132 : memref<1x128x16xf32, #tpu.memory_space<vmem>> -> memref<128x16xf32, #tpu.memory_space<vmem>>
        %dma_wait3A_3134 = arith.constant 0 : i32
        %dma_wait3A_3135 = arith.constant 0 : i32
        %dma_wait3A_3136 = tpu.memref_slice %arg5[%dma_wait3A_3134, %dma_wait3A_3135] : memref<320000x16xf32, #tpu.memory_space<hbm>> -> memref<128x16xf32, #tpu.memory_space<hbm>>
        tpu.wait_dma2 semaphore(%arg21 : memref<!tpu.dma_semaphore, #tpu.memory_space<semaphore_mem>>) src(%dma_wait3A_3136 : memref<128x16xf32, #tpu.memory_space<hbm>>) dst(%dma_wait3A_3133 : memref<128x16xf32, #tpu.memory_space<vmem>>)
      } else {
      }
      %dma_start3A_2781 = arith.constant 1 : i32
      %dma_start3A_2782 = arith.constant 1 : i32
      %dma_start3A_2783 = arith.constant 0 : i32
      %dma_start3A_2784 = arith.constant 0 : i32
      %dma_start3A_2785 = tpu.memref_slice %arg12[%dma_start3A_2781, %dma_start3A_2783, %dma_start3A_2784] : memref<4x128x64xf32, #tpu.memory_space<vmem>> -> memref<1x128x64xf32, #tpu.memory_space<vmem>>
      %dma_start3A_2786 = tpu.memref_squeeze %dma_start3A_2785 : memref<1x128x64xf32, #tpu.memory_space<vmem>> -> memref<128x64xf32, #tpu.memory_space<vmem>>
      %dma_start3A_2787 = arith.constant 0 : i32
      %dma_start3A_2788 = tpu.memref_slice %arg11[%dma_start3A_2782, %dma_start3A_2787] : memref<4x128xi32, #tpu.memory_space<vmem>> -> memref<1x128xi32, #tpu.memory_space<vmem>>
      %dma_start3A_2789 = tpu.memref_squeeze %dma_start3A_2788 : memref<1x128xi32, #tpu.memory_space<vmem>> -> memref<128xi32, #tpu.memory_space<vmem>>
      %dma_start3A_2790 = arith.constant 0 : i32
      %dma_start3A_2791 = arith.constant 0 : i32
      %dma_start3A_2792 = tpu.memref_slice %arg14[%dma_start3A_2790, %dma_start3A_2791] : memref<10000x64xf32, #tpu.memory_space<vmem_shared>> -> memref<10000x64xf32, #tpu.memory_space<vmem_shared>>
      tpu.enqueue_indirect_dma source(%dma_start3A_2786 : memref<128x64xf32, #tpu.memory_space<vmem>>) target(%dma_start3A_2792 : memref<10000x64xf32, #tpu.memory_space<vmem_shared>>) offsets(%dma_start3A_2789 : memref<128xi32, #tpu.memory_space<vmem>>) semaphore(%arg29 : memref<!tpu.dma_semaphore, #tpu.memory_space<semaphore_mem>>) {add = true}
      %dma_start3A_2793 = arith.constant 1 : i32
      %dma_start3A_2794 = arith.constant 1 : i32
      %dma_start3A_2795 = arith.constant 0 : i32
      %dma_start3A_2796 = arith.constant 0 : i32
      %dma_start3A_2797 = tpu.memref_slice %arg13[%dma_start3A_2793, %dma_start3A_2795, %dma_start3A_2796] : memref<4x128x16xf32, #tpu.memory_space<vmem>> -> memref<1x128x16xf32, #tpu.memory_space<vmem>>
      %dma_start3A_2798 = tpu.memref_squeeze %dma_start3A_2797 : memref<1x128x16xf32, #tpu.memory_space<vmem>> -> memref<128x16xf32, #tpu.memory_space<vmem>>
      %dma_start3A_2799 = arith.constant 0 : i32
      %dma_start3A_2800 = tpu.memref_slice %arg11[%dma_start3A_2794, %dma_start3A_2799] : memref<4x128xi32, #tpu.memory_space<vmem>> -> memref<1x128xi32, #tpu.memory_space<vmem>>
      %dma_start3A_2801 = tpu.memref_squeeze %dma_start3A_2800 : memref<1x128xi32, #tpu.memory_space<vmem>> -> memref<128xi32, #tpu.memory_space<vmem>>
      %dma_start3A_2802 = arith.constant 0 : i32
      %dma_start3A_2803 = arith.constant 0 : i32
      %dma_start3A_2804 = tpu.memref_slice %arg15[%dma_start3A_2802, %dma_start3A_2803] : memref<10000x16xf32, #tpu.memory_space<vmem_shared>> -> memref<10000x16xf32, #tpu.memory_space<vmem_shared>>
      tpu.enqueue_indirect_dma source(%dma_start3A_2798 : memref<128x16xf32, #tpu.memory_space<vmem>>) target(%dma_start3A_2804 : memref<10000x16xf32, #tpu.memory_space<vmem_shared>>) offsets(%dma_start3A_2801 : memref<128xi32, #tpu.memory_space<vmem>>) semaphore(%arg29 : memref<!tpu.dma_semaphore, #tpu.memory_space<semaphore_mem>>) {add = true}
      %dma_wait3A_2805 = arith.constant 0 : i32
      %dma_wait3A_2806 = arith.constant 0 : i32
      %dma_wait3A_2807 = arith.constant 0 : i32
      %dma_wait3A_2808 = arith.constant 0 : i32
      %dma_wait3A_2809 = tpu.memref_slice %arg12[%dma_wait3A_2805, %dma_wait3A_2807, %dma_wait3A_2808] : memref<4x128x64xf32, #tpu.memory_space<vmem>> -> memref<1x128x64xf32, #tpu.memory_space<vmem>>
      %dma_wait3A_2810 = tpu.memref_squeeze %dma_wait3A_2809 : memref<1x128x64xf32, #tpu.memory_space<vmem>> -> memref<128x64xf32, #tpu.memory_space<vmem>>
      %dma_wait3A_2811 = arith.constant 0 : i32
      %dma_wait3A_2812 = tpu.memref_slice %arg11[%dma_wait3A_2806, %dma_wait3A_2811] : memref<4x128xi32, #tpu.memory_space<vmem>> -> memref<1x128xi32, #tpu.memory_space<vmem>>
      %dma_wait3A_2813 = tpu.memref_squeeze %dma_wait3A_2812 : memref<1x128xi32, #tpu.memory_space<vmem>> -> memref<128xi32, #tpu.memory_space<vmem>>
      %dma_wait3A_2814 = arith.constant 0 : i32
      %dma_wait3A_2815 = arith.constant 0 : i32
      %dma_wait3A_2816 = tpu.memref_slice %arg14[%dma_wait3A_2814, %dma_wait3A_2815] : memref<10000x64xf32, #tpu.memory_space<vmem_shared>> -> memref<10000x64xf32, #tpu.memory_space<vmem_shared>>
      tpu.wait_indirect_dma semaphore(%arg28 : memref<!tpu.dma_semaphore, #tpu.memory_space<semaphore_mem>>) src(%dma_wait3A_2810 : memref<128x64xf32, #tpu.memory_space<vmem>>) dst(%dma_wait3A_2816 : memref<10000x64xf32, #tpu.memory_space<vmem_shared>>)
      %dma_wait3A_2817 = arith.constant 0 : i32
      %dma_wait3A_2818 = arith.constant 0 : i32
      %dma_wait3A_2819 = arith.constant 0 : i32
      %dma_wait3A_2820 = arith.constant 0 : i32
      %dma_wait3A_2821 = tpu.memref_slice %arg13[%dma_wait3A_2817, %dma_wait3A_2819, %dma_wait3A_2820] : memref<4x128x16xf32, #tpu.memory_space<vmem>> -> memref<1x128x16xf32, #tpu.memory_space<vmem>>
      %dma_wait3A_2822 = tpu.memref_squeeze %dma_wait3A_2821 : memref<1x128x16xf32, #tpu.memory_space<vmem>> -> memref<128x16xf32, #tpu.memory_space<vmem>>
      %dma_wait3A_2823 = arith.constant 0 : i32
      %dma_wait3A_2824 = tpu.memref_slice %arg11[%dma_wait3A_2818, %dma_wait3A_2823] : memref<4x128xi32, #tpu.memory_space<vmem>> -> memref<1x128xi32, #tpu.memory_space<vmem>>
      %dma_wait3A_2825 = tpu.memref_squeeze %dma_wait3A_2824 : memref<1x128xi32, #tpu.memory_space<vmem>> -> memref<128xi32, #tpu.memory_space<vmem>>
      %dma_wait3A_2826 = arith.constant 0 : i32
      %dma_wait3A_2827 = arith.constant 0 : i32
      %dma_wait3A_2828 = tpu.memref_slice %arg15[%dma_wait3A_2826, %dma_wait3A_2827] : memref<10000x16xf32, #tpu.memory_space<vmem_shared>> -> memref<10000x16xf32, #tpu.memory_space<vmem_shared>>
      tpu.wait_indirect_dma semaphore(%arg28 : memref<!tpu.dma_semaphore, #tpu.memory_space<semaphore_mem>>) src(%dma_wait3A_2822 : memref<128x16xf32, #tpu.memory_space<vmem>>) dst(%dma_wait3A_2828 : memref<10000x16xf32, #tpu.memory_space<vmem_shared>>)
      %add3A_2829 = arith.constant 2 : i32
      %add3A_2830 = arith.addi %add3A_2601, %add3A_2829 : i32
      %mul3A_2831 = arith.constant 16 : i32
      %mul3A_2832 = arith.muli %add3A_2830, %mul3A_2831 : i32
      %add3A_2833 = arith.addi %mul3A_2832, %arg1 : i32
      %mul3A_2834 = arith.constant 128 : i32
      %mul3A_2835 = arith.muli %add3A_2833, %mul3A_2834 : i32
      %dma_start3A_2836 = arith.constant 0 : i32
      %dma_start3A_2837 = arith.constant 0 : i32
      %dma_start3A_2838 = tpu.memref_slice %arg10[%dma_start3A_2836, %dma_start3A_2837] : memref<4x128xi32, #tpu.memory_space<vmem>> -> memref<1x128xi32, #tpu.memory_space<vmem>>
      %dma_start3A_2839 = tpu.memref_squeeze %dma_start3A_2838 : memref<1x128xi32, #tpu.memory_space<vmem>> -> memref<128xi32, #tpu.memory_space<vmem>>
      %dma_start3A_2840 = tpu.memref_slice %arg3[%mul3A_2835] : memref<320000xi32, #tpu.memory_space<hbm>> -> memref<128xi32, #tpu.memory_space<hbm>>
      %dma_start3A_2841 = arith.constant 0 : i32
      %dma_start3A_2842 = tpu.memref_slice %arg10[%dma_start3A_2836, %dma_start3A_2841] : memref<4x128xi32, #tpu.memory_space<vmem>> -> memref<1x128xi32, #tpu.memory_space<vmem>>
      %dma_start3A_2843 = tpu.memref_squeeze %dma_start3A_2842 : memref<1x128xi32, #tpu.memory_space<vmem>> -> memref<128xi32, #tpu.memory_space<vmem>>
      %dma_start3A_2844 = tpu.memref_slice %arg3[%mul3A_2835] : memref<320000xi32, #tpu.memory_space<hbm>> -> memref<128xi32, #tpu.memory_space<hbm>>
      tpu.enqueue_dma source(%dma_start3A_2844 : memref<128xi32, #tpu.memory_space<hbm>>) target(%dma_start3A_2843 : memref<128xi32, #tpu.memory_space<vmem>>) target_semaphore(%arg16 : memref<!tpu.dma_semaphore, #tpu.memory_space<semaphore_mem>>)
      %dma_start3A_2845 = arith.constant 0 : i32
      %dma_start3A_2846 = arith.constant 0 : i32
      %dma_start3A_2847 = tpu.memref_slice %arg11[%dma_start3A_2845, %dma_start3A_2846] : memref<4x128xi32, #tpu.memory_space<vmem>> -> memref<1x128xi32, #tpu.memory_space<vmem>>
      %dma_start3A_2848 = tpu.memref_squeeze %dma_start3A_2847 : memref<1x128xi32, #tpu.memory_space<vmem>> -> memref<128xi32, #tpu.memory_space<vmem>>
      %dma_start3A_2849 = tpu.memref_slice %arg4[%mul3A_2835] : memref<320000xi32, #tpu.memory_space<hbm>> -> memref<128xi32, #tpu.memory_space<hbm>>
      %dma_start3A_2850 = arith.constant 0 : i32
      %dma_start3A_2851 = tpu.memref_slice %arg11[%dma_start3A_2845, %dma_start3A_2850] : memref<4x128xi32, #tpu.memory_space<vmem>> -> memref<1x128xi32, #tpu.memory_space<vmem>>
      %dma_start3A_2852 = tpu.memref_squeeze %dma_start3A_2851 : memref<1x128xi32, #tpu.memory_space<vmem>> -> memref<128xi32, #tpu.memory_space<vmem>>
      %dma_start3A_2853 = tpu.memref_slice %arg4[%mul3A_2835] : memref<320000xi32, #tpu.memory_space<hbm>> -> memref<128xi32, #tpu.memory_space<hbm>>
      tpu.enqueue_dma source(%dma_start3A_2853 : memref<128xi32, #tpu.memory_space<hbm>>) target(%dma_start3A_2852 : memref<128xi32, #tpu.memory_space<vmem>>) target_semaphore(%arg16 : memref<!tpu.dma_semaphore, #tpu.memory_space<semaphore_mem>>)
      %eq3A_2854 = arith.constant 0 : i32
      %eq3A_2855 = arith.cmpi eq, %arg0, %eq3A_2854 : i32
      %convert_element_type3A_2856 = arith.extui %eq3A_2855 : i1 to i32
      %cond3A_2857 = arith.constant 0 : i32
      %cond3A_2858 = arith.cmpi ne, %convert_element_type3A_2856, %cond3A_2857 : i32
      scf.if %cond3A_2858 {
        %dma_start3A_3122 = arith.constant 0 : i32
        %dma_start3A_3123 = arith.constant 0 : i32
        %dma_start3A_3124 = arith.constant 0 : i32
        %dma_start3A_3125 = tpu.memref_slice %arg13[%dma_start3A_3122, %dma_start3A_3123, %dma_start3A_3124] : memref<4x128x16xf32, #tpu.memory_space<vmem>> -> memref<1x128x16xf32, #tpu.memory_space<vmem>>
        %dma_start3A_3126 = tpu.memref_squeeze %dma_start3A_3125 : memref<1x128x16xf32, #tpu.memory_space<vmem>> -> memref<128x16xf32, #tpu.memory_space<vmem>>
        %dma_start3A_3127 = arith.constant 0 : i32
        %dma_start3A_3128 = tpu.memref_slice %arg5[%mul3A_2835, %dma_start3A_3127] : memref<320000x16xf32, #tpu.memory_space<hbm>> -> memref<128x16xf32, #tpu.memory_space<hbm>>
        %dma_start3A_3129 = arith.constant 0 : i32
        %dma_start3A_3130 = arith.constant 0 : i32
        %dma_start3A_3131 = tpu.memref_slice %arg13[%dma_start3A_3122, %dma_start3A_3129, %dma_start3A_3130] : memref<4x128x16xf32, #tpu.memory_space<vmem>> -> memref<1x128x16xf32, #tpu.memory_space<vmem>>
        %dma_start3A_3132 = tpu.memref_squeeze %dma_start3A_3131 : memref<1x128x16xf32, #tpu.memory_space<vmem>> -> memref<128x16xf32, #tpu.memory_space<vmem>>
        %dma_start3A_3133 = arith.constant 0 : i32
        %dma_start3A_3134 = tpu.memref_slice %arg5[%mul3A_2835, %dma_start3A_3133] : memref<320000x16xf32, #tpu.memory_space<hbm>> -> memref<128x16xf32, #tpu.memory_space<hbm>>
        tpu.enqueue_dma source(%dma_start3A_3134 : memref<128x16xf32, #tpu.memory_space<hbm>>) target(%dma_start3A_3132 : memref<128x16xf32, #tpu.memory_space<vmem>>) target_semaphore(%arg20 : memref<!tpu.dma_semaphore, #tpu.memory_space<semaphore_mem>>)
      } else {
      }
      %mul3A_2859 = arith.constant 4 : i32
      %mul3A_2860 = arith.muli %add3A_2069, %mul3A_2859 : i32
      %add3A_2861 = arith.constant 4 : i32
      %add3A_2862 = arith.addi %add3A_2861, %mul3A_2860 : i32
      %add3A_2863 = arith.constant 3 : i32
      %add3A_2864 = arith.addi %add3A_2862, %add3A_2863 : i32
      %dma_wait3A_2865 = arith.constant 3 : i32
      %dma_wait3A_2866 = arith.constant 0 : i32
      %dma_wait3A_2867 = tpu.memref_slice %arg10[%dma_wait3A_2865, %dma_wait3A_2866] : memref<4x128xi32, #tpu.memory_space<vmem>> -> memref<1x128xi32, #tpu.memory_space<vmem>>
      %dma_wait3A_2868 = tpu.memref_squeeze %dma_wait3A_2867 : memref<1x128xi32, #tpu.memory_space<vmem>> -> memref<128xi32, #tpu.memory_space<vmem>>
      %dma_wait3A_2869 = arith.constant 0 : i32
      %dma_wait3A_2870 = tpu.memref_slice %arg3[%dma_wait3A_2869] : memref<320000xi32, #tpu.memory_space<hbm>> -> memref<128xi32, #tpu.memory_space<hbm>>
      %dma_wait3A_2871 = arith.constant 0 : i32
      %dma_wait3A_2872 = tpu.memref_slice %arg10[%dma_wait3A_2865, %dma_wait3A_2871] : memref<4x128xi32, #tpu.memory_space<vmem>> -> memref<1x128xi32, #tpu.memory_space<vmem>>
      %dma_wait3A_2873 = tpu.memref_squeeze %dma_wait3A_2872 : memref<1x128xi32, #tpu.memory_space<vmem>> -> memref<128xi32, #tpu.memory_space<vmem>>
      %dma_wait3A_2874 = arith.constant 0 : i32
      %dma_wait3A_2875 = tpu.memref_slice %arg3[%dma_wait3A_2874] : memref<320000xi32, #tpu.memory_space<hbm>> -> memref<128xi32, #tpu.memory_space<hbm>>
      tpu.wait_dma2 semaphore(%arg19 : memref<!tpu.dma_semaphore, #tpu.memory_space<semaphore_mem>>) src(%dma_wait3A_2875 : memref<128xi32, #tpu.memory_space<hbm>>) dst(%dma_wait3A_2873 : memref<128xi32, #tpu.memory_space<vmem>>)
      %dma_wait3A_2876 = arith.constant 3 : i32
      %dma_wait3A_2877 = arith.constant 0 : i32
      %dma_wait3A_2878 = tpu.memref_slice %arg11[%dma_wait3A_2876, %dma_wait3A_2877] : memref<4x128xi32, #tpu.memory_space<vmem>> -> memref<1x128xi32, #tpu.memory_space<vmem>>
      %dma_wait3A_2879 = tpu.memref_squeeze %dma_wait3A_2878 : memref<1x128xi32, #tpu.memory_space<vmem>> -> memref<128xi32, #tpu.memory_space<vmem>>
      %dma_wait3A_2880 = arith.constant 0 : i32
      %dma_wait3A_2881 = tpu.memref_slice %arg4[%dma_wait3A_2880] : memref<320000xi32, #tpu.memory_space<hbm>> -> memref<128xi32, #tpu.memory_space<hbm>>
      %dma_wait3A_2882 = arith.constant 0 : i32
      %dma_wait3A_2883 = tpu.memref_slice %arg11[%dma_wait3A_2876, %dma_wait3A_2882] : memref<4x128xi32, #tpu.memory_space<vmem>> -> memref<1x128xi32, #tpu.memory_space<vmem>>
      %dma_wait3A_2884 = tpu.memref_squeeze %dma_wait3A_2883 : memref<1x128xi32, #tpu.memory_space<vmem>> -> memref<128xi32, #tpu.memory_space<vmem>>
      %dma_wait3A_2885 = arith.constant 0 : i32
      %dma_wait3A_2886 = tpu.memref_slice %arg4[%dma_wait3A_2885] : memref<320000xi32, #tpu.memory_space<hbm>> -> memref<128xi32, #tpu.memory_space<hbm>>
      tpu.wait_dma2 semaphore(%arg19 : memref<!tpu.dma_semaphore, #tpu.memory_space<semaphore_mem>>) src(%dma_wait3A_2886 : memref<128xi32, #tpu.memory_space<hbm>>) dst(%dma_wait3A_2884 : memref<128xi32, #tpu.memory_space<vmem>>)
      %get3A_2887 = arith.constant 3 : i32
      %get3A_2888 = arith.index_cast %get3A_2887 : i32 to index
      %get3A_2889 = arith.constant 0 : index
      %get3A_2890 = tpu.vector_load %arg10[%get3A_2888, %get3A_2889] {strides = array<i32>} : memref<4x128xi32, #tpu.memory_space<vmem>>, vector<1x16xi32>,
      %get3A_2891 = vector.shape_cast %get3A_2890 : vector<1x16xi32> to vector<16xi32>
      %mul3A_2892 = arith.constant 2 : i32
      %mul3A_2893 = vector.broadcast %mul3A_2892 : i32 to vector<16xi32>
      %mul3A_2894 = arith.muli %get3A_2891, %mul3A_2893 : vector<16xi32>
      %add3A_2895 = vector.broadcast %arg0 : i32 to vector<16xi32>
      %add3A_2896 = arith.addi %mul3A_2894, %add3A_2895 : vector<16xi32>
      %swap3A_2897 = arith.constant 3 : i32
      %swap3A_2898 = arith.index_cast %swap3A_2897 : i32 to index
      %swap3A_2899 = arith.constant 0 : index
      %swap3A_2900 = tpu.vector_load %arg10[%swap3A_2898, %swap3A_2899] {strides = array<i32>} : memref<4x128xi32, #tpu.memory_space<vmem>>, vector<1x16xi32>,
      %swap3A_2901 = vector.shape_cast %swap3A_2900 : vector<1x16xi32> to vector<16xi32>
      %swap3A_2902 = vector.shape_cast %add3A_2896 : vector<16xi32> to vector<1x16xi32>
      tpu.vector_store %arg10[%swap3A_2898, %swap3A_2899], %swap3A_2902 {strides = array<i32>} : memref<4x128xi32, #tpu.memory_space<vmem>>, vector<1x16xi32>,
      %get3A_2903 = arith.constant 3 : i32
      %get3A_2904 = arith.index_cast %get3A_2903 : i32 to index
      %get3A_2905 = arith.constant 16 : index
      %get3A_2906 = tpu.vector_load %arg10[%get3A_2904, %get3A_2905] {strides = array<i32>} : memref<4x128xi32, #tpu.memory_space<vmem>>, vector<1x16xi32>,
      %get3A_2907 = vector.shape_cast %get3A_2906 : vector<1x16xi32> to vector<16xi32>
      %mul3A_2908 = arith.constant 2 : i32
      %mul3A_2909 = vector.broadcast %mul3A_2908 : i32 to vector<16xi32>
      %mul3A_2910 = arith.muli %get3A_2907, %mul3A_2909 : vector<16xi32>
      %add3A_2911 = vector.broadcast %arg0 : i32 to vector<16xi32>
      %add3A_2912 = arith.addi %mul3A_2910, %add3A_2911 : vector<16xi32>
      %swap3A_2913 = arith.constant 3 : i32
      %swap3A_2914 = arith.index_cast %swap3A_2913 : i32 to index
      %swap3A_2915 = arith.constant 16 : index
      %swap3A_2916 = tpu.vector_load %arg10[%swap3A_2914, %swap3A_2915] {strides = array<i32>} : memref<4x128xi32, #tpu.memory_space<vmem>>, vector<1x16xi32>,
      %swap3A_2917 = vector.shape_cast %swap3A_2916 : vector<1x16xi32> to vector<16xi32>
      %swap3A_2918 = vector.shape_cast %add3A_2912 : vector<16xi32> to vector<1x16xi32>
      tpu.vector_store %arg10[%swap3A_2914, %swap3A_2915], %swap3A_2918 {strides = array<i32>} : memref<4x128xi32, #tpu.memory_space<vmem>>, vector<1x16xi32>,
      %get3A_2919 = arith.constant 3 : i32
      %get3A_2920 = arith.index_cast %get3A_2919 : i32 to index
      %get3A_2921 = arith.constant 32 : index
      %get3A_2922 = tpu.vector_load %arg10[%get3A_2920, %get3A_2921] {strides = array<i32>} : memref<4x128xi32, #tpu.memory_space<vmem>>, vector<1x16xi32>,
      %get3A_2923 = vector.shape_cast %get3A_2922 : vector<1x16xi32> to vector<16xi32>
      %mul3A_2924 = arith.constant 2 : i32
      %mul3A_2925 = vector.broadcast %mul3A_2924 : i32 to vector<16xi32>
      %mul3A_2926 = arith.muli %get3A_2923, %mul3A_2925 : vector<16xi32>
      %add3A_2927 = vector.broadcast %arg0 : i32 to vector<16xi32>
      %add3A_2928 = arith.addi %mul3A_2926, %add3A_2927 : vector<16xi32>
      %swap3A_2929 = arith.constant 3 : i32
      %swap3A_2930 = arith.index_cast %swap3A_2929 : i32 to index
      %swap3A_2931 = arith.constant 32 : index
      %swap3A_2932 = tpu.vector_load %arg10[%swap3A_2930, %swap3A_2931] {strides = array<i32>} : memref<4x128xi32, #tpu.memory_space<vmem>>, vector<1x16xi32>,
      %swap3A_2933 = vector.shape_cast %swap3A_2932 : vector<1x16xi32> to vector<16xi32>
      %swap3A_2934 = vector.shape_cast %add3A_2928 : vector<16xi32> to vector<1x16xi32>
      tpu.vector_store %arg10[%swap3A_2930, %swap3A_2931], %swap3A_2934 {strides = array<i32>} : memref<4x128xi32, #tpu.memory_space<vmem>>, vector<1x16xi32>,
      %get3A_2935 = arith.constant 3 : i32
      %get3A_2936 = arith.index_cast %get3A_2935 : i32 to index
      %get3A_2937 = arith.constant 48 : index
      %get3A_2938 = tpu.vector_load %arg10[%get3A_2936, %get3A_2937] {strides = array<i32>} : memref<4x128xi32, #tpu.memory_space<vmem>>, vector<1x16xi32>,
      %get3A_2939 = vector.shape_cast %get3A_2938 : vector<1x16xi32> to vector<16xi32>
      %mul3A_2940 = arith.constant 2 : i32
      %mul3A_2941 = vector.broadcast %mul3A_2940 : i32 to vector<16xi32>
      %mul3A_2942 = arith.muli %get3A_2939, %mul3A_2941 : vector<16xi32>
      %add3A_2943 = vector.broadcast %arg0 : i32 to vector<16xi32>
      %add3A_2944 = arith.addi %mul3A_2942, %add3A_2943 : vector<16xi32>
      %swap3A_2945 = arith.constant 3 : i32
      %swap3A_2946 = arith.index_cast %swap3A_2945 : i32 to index
      %swap3A_2947 = arith.constant 48 : index
      %swap3A_2948 = tpu.vector_load %arg10[%swap3A_2946, %swap3A_2947] {strides = array<i32>} : memref<4x128xi32, #tpu.memory_space<vmem>>, vector<1x16xi32>,
      %swap3A_2949 = vector.shape_cast %swap3A_2948 : vector<1x16xi32> to vector<16xi32>
      %swap3A_2950 = vector.shape_cast %add3A_2944 : vector<16xi32> to vector<1x16xi32>
      tpu.vector_store %arg10[%swap3A_2946, %swap3A_2947], %swap3A_2950 {strides = array<i32>} : memref<4x128xi32, #tpu.memory_space<vmem>>, vector<1x16xi32>,
      %get3A_2951 = arith.constant 3 : i32
      %get3A_2952 = arith.index_cast %get3A_2951 : i32 to index
      %get3A_2953 = arith.constant 64 : index
      %get3A_2954 = tpu.vector_load %arg10[%get3A_2952, %get3A_2953] {strides = array<i32>} : memref<4x128xi32, #tpu.memory_space<vmem>>, vector<1x16xi32>,
      %get3A_2955 = vector.shape_cast %get3A_2954 : vector<1x16xi32> to vector<16xi32>
      %mul3A_2956 = arith.constant 2 : i32
      %mul3A_2957 = vector.broadcast %mul3A_2956 : i32 to vector<16xi32>
      %mul3A_2958 = arith.muli %get3A_2955, %mul3A_2957 : vector<16xi32>
      %add3A_2959 = vector.broadcast %arg0 : i32 to vector<16xi32>
      %add3A_2960 = arith.addi %mul3A_2958, %add3A_2959 : vector<16xi32>
      %swap3A_2961 = arith.constant 3 : i32
      %swap3A_2962 = arith.index_cast %swap3A_2961 : i32 to index
      %swap3A_2963 = arith.constant 64 : index
      %swap3A_2964 = tpu.vector_load %arg10[%swap3A_2962, %swap3A_2963] {strides = array<i32>} : memref<4x128xi32, #tpu.memory_space<vmem>>, vector<1x16xi32>,
      %swap3A_2965 = vector.shape_cast %swap3A_2964 : vector<1x16xi32> to vector<16xi32>
      %swap3A_2966 = vector.shape_cast %add3A_2960 : vector<16xi32> to vector<1x16xi32>
      tpu.vector_store %arg10[%swap3A_2962, %swap3A_2963], %swap3A_2966 {strides = array<i32>} : memref<4x128xi32, #tpu.memory_space<vmem>>, vector<1x16xi32>,
      %get3A_2967 = arith.constant 3 : i32
      %get3A_2968 = arith.index_cast %get3A_2967 : i32 to index
      %get3A_2969 = arith.constant 80 : index
      %get3A_2970 = tpu.vector_load %arg10[%get3A_2968, %get3A_2969] {strides = array<i32>} : memref<4x128xi32, #tpu.memory_space<vmem>>, vector<1x16xi32>,
      %get3A_2971 = vector.shape_cast %get3A_2970 : vector<1x16xi32> to vector<16xi32>
      %mul3A_2972 = arith.constant 2 : i32
      %mul3A_2973 = vector.broadcast %mul3A_2972 : i32 to vector<16xi32>
      %mul3A_2974 = arith.muli %get3A_2971, %mul3A_2973 : vector<16xi32>
      %add3A_2975 = vector.broadcast %arg0 : i32 to vector<16xi32>
      %add3A_2976 = arith.addi %mul3A_2974, %add3A_2975 : vector<16xi32>
      %swap3A_2977 = arith.constant 3 : i32
      %swap3A_2978 = arith.index_cast %swap3A_2977 : i32 to index
      %swap3A_2979 = arith.constant 80 : index
      %swap3A_2980 = tpu.vector_load %arg10[%swap3A_2978, %swap3A_2979] {strides = array<i32>} : memref<4x128xi32, #tpu.memory_space<vmem>>, vector<1x16xi32>,
      %swap3A_2981 = vector.shape_cast %swap3A_2980 : vector<1x16xi32> to vector<16xi32>
      %swap3A_2982 = vector.shape_cast %add3A_2976 : vector<16xi32> to vector<1x16xi32>
      tpu.vector_store %arg10[%swap3A_2978, %swap3A_2979], %swap3A_2982 {strides = array<i32>} : memref<4x128xi32, #tpu.memory_space<vmem>>, vector<1x16xi32>,
      %get3A_2983 = arith.constant 3 : i32
      %get3A_2984 = arith.index_cast %get3A_2983 : i32 to index
      %get3A_2985 = arith.constant 96 : index
      %get3A_2986 = tpu.vector_load %arg10[%get3A_2984, %get3A_2985] {strides = array<i32>} : memref<4x128xi32, #tpu.memory_space<vmem>>, vector<1x16xi32>,
      %get3A_2987 = vector.shape_cast %get3A_2986 : vector<1x16xi32> to vector<16xi32>
      %mul3A_2988 = arith.constant 2 : i32
      %mul3A_2989 = vector.broadcast %mul3A_2988 : i32 to vector<16xi32>
      %mul3A_2990 = arith.muli %get3A_2987, %mul3A_2989 : vector<16xi32>
      %add3A_2991 = vector.broadcast %arg0 : i32 to vector<16xi32>
      %add3A_2992 = arith.addi %mul3A_2990, %add3A_2991 : vector<16xi32>
      %swap3A_2993 = arith.constant 3 : i32
      %swap3A_2994 = arith.index_cast %swap3A_2993 : i32 to index
      %swap3A_2995 = arith.constant 96 : index
      %swap3A_2996 = tpu.vector_load %arg10[%swap3A_2994, %swap3A_2995] {strides = array<i32>} : memref<4x128xi32, #tpu.memory_space<vmem>>, vector<1x16xi32>,
      %swap3A_2997 = vector.shape_cast %swap3A_2996 : vector<1x16xi32> to vector<16xi32>
      %swap3A_2998 = vector.shape_cast %add3A_2992 : vector<16xi32> to vector<1x16xi32>
      tpu.vector_store %arg10[%swap3A_2994, %swap3A_2995], %swap3A_2998 {strides = array<i32>} : memref<4x128xi32, #tpu.memory_space<vmem>>, vector<1x16xi32>,
      %get3A_2999 = arith.constant 3 : i32
      %get3A_3000 = arith.index_cast %get3A_2999 : i32 to index
      %get3A_3001 = arith.constant 112 : index
      %get3A_3002 = tpu.vector_load %arg10[%get3A_3000, %get3A_3001] {strides = array<i32>} : memref<4x128xi32, #tpu.memory_space<vmem>>, vector<1x16xi32>,
      %get3A_3003 = vector.shape_cast %get3A_3002 : vector<1x16xi32> to vector<16xi32>
      %mul3A_3004 = arith.constant 2 : i32
      %mul3A_3005 = vector.broadcast %mul3A_3004 : i32 to vector<16xi32>
      %mul3A_3006 = arith.muli %get3A_3003, %mul3A_3005 : vector<16xi32>
      %add3A_3007 = vector.broadcast %arg0 : i32 to vector<16xi32>
      %add3A_3008 = arith.addi %mul3A_3006, %add3A_3007 : vector<16xi32>
      %swap3A_3009 = arith.constant 3 : i32
      %swap3A_3010 = arith.index_cast %swap3A_3009 : i32 to index
      %swap3A_3011 = arith.constant 112 : index
      %swap3A_3012 = tpu.vector_load %arg10[%swap3A_3010, %swap3A_3011] {strides = array<i32>} : memref<4x128xi32, #tpu.memory_space<vmem>>, vector<1x16xi32>,
      %swap3A_3013 = vector.shape_cast %swap3A_3012 : vector<1x16xi32> to vector<16xi32>
      %swap3A_3014 = vector.shape_cast %add3A_3008 : vector<16xi32> to vector<1x16xi32>
      tpu.vector_store %arg10[%swap3A_3010, %swap3A_3011], %swap3A_3014 {strides = array<i32>} : memref<4x128xi32, #tpu.memory_space<vmem>>, vector<1x16xi32>,
      %dma_start3A_3015 = arith.constant 3 : i32
      %dma_start3A_3016 = arith.constant 3 : i32
      %dma_start3A_3017 = arith.constant 0 : i32
      %dma_start3A_3018 = arith.constant 0 : i32
      %dma_start3A_3019 = tpu.memref_slice %arg12[%dma_start3A_3016, %dma_start3A_3017, %dma_start3A_3018] : memref<4x128x64xf32, #tpu.memory_space<vmem>> -> memref<1x128x64xf32, #tpu.memory_space<vmem>>
      %dma_start3A_3020 = tpu.memref_squeeze %dma_start3A_3019 : memref<1x128x64xf32, #tpu.memory_space<vmem>> -> memref<128x64xf32, #tpu.memory_space<vmem>>
      %dma_start3A_3021 = arith.constant 0 : i32
      %dma_start3A_3022 = tpu.memref_slice %arg10[%dma_start3A_3015, %dma_start3A_3021] : memref<4x128xi32, #tpu.memory_space<vmem>> -> memref<1x128xi32, #tpu.memory_space<vmem>>
      %dma_start3A_3023 = tpu.memref_squeeze %dma_start3A_3022 : memref<1x128xi32, #tpu.memory_space<vmem>> -> memref<128xi32, #tpu.memory_space<vmem>>
      %dma_start3A_3024 = arith.constant 0 : i32
      %dma_start3A_3025 = arith.constant 0 : i32
      %dma_start3A_3026 = tpu.memref_slice %arg2[%dma_start3A_3024, %dma_start3A_3025] : memref<20000x64xf32, #tpu.memory_space<hbm>> -> memref<20000x64xf32, #tpu.memory_space<hbm>>
      tpu.enqueue_indirect_dma source(%dma_start3A_3026 : memref<20000x64xf32, #tpu.memory_space<hbm>>) target(%dma_start3A_3020 : memref<128x64xf32, #tpu.memory_space<vmem>>) offsets(%dma_start3A_3023 : memref<128xi32, #tpu.memory_space<vmem>>) semaphore(%arg27 : memref<!tpu.dma_semaphore, #tpu.memory_space<semaphore_mem>>)
      %dma_wait3A_3027 = arith.constant 2 : i32
      %dma_wait3A_3028 = arith.constant 2 : i32
      %dma_wait3A_3029 = arith.constant 0 : i32
      %dma_wait3A_3030 = arith.constant 0 : i32
      %dma_wait3A_3031 = tpu.memref_slice %arg12[%dma_wait3A_3028, %dma_wait3A_3029, %dma_wait3A_3030] : memref<4x128x64xf32, #tpu.memory_space<vmem>> -> memref<1x128x64xf32, #tpu.memory_space<vmem>>
      %dma_wait3A_3032 = tpu.memref_squeeze %dma_wait3A_3031 : memref<1x128x64xf32, #tpu.memory_space<vmem>> -> memref<128x64xf32, #tpu.memory_space<vmem>>
      %dma_wait3A_3033 = arith.constant 0 : i32
      %dma_wait3A_3034 = tpu.memref_slice %arg10[%dma_wait3A_3027, %dma_wait3A_3033] : memref<4x128xi32, #tpu.memory_space<vmem>> -> memref<1x128xi32, #tpu.memory_space<vmem>>
      %dma_wait3A_3035 = tpu.memref_squeeze %dma_wait3A_3034 : memref<1x128xi32, #tpu.memory_space<vmem>> -> memref<128xi32, #tpu.memory_space<vmem>>
      %dma_wait3A_3036 = arith.constant 0 : i32
      %dma_wait3A_3037 = arith.constant 0 : i32
      %dma_wait3A_3038 = tpu.memref_slice %arg2[%dma_wait3A_3036, %dma_wait3A_3037] : memref<20000x64xf32, #tpu.memory_space<hbm>> -> memref<20000x64xf32, #tpu.memory_space<hbm>>
      tpu.wait_indirect_dma semaphore(%arg26 : memref<!tpu.dma_semaphore, #tpu.memory_space<semaphore_mem>>) src(%dma_wait3A_3038 : memref<20000x64xf32, #tpu.memory_space<hbm>>) dst(%dma_wait3A_3032 : memref<128x64xf32, #tpu.memory_space<vmem>>)
      %eq3A_3039 = arith.constant 0 : i32
      %eq3A_3040 = arith.cmpi eq, %arg0, %eq3A_3039 : i32
      %convert_element_type3A_3041 = arith.extui %eq3A_3040 : i1 to i32
      %cond3A_3042 = arith.constant 0 : i32
      %cond3A_3043 = arith.cmpi ne, %convert_element_type3A_3041, %cond3A_3042 : i32
      scf.if %cond3A_3043 {
        %dma_wait3A_3122 = arith.constant 2 : i32
        %dma_wait3A_3123 = arith.constant 0 : i32
        %dma_wait3A_3124 = arith.constant 0 : i32
        %dma_wait3A_3125 = tpu.memref_slice %arg13[%dma_wait3A_3122, %dma_wait3A_3123, %dma_wait3A_3124] : memref<4x128x16xf32, #tpu.memory_space<vmem>> -> memref<1x128x16xf32, #tpu.memory_space<vmem>>
        %dma_wait3A_3126 = tpu.memref_squeeze %dma_wait3A_3125 : memref<1x128x16xf32, #tpu.memory_space<vmem>> -> memref<128x16xf32, #tpu.memory_space<vmem>>
        %dma_wait3A_3127 = arith.constant 0 : i32
        %dma_wait3A_3128 = arith.constant 0 : i32
        %dma_wait3A_3129 = tpu.memref_slice %arg5[%dma_wait3A_3127, %dma_wait3A_3128] : memref<320000x16xf32, #tpu.memory_space<hbm>> -> memref<128x16xf32, #tpu.memory_space<hbm>>
        %dma_wait3A_3130 = arith.constant 0 : i32
        %dma_wait3A_3131 = arith.constant 0 : i32
        %dma_wait3A_3132 = tpu.memref_slice %arg13[%dma_wait3A_3122, %dma_wait3A_3130, %dma_wait3A_3131] : memref<4x128x16xf32, #tpu.memory_space<vmem>> -> memref<1x128x16xf32, #tpu.memory_space<vmem>>
        %dma_wait3A_3133 = tpu.memref_squeeze %dma_wait3A_3132 : memref<1x128x16xf32, #tpu.memory_space<vmem>> -> memref<128x16xf32, #tpu.memory_space<vmem>>
        %dma_wait3A_3134 = arith.constant 0 : i32
        %dma_wait3A_3135 = arith.constant 0 : i32
        %dma_wait3A_3136 = tpu.memref_slice %arg5[%dma_wait3A_3134, %dma_wait3A_3135] : memref<320000x16xf32, #tpu.memory_space<hbm>> -> memref<128x16xf32, #tpu.memory_space<hbm>>
        tpu.wait_dma2 semaphore(%arg22 : memref<!tpu.dma_semaphore, #tpu.memory_space<semaphore_mem>>) src(%dma_wait3A_3136 : memref<128x16xf32, #tpu.memory_space<hbm>>) dst(%dma_wait3A_3133 : memref<128x16xf32, #tpu.memory_space<vmem>>)
      } else {
      }
      %dma_start3A_3044 = arith.constant 2 : i32
      %dma_start3A_3045 = arith.constant 2 : i32
      %dma_start3A_3046 = arith.constant 0 : i32
      %dma_start3A_3047 = arith.constant 0 : i32
      %dma_start3A_3048 = tpu.memref_slice %arg12[%dma_start3A_3044, %dma_start3A_3046, %dma_start3A_3047] : memref<4x128x64xf32, #tpu.memory_space<vmem>> -> memref<1x128x64xf32, #tpu.memory_space<vmem>>
      %dma_start3A_3049 = tpu.memref_squeeze %dma_start3A_3048 : memref<1x128x64xf32, #tpu.memory_space<vmem>> -> memref<128x64xf32, #tpu.memory_space<vmem>>
      %dma_start3A_3050 = arith.constant 0 : i32
      %dma_start3A_3051 = tpu.memref_slice %arg11[%dma_start3A_3045, %dma_start3A_3050] : memref<4x128xi32, #tpu.memory_space<vmem>> -> memref<1x128xi32, #tpu.memory_space<vmem>>
      %dma_start3A_3052 = tpu.memref_squeeze %dma_start3A_3051 : memref<1x128xi32, #tpu.memory_space<vmem>> -> memref<128xi32, #tpu.memory_space<vmem>>
      %dma_start3A_3053 = arith.constant 0 : i32
      %dma_start3A_3054 = arith.constant 0 : i32
      %dma_start3A_3055 = tpu.memref_slice %arg14[%dma_start3A_3053, %dma_start3A_3054] : memref<10000x64xf32, #tpu.memory_space<vmem_shared>> -> memref<10000x64xf32, #tpu.memory_space<vmem_shared>>
      tpu.enqueue_indirect_dma source(%dma_start3A_3049 : memref<128x64xf32, #tpu.memory_space<vmem>>) target(%dma_start3A_3055 : memref<10000x64xf32, #tpu.memory_space<vmem_shared>>) offsets(%dma_start3A_3052 : memref<128xi32, #tpu.memory_space<vmem>>) semaphore(%arg30 : memref<!tpu.dma_semaphore, #tpu.memory_space<semaphore_mem>>) {add = true}
      %dma_start3A_3056 = arith.constant 2 : i32
      %dma_start3A_3057 = arith.constant 2 : i32
      %dma_start3A_3058 = arith.constant 0 : i32
      %dma_start3A_3059 = arith.constant 0 : i32
      %dma_start3A_3060 = tpu.memref_slice %arg13[%dma_start3A_3056, %dma_start3A_3058, %dma_start3A_3059] : memref<4x128x16xf32, #tpu.memory_space<vmem>> -> memref<1x128x16xf32, #tpu.memory_space<vmem>>
      %dma_start3A_3061 = tpu.memref_squeeze %dma_start3A_3060 : memref<1x128x16xf32, #tpu.memory_space<vmem>> -> memref<128x16xf32, #tpu.memory_space<vmem>>
      %dma_start3A_3062 = arith.constant 0 : i32
      %dma_start3A_3063 = tpu.memref_slice %arg11[%dma_start3A_3057, %dma_start3A_3062] : memref<4x128xi32, #tpu.memory_space<vmem>> -> memref<1x128xi32, #tpu.memory_space<vmem>>
      %dma_start3A_3064 = tpu.memref_squeeze %dma_start3A_3063 : memref<1x128xi32, #tpu.memory_space<vmem>> -> memref<128xi32, #tpu.memory_space<vmem>>
      %dma_start3A_3065 = arith.constant 0 : i32
      %dma_start3A_3066 = arith.constant 0 : i32
      %dma_start3A_3067 = tpu.memref_slice %arg15[%dma_start3A_3065, %dma_start3A_3066] : memref<10000x16xf32, #tpu.memory_space<vmem_shared>> -> memref<10000x16xf32, #tpu.memory_space<vmem_shared>>
      tpu.enqueue_indirect_dma source(%dma_start3A_3061 : memref<128x16xf32, #tpu.memory_space<vmem>>) target(%dma_start3A_3067 : memref<10000x16xf32, #tpu.memory_space<vmem_shared>>) offsets(%dma_start3A_3064 : memref<128xi32, #tpu.memory_space<vmem>>) semaphore(%arg30 : memref<!tpu.dma_semaphore, #tpu.memory_space<semaphore_mem>>) {add = true}
      %dma_wait3A_3068 = arith.constant 1 : i32
      %dma_wait3A_3069 = arith.constant 1 : i32
      %dma_wait3A_3070 = arith.constant 0 : i32
      %dma_wait3A_3071 = arith.constant 0 : i32
      %dma_wait3A_3072 = tpu.memref_slice %arg12[%dma_wait3A_3068, %dma_wait3A_3070, %dma_wait3A_3071] : memref<4x128x64xf32, #tpu.memory_space<vmem>> -> memref<1x128x64xf32, #tpu.memory_space<vmem>>
      %dma_wait3A_3073 = tpu.memref_squeeze %dma_wait3A_3072 : memref<1x128x64xf32, #tpu.memory_space<vmem>> -> memref<128x64xf32, #tpu.memory_space<vmem>>
      %dma_wait3A_3074 = arith.constant 0 : i32
      %dma_wait3A_3075 = tpu.memref_slice %arg11[%dma_wait3A_3069, %dma_wait3A_3074] : memref<4x128xi32, #tpu.memory_space<vmem>> -> memref<1x128xi32, #tpu.memory_space<vmem>>
      %dma_wait3A_3076 = tpu.memref_squeeze %dma_wait3A_3075 : memref<1x128xi32, #tpu.memory_space<vmem>> -> memref<128xi32, #tpu.memory_space<vmem>>
      %dma_wait3A_3077 = arith.constant 0 : i32
      %dma_wait3A_3078 = arith.constant 0 : i32
      %dma_wait3A_3079 = tpu.memref_slice %arg14[%dma_wait3A_3077, %dma_wait3A_3078] : memref<10000x64xf32, #tpu.memory_space<vmem_shared>> -> memref<10000x64xf32, #tpu.memory_space<vmem_shared>>
      tpu.wait_indirect_dma semaphore(%arg29 : memref<!tpu.dma_semaphore, #tpu.memory_space<semaphore_mem>>) src(%dma_wait3A_3073 : memref<128x64xf32, #tpu.memory_space<vmem>>) dst(%dma_wait3A_3079 : memref<10000x64xf32, #tpu.memory_space<vmem_shared>>)
      %dma_wait3A_3080 = arith.constant 1 : i32
      %dma_wait3A_3081 = arith.constant 1 : i32
      %dma_wait3A_3082 = arith.constant 0 : i32
      %dma_wait3A_3083 = arith.constant 0 : i32
      %dma_wait3A_3084 = tpu.memref_slice %arg13[%dma_wait3A_3080, %dma_wait3A_3082, %dma_wait3A_3083] : memref<4x128x16xf32, #tpu.memory_space<vmem>> -> memref<1x128x16xf32, #tpu.memory_space<vmem>>
      %dma_wait3A_3085 = tpu.memref_squeeze %dma_wait3A_3084 : memref<1x128x16xf32, #tpu.memory_space<vmem>> -> memref<128x16xf32, #tpu.memory_space<vmem>>
      %dma_wait3A_3086 = arith.constant 0 : i32
      %dma_wait3A_3087 = tpu.memref_slice %arg11[%dma_wait3A_3081, %dma_wait3A_3086] : memref<4x128xi32, #tpu.memory_space<vmem>> -> memref<1x128xi32, #tpu.memory_space<vmem>>
      %dma_wait3A_3088 = tpu.memref_squeeze %dma_wait3A_3087 : memref<1x128xi32, #tpu.memory_space<vmem>> -> memref<128xi32, #tpu.memory_space<vmem>>
      %dma_wait3A_3089 = arith.constant 0 : i32
      %dma_wait3A_3090 = arith.constant 0 : i32
      %dma_wait3A_3091 = tpu.memref_slice %arg15[%dma_wait3A_3089, %dma_wait3A_3090] : memref<10000x16xf32, #tpu.memory_space<vmem_shared>> -> memref<10000x16xf32, #tpu.memory_space<vmem_shared>>
      tpu.wait_indirect_dma semaphore(%arg29 : memref<!tpu.dma_semaphore, #tpu.memory_space<semaphore_mem>>) src(%dma_wait3A_3085 : memref<128x16xf32, #tpu.memory_space<vmem>>) dst(%dma_wait3A_3091 : memref<10000x16xf32, #tpu.memory_space<vmem_shared>>)
      %add3A_3092 = arith.constant 2 : i32
      %add3A_3093 = arith.addi %add3A_2864, %add3A_3092 : i32
      %mul3A_3094 = arith.constant 16 : i32
      %mul3A_3095 = arith.muli %add3A_3093, %mul3A_3094 : i32
      %add3A_3096 = arith.addi %mul3A_3095, %arg1 : i32
      %mul3A_3097 = arith.constant 128 : i32
      %mul3A_3098 = arith.muli %add3A_3096, %mul3A_3097 : i32
      %dma_start3A_3099 = arith.constant 1 : i32
      %dma_start3A_3100 = arith.constant 0 : i32
      %dma_start3A_3101 = tpu.memref_slice %arg10[%dma_start3A_3099, %dma_start3A_3100] : memref<4x128xi32, #tpu.memory_space<vmem>> -> memref<1x128xi32, #tpu.memory_space<vmem>>
      %dma_start3A_3102 = tpu.memref_squeeze %dma_start3A_3101 : memref<1x128xi32, #tpu.memory_space<vmem>> -> memref<128xi32, #tpu.memory_space<vmem>>
      %dma_start3A_3103 = tpu.memref_slice %arg3[%mul3A_3098] : memref<320000xi32, #tpu.memory_space<hbm>> -> memref<128xi32, #tpu.memory_space<hbm>>
      %dma_start3A_3104 = arith.constant 0 : i32
      %dma_start3A_3105 = tpu.memref_slice %arg10[%dma_start3A_3099, %dma_start3A_3104] : memref<4x128xi32, #tpu.memory_space<vmem>> -> memref<1x128xi32, #tpu.memory_space<vmem>>
      %dma_start3A_3106 = tpu.memref_squeeze %dma_start3A_3105 : memref<1x128xi32, #tpu.memory_space<vmem>> -> memref<128xi32, #tpu.memory_space<vmem>>
      %dma_start3A_3107 = tpu.memref_slice %arg3[%mul3A_3098] : memref<320000xi32, #tpu.memory_space<hbm>> -> memref<128xi32, #tpu.memory_space<hbm>>
      tpu.enqueue_dma source(%dma_start3A_3107 : memref<128xi32, #tpu.memory_space<hbm>>) target(%dma_start3A_3106 : memref<128xi32, #tpu.memory_space<vmem>>) target_semaphore(%arg17 : memref<!tpu.dma_semaphore, #tpu.memory_space<semaphore_mem>>)
      %dma_start3A_3108 = arith.constant 1 : i32
      %dma_start3A_3109 = arith.constant 0 : i32
      %dma_start3A_3110 = tpu.memref_slice %arg11[%dma_start3A_3108, %dma_start3A_3109] : memref<4x128xi32, #tpu.memory_space<vmem>> -> memref<1x128xi32, #tpu.memory_space<vmem>>
      %dma_start3A_3111 = tpu.memref_squeeze %dma_start3A_3110 : memref<1x128xi32, #tpu.memory_space<vmem>> -> memref<128xi32, #tpu.memory_space<vmem>>
      %dma_start3A_3112 = tpu.memref_slice %arg4[%mul3A_3098] : memref<320000xi32, #tpu.memory_space<hbm>> -> memref<128xi32, #tpu.memory_space<hbm>>
      %dma_start3A_3113 = arith.constant 0 : i32
      %dma_start3A_3114 = tpu.memref_slice %arg11[%dma_start3A_3108, %dma_start3A_3113] : memref<4x128xi32, #tpu.memory_space<vmem>> -> memref<1x128xi32, #tpu.memory_space<vmem>>
      %dma_start3A_3115 = tpu.memref_squeeze %dma_start3A_3114 : memref<1x128xi32, #tpu.memory_space<vmem>> -> memref<128xi32, #tpu.memory_space<vmem>>
      %dma_start3A_3116 = tpu.memref_slice %arg4[%mul3A_3098] : memref<320000xi32, #tpu.memory_space<hbm>> -> memref<128xi32, #tpu.memory_space<hbm>>
      tpu.enqueue_dma source(%dma_start3A_3116 : memref<128xi32, #tpu.memory_space<hbm>>) target(%dma_start3A_3115 : memref<128xi32, #tpu.memory_space<vmem>>) target_semaphore(%arg17 : memref<!tpu.dma_semaphore, #tpu.memory_space<semaphore_mem>>)
      %eq3A_3117 = arith.constant 0 : i32
      %eq3A_3118 = arith.cmpi eq, %arg0, %eq3A_3117 : i32
      %convert_element_type3A_3119 = arith.extui %eq3A_3118 : i1 to i32
      %cond3A_3120 = arith.constant 0 : i32
      %cond3A_3121 = arith.cmpi ne, %convert_element_type3A_3119, %cond3A_3120 : i32
      scf.if %cond3A_3121 {
        %dma_start3A_3122 = arith.constant 1 : i32
        %dma_start3A_3123 = arith.constant 0 : i32
        %dma_start3A_3124 = arith.constant 0 : i32
        %dma_start3A_3125 = tpu.memref_slice %arg13[%dma_start3A_3122, %dma_start3A_3123, %dma_start3A_3124] : memref<4x128x16xf32, #tpu.memory_space<vmem>> -> memref<1x128x16xf32, #tpu.memory_space<vmem>>
        %dma_start3A_3126 = tpu.memref_squeeze %dma_start3A_3125 : memref<1x128x16xf32, #tpu.memory_space<vmem>> -> memref<128x16xf32, #tpu.memory_space<vmem>>
        %dma_start3A_3127 = arith.constant 0 : i32
        %dma_start3A_3128 = tpu.memref_slice %arg5[%mul3A_3098, %dma_start3A_3127] : memref<320000x16xf32, #tpu.memory_space<hbm>> -> memref<128x16xf32, #tpu.memory_space<hbm>>
        %dma_start3A_3129 = arith.constant 0 : i32
        %dma_start3A_3130 = arith.constant 0 : i32
        %dma_start3A_3131 = tpu.memref_slice %arg13[%dma_start3A_3122, %dma_start3A_3129, %dma_start3A_3130] : memref<4x128x16xf32, #tpu.memory_space<vmem>> -> memref<1x128x16xf32, #tpu.memory_space<vmem>>
        %dma_start3A_3132 = tpu.memref_squeeze %dma_start3A_3131 : memref<1x128x16xf32, #tpu.memory_space<vmem>> -> memref<128x16xf32, #tpu.memory_space<vmem>>
        %dma_start3A_3133 = arith.constant 0 : i32
        %dma_start3A_3134 = tpu.memref_slice %arg5[%mul3A_3098, %dma_start3A_3133] : memref<320000x16xf32, #tpu.memory_space<hbm>> -> memref<128x16xf32, #tpu.memory_space<hbm>>
        tpu.enqueue_dma source(%dma_start3A_3134 : memref<128x16xf32, #tpu.memory_space<hbm>>) target(%dma_start3A_3132 : memref<128x16xf32, #tpu.memory_space<vmem>>) target_semaphore(%arg21 : memref<!tpu.dma_semaphore, #tpu.memory_space<semaphore_mem>>)
      } else {
      }
    }
    %scan3A_1003 = arith.constant 37 : i32
    %dma_wait3A_1004 = arith.constant 0 : i32
    %dma_wait3A_1005 = arith.constant 0 : i32
    %dma_wait3A_1006 = tpu.memref_slice %arg10[%dma_wait3A_1004, %dma_wait3A_1005] : memref<4x128xi32, #tpu.memory_space<vmem>> -> memref<1x128xi32, #tpu.memory_space<vmem>>
    %dma_wait3A_1007 = tpu.memref_squeeze %dma_wait3A_1006 : memref<1x128xi32, #tpu.memory_space<vmem>> -> memref<128xi32, #tpu.memory_space<vmem>>
    %dma_wait3A_1008 = arith.constant 0 : i32
    %dma_wait3A_1009 = tpu.memref_slice %arg3[%dma_wait3A_1008] : memref<320000xi32, #tpu.memory_space<hbm>> -> memref<128xi32, #tpu.memory_space<hbm>>
    %dma_wait3A_1010 = arith.constant 0 : i32
    %dma_wait3A_1011 = tpu.memref_slice %arg10[%dma_wait3A_1004, %dma_wait3A_1010] : memref<4x128xi32, #tpu.memory_space<vmem>> -> memref<1x128xi32, #tpu.memory_space<vmem>>
    %dma_wait3A_1012 = tpu.memref_squeeze %dma_wait3A_1011 : memref<1x128xi32, #tpu.memory_space<vmem>> -> memref<128xi32, #tpu.memory_space<vmem>>
    %dma_wait3A_1013 = arith.constant 0 : i32
    %dma_wait3A_1014 = tpu.memref_slice %arg3[%dma_wait3A_1013] : memref<320000xi32, #tpu.memory_space<hbm>> -> memref<128xi32, #tpu.memory_space<hbm>>
    tpu.wait_dma2 semaphore(%arg16 : memref<!tpu.dma_semaphore, #tpu.memory_space<semaphore_mem>>) src(%dma_wait3A_1014 : memref<128xi32, #tpu.memory_space<hbm>>) dst(%dma_wait3A_1012 : memref<128xi32, #tpu.memory_space<vmem>>)
    %dma_wait3A_1015 = arith.constant 0 : i32
    %dma_wait3A_1016 = arith.constant 0 : i32
    %dma_wait3A_1017 = tpu.memref_slice %arg11[%dma_wait3A_1015, %dma_wait3A_1016] : memref<4x128xi32, #tpu.memory_space<vmem>> -> memref<1x128xi32, #tpu.memory_space<vmem>>
    %dma_wait3A_1018 = tpu.memref_squeeze %dma_wait3A_1017 : memref<1x128xi32, #tpu.memory_space<vmem>> -> memref<128xi32, #tpu.memory_space<vmem>>
    %dma_wait3A_1019 = arith.constant 0 : i32
    %dma_wait3A_1020 = tpu.memref_slice %arg4[%dma_wait3A_1019] : memref<320000xi32, #tpu.memory_space<hbm>> -> memref<128xi32, #tpu.memory_space<hbm>>
    %dma_wait3A_1021 = arith.constant 0 : i32
    %dma_wait3A_1022 = tpu.memref_slice %arg11[%dma_wait3A_1015, %dma_wait3A_1021] : memref<4x128xi32, #tpu.memory_space<vmem>> -> memref<1x128xi32, #tpu.memory_space<vmem>>
    %dma_wait3A_1023 = tpu.memref_squeeze %dma_wait3A_1022 : memref<1x128xi32, #tpu.memory_space<vmem>> -> memref<128xi32, #tpu.memory_space<vmem>>
    %dma_wait3A_1024 = arith.constant 0 : i32
    %dma_wait3A_1025 = tpu.memref_slice %arg4[%dma_wait3A_1024] : memref<320000xi32, #tpu.memory_space<hbm>> -> memref<128xi32, #tpu.memory_space<hbm>>
    tpu.wait_dma2 semaphore(%arg16 : memref<!tpu.dma_semaphore, #tpu.memory_space<semaphore_mem>>) src(%dma_wait3A_1025 : memref<128xi32, #tpu.memory_space<hbm>>) dst(%dma_wait3A_1023 : memref<128xi32, #tpu.memory_space<vmem>>)
    %get3A_1026 = arith.constant 0 : i32
    %get3A_1027 = arith.index_cast %get3A_1026 : i32 to index
    %get3A_1028 = arith.constant 0 : index
    %get3A_1029 = tpu.vector_load %arg10[%get3A_1027, %get3A_1028] {strides = array<i32>} : memref<4x128xi32, #tpu.memory_space<vmem>>, vector<1x16xi32>,
    %get3A_1030 = vector.shape_cast %get3A_1029 : vector<1x16xi32> to vector<16xi32>
    %mul3A_1031 = arith.constant 2 : i32
    %mul3A_1032 = vector.broadcast %mul3A_1031 : i32 to vector<16xi32>
    %mul3A_1033 = arith.muli %get3A_1030, %mul3A_1032 : vector<16xi32>
    %add3A_1034 = vector.broadcast %arg0 : i32 to vector<16xi32>
    %add3A_1035 = arith.addi %mul3A_1033, %add3A_1034 : vector<16xi32>
    %swap3A_1036 = arith.constant 0 : i32
    %swap3A_1037 = arith.index_cast %swap3A_1036 : i32 to index
    %swap3A_1038 = arith.constant 0 : index
    %swap3A_1039 = tpu.vector_load %arg10[%swap3A_1037, %swap3A_1038] {strides = array<i32>} : memref<4x128xi32, #tpu.memory_space<vmem>>, vector<1x16xi32>,
    %swap3A_1040 = vector.shape_cast %swap3A_1039 : vector<1x16xi32> to vector<16xi32>
    %swap3A_1041 = vector.shape_cast %add3A_1035 : vector<16xi32> to vector<1x16xi32>
    tpu.vector_store %arg10[%swap3A_1037, %swap3A_1038], %swap3A_1041 {strides = array<i32>} : memref<4x128xi32, #tpu.memory_space<vmem>>, vector<1x16xi32>,
    %get3A_1042 = arith.constant 0 : i32
    %get3A_1043 = arith.index_cast %get3A_1042 : i32 to index
    %get3A_1044 = arith.constant 16 : index
    %get3A_1045 = tpu.vector_load %arg10[%get3A_1043, %get3A_1044] {strides = array<i32>} : memref<4x128xi32, #tpu.memory_space<vmem>>, vector<1x16xi32>,
    %get3A_1046 = vector.shape_cast %get3A_1045 : vector<1x16xi32> to vector<16xi32>
    %mul3A_1047 = arith.constant 2 : i32
    %mul3A_1048 = vector.broadcast %mul3A_1047 : i32 to vector<16xi32>
    %mul3A_1049 = arith.muli %get3A_1046, %mul3A_1048 : vector<16xi32>
    %add3A_1050 = vector.broadcast %arg0 : i32 to vector<16xi32>
    %add3A_1051 = arith.addi %mul3A_1049, %add3A_1050 : vector<16xi32>
    %swap3A_1052 = arith.constant 0 : i32
    %swap3A_1053 = arith.index_cast %swap3A_1052 : i32 to index
    %swap3A_1054 = arith.constant 16 : index
    %swap3A_1055 = tpu.vector_load %arg10[%swap3A_1053, %swap3A_1054] {strides = array<i32>} : memref<4x128xi32, #tpu.memory_space<vmem>>, vector<1x16xi32>,
    %swap3A_1056 = vector.shape_cast %swap3A_1055 : vector<1x16xi32> to vector<16xi32>
    %swap3A_1057 = vector.shape_cast %add3A_1051 : vector<16xi32> to vector<1x16xi32>
    tpu.vector_store %arg10[%swap3A_1053, %swap3A_1054], %swap3A_1057 {strides = array<i32>} : memref<4x128xi32, #tpu.memory_space<vmem>>, vector<1x16xi32>,
    %get3A_1058 = arith.constant 0 : i32
    %get3A_1059 = arith.index_cast %get3A_1058 : i32 to index
    %get3A_1060 = arith.constant 32 : index
    %get3A_1061 = tpu.vector_load %arg10[%get3A_1059, %get3A_1060] {strides = array<i32>} : memref<4x128xi32, #tpu.memory_space<vmem>>, vector<1x16xi32>,
    %get3A_1062 = vector.shape_cast %get3A_1061 : vector<1x16xi32> to vector<16xi32>
    %mul3A_1063 = arith.constant 2 : i32
    %mul3A_1064 = vector.broadcast %mul3A_1063 : i32 to vector<16xi32>
    %mul3A_1065 = arith.muli %get3A_1062, %mul3A_1064 : vector<16xi32>
    %add3A_1066 = vector.broadcast %arg0 : i32 to vector<16xi32>
    %add3A_1067 = arith.addi %mul3A_1065, %add3A_1066 : vector<16xi32>
    %swap3A_1068 = arith.constant 0 : i32
    %swap3A_1069 = arith.index_cast %swap3A_1068 : i32 to index
    %swap3A_1070 = arith.constant 32 : index
    %swap3A_1071 = tpu.vector_load %arg10[%swap3A_1069, %swap3A_1070] {strides = array<i32>} : memref<4x128xi32, #tpu.memory_space<vmem>>, vector<1x16xi32>,
    %swap3A_1072 = vector.shape_cast %swap3A_1071 : vector<1x16xi32> to vector<16xi32>
    %swap3A_1073 = vector.shape_cast %add3A_1067 : vector<16xi32> to vector<1x16xi32>
    tpu.vector_store %arg10[%swap3A_1069, %swap3A_1070], %swap3A_1073 {strides = array<i32>} : memref<4x128xi32, #tpu.memory_space<vmem>>, vector<1x16xi32>,
    %get3A_1074 = arith.constant 0 : i32
    %get3A_1075 = arith.index_cast %get3A_1074 : i32 to index
    %get3A_1076 = arith.constant 48 : index
    %get3A_1077 = tpu.vector_load %arg10[%get3A_1075, %get3A_1076] {strides = array<i32>} : memref<4x128xi32, #tpu.memory_space<vmem>>, vector<1x16xi32>,
    %get3A_1078 = vector.shape_cast %get3A_1077 : vector<1x16xi32> to vector<16xi32>
    %mul3A_1079 = arith.constant 2 : i32
    %mul3A_1080 = vector.broadcast %mul3A_1079 : i32 to vector<16xi32>
    %mul3A_1081 = arith.muli %get3A_1078, %mul3A_1080 : vector<16xi32>
    %add3A_1082 = vector.broadcast %arg0 : i32 to vector<16xi32>
    %add3A_1083 = arith.addi %mul3A_1081, %add3A_1082 : vector<16xi32>
    %swap3A_1084 = arith.constant 0 : i32
    %swap3A_1085 = arith.index_cast %swap3A_1084 : i32 to index
    %swap3A_1086 = arith.constant 48 : index
    %swap3A_1087 = tpu.vector_load %arg10[%swap3A_1085, %swap3A_1086] {strides = array<i32>} : memref<4x128xi32, #tpu.memory_space<vmem>>, vector<1x16xi32>,
    %swap3A_1088 = vector.shape_cast %swap3A_1087 : vector<1x16xi32> to vector<16xi32>
    %swap3A_1089 = vector.shape_cast %add3A_1083 : vector<16xi32> to vector<1x16xi32>
    tpu.vector_store %arg10[%swap3A_1085, %swap3A_1086], %swap3A_1089 {strides = array<i32>} : memref<4x128xi32, #tpu.memory_space<vmem>>, vector<1x16xi32>,
    %get3A_1090 = arith.constant 0 : i32
    %get3A_1091 = arith.index_cast %get3A_1090 : i32 to index
    %get3A_1092 = arith.constant 64 : index
    %get3A_1093 = tpu.vector_load %arg10[%get3A_1091, %get3A_1092] {strides = array<i32>} : memref<4x128xi32, #tpu.memory_space<vmem>>, vector<1x16xi32>,
    %get3A_1094 = vector.shape_cast %get3A_1093 : vector<1x16xi32> to vector<16xi32>
    %mul3A_1095 = arith.constant 2 : i32
    %mul3A_1096 = vector.broadcast %mul3A_1095 : i32 to vector<16xi32>
    %mul3A_1097 = arith.muli %get3A_1094, %mul3A_1096 : vector<16xi32>
    %add3A_1098 = vector.broadcast %arg0 : i32 to vector<16xi32>
    %add3A_1099 = arith.addi %mul3A_1097, %add3A_1098 : vector<16xi32>
    %swap3A_1100 = arith.constant 0 : i32
    %swap3A_1101 = arith.index_cast %swap3A_1100 : i32 to index
    %swap3A_1102 = arith.constant 64 : index
    %swap3A_1103 = tpu.vector_load %arg10[%swap3A_1101, %swap3A_1102] {strides = array<i32>} : memref<4x128xi32, #tpu.memory_space<vmem>>, vector<1x16xi32>,
    %swap3A_1104 = vector.shape_cast %swap3A_1103 : vector<1x16xi32> to vector<16xi32>
    %swap3A_1105 = vector.shape_cast %add3A_1099 : vector<16xi32> to vector<1x16xi32>
    tpu.vector_store %arg10[%swap3A_1101, %swap3A_1102], %swap3A_1105 {strides = array<i32>} : memref<4x128xi32, #tpu.memory_space<vmem>>, vector<1x16xi32>,
    %get3A_1106 = arith.constant 0 : i32
    %get3A_1107 = arith.index_cast %get3A_1106 : i32 to index
    %get3A_1108 = arith.constant 80 : index
    %get3A_1109 = tpu.vector_load %arg10[%get3A_1107, %get3A_1108] {strides = array<i32>} : memref<4x128xi32, #tpu.memory_space<vmem>>, vector<1x16xi32>,
    %get3A_1110 = vector.shape_cast %get3A_1109 : vector<1x16xi32> to vector<16xi32>
    %mul3A_1111 = arith.constant 2 : i32
    %mul3A_1112 = vector.broadcast %mul3A_1111 : i32 to vector<16xi32>
    %mul3A_1113 = arith.muli %get3A_1110, %mul3A_1112 : vector<16xi32>
    %add3A_1114 = vector.broadcast %arg0 : i32 to vector<16xi32>
    %add3A_1115 = arith.addi %mul3A_1113, %add3A_1114 : vector<16xi32>
    %swap3A_1116 = arith.constant 0 : i32
    %swap3A_1117 = arith.index_cast %swap3A_1116 : i32 to index
    %swap3A_1118 = arith.constant 80 : index
    %swap3A_1119 = tpu.vector_load %arg10[%swap3A_1117, %swap3A_1118] {strides = array<i32>} : memref<4x128xi32, #tpu.memory_space<vmem>>, vector<1x16xi32>,
    %swap3A_1120 = vector.shape_cast %swap3A_1119 : vector<1x16xi32> to vector<16xi32>
    %swap3A_1121 = vector.shape_cast %add3A_1115 : vector<16xi32> to vector<1x16xi32>
    tpu.vector_store %arg10[%swap3A_1117, %swap3A_1118], %swap3A_1121 {strides = array<i32>} : memref<4x128xi32, #tpu.memory_space<vmem>>, vector<1x16xi32>,
    %get3A_1122 = arith.constant 0 : i32
    %get3A_1123 = arith.index_cast %get3A_1122 : i32 to index
    %get3A_1124 = arith.constant 96 : index
    %get3A_1125 = tpu.vector_load %arg10[%get3A_1123, %get3A_1124] {strides = array<i32>} : memref<4x128xi32, #tpu.memory_space<vmem>>, vector<1x16xi32>,
    %get3A_1126 = vector.shape_cast %get3A_1125 : vector<1x16xi32> to vector<16xi32>
    %mul3A_1127 = arith.constant 2 : i32
    %mul3A_1128 = vector.broadcast %mul3A_1127 : i32 to vector<16xi32>
    %mul3A_1129 = arith.muli %get3A_1126, %mul3A_1128 : vector<16xi32>
    %add3A_1130 = vector.broadcast %arg0 : i32 to vector<16xi32>
    %add3A_1131 = arith.addi %mul3A_1129, %add3A_1130 : vector<16xi32>
    %swap3A_1132 = arith.constant 0 : i32
    %swap3A_1133 = arith.index_cast %swap3A_1132 : i32 to index
    %swap3A_1134 = arith.constant 96 : index
    %swap3A_1135 = tpu.vector_load %arg10[%swap3A_1133, %swap3A_1134] {strides = array<i32>} : memref<4x128xi32, #tpu.memory_space<vmem>>, vector<1x16xi32>,
    %swap3A_1136 = vector.shape_cast %swap3A_1135 : vector<1x16xi32> to vector<16xi32>
    %swap3A_1137 = vector.shape_cast %add3A_1131 : vector<16xi32> to vector<1x16xi32>
    tpu.vector_store %arg10[%swap3A_1133, %swap3A_1134], %swap3A_1137 {strides = array<i32>} : memref<4x128xi32, #tpu.memory_space<vmem>>, vector<1x16xi32>,
    %get3A_1138 = arith.constant 0 : i32
    %get3A_1139 = arith.index_cast %get3A_1138 : i32 to index
    %get3A_1140 = arith.constant 112 : index
    %get3A_1141 = tpu.vector_load %arg10[%get3A_1139, %get3A_1140] {strides = array<i32>} : memref<4x128xi32, #tpu.memory_space<vmem>>, vector<1x16xi32>,
    %get3A_1142 = vector.shape_cast %get3A_1141 : vector<1x16xi32> to vector<16xi32>
    %mul3A_1143 = arith.constant 2 : i32
    %mul3A_1144 = vector.broadcast %mul3A_1143 : i32 to vector<16xi32>
    %mul3A_1145 = arith.muli %get3A_1142, %mul3A_1144 : vector<16xi32>
    %add3A_1146 = vector.broadcast %arg0 : i32 to vector<16xi32>
    %add3A_1147 = arith.addi %mul3A_1145, %add3A_1146 : vector<16xi32>
    %swap3A_1148 = arith.constant 0 : i32
    %swap3A_1149 = arith.index_cast %swap3A_1148 : i32 to index
    %swap3A_1150 = arith.constant 112 : index
    %swap3A_1151 = tpu.vector_load %arg10[%swap3A_1149, %swap3A_1150] {strides = array<i32>} : memref<4x128xi32, #tpu.memory_space<vmem>>, vector<1x16xi32>,
    %swap3A_1152 = vector.shape_cast %swap3A_1151 : vector<1x16xi32> to vector<16xi32>
    %swap3A_1153 = vector.shape_cast %add3A_1147 : vector<16xi32> to vector<1x16xi32>
    tpu.vector_store %arg10[%swap3A_1149, %swap3A_1150], %swap3A_1153 {strides = array<i32>} : memref<4x128xi32, #tpu.memory_space<vmem>>, vector<1x16xi32>,
    %dma_start3A_1154 = arith.constant 0 : i32
    %dma_start3A_1155 = arith.constant 0 : i32
    %dma_start3A_1156 = arith.constant 0 : i32
    %dma_start3A_1157 = arith.constant 0 : i32
    %dma_start3A_1158 = tpu.memref_slice %arg12[%dma_start3A_1155, %dma_start3A_1156, %dma_start3A_1157] : memref<4x128x64xf32, #tpu.memory_space<vmem>> -> memref<1x128x64xf32, #tpu.memory_space<vmem>>
    %dma_start3A_1159 = tpu.memref_squeeze %dma_start3A_1158 : memref<1x128x64xf32, #tpu.memory_space<vmem>> -> memref<128x64xf32, #tpu.memory_space<vmem>>
    %dma_start3A_1160 = arith.constant 0 : i32
    %dma_start3A_1161 = tpu.memref_slice %arg10[%dma_start3A_1154, %dma_start3A_1160] : memref<4x128xi32, #tpu.memory_space<vmem>> -> memref<1x128xi32, #tpu.memory_space<vmem>>
    %dma_start3A_1162 = tpu.memref_squeeze %dma_start3A_1161 : memref<1x128xi32, #tpu.memory_space<vmem>> -> memref<128xi32, #tpu.memory_space<vmem>>
    %dma_start3A_1163 = arith.constant 0 : i32
    %dma_start3A_1164 = arith.constant 0 : i32
    %dma_start3A_1165 = tpu.memref_slice %arg2[%dma_start3A_1163, %dma_start3A_1164] : memref<20000x64xf32, #tpu.memory_space<hbm>> -> memref<20000x64xf32, #tpu.memory_space<hbm>>
    tpu.enqueue_indirect_dma source(%dma_start3A_1165 : memref<20000x64xf32, #tpu.memory_space<hbm>>) target(%dma_start3A_1159 : memref<128x64xf32, #tpu.memory_space<vmem>>) offsets(%dma_start3A_1162 : memref<128xi32, #tpu.memory_space<vmem>>) semaphore(%arg24 : memref<!tpu.dma_semaphore, #tpu.memory_space<semaphore_mem>>)
    %dma_wait3A_1166 = arith.constant 3 : i32
    %dma_wait3A_1167 = arith.constant 3 : i32
    %dma_wait3A_1168 = arith.constant 0 : i32
    %dma_wait3A_1169 = arith.constant 0 : i32
    %dma_wait3A_1170 = tpu.memref_slice %arg12[%dma_wait3A_1167, %dma_wait3A_1168, %dma_wait3A_1169] : memref<4x128x64xf32, #tpu.memory_space<vmem>> -> memref<1x128x64xf32, #tpu.memory_space<vmem>>
    %dma_wait3A_1171 = tpu.memref_squeeze %dma_wait3A_1170 : memref<1x128x64xf32, #tpu.memory_space<vmem>> -> memref<128x64xf32, #tpu.memory_space<vmem>>
    %dma_wait3A_1172 = arith.constant 0 : i32
    %dma_wait3A_1173 = tpu.memref_slice %arg10[%dma_wait3A_1166, %dma_wait3A_1172] : memref<4x128xi32, #tpu.memory_space<vmem>> -> memref<1x128xi32, #tpu.memory_space<vmem>>
    %dma_wait3A_1174 = tpu.memref_squeeze %dma_wait3A_1173 : memref<1x128xi32, #tpu.memory_space<vmem>> -> memref<128xi32, #tpu.memory_space<vmem>>
    %dma_wait3A_1175 = arith.constant 0 : i32
    %dma_wait3A_1176 = arith.constant 0 : i32
    %dma_wait3A_1177 = tpu.memref_slice %arg2[%dma_wait3A_1175, %dma_wait3A_1176] : memref<20000x64xf32, #tpu.memory_space<hbm>> -> memref<20000x64xf32, #tpu.memory_space<hbm>>
    tpu.wait_indirect_dma semaphore(%arg27 : memref<!tpu.dma_semaphore, #tpu.memory_space<semaphore_mem>>) src(%dma_wait3A_1177 : memref<20000x64xf32, #tpu.memory_space<hbm>>) dst(%dma_wait3A_1171 : memref<128x64xf32, #tpu.memory_space<vmem>>)
    %eq3A_1178 = arith.constant 0 : i32
    %eq3A_1179 = arith.cmpi eq, %arg0, %eq3A_1178 : i32
    %convert_element_type3A_1180 = arith.extui %eq3A_1179 : i1 to i32
    %cond3A_1181 = arith.constant 0 : i32
    %cond3A_1182 = arith.cmpi ne, %convert_element_type3A_1180, %cond3A_1181 : i32
    scf.if %cond3A_1182 {
      %dma_wait3A_2065 = arith.constant 3 : i32
      %dma_wait3A_2066 = arith.constant 0 : i32
      %dma_wait3A_2067 = arith.constant 0 : i32
      %dma_wait3A_2068 = tpu.memref_slice %arg13[%dma_wait3A_2065, %dma_wait3A_2066, %dma_wait3A_2067] : memref<4x128x16xf32, #tpu.memory_space<vmem>> -> memref<1x128x16xf32, #tpu.memory_space<vmem>>
      %dma_wait3A_2069 = tpu.memref_squeeze %dma_wait3A_2068 : memref<1x128x16xf32, #tpu.memory_space<vmem>> -> memref<128x16xf32, #tpu.memory_space<vmem>>
      %dma_wait3A_2070 = arith.constant 0 : i32
      %dma_wait3A_2071 = arith.constant 0 : i32
      %dma_wait3A_2072 = tpu.memref_slice %arg5[%dma_wait3A_2070, %dma_wait3A_2071] : memref<320000x16xf32, #tpu.memory_space<hbm>> -> memref<128x16xf32, #tpu.memory_space<hbm>>
      %dma_wait3A_2073 = arith.constant 0 : i32
      %dma_wait3A_2074 = arith.constant 0 : i32
      %dma_wait3A_2075 = tpu.memref_slice %arg13[%dma_wait3A_2065, %dma_wait3A_2073, %dma_wait3A_2074] : memref<4x128x16xf32, #tpu.memory_space<vmem>> -> memref<1x128x16xf32, #tpu.memory_space<vmem>>
      %dma_wait3A_2076 = tpu.memref_squeeze %dma_wait3A_2075 : memref<1x128x16xf32, #tpu.memory_space<vmem>> -> memref<128x16xf32, #tpu.memory_space<vmem>>
      %dma_wait3A_2077 = arith.constant 0 : i32
      %dma_wait3A_2078 = arith.constant 0 : i32
      %dma_wait3A_2079 = tpu.memref_slice %arg5[%dma_wait3A_2077, %dma_wait3A_2078] : memref<320000x16xf32, #tpu.memory_space<hbm>> -> memref<128x16xf32, #tpu.memory_space<hbm>>
      tpu.wait_dma2 semaphore(%arg23 : memref<!tpu.dma_semaphore, #tpu.memory_space<semaphore_mem>>) src(%dma_wait3A_2079 : memref<128x16xf32, #tpu.memory_space<hbm>>) dst(%dma_wait3A_2076 : memref<128x16xf32, #tpu.memory_space<vmem>>)
    } else {
    }
    %dma_start3A_1183 = arith.constant 3 : i32
    %dma_start3A_1184 = arith.constant 3 : i32
    %dma_start3A_1185 = arith.constant 0 : i32
    %dma_start3A_1186 = arith.constant 0 : i32
    %dma_start3A_1187 = tpu.memref_slice %arg12[%dma_start3A_1183, %dma_start3A_1185, %dma_start3A_1186] : memref<4x128x64xf32, #tpu.memory_space<vmem>> -> memref<1x128x64xf32, #tpu.memory_space<vmem>>
    %dma_start3A_1188 = tpu.memref_squeeze %dma_start3A_1187 : memref<1x128x64xf32, #tpu.memory_space<vmem>> -> memref<128x64xf32, #tpu.memory_space<vmem>>
    %dma_start3A_1189 = arith.constant 0 : i32
    %dma_start3A_1190 = tpu.memref_slice %arg11[%dma_start3A_1184, %dma_start3A_1189] : memref<4x128xi32, #tpu.memory_space<vmem>> -> memref<1x128xi32, #tpu.memory_space<vmem>>
    %dma_start3A_1191 = tpu.memref_squeeze %dma_start3A_1190 : memref<1x128xi32, #tpu.memory_space<vmem>> -> memref<128xi32, #tpu.memory_space<vmem>>
    %dma_start3A_1192 = arith.constant 0 : i32
    %dma_start3A_1193 = arith.constant 0 : i32
    %dma_start3A_1194 = tpu.memref_slice %arg14[%dma_start3A_1192, %dma_start3A_1193] : memref<10000x64xf32, #tpu.memory_space<vmem_shared>> -> memref<10000x64xf32, #tpu.memory_space<vmem_shared>>
    tpu.enqueue_indirect_dma source(%dma_start3A_1188 : memref<128x64xf32, #tpu.memory_space<vmem>>) target(%dma_start3A_1194 : memref<10000x64xf32, #tpu.memory_space<vmem_shared>>) offsets(%dma_start3A_1191 : memref<128xi32, #tpu.memory_space<vmem>>) semaphore(%arg31 : memref<!tpu.dma_semaphore, #tpu.memory_space<semaphore_mem>>) {add = true}
    %dma_start3A_1195 = arith.constant 3 : i32
    %dma_start3A_1196 = arith.constant 3 : i32
    %dma_start3A_1197 = arith.constant 0 : i32
    %dma_start3A_1198 = arith.constant 0 : i32
    %dma_start3A_1199 = tpu.memref_slice %arg13[%dma_start3A_1195, %dma_start3A_1197, %dma_start3A_1198] : memref<4x128x16xf32, #tpu.memory_space<vmem>> -> memref<1x128x16xf32, #tpu.memory_space<vmem>>
    %dma_start3A_1200 = tpu.memref_squeeze %dma_start3A_1199 : memref<1x128x16xf32, #tpu.memory_space<vmem>> -> memref<128x16xf32, #tpu.memory_space<vmem>>
    %dma_start3A_1201 = arith.constant 0 : i32
    %dma_start3A_1202 = tpu.memref_slice %arg11[%dma_start3A_1196, %dma_start3A_1201] : memref<4x128xi32, #tpu.memory_space<vmem>> -> memref<1x128xi32, #tpu.memory_space<vmem>>
    %dma_start3A_1203 = tpu.memref_squeeze %dma_start3A_1202 : memref<1x128xi32, #tpu.memory_space<vmem>> -> memref<128xi32, #tpu.memory_space<vmem>>
    %dma_start3A_1204 = arith.constant 0 : i32
    %dma_start3A_1205 = arith.constant 0 : i32
    %dma_start3A_1206 = tpu.memref_slice %arg15[%dma_start3A_1204, %dma_start3A_1205] : memref<10000x16xf32, #tpu.memory_space<vmem_shared>> -> memref<10000x16xf32, #tpu.memory_space<vmem_shared>>
    tpu.enqueue_indirect_dma source(%dma_start3A_1200 : memref<128x16xf32, #tpu.memory_space<vmem>>) target(%dma_start3A_1206 : memref<10000x16xf32, #tpu.memory_space<vmem_shared>>) offsets(%dma_start3A_1203 : memref<128xi32, #tpu.memory_space<vmem>>) semaphore(%arg31 : memref<!tpu.dma_semaphore, #tpu.memory_space<semaphore_mem>>) {add = true}
    %dma_wait3A_1207 = arith.constant 2 : i32
    %dma_wait3A_1208 = arith.constant 2 : i32
    %dma_wait3A_1209 = arith.constant 0 : i32
    %dma_wait3A_1210 = arith.constant 0 : i32
    %dma_wait3A_1211 = tpu.memref_slice %arg12[%dma_wait3A_1207, %dma_wait3A_1209, %dma_wait3A_1210] : memref<4x128x64xf32, #tpu.memory_space<vmem>> -> memref<1x128x64xf32, #tpu.memory_space<vmem>>
    %dma_wait3A_1212 = tpu.memref_squeeze %dma_wait3A_1211 : memref<1x128x64xf32, #tpu.memory_space<vmem>> -> memref<128x64xf32, #tpu.memory_space<vmem>>
    %dma_wait3A_1213 = arith.constant 0 : i32
    %dma_wait3A_1214 = tpu.memref_slice %arg11[%dma_wait3A_1208, %dma_wait3A_1213] : memref<4x128xi32, #tpu.memory_space<vmem>> -> memref<1x128xi32, #tpu.memory_space<vmem>>
    %dma_wait3A_1215 = tpu.memref_squeeze %dma_wait3A_1214 : memref<1x128xi32, #tpu.memory_space<vmem>> -> memref<128xi32, #tpu.memory_space<vmem>>
    %dma_wait3A_1216 = arith.constant 0 : i32
    %dma_wait3A_1217 = arith.constant 0 : i32
    %dma_wait3A_1218 = tpu.memref_slice %arg14[%dma_wait3A_1216, %dma_wait3A_1217] : memref<10000x64xf32, #tpu.memory_space<vmem_shared>> -> memref<10000x64xf32, #tpu.memory_space<vmem_shared>>
    tpu.wait_indirect_dma semaphore(%arg30 : memref<!tpu.dma_semaphore, #tpu.memory_space<semaphore_mem>>) src(%dma_wait3A_1212 : memref<128x64xf32, #tpu.memory_space<vmem>>) dst(%dma_wait3A_1218 : memref<10000x64xf32, #tpu.memory_space<vmem_shared>>)
    %dma_wait3A_1219 = arith.constant 2 : i32
    %dma_wait3A_1220 = arith.constant 2 : i32
    %dma_wait3A_1221 = arith.constant 0 : i32
    %dma_wait3A_1222 = arith.constant 0 : i32
    %dma_wait3A_1223 = tpu.memref_slice %arg13[%dma_wait3A_1219, %dma_wait3A_1221, %dma_wait3A_1222] : memref<4x128x16xf32, #tpu.memory_space<vmem>> -> memref<1x128x16xf32, #tpu.memory_space<vmem>>
    %dma_wait3A_1224 = tpu.memref_squeeze %dma_wait3A_1223 : memref<1x128x16xf32, #tpu.memory_space<vmem>> -> memref<128x16xf32, #tpu.memory_space<vmem>>
    %dma_wait3A_1225 = arith.constant 0 : i32
    %dma_wait3A_1226 = tpu.memref_slice %arg11[%dma_wait3A_1220, %dma_wait3A_1225] : memref<4x128xi32, #tpu.memory_space<vmem>> -> memref<1x128xi32, #tpu.memory_space<vmem>>
    %dma_wait3A_1227 = tpu.memref_squeeze %dma_wait3A_1226 : memref<1x128xi32, #tpu.memory_space<vmem>> -> memref<128xi32, #tpu.memory_space<vmem>>
    %dma_wait3A_1228 = arith.constant 0 : i32
    %dma_wait3A_1229 = arith.constant 0 : i32
    %dma_wait3A_1230 = tpu.memref_slice %arg15[%dma_wait3A_1228, %dma_wait3A_1229] : memref<10000x16xf32, #tpu.memory_space<vmem_shared>> -> memref<10000x16xf32, #tpu.memory_space<vmem_shared>>
    tpu.wait_indirect_dma semaphore(%arg30 : memref<!tpu.dma_semaphore, #tpu.memory_space<semaphore_mem>>) src(%dma_wait3A_1224 : memref<128x16xf32, #tpu.memory_space<vmem>>) dst(%dma_wait3A_1230 : memref<10000x16xf32, #tpu.memory_space<vmem_shared>>)
    %add3A_1231 = arith.constant 2464 : i32
    %add3A_1232 = arith.addi %add3A_1231, %arg1 : i32
    %mul3A_1233 = arith.constant 128 : i32
    %mul3A_1234 = arith.muli %add3A_1232, %mul3A_1233 : i32
    %dma_start3A_1235 = arith.constant 2 : i32
    %dma_start3A_1236 = arith.constant 0 : i32
    %dma_start3A_1237 = tpu.memref_slice %arg10[%dma_start3A_1235, %dma_start3A_1236] : memref<4x128xi32, #tpu.memory_space<vmem>> -> memref<1x128xi32, #tpu.memory_space<vmem>>
    %dma_start3A_1238 = tpu.memref_squeeze %dma_start3A_1237 : memref<1x128xi32, #tpu.memory_space<vmem>> -> memref<128xi32, #tpu.memory_space<vmem>>
    %dma_start3A_1239 = tpu.memref_slice %arg3[%mul3A_1234] : memref<320000xi32, #tpu.memory_space<hbm>> -> memref<128xi32, #tpu.memory_space<hbm>>
    %dma_start3A_1240 = arith.constant 0 : i32
    %dma_start3A_1241 = tpu.memref_slice %arg10[%dma_start3A_1235, %dma_start3A_1240] : memref<4x128xi32, #tpu.memory_space<vmem>> -> memref<1x128xi32, #tpu.memory_space<vmem>>
    %dma_start3A_1242 = tpu.memref_squeeze %dma_start3A_1241 : memref<1x128xi32, #tpu.memory_space<vmem>> -> memref<128xi32, #tpu.memory_space<vmem>>
    %dma_start3A_1243 = tpu.memref_slice %arg3[%mul3A_1234] : memref<320000xi32, #tpu.memory_space<hbm>> -> memref<128xi32, #tpu.memory_space<hbm>>
    tpu.enqueue_dma source(%dma_start3A_1243 : memref<128xi32, #tpu.memory_space<hbm>>) target(%dma_start3A_1242 : memref<128xi32, #tpu.memory_space<vmem>>) target_semaphore(%arg18 : memref<!tpu.dma_semaphore, #tpu.memory_space<semaphore_mem>>)
    %dma_start3A_1244 = arith.constant 2 : i32
    %dma_start3A_1245 = arith.constant 0 : i32
    %dma_start3A_1246 = tpu.memref_slice %arg11[%dma_start3A_1244, %dma_start3A_1245] : memref<4x128xi32, #tpu.memory_space<vmem>> -> memref<1x128xi32, #tpu.memory_space<vmem>>
    %dma_start3A_1247 = tpu.memref_squeeze %dma_start3A_1246 : memref<1x128xi32, #tpu.memory_space<vmem>> -> memref<128xi32, #tpu.memory_space<vmem>>
    %dma_start3A_1248 = tpu.memref_slice %arg4[%mul3A_1234] : memref<320000xi32, #tpu.memory_space<hbm>> -> memref<128xi32, #tpu.memory_space<hbm>>
    %dma_start3A_1249 = arith.constant 0 : i32
    %dma_start3A_1250 = tpu.memref_slice %arg11[%dma_start3A_1244, %dma_start3A_1249] : memref<4x128xi32, #tpu.memory_space<vmem>> -> memref<1x128xi32, #tpu.memory_space<vmem>>
    %dma_start3A_1251 = tpu.memref_squeeze %dma_start3A_1250 : memref<1x128xi32, #tpu.memory_space<vmem>> -> memref<128xi32, #tpu.memory_space<vmem>>
    %dma_start3A_1252 = tpu.memref_slice %arg4[%mul3A_1234] : memref<320000xi32, #tpu.memory_space<hbm>> -> memref<128xi32, #tpu.memory_space<hbm>>
    tpu.enqueue_dma source(%dma_start3A_1252 : memref<128xi32, #tpu.memory_space<hbm>>) target(%dma_start3A_1251 : memref<128xi32, #tpu.memory_space<vmem>>) target_semaphore(%arg18 : memref<!tpu.dma_semaphore, #tpu.memory_space<semaphore_mem>>)
    %eq3A_1253 = arith.constant 0 : i32
    %eq3A_1254 = arith.cmpi eq, %arg0, %eq3A_1253 : i32
    %convert_element_type3A_1255 = arith.extui %eq3A_1254 : i1 to i32
    %cond3A_1256 = arith.constant 0 : i32
    %cond3A_1257 = arith.cmpi ne, %convert_element_type3A_1255, %cond3A_1256 : i32
    scf.if %cond3A_1257 {
      %dma_start3A_2065 = arith.constant 2 : i32
      %dma_start3A_2066 = arith.constant 0 : i32
      %dma_start3A_2067 = arith.constant 0 : i32
      %dma_start3A_2068 = tpu.memref_slice %arg13[%dma_start3A_2065, %dma_start3A_2066, %dma_start3A_2067] : memref<4x128x16xf32, #tpu.memory_space<vmem>> -> memref<1x128x16xf32, #tpu.memory_space<vmem>>
      %dma_start3A_2069 = tpu.memref_squeeze %dma_start3A_2068 : memref<1x128x16xf32, #tpu.memory_space<vmem>> -> memref<128x16xf32, #tpu.memory_space<vmem>>
      %dma_start3A_2070 = arith.constant 0 : i32
      %dma_start3A_2071 = tpu.memref_slice %arg5[%mul3A_1234, %dma_start3A_2070] : memref<320000x16xf32, #tpu.memory_space<hbm>> -> memref<128x16xf32, #tpu.memory_space<hbm>>
      %dma_start3A_2072 = arith.constant 0 : i32
      %dma_start3A_2073 = arith.constant 0 : i32
      %dma_start3A_2074 = tpu.memref_slice %arg13[%dma_start3A_2065, %dma_start3A_2072, %dma_start3A_2073] : memref<4x128x16xf32, #tpu.memory_space<vmem>> -> memref<1x128x16xf32, #tpu.memory_space<vmem>>
      %dma_start3A_2075 = tpu.memref_squeeze %dma_start3A_2074 : memref<1x128x16xf32, #tpu.memory_space<vmem>> -> memref<128x16xf32, #tpu.memory_space<vmem>>
      %dma_start3A_2076 = arith.constant 0 : i32
      %dma_start3A_2077 = tpu.memref_slice %arg5[%mul3A_1234, %dma_start3A_2076] : memref<320000x16xf32, #tpu.memory_space<hbm>> -> memref<128x16xf32, #tpu.memory_space<hbm>>
      tpu.enqueue_dma source(%dma_start3A_2077 : memref<128x16xf32, #tpu.memory_space<hbm>>) target(%dma_start3A_2075 : memref<128x16xf32, #tpu.memory_space<vmem>>) target_semaphore(%arg22 : memref<!tpu.dma_semaphore, #tpu.memory_space<semaphore_mem>>)
    } else {
    }
    %dma_wait3A_1258 = arith.constant 1 : i32
    %dma_wait3A_1259 = arith.constant 0 : i32
    %dma_wait3A_1260 = tpu.memref_slice %arg10[%dma_wait3A_1258, %dma_wait3A_1259] : memref<4x128xi32, #tpu.memory_space<vmem>> -> memref<1x128xi32, #tpu.memory_space<vmem>>
    %dma_wait3A_1261 = tpu.memref_squeeze %dma_wait3A_1260 : memref<1x128xi32, #tpu.memory_space<vmem>> -> memref<128xi32, #tpu.memory_space<vmem>>
    %dma_wait3A_1262 = arith.constant 0 : i32
    %dma_wait3A_1263 = tpu.memref_slice %arg3[%dma_wait3A_1262] : memref<320000xi32, #tpu.memory_space<hbm>> -> memref<128xi32, #tpu.memory_space<hbm>>
    %dma_wait3A_1264 = arith.constant 0 : i32
    %dma_wait3A_1265 = tpu.memref_slice %arg10[%dma_wait3A_1258, %dma_wait3A_1264] : memref<4x128xi32, #tpu.memory_space<vmem>> -> memref<1x128xi32, #tpu.memory_space<vmem>>
    %dma_wait3A_1266 = tpu.memref_squeeze %dma_wait3A_1265 : memref<1x128xi32, #tpu.memory_space<vmem>> -> memref<128xi32, #tpu.memory_space<vmem>>
    %dma_wait3A_1267 = arith.constant 0 : i32
    %dma_wait3A_1268 = tpu.memref_slice %arg3[%dma_wait3A_1267] : memref<320000xi32, #tpu.memory_space<hbm>> -> memref<128xi32, #tpu.memory_space<hbm>>
    tpu.wait_dma2 semaphore(%arg17 : memref<!tpu.dma_semaphore, #tpu.memory_space<semaphore_mem>>) src(%dma_wait3A_1268 : memref<128xi32, #tpu.memory_space<hbm>>) dst(%dma_wait3A_1266 : memref<128xi32, #tpu.memory_space<vmem>>)
    %dma_wait3A_1269 = arith.constant 1 : i32
    %dma_wait3A_1270 = arith.constant 0 : i32
    %dma_wait3A_1271 = tpu.memref_slice %arg11[%dma_wait3A_1269, %dma_wait3A_1270] : memref<4x128xi32, #tpu.memory_space<vmem>> -> memref<1x128xi32, #tpu.memory_space<vmem>>
    %dma_wait3A_1272 = tpu.memref_squeeze %dma_wait3A_1271 : memref<1x128xi32, #tpu.memory_space<vmem>> -> memref<128xi32, #tpu.memory_space<vmem>>
    %dma_wait3A_1273 = arith.constant 0 : i32
    %dma_wait3A_1274 = tpu.memref_slice %arg4[%dma_wait3A_1273] : memref<320000xi32, #tpu.memory_space<hbm>> -> memref<128xi32, #tpu.memory_space<hbm>>
    %dma_wait3A_1275 = arith.constant 0 : i32
    %dma_wait3A_1276 = tpu.memref_slice %arg11[%dma_wait3A_1269, %dma_wait3A_1275] : memref<4x128xi32, #tpu.memory_space<vmem>> -> memref<1x128xi32, #tpu.memory_space<vmem>>
    %dma_wait3A_1277 = tpu.memref_squeeze %dma_wait3A_1276 : memref<1x128xi32, #tpu.memory_space<vmem>> -> memref<128xi32, #tpu.memory_space<vmem>>
    %dma_wait3A_1278 = arith.constant 0 : i32
    %dma_wait3A_1279 = tpu.memref_slice %arg4[%dma_wait3A_1278] : memref<320000xi32, #tpu.memory_space<hbm>> -> memref<128xi32, #tpu.memory_space<hbm>>
    tpu.wait_dma2 semaphore(%arg17 : memref<!tpu.dma_semaphore, #tpu.memory_space<semaphore_mem>>) src(%dma_wait3A_1279 : memref<128xi32, #tpu.memory_space<hbm>>) dst(%dma_wait3A_1277 : memref<128xi32, #tpu.memory_space<vmem>>)
    %get3A_1280 = arith.constant 1 : i32
    %get3A_1281 = arith.index_cast %get3A_1280 : i32 to index
    %get3A_1282 = arith.constant 0 : index
    %get3A_1283 = tpu.vector_load %arg10[%get3A_1281, %get3A_1282] {strides = array<i32>} : memref<4x128xi32, #tpu.memory_space<vmem>>, vector<1x16xi32>,
    %get3A_1284 = vector.shape_cast %get3A_1283 : vector<1x16xi32> to vector<16xi32>
    %mul3A_1285 = arith.constant 2 : i32
    %mul3A_1286 = vector.broadcast %mul3A_1285 : i32 to vector<16xi32>
    %mul3A_1287 = arith.muli %get3A_1284, %mul3A_1286 : vector<16xi32>
    %add3A_1288 = vector.broadcast %arg0 : i32 to vector<16xi32>
    %add3A_1289 = arith.addi %mul3A_1287, %add3A_1288 : vector<16xi32>
    %swap3A_1290 = arith.constant 1 : i32
    %swap3A_1291 = arith.index_cast %swap3A_1290 : i32 to index
    %swap3A_1292 = arith.constant 0 : index
    %swap3A_1293 = tpu.vector_load %arg10[%swap3A_1291, %swap3A_1292] {strides = array<i32>} : memref<4x128xi32, #tpu.memory_space<vmem>>, vector<1x16xi32>,
    %swap3A_1294 = vector.shape_cast %swap3A_1293 : vector<1x16xi32> to vector<16xi32>
    %swap3A_1295 = vector.shape_cast %add3A_1289 : vector<16xi32> to vector<1x16xi32>
    tpu.vector_store %arg10[%swap3A_1291, %swap3A_1292], %swap3A_1295 {strides = array<i32>} : memref<4x128xi32, #tpu.memory_space<vmem>>, vector<1x16xi32>,
    %get3A_1296 = arith.constant 1 : i32
    %get3A_1297 = arith.index_cast %get3A_1296 : i32 to index
    %get3A_1298 = arith.constant 16 : index
    %get3A_1299 = tpu.vector_load %arg10[%get3A_1297, %get3A_1298] {strides = array<i32>} : memref<4x128xi32, #tpu.memory_space<vmem>>, vector<1x16xi32>,
    %get3A_1300 = vector.shape_cast %get3A_1299 : vector<1x16xi32> to vector<16xi32>
    %mul3A_1301 = arith.constant 2 : i32
    %mul3A_1302 = vector.broadcast %mul3A_1301 : i32 to vector<16xi32>
    %mul3A_1303 = arith.muli %get3A_1300, %mul3A_1302 : vector<16xi32>
    %add3A_1304 = vector.broadcast %arg0 : i32 to vector<16xi32>
    %add3A_1305 = arith.addi %mul3A_1303, %add3A_1304 : vector<16xi32>
    %swap3A_1306 = arith.constant 1 : i32
    %swap3A_1307 = arith.index_cast %swap3A_1306 : i32 to index
    %swap3A_1308 = arith.constant 16 : index
    %swap3A_1309 = tpu.vector_load %arg10[%swap3A_1307, %swap3A_1308] {strides = array<i32>} : memref<4x128xi32, #tpu.memory_space<vmem>>, vector<1x16xi32>,
    %swap3A_1310 = vector.shape_cast %swap3A_1309 : vector<1x16xi32> to vector<16xi32>
    %swap3A_1311 = vector.shape_cast %add3A_1305 : vector<16xi32> to vector<1x16xi32>
    tpu.vector_store %arg10[%swap3A_1307, %swap3A_1308], %swap3A_1311 {strides = array<i32>} : memref<4x128xi32, #tpu.memory_space<vmem>>, vector<1x16xi32>,
    %get3A_1312 = arith.constant 1 : i32
    %get3A_1313 = arith.index_cast %get3A_1312 : i32 to index
    %get3A_1314 = arith.constant 32 : index
    %get3A_1315 = tpu.vector_load %arg10[%get3A_1313, %get3A_1314] {strides = array<i32>} : memref<4x128xi32, #tpu.memory_space<vmem>>, vector<1x16xi32>,
    %get3A_1316 = vector.shape_cast %get3A_1315 : vector<1x16xi32> to vector<16xi32>
    %mul3A_1317 = arith.constant 2 : i32
    %mul3A_1318 = vector.broadcast %mul3A_1317 : i32 to vector<16xi32>
    %mul3A_1319 = arith.muli %get3A_1316, %mul3A_1318 : vector<16xi32>
    %add3A_1320 = vector.broadcast %arg0 : i32 to vector<16xi32>
    %add3A_1321 = arith.addi %mul3A_1319, %add3A_1320 : vector<16xi32>
    %swap3A_1322 = arith.constant 1 : i32
    %swap3A_1323 = arith.index_cast %swap3A_1322 : i32 to index
    %swap3A_1324 = arith.constant 32 : index
    %swap3A_1325 = tpu.vector_load %arg10[%swap3A_1323, %swap3A_1324] {strides = array<i32>} : memref<4x128xi32, #tpu.memory_space<vmem>>, vector<1x16xi32>,
    %swap3A_1326 = vector.shape_cast %swap3A_1325 : vector<1x16xi32> to vector<16xi32>
    %swap3A_1327 = vector.shape_cast %add3A_1321 : vector<16xi32> to vector<1x16xi32>
    tpu.vector_store %arg10[%swap3A_1323, %swap3A_1324], %swap3A_1327 {strides = array<i32>} : memref<4x128xi32, #tpu.memory_space<vmem>>, vector<1x16xi32>,
    %get3A_1328 = arith.constant 1 : i32
    %get3A_1329 = arith.index_cast %get3A_1328 : i32 to index
    %get3A_1330 = arith.constant 48 : index
    %get3A_1331 = tpu.vector_load %arg10[%get3A_1329, %get3A_1330] {strides = array<i32>} : memref<4x128xi32, #tpu.memory_space<vmem>>, vector<1x16xi32>,
    %get3A_1332 = vector.shape_cast %get3A_1331 : vector<1x16xi32> to vector<16xi32>
    %mul3A_1333 = arith.constant 2 : i32
    %mul3A_1334 = vector.broadcast %mul3A_1333 : i32 to vector<16xi32>
    %mul3A_1335 = arith.muli %get3A_1332, %mul3A_1334 : vector<16xi32>
    %add3A_1336 = vector.broadcast %arg0 : i32 to vector<16xi32>
    %add3A_1337 = arith.addi %mul3A_1335, %add3A_1336 : vector<16xi32>
    %swap3A_1338 = arith.constant 1 : i32
    %swap3A_1339 = arith.index_cast %swap3A_1338 : i32 to index
    %swap3A_1340 = arith.constant 48 : index
    %swap3A_1341 = tpu.vector_load %arg10[%swap3A_1339, %swap3A_1340] {strides = array<i32>} : memref<4x128xi32, #tpu.memory_space<vmem>>, vector<1x16xi32>,
    %swap3A_1342 = vector.shape_cast %swap3A_1341 : vector<1x16xi32> to vector<16xi32>
    %swap3A_1343 = vector.shape_cast %add3A_1337 : vector<16xi32> to vector<1x16xi32>
    tpu.vector_store %arg10[%swap3A_1339, %swap3A_1340], %swap3A_1343 {strides = array<i32>} : memref<4x128xi32, #tpu.memory_space<vmem>>, vector<1x16xi32>,
    %get3A_1344 = arith.constant 1 : i32
    %get3A_1345 = arith.index_cast %get3A_1344 : i32 to index
    %get3A_1346 = arith.constant 64 : index
    %get3A_1347 = tpu.vector_load %arg10[%get3A_1345, %get3A_1346] {strides = array<i32>} : memref<4x128xi32, #tpu.memory_space<vmem>>, vector<1x16xi32>,
    %get3A_1348 = vector.shape_cast %get3A_1347 : vector<1x16xi32> to vector<16xi32>
    %mul3A_1349 = arith.constant 2 : i32
    %mul3A_1350 = vector.broadcast %mul3A_1349 : i32 to vector<16xi32>
    %mul3A_1351 = arith.muli %get3A_1348, %mul3A_1350 : vector<16xi32>
    %add3A_1352 = vector.broadcast %arg0 : i32 to vector<16xi32>
    %add3A_1353 = arith.addi %mul3A_1351, %add3A_1352 : vector<16xi32>
    %swap3A_1354 = arith.constant 1 : i32
    %swap3A_1355 = arith.index_cast %swap3A_1354 : i32 to index
    %swap3A_1356 = arith.constant 64 : index
    %swap3A_1357 = tpu.vector_load %arg10[%swap3A_1355, %swap3A_1356] {strides = array<i32>} : memref<4x128xi32, #tpu.memory_space<vmem>>, vector<1x16xi32>,
    %swap3A_1358 = vector.shape_cast %swap3A_1357 : vector<1x16xi32> to vector<16xi32>
    %swap3A_1359 = vector.shape_cast %add3A_1353 : vector<16xi32> to vector<1x16xi32>
    tpu.vector_store %arg10[%swap3A_1355, %swap3A_1356], %swap3A_1359 {strides = array<i32>} : memref<4x128xi32, #tpu.memory_space<vmem>>, vector<1x16xi32>,
    %get3A_1360 = arith.constant 1 : i32
    %get3A_1361 = arith.index_cast %get3A_1360 : i32 to index
    %get3A_1362 = arith.constant 80 : index
    %get3A_1363 = tpu.vector_load %arg10[%get3A_1361, %get3A_1362] {strides = array<i32>} : memref<4x128xi32, #tpu.memory_space<vmem>>, vector<1x16xi32>,
    %get3A_1364 = vector.shape_cast %get3A_1363 : vector<1x16xi32> to vector<16xi32>
    %mul3A_1365 = arith.constant 2 : i32
    %mul3A_1366 = vector.broadcast %mul3A_1365 : i32 to vector<16xi32>
    %mul3A_1367 = arith.muli %get3A_1364, %mul3A_1366 : vector<16xi32>
    %add3A_1368 = vector.broadcast %arg0 : i32 to vector<16xi32>
    %add3A_1369 = arith.addi %mul3A_1367, %add3A_1368 : vector<16xi32>
    %swap3A_1370 = arith.constant 1 : i32
    %swap3A_1371 = arith.index_cast %swap3A_1370 : i32 to index
    %swap3A_1372 = arith.constant 80 : index
    %swap3A_1373 = tpu.vector_load %arg10[%swap3A_1371, %swap3A_1372] {strides = array<i32>} : memref<4x128xi32, #tpu.memory_space<vmem>>, vector<1x16xi32>,
    %swap3A_1374 = vector.shape_cast %swap3A_1373 : vector<1x16xi32> to vector<16xi32>
    %swap3A_1375 = vector.shape_cast %add3A_1369 : vector<16xi32> to vector<1x16xi32>
    tpu.vector_store %arg10[%swap3A_1371, %swap3A_1372], %swap3A_1375 {strides = array<i32>} : memref<4x128xi32, #tpu.memory_space<vmem>>, vector<1x16xi32>,
    %get3A_1376 = arith.constant 1 : i32
    %get3A_1377 = arith.index_cast %get3A_1376 : i32 to index
    %get3A_1378 = arith.constant 96 : index
    %get3A_1379 = tpu.vector_load %arg10[%get3A_1377, %get3A_1378] {strides = array<i32>} : memref<4x128xi32, #tpu.memory_space<vmem>>, vector<1x16xi32>,
    %get3A_1380 = vector.shape_cast %get3A_1379 : vector<1x16xi32> to vector<16xi32>
    %mul3A_1381 = arith.constant 2 : i32
    %mul3A_1382 = vector.broadcast %mul3A_1381 : i32 to vector<16xi32>
    %mul3A_1383 = arith.muli %get3A_1380, %mul3A_1382 : vector<16xi32>
    %add3A_1384 = vector.broadcast %arg0 : i32 to vector<16xi32>
    %add3A_1385 = arith.addi %mul3A_1383, %add3A_1384 : vector<16xi32>
    %swap3A_1386 = arith.constant 1 : i32
    %swap3A_1387 = arith.index_cast %swap3A_1386 : i32 to index
    %swap3A_1388 = arith.constant 96 : index
    %swap3A_1389 = tpu.vector_load %arg10[%swap3A_1387, %swap3A_1388] {strides = array<i32>} : memref<4x128xi32, #tpu.memory_space<vmem>>, vector<1x16xi32>,
    %swap3A_1390 = vector.shape_cast %swap3A_1389 : vector<1x16xi32> to vector<16xi32>
    %swap3A_1391 = vector.shape_cast %add3A_1385 : vector<16xi32> to vector<1x16xi32>
    tpu.vector_store %arg10[%swap3A_1387, %swap3A_1388], %swap3A_1391 {strides = array<i32>} : memref<4x128xi32, #tpu.memory_space<vmem>>, vector<1x16xi32>,
    %get3A_1392 = arith.constant 1 : i32
    %get3A_1393 = arith.index_cast %get3A_1392 : i32 to index
    %get3A_1394 = arith.constant 112 : index
    %get3A_1395 = tpu.vector_load %arg10[%get3A_1393, %get3A_1394] {strides = array<i32>} : memref<4x128xi32, #tpu.memory_space<vmem>>, vector<1x16xi32>,
    %get3A_1396 = vector.shape_cast %get3A_1395 : vector<1x16xi32> to vector<16xi32>
    %mul3A_1397 = arith.constant 2 : i32
    %mul3A_1398 = vector.broadcast %mul3A_1397 : i32 to vector<16xi32>
    %mul3A_1399 = arith.muli %get3A_1396, %mul3A_1398 : vector<16xi32>
    %add3A_1400 = vector.broadcast %arg0 : i32 to vector<16xi32>
    %add3A_1401 = arith.addi %mul3A_1399, %add3A_1400 : vector<16xi32>
    %swap3A_1402 = arith.constant 1 : i32
    %swap3A_1403 = arith.index_cast %swap3A_1402 : i32 to index
    %swap3A_1404 = arith.constant 112 : index
    %swap3A_1405 = tpu.vector_load %arg10[%swap3A_1403, %swap3A_1404] {strides = array<i32>} : memref<4x128xi32, #tpu.memory_space<vmem>>, vector<1x16xi32>,
    %swap3A_1406 = vector.shape_cast %swap3A_1405 : vector<1x16xi32> to vector<16xi32>
    %swap3A_1407 = vector.shape_cast %add3A_1401 : vector<16xi32> to vector<1x16xi32>
    tpu.vector_store %arg10[%swap3A_1403, %swap3A_1404], %swap3A_1407 {strides = array<i32>} : memref<4x128xi32, #tpu.memory_space<vmem>>, vector<1x16xi32>,
    %dma_start3A_1408 = arith.constant 1 : i32
    %dma_start3A_1409 = arith.constant 1 : i32
    %dma_start3A_1410 = arith.constant 0 : i32
    %dma_start3A_1411 = arith.constant 0 : i32
    %dma_start3A_1412 = tpu.memref_slice %arg12[%dma_start3A_1409, %dma_start3A_1410, %dma_start3A_1411] : memref<4x128x64xf32, #tpu.memory_space<vmem>> -> memref<1x128x64xf32, #tpu.memory_space<vmem>>
    %dma_start3A_1413 = tpu.memref_squeeze %dma_start3A_1412 : memref<1x128x64xf32, #tpu.memory_space<vmem>> -> memref<128x64xf32, #tpu.memory_space<vmem>>
    %dma_start3A_1414 = arith.constant 0 : i32
    %dma_start3A_1415 = tpu.memref_slice %arg10[%dma_start3A_1408, %dma_start3A_1414] : memref<4x128xi32, #tpu.memory_space<vmem>> -> memref<1x128xi32, #tpu.memory_space<vmem>>
    %dma_start3A_1416 = tpu.memref_squeeze %dma_start3A_1415 : memref<1x128xi32, #tpu.memory_space<vmem>> -> memref<128xi32, #tpu.memory_space<vmem>>
    %dma_start3A_1417 = arith.constant 0 : i32
    %dma_start3A_1418 = arith.constant 0 : i32
    %dma_start3A_1419 = tpu.memref_slice %arg2[%dma_start3A_1417, %dma_start3A_1418] : memref<20000x64xf32, #tpu.memory_space<hbm>> -> memref<20000x64xf32, #tpu.memory_space<hbm>>
    tpu.enqueue_indirect_dma source(%dma_start3A_1419 : memref<20000x64xf32, #tpu.memory_space<hbm>>) target(%dma_start3A_1413 : memref<128x64xf32, #tpu.memory_space<vmem>>) offsets(%dma_start3A_1416 : memref<128xi32, #tpu.memory_space<vmem>>) semaphore(%arg25 : memref<!tpu.dma_semaphore, #tpu.memory_space<semaphore_mem>>)
    %dma_wait3A_1420 = arith.constant 0 : i32
    %dma_wait3A_1421 = arith.constant 0 : i32
    %dma_wait3A_1422 = arith.constant 0 : i32
    %dma_wait3A_1423 = arith.constant 0 : i32
    %dma_wait3A_1424 = tpu.memref_slice %arg12[%dma_wait3A_1421, %dma_wait3A_1422, %dma_wait3A_1423] : memref<4x128x64xf32, #tpu.memory_space<vmem>> -> memref<1x128x64xf32, #tpu.memory_space<vmem>>
    %dma_wait3A_1425 = tpu.memref_squeeze %dma_wait3A_1424 : memref<1x128x64xf32, #tpu.memory_space<vmem>> -> memref<128x64xf32, #tpu.memory_space<vmem>>
    %dma_wait3A_1426 = arith.constant 0 : i32
    %dma_wait3A_1427 = tpu.memref_slice %arg10[%dma_wait3A_1420, %dma_wait3A_1426] : memref<4x128xi32, #tpu.memory_space<vmem>> -> memref<1x128xi32, #tpu.memory_space<vmem>>
    %dma_wait3A_1428 = tpu.memref_squeeze %dma_wait3A_1427 : memref<1x128xi32, #tpu.memory_space<vmem>> -> memref<128xi32, #tpu.memory_space<vmem>>
    %dma_wait3A_1429 = arith.constant 0 : i32
    %dma_wait3A_1430 = arith.constant 0 : i32
    %dma_wait3A_1431 = tpu.memref_slice %arg2[%dma_wait3A_1429, %dma_wait3A_1430] : memref<20000x64xf32, #tpu.memory_space<hbm>> -> memref<20000x64xf32, #tpu.memory_space<hbm>>
    tpu.wait_indirect_dma semaphore(%arg24 : memref<!tpu.dma_semaphore, #tpu.memory_space<semaphore_mem>>) src(%dma_wait3A_1431 : memref<20000x64xf32, #tpu.memory_space<hbm>>) dst(%dma_wait3A_1425 : memref<128x64xf32, #tpu.memory_space<vmem>>)
    %eq3A_1432 = arith.constant 0 : i32
    %eq3A_1433 = arith.cmpi eq, %arg0, %eq3A_1432 : i32
    %convert_element_type3A_1434 = arith.extui %eq3A_1433 : i1 to i32
    %cond3A_1435 = arith.constant 0 : i32
    %cond3A_1436 = arith.cmpi ne, %convert_element_type3A_1434, %cond3A_1435 : i32
    scf.if %cond3A_1436 {
      %dma_wait3A_2065 = arith.constant 0 : i32
      %dma_wait3A_2066 = arith.constant 0 : i32
      %dma_wait3A_2067 = arith.constant 0 : i32
      %dma_wait3A_2068 = tpu.memref_slice %arg13[%dma_wait3A_2065, %dma_wait3A_2066, %dma_wait3A_2067] : memref<4x128x16xf32, #tpu.memory_space<vmem>> -> memref<1x128x16xf32, #tpu.memory_space<vmem>>
      %dma_wait3A_2069 = tpu.memref_squeeze %dma_wait3A_2068 : memref<1x128x16xf32, #tpu.memory_space<vmem>> -> memref<128x16xf32, #tpu.memory_space<vmem>>
      %dma_wait3A_2070 = arith.constant 0 : i32
      %dma_wait3A_2071 = arith.constant 0 : i32
      %dma_wait3A_2072 = tpu.memref_slice %arg5[%dma_wait3A_2070, %dma_wait3A_2071] : memref<320000x16xf32, #tpu.memory_space<hbm>> -> memref<128x16xf32, #tpu.memory_space<hbm>>
      %dma_wait3A_2073 = arith.constant 0 : i32
      %dma_wait3A_2074 = arith.constant 0 : i32
      %dma_wait3A_2075 = tpu.memref_slice %arg13[%dma_wait3A_2065, %dma_wait3A_2073, %dma_wait3A_2074] : memref<4x128x16xf32, #tpu.memory_space<vmem>> -> memref<1x128x16xf32, #tpu.memory_space<vmem>>
      %dma_wait3A_2076 = tpu.memref_squeeze %dma_wait3A_2075 : memref<1x128x16xf32, #tpu.memory_space<vmem>> -> memref<128x16xf32, #tpu.memory_space<vmem>>
      %dma_wait3A_2077 = arith.constant 0 : i32
      %dma_wait3A_2078 = arith.constant 0 : i32
      %dma_wait3A_2079 = tpu.memref_slice %arg5[%dma_wait3A_2077, %dma_wait3A_2078] : memref<320000x16xf32, #tpu.memory_space<hbm>> -> memref<128x16xf32, #tpu.memory_space<hbm>>
      tpu.wait_dma2 semaphore(%arg20 : memref<!tpu.dma_semaphore, #tpu.memory_space<semaphore_mem>>) src(%dma_wait3A_2079 : memref<128x16xf32, #tpu.memory_space<hbm>>) dst(%dma_wait3A_2076 : memref<128x16xf32, #tpu.memory_space<vmem>>)
    } else {
    }
    %dma_start3A_1437 = arith.constant 0 : i32
    %dma_start3A_1438 = arith.constant 0 : i32
    %dma_start3A_1439 = arith.constant 0 : i32
    %dma_start3A_1440 = arith.constant 0 : i32
    %dma_start3A_1441 = tpu.memref_slice %arg12[%dma_start3A_1437, %dma_start3A_1439, %dma_start3A_1440] : memref<4x128x64xf32, #tpu.memory_space<vmem>> -> memref<1x128x64xf32, #tpu.memory_space<vmem>>
    %dma_start3A_1442 = tpu.memref_squeeze %dma_start3A_1441 : memref<1x128x64xf32, #tpu.memory_space<vmem>> -> memref<128x64xf32, #tpu.memory_space<vmem>>
    %dma_start3A_1443 = arith.constant 0 : i32
    %dma_start3A_1444 = tpu.memref_slice %arg11[%dma_start3A_1438, %dma_start3A_1443] : memref<4x128xi32, #tpu.memory_space<vmem>> -> memref<1x128xi32, #tpu.memory_space<vmem>>
    %dma_start3A_1445 = tpu.memref_squeeze %dma_start3A_1444 : memref<1x128xi32, #tpu.memory_space<vmem>> -> memref<128xi32, #tpu.memory_space<vmem>>
    %dma_start3A_1446 = arith.constant 0 : i32
    %dma_start3A_1447 = arith.constant 0 : i32
    %dma_start3A_1448 = tpu.memref_slice %arg14[%dma_start3A_1446, %dma_start3A_1447] : memref<10000x64xf32, #tpu.memory_space<vmem_shared>> -> memref<10000x64xf32, #tpu.memory_space<vmem_shared>>
    tpu.enqueue_indirect_dma source(%dma_start3A_1442 : memref<128x64xf32, #tpu.memory_space<vmem>>) target(%dma_start3A_1448 : memref<10000x64xf32, #tpu.memory_space<vmem_shared>>) offsets(%dma_start3A_1445 : memref<128xi32, #tpu.memory_space<vmem>>) semaphore(%arg28 : memref<!tpu.dma_semaphore, #tpu.memory_space<semaphore_mem>>) {add = true}
    %dma_start3A_1449 = arith.constant 0 : i32
    %dma_start3A_1450 = arith.constant 0 : i32
    %dma_start3A_1451 = arith.constant 0 : i32
    %dma_start3A_1452 = arith.constant 0 : i32
    %dma_start3A_1453 = tpu.memref_slice %arg13[%dma_start3A_1449, %dma_start3A_1451, %dma_start3A_1452] : memref<4x128x16xf32, #tpu.memory_space<vmem>> -> memref<1x128x16xf32, #tpu.memory_space<vmem>>
    %dma_start3A_1454 = tpu.memref_squeeze %dma_start3A_1453 : memref<1x128x16xf32, #tpu.memory_space<vmem>> -> memref<128x16xf32, #tpu.memory_space<vmem>>
    %dma_start3A_1455 = arith.constant 0 : i32
    %dma_start3A_1456 = tpu.memref_slice %arg11[%dma_start3A_1450, %dma_start3A_1455] : memref<4x128xi32, #tpu.memory_space<vmem>> -> memref<1x128xi32, #tpu.memory_space<vmem>>
    %dma_start3A_1457 = tpu.memref_squeeze %dma_start3A_1456 : memref<1x128xi32, #tpu.memory_space<vmem>> -> memref<128xi32, #tpu.memory_space<vmem>>
    %dma_start3A_1458 = arith.constant 0 : i32
    %dma_start3A_1459 = arith.constant 0 : i32
    %dma_start3A_1460 = tpu.memref_slice %arg15[%dma_start3A_1458, %dma_start3A_1459] : memref<10000x16xf32, #tpu.memory_space<vmem_shared>> -> memref<10000x16xf32, #tpu.memory_space<vmem_shared>>
    tpu.enqueue_indirect_dma source(%dma_start3A_1454 : memref<128x16xf32, #tpu.memory_space<vmem>>) target(%dma_start3A_1460 : memref<10000x16xf32, #tpu.memory_space<vmem_shared>>) offsets(%dma_start3A_1457 : memref<128xi32, #tpu.memory_space<vmem>>) semaphore(%arg28 : memref<!tpu.dma_semaphore, #tpu.memory_space<semaphore_mem>>) {add = true}
    %dma_wait3A_1461 = arith.constant 3 : i32
    %dma_wait3A_1462 = arith.constant 3 : i32
    %dma_wait3A_1463 = arith.constant 0 : i32
    %dma_wait3A_1464 = arith.constant 0 : i32
    %dma_wait3A_1465 = tpu.memref_slice %arg12[%dma_wait3A_1461, %dma_wait3A_1463, %dma_wait3A_1464] : memref<4x128x64xf32, #tpu.memory_space<vmem>> -> memref<1x128x64xf32, #tpu.memory_space<vmem>>
    %dma_wait3A_1466 = tpu.memref_squeeze %dma_wait3A_1465 : memref<1x128x64xf32, #tpu.memory_space<vmem>> -> memref<128x64xf32, #tpu.memory_space<vmem>>
    %dma_wait3A_1467 = arith.constant 0 : i32
    %dma_wait3A_1468 = tpu.memref_slice %arg11[%dma_wait3A_1462, %dma_wait3A_1467] : memref<4x128xi32, #tpu.memory_space<vmem>> -> memref<1x128xi32, #tpu.memory_space<vmem>>
    %dma_wait3A_1469 = tpu.memref_squeeze %dma_wait3A_1468 : memref<1x128xi32, #tpu.memory_space<vmem>> -> memref<128xi32, #tpu.memory_space<vmem>>
    %dma_wait3A_1470 = arith.constant 0 : i32
    %dma_wait3A_1471 = arith.constant 0 : i32
    %dma_wait3A_1472 = tpu.memref_slice %arg14[%dma_wait3A_1470, %dma_wait3A_1471] : memref<10000x64xf32, #tpu.memory_space<vmem_shared>> -> memref<10000x64xf32, #tpu.memory_space<vmem_shared>>
    tpu.wait_indirect_dma semaphore(%arg31 : memref<!tpu.dma_semaphore, #tpu.memory_space<semaphore_mem>>) src(%dma_wait3A_1466 : memref<128x64xf32, #tpu.memory_space<vmem>>) dst(%dma_wait3A_1472 : memref<10000x64xf32, #tpu.memory_space<vmem_shared>>)
    %dma_wait3A_1473 = arith.constant 3 : i32
    %dma_wait3A_1474 = arith.constant 3 : i32
    %dma_wait3A_1475 = arith.constant 0 : i32
    %dma_wait3A_1476 = arith.constant 0 : i32
    %dma_wait3A_1477 = tpu.memref_slice %arg13[%dma_wait3A_1473, %dma_wait3A_1475, %dma_wait3A_1476] : memref<4x128x16xf32, #tpu.memory_space<vmem>> -> memref<1x128x16xf32, #tpu.memory_space<vmem>>
    %dma_wait3A_1478 = tpu.memref_squeeze %dma_wait3A_1477 : memref<1x128x16xf32, #tpu.memory_space<vmem>> -> memref<128x16xf32, #tpu.memory_space<vmem>>
    %dma_wait3A_1479 = arith.constant 0 : i32
    %dma_wait3A_1480 = tpu.memref_slice %arg11[%dma_wait3A_1474, %dma_wait3A_1479] : memref<4x128xi32, #tpu.memory_space<vmem>> -> memref<1x128xi32, #tpu.memory_space<vmem>>
    %dma_wait3A_1481 = tpu.memref_squeeze %dma_wait3A_1480 : memref<1x128xi32, #tpu.memory_space<vmem>> -> memref<128xi32, #tpu.memory_space<vmem>>
    %dma_wait3A_1482 = arith.constant 0 : i32
    %dma_wait3A_1483 = arith.constant 0 : i32
    %dma_wait3A_1484 = tpu.memref_slice %arg15[%dma_wait3A_1482, %dma_wait3A_1483] : memref<10000x16xf32, #tpu.memory_space<vmem_shared>> -> memref<10000x16xf32, #tpu.memory_space<vmem_shared>>
    tpu.wait_indirect_dma semaphore(%arg31 : memref<!tpu.dma_semaphore, #tpu.memory_space<semaphore_mem>>) src(%dma_wait3A_1478 : memref<128x16xf32, #tpu.memory_space<vmem>>) dst(%dma_wait3A_1484 : memref<10000x16xf32, #tpu.memory_space<vmem_shared>>)
    %add3A_1485 = arith.constant 2480 : i32
    %add3A_1486 = arith.addi %add3A_1485, %arg1 : i32
    %mul3A_1487 = arith.constant 128 : i32
    %mul3A_1488 = arith.muli %add3A_1486, %mul3A_1487 : i32
    %dma_start3A_1489 = arith.constant 3 : i32
    %dma_start3A_1490 = arith.constant 0 : i32
    %dma_start3A_1491 = tpu.memref_slice %arg10[%dma_start3A_1489, %dma_start3A_1490] : memref<4x128xi32, #tpu.memory_space<vmem>> -> memref<1x128xi32, #tpu.memory_space<vmem>>
    %dma_start3A_1492 = tpu.memref_squeeze %dma_start3A_1491 : memref<1x128xi32, #tpu.memory_space<vmem>> -> memref<128xi32, #tpu.memory_space<vmem>>
    %dma_start3A_1493 = tpu.memref_slice %arg3[%mul3A_1488] : memref<320000xi32, #tpu.memory_space<hbm>> -> memref<128xi32, #tpu.memory_space<hbm>>
    %dma_start3A_1494 = arith.constant 0 : i32
    %dma_start3A_1495 = tpu.memref_slice %arg10[%dma_start3A_1489, %dma_start3A_1494] : memref<4x128xi32, #tpu.memory_space<vmem>> -> memref<1x128xi32, #tpu.memory_space<vmem>>
    %dma_start3A_1496 = tpu.memref_squeeze %dma_start3A_1495 : memref<1x128xi32, #tpu.memory_space<vmem>> -> memref<128xi32, #tpu.memory_space<vmem>>
    %dma_start3A_1497 = tpu.memref_slice %arg3[%mul3A_1488] : memref<320000xi32, #tpu.memory_space<hbm>> -> memref<128xi32, #tpu.memory_space<hbm>>
    tpu.enqueue_dma source(%dma_start3A_1497 : memref<128xi32, #tpu.memory_space<hbm>>) target(%dma_start3A_1496 : memref<128xi32, #tpu.memory_space<vmem>>) target_semaphore(%arg19 : memref<!tpu.dma_semaphore, #tpu.memory_space<semaphore_mem>>)
    %dma_start3A_1498 = arith.constant 3 : i32
    %dma_start3A_1499 = arith.constant 0 : i32
    %dma_start3A_1500 = tpu.memref_slice %arg11[%dma_start3A_1498, %dma_start3A_1499] : memref<4x128xi32, #tpu.memory_space<vmem>> -> memref<1x128xi32, #tpu.memory_space<vmem>>
    %dma_start3A_1501 = tpu.memref_squeeze %dma_start3A_1500 : memref<1x128xi32, #tpu.memory_space<vmem>> -> memref<128xi32, #tpu.memory_space<vmem>>
    %dma_start3A_1502 = tpu.memref_slice %arg4[%mul3A_1488] : memref<320000xi32, #tpu.memory_space<hbm>> -> memref<128xi32, #tpu.memory_space<hbm>>
    %dma_start3A_1503 = arith.constant 0 : i32
    %dma_start3A_1504 = tpu.memref_slice %arg11[%dma_start3A_1498, %dma_start3A_1503] : memref<4x128xi32, #tpu.memory_space<vmem>> -> memref<1x128xi32, #tpu.memory_space<vmem>>
    %dma_start3A_1505 = tpu.memref_squeeze %dma_start3A_1504 : memref<1x128xi32, #tpu.memory_space<vmem>> -> memref<128xi32, #tpu.memory_space<vmem>>
    %dma_start3A_1506 = tpu.memref_slice %arg4[%mul3A_1488] : memref<320000xi32, #tpu.memory_space<hbm>> -> memref<128xi32, #tpu.memory_space<hbm>>
    tpu.enqueue_dma source(%dma_start3A_1506 : memref<128xi32, #tpu.memory_space<hbm>>) target(%dma_start3A_1505 : memref<128xi32, #tpu.memory_space<vmem>>) target_semaphore(%arg19 : memref<!tpu.dma_semaphore, #tpu.memory_space<semaphore_mem>>)
    %eq3A_1507 = arith.constant 0 : i32
    %eq3A_1508 = arith.cmpi eq, %arg0, %eq3A_1507 : i32
    %convert_element_type3A_1509 = arith.extui %eq3A_1508 : i1 to i32
    %cond3A_1510 = arith.constant 0 : i32
    %cond3A_1511 = arith.cmpi ne, %convert_element_type3A_1509, %cond3A_1510 : i32
    scf.if %cond3A_1511 {
      %dma_start3A_2065 = arith.constant 3 : i32
      %dma_start3A_2066 = arith.constant 0 : i32
      %dma_start3A_2067 = arith.constant 0 : i32
      %dma_start3A_2068 = tpu.memref_slice %arg13[%dma_start3A_2065, %dma_start3A_2066, %dma_start3A_2067] : memref<4x128x16xf32, #tpu.memory_space<vmem>> -> memref<1x128x16xf32, #tpu.memory_space<vmem>>
      %dma_start3A_2069 = tpu.memref_squeeze %dma_start3A_2068 : memref<1x128x16xf32, #tpu.memory_space<vmem>> -> memref<128x16xf32, #tpu.memory_space<vmem>>
      %dma_start3A_2070 = arith.constant 0 : i32
      %dma_start3A_2071 = tpu.memref_slice %arg5[%mul3A_1488, %dma_start3A_2070] : memref<320000x16xf32, #tpu.memory_space<hbm>> -> memref<128x16xf32, #tpu.memory_space<hbm>>
      %dma_start3A_2072 = arith.constant 0 : i32
      %dma_start3A_2073 = arith.constant 0 : i32
      %dma_start3A_2074 = tpu.memref_slice %arg13[%dma_start3A_2065, %dma_start3A_2072, %dma_start3A_2073] : memref<4x128x16xf32, #tpu.memory_space<vmem>> -> memref<1x128x16xf32, #tpu.memory_space<vmem>>
      %dma_start3A_2075 = tpu.memref_squeeze %dma_start3A_2074 : memref<1x128x16xf32, #tpu.memory_space<vmem>> -> memref<128x16xf32, #tpu.memory_space<vmem>>
      %dma_start3A_2076 = arith.constant 0 : i32
      %dma_start3A_2077 = tpu.memref_slice %arg5[%mul3A_1488, %dma_start3A_2076] : memref<320000x16xf32, #tpu.memory_space<hbm>> -> memref<128x16xf32, #tpu.memory_space<hbm>>
      tpu.enqueue_dma source(%dma_start3A_2077 : memref<128x16xf32, #tpu.memory_space<hbm>>) target(%dma_start3A_2075 : memref<128x16xf32, #tpu.memory_space<vmem>>) target_semaphore(%arg23 : memref<!tpu.dma_semaphore, #tpu.memory_space<semaphore_mem>>)
    } else {
    }
    %dma_wait3A_1512 = arith.constant 2 : i32
    %dma_wait3A_1513 = arith.constant 0 : i32
    %dma_wait3A_1514 = tpu.memref_slice %arg10[%dma_wait3A_1512, %dma_wait3A_1513] : memref<4x128xi32, #tpu.memory_space<vmem>> -> memref<1x128xi32, #tpu.memory_space<vmem>>
    %dma_wait3A_1515 = tpu.memref_squeeze %dma_wait3A_1514 : memref<1x128xi32, #tpu.memory_space<vmem>> -> memref<128xi32, #tpu.memory_space<vmem>>
    %dma_wait3A_1516 = arith.constant 0 : i32
    %dma_wait3A_1517 = tpu.memref_slice %arg3[%dma_wait3A_1516] : memref<320000xi32, #tpu.memory_space<hbm>> -> memref<128xi32, #tpu.memory_space<hbm>>
    %dma_wait3A_1518 = arith.constant 0 : i32
    %dma_wait3A_1519 = tpu.memref_slice %arg10[%dma_wait3A_1512, %dma_wait3A_1518] : memref<4x128xi32, #tpu.memory_space<vmem>> -> memref<1x128xi32, #tpu.memory_space<vmem>>
    %dma_wait3A_1520 = tpu.memref_squeeze %dma_wait3A_1519 : memref<1x128xi32, #tpu.memory_space<vmem>> -> memref<128xi32, #tpu.memory_space<vmem>>
    %dma_wait3A_1521 = arith.constant 0 : i32
    %dma_wait3A_1522 = tpu.memref_slice %arg3[%dma_wait3A_1521] : memref<320000xi32, #tpu.memory_space<hbm>> -> memref<128xi32, #tpu.memory_space<hbm>>
    tpu.wait_dma2 semaphore(%arg18 : memref<!tpu.dma_semaphore, #tpu.memory_space<semaphore_mem>>) src(%dma_wait3A_1522 : memref<128xi32, #tpu.memory_space<hbm>>) dst(%dma_wait3A_1520 : memref<128xi32, #tpu.memory_space<vmem>>)
    %dma_wait3A_1523 = arith.constant 2 : i32
    %dma_wait3A_1524 = arith.constant 0 : i32
    %dma_wait3A_1525 = tpu.memref_slice %arg11[%dma_wait3A_1523, %dma_wait3A_1524] : memref<4x128xi32, #tpu.memory_space<vmem>> -> memref<1x128xi32, #tpu.memory_space<vmem>>
    %dma_wait3A_1526 = tpu.memref_squeeze %dma_wait3A_1525 : memref<1x128xi32, #tpu.memory_space<vmem>> -> memref<128xi32, #tpu.memory_space<vmem>>
    %dma_wait3A_1527 = arith.constant 0 : i32
    %dma_wait3A_1528 = tpu.memref_slice %arg4[%dma_wait3A_1527] : memref<320000xi32, #tpu.memory_space<hbm>> -> memref<128xi32, #tpu.memory_space<hbm>>
    %dma_wait3A_1529 = arith.constant 0 : i32
    %dma_wait3A_1530 = tpu.memref_slice %arg11[%dma_wait3A_1523, %dma_wait3A_1529] : memref<4x128xi32, #tpu.memory_space<vmem>> -> memref<1x128xi32, #tpu.memory_space<vmem>>
    %dma_wait3A_1531 = tpu.memref_squeeze %dma_wait3A_1530 : memref<1x128xi32, #tpu.memory_space<vmem>> -> memref<128xi32, #tpu.memory_space<vmem>>
    %dma_wait3A_1532 = arith.constant 0 : i32
    %dma_wait3A_1533 = tpu.memref_slice %arg4[%dma_wait3A_1532] : memref<320000xi32, #tpu.memory_space<hbm>> -> memref<128xi32, #tpu.memory_space<hbm>>
    tpu.wait_dma2 semaphore(%arg18 : memref<!tpu.dma_semaphore, #tpu.memory_space<semaphore_mem>>) src(%dma_wait3A_1533 : memref<128xi32, #tpu.memory_space<hbm>>) dst(%dma_wait3A_1531 : memref<128xi32, #tpu.memory_space<vmem>>)
    %get3A_1534 = arith.constant 2 : i32
    %get3A_1535 = arith.index_cast %get3A_1534 : i32 to index
    %get3A_1536 = arith.constant 0 : index
    %get3A_1537 = tpu.vector_load %arg10[%get3A_1535, %get3A_1536] {strides = array<i32>} : memref<4x128xi32, #tpu.memory_space<vmem>>, vector<1x16xi32>,
    %get3A_1538 = vector.shape_cast %get3A_1537 : vector<1x16xi32> to vector<16xi32>
    %mul3A_1539 = arith.constant 2 : i32
    %mul3A_1540 = vector.broadcast %mul3A_1539 : i32 to vector<16xi32>
    %mul3A_1541 = arith.muli %get3A_1538, %mul3A_1540 : vector<16xi32>
    %add3A_1542 = vector.broadcast %arg0 : i32 to vector<16xi32>
    %add3A_1543 = arith.addi %mul3A_1541, %add3A_1542 : vector<16xi32>
    %swap3A_1544 = arith.constant 2 : i32
    %swap3A_1545 = arith.index_cast %swap3A_1544 : i32 to index
    %swap3A_1546 = arith.constant 0 : index
    %swap3A_1547 = tpu.vector_load %arg10[%swap3A_1545, %swap3A_1546] {strides = array<i32>} : memref<4x128xi32, #tpu.memory_space<vmem>>, vector<1x16xi32>,
    %swap3A_1548 = vector.shape_cast %swap3A_1547 : vector<1x16xi32> to vector<16xi32>
    %swap3A_1549 = vector.shape_cast %add3A_1543 : vector<16xi32> to vector<1x16xi32>
    tpu.vector_store %arg10[%swap3A_1545, %swap3A_1546], %swap3A_1549 {strides = array<i32>} : memref<4x128xi32, #tpu.memory_space<vmem>>, vector<1x16xi32>,
    %get3A_1550 = arith.constant 2 : i32
    %get3A_1551 = arith.index_cast %get3A_1550 : i32 to index
    %get3A_1552 = arith.constant 16 : index
    %get3A_1553 = tpu.vector_load %arg10[%get3A_1551, %get3A_1552] {strides = array<i32>} : memref<4x128xi32, #tpu.memory_space<vmem>>, vector<1x16xi32>,
    %get3A_1554 = vector.shape_cast %get3A_1553 : vector<1x16xi32> to vector<16xi32>
    %mul3A_1555 = arith.constant 2 : i32
    %mul3A_1556 = vector.broadcast %mul3A_1555 : i32 to vector<16xi32>
    %mul3A_1557 = arith.muli %get3A_1554, %mul3A_1556 : vector<16xi32>
    %add3A_1558 = vector.broadcast %arg0 : i32 to vector<16xi32>
    %add3A_1559 = arith.addi %mul3A_1557, %add3A_1558 : vector<16xi32>
    %swap3A_1560 = arith.constant 2 : i32
    %swap3A_1561 = arith.index_cast %swap3A_1560 : i32 to index
    %swap3A_1562 = arith.constant 16 : index
    %swap3A_1563 = tpu.vector_load %arg10[%swap3A_1561, %swap3A_1562] {strides = array<i32>} : memref<4x128xi32, #tpu.memory_space<vmem>>, vector<1x16xi32>,
    %swap3A_1564 = vector.shape_cast %swap3A_1563 : vector<1x16xi32> to vector<16xi32>
    %swap3A_1565 = vector.shape_cast %add3A_1559 : vector<16xi32> to vector<1x16xi32>
    tpu.vector_store %arg10[%swap3A_1561, %swap3A_1562], %swap3A_1565 {strides = array<i32>} : memref<4x128xi32, #tpu.memory_space<vmem>>, vector<1x16xi32>,
    %get3A_1566 = arith.constant 2 : i32
    %get3A_1567 = arith.index_cast %get3A_1566 : i32 to index
    %get3A_1568 = arith.constant 32 : index
    %get3A_1569 = tpu.vector_load %arg10[%get3A_1567, %get3A_1568] {strides = array<i32>} : memref<4x128xi32, #tpu.memory_space<vmem>>, vector<1x16xi32>,
    %get3A_1570 = vector.shape_cast %get3A_1569 : vector<1x16xi32> to vector<16xi32>
    %mul3A_1571 = arith.constant 2 : i32
    %mul3A_1572 = vector.broadcast %mul3A_1571 : i32 to vector<16xi32>
    %mul3A_1573 = arith.muli %get3A_1570, %mul3A_1572 : vector<16xi32>
    %add3A_1574 = vector.broadcast %arg0 : i32 to vector<16xi32>
    %add3A_1575 = arith.addi %mul3A_1573, %add3A_1574 : vector<16xi32>
    %swap3A_1576 = arith.constant 2 : i32
    %swap3A_1577 = arith.index_cast %swap3A_1576 : i32 to index
    %swap3A_1578 = arith.constant 32 : index
    %swap3A_1579 = tpu.vector_load %arg10[%swap3A_1577, %swap3A_1578] {strides = array<i32>} : memref<4x128xi32, #tpu.memory_space<vmem>>, vector<1x16xi32>,
    %swap3A_1580 = vector.shape_cast %swap3A_1579 : vector<1x16xi32> to vector<16xi32>
    %swap3A_1581 = vector.shape_cast %add3A_1575 : vector<16xi32> to vector<1x16xi32>
    tpu.vector_store %arg10[%swap3A_1577, %swap3A_1578], %swap3A_1581 {strides = array<i32>} : memref<4x128xi32, #tpu.memory_space<vmem>>, vector<1x16xi32>,
    %get3A_1582 = arith.constant 2 : i32
    %get3A_1583 = arith.index_cast %get3A_1582 : i32 to index
    %get3A_1584 = arith.constant 48 : index
    %get3A_1585 = tpu.vector_load %arg10[%get3A_1583, %get3A_1584] {strides = array<i32>} : memref<4x128xi32, #tpu.memory_space<vmem>>, vector<1x16xi32>,
    %get3A_1586 = vector.shape_cast %get3A_1585 : vector<1x16xi32> to vector<16xi32>
    %mul3A_1587 = arith.constant 2 : i32
    %mul3A_1588 = vector.broadcast %mul3A_1587 : i32 to vector<16xi32>
    %mul3A_1589 = arith.muli %get3A_1586, %mul3A_1588 : vector<16xi32>
    %add3A_1590 = vector.broadcast %arg0 : i32 to vector<16xi32>
    %add3A_1591 = arith.addi %mul3A_1589, %add3A_1590 : vector<16xi32>
    %swap3A_1592 = arith.constant 2 : i32
    %swap3A_1593 = arith.index_cast %swap3A_1592 : i32 to index
    %swap3A_1594 = arith.constant 48 : index
    %swap3A_1595 = tpu.vector_load %arg10[%swap3A_1593, %swap3A_1594] {strides = array<i32>} : memref<4x128xi32, #tpu.memory_space<vmem>>, vector<1x16xi32>,
    %swap3A_1596 = vector.shape_cast %swap3A_1595 : vector<1x16xi32> to vector<16xi32>
    %swap3A_1597 = vector.shape_cast %add3A_1591 : vector<16xi32> to vector<1x16xi32>
    tpu.vector_store %arg10[%swap3A_1593, %swap3A_1594], %swap3A_1597 {strides = array<i32>} : memref<4x128xi32, #tpu.memory_space<vmem>>, vector<1x16xi32>,
    %get3A_1598 = arith.constant 2 : i32
    %get3A_1599 = arith.index_cast %get3A_1598 : i32 to index
    %get3A_1600 = arith.constant 64 : index
    %get3A_1601 = tpu.vector_load %arg10[%get3A_1599, %get3A_1600] {strides = array<i32>} : memref<4x128xi32, #tpu.memory_space<vmem>>, vector<1x16xi32>,
    %get3A_1602 = vector.shape_cast %get3A_1601 : vector<1x16xi32> to vector<16xi32>
    %mul3A_1603 = arith.constant 2 : i32
    %mul3A_1604 = vector.broadcast %mul3A_1603 : i32 to vector<16xi32>
    %mul3A_1605 = arith.muli %get3A_1602, %mul3A_1604 : vector<16xi32>
    %add3A_1606 = vector.broadcast %arg0 : i32 to vector<16xi32>
    %add3A_1607 = arith.addi %mul3A_1605, %add3A_1606 : vector<16xi32>
    %swap3A_1608 = arith.constant 2 : i32
    %swap3A_1609 = arith.index_cast %swap3A_1608 : i32 to index
    %swap3A_1610 = arith.constant 64 : index
    %swap3A_1611 = tpu.vector_load %arg10[%swap3A_1609, %swap3A_1610] {strides = array<i32>} : memref<4x128xi32, #tpu.memory_space<vmem>>, vector<1x16xi32>,
    %swap3A_1612 = vector.shape_cast %swap3A_1611 : vector<1x16xi32> to vector<16xi32>
    %swap3A_1613 = vector.shape_cast %add3A_1607 : vector<16xi32> to vector<1x16xi32>
    tpu.vector_store %arg10[%swap3A_1609, %swap3A_1610], %swap3A_1613 {strides = array<i32>} : memref<4x128xi32, #tpu.memory_space<vmem>>, vector<1x16xi32>,
    %get3A_1614 = arith.constant 2 : i32
    %get3A_1615 = arith.index_cast %get3A_1614 : i32 to index
    %get3A_1616 = arith.constant 80 : index
    %get3A_1617 = tpu.vector_load %arg10[%get3A_1615, %get3A_1616] {strides = array<i32>} : memref<4x128xi32, #tpu.memory_space<vmem>>, vector<1x16xi32>,
    %get3A_1618 = vector.shape_cast %get3A_1617 : vector<1x16xi32> to vector<16xi32>
    %mul3A_1619 = arith.constant 2 : i32
    %mul3A_1620 = vector.broadcast %mul3A_1619 : i32 to vector<16xi32>
    %mul3A_1621 = arith.muli %get3A_1618, %mul3A_1620 : vector<16xi32>
    %add3A_1622 = vector.broadcast %arg0 : i32 to vector<16xi32>
    %add3A_1623 = arith.addi %mul3A_1621, %add3A_1622 : vector<16xi32>
    %swap3A_1624 = arith.constant 2 : i32
    %swap3A_1625 = arith.index_cast %swap3A_1624 : i32 to index
    %swap3A_1626 = arith.constant 80 : index
    %swap3A_1627 = tpu.vector_load %arg10[%swap3A_1625, %swap3A_1626] {strides = array<i32>} : memref<4x128xi32, #tpu.memory_space<vmem>>, vector<1x16xi32>,
    %swap3A_1628 = vector.shape_cast %swap3A_1627 : vector<1x16xi32> to vector<16xi32>
    %swap3A_1629 = vector.shape_cast %add3A_1623 : vector<16xi32> to vector<1x16xi32>
    tpu.vector_store %arg10[%swap3A_1625, %swap3A_1626], %swap3A_1629 {strides = array<i32>} : memref<4x128xi32, #tpu.memory_space<vmem>>, vector<1x16xi32>,
    %get3A_1630 = arith.constant 2 : i32
    %get3A_1631 = arith.index_cast %get3A_1630 : i32 to index
    %get3A_1632 = arith.constant 96 : index
    %get3A_1633 = tpu.vector_load %arg10[%get3A_1631, %get3A_1632] {strides = array<i32>} : memref<4x128xi32, #tpu.memory_space<vmem>>, vector<1x16xi32>,
    %get3A_1634 = vector.shape_cast %get3A_1633 : vector<1x16xi32> to vector<16xi32>
    %mul3A_1635 = arith.constant 2 : i32
    %mul3A_1636 = vector.broadcast %mul3A_1635 : i32 to vector<16xi32>
    %mul3A_1637 = arith.muli %get3A_1634, %mul3A_1636 : vector<16xi32>
    %add3A_1638 = vector.broadcast %arg0 : i32 to vector<16xi32>
    %add3A_1639 = arith.addi %mul3A_1637, %add3A_1638 : vector<16xi32>
    %swap3A_1640 = arith.constant 2 : i32
    %swap3A_1641 = arith.index_cast %swap3A_1640 : i32 to index
    %swap3A_1642 = arith.constant 96 : index
    %swap3A_1643 = tpu.vector_load %arg10[%swap3A_1641, %swap3A_1642] {strides = array<i32>} : memref<4x128xi32, #tpu.memory_space<vmem>>, vector<1x16xi32>,
    %swap3A_1644 = vector.shape_cast %swap3A_1643 : vector<1x16xi32> to vector<16xi32>
    %swap3A_1645 = vector.shape_cast %add3A_1639 : vector<16xi32> to vector<1x16xi32>
    tpu.vector_store %arg10[%swap3A_1641, %swap3A_1642], %swap3A_1645 {strides = array<i32>} : memref<4x128xi32, #tpu.memory_space<vmem>>, vector<1x16xi32>,
    %get3A_1646 = arith.constant 2 : i32
    %get3A_1647 = arith.index_cast %get3A_1646 : i32 to index
    %get3A_1648 = arith.constant 112 : index
    %get3A_1649 = tpu.vector_load %arg10[%get3A_1647, %get3A_1648] {strides = array<i32>} : memref<4x128xi32, #tpu.memory_space<vmem>>, vector<1x16xi32>,
    %get3A_1650 = vector.shape_cast %get3A_1649 : vector<1x16xi32> to vector<16xi32>
    %mul3A_1651 = arith.constant 2 : i32
    %mul3A_1652 = vector.broadcast %mul3A_1651 : i32 to vector<16xi32>
    %mul3A_1653 = arith.muli %get3A_1650, %mul3A_1652 : vector<16xi32>
    %add3A_1654 = vector.broadcast %arg0 : i32 to vector<16xi32>
    %add3A_1655 = arith.addi %mul3A_1653, %add3A_1654 : vector<16xi32>
    %swap3A_1656 = arith.constant 2 : i32
    %swap3A_1657 = arith.index_cast %swap3A_1656 : i32 to index
    %swap3A_1658 = arith.constant 112 : index
    %swap3A_1659 = tpu.vector_load %arg10[%swap3A_1657, %swap3A_1658] {strides = array<i32>} : memref<4x128xi32, #tpu.memory_space<vmem>>, vector<1x16xi32>,
    %swap3A_1660 = vector.shape_cast %swap3A_1659 : vector<1x16xi32> to vector<16xi32>
    %swap3A_1661 = vector.shape_cast %add3A_1655 : vector<16xi32> to vector<1x16xi32>
    tpu.vector_store %arg10[%swap3A_1657, %swap3A_1658], %swap3A_1661 {strides = array<i32>} : memref<4x128xi32, #tpu.memory_space<vmem>>, vector<1x16xi32>,
    %dma_start3A_1662 = arith.constant 2 : i32
    %dma_start3A_1663 = arith.constant 2 : i32
    %dma_start3A_1664 = arith.constant 0 : i32
    %dma_start3A_1665 = arith.constant 0 : i32
    %dma_start3A_1666 = tpu.memref_slice %arg12[%dma_start3A_1663, %dma_start3A_1664, %dma_start3A_1665] : memref<4x128x64xf32, #tpu.memory_space<vmem>> -> memref<1x128x64xf32, #tpu.memory_space<vmem>>
    %dma_start3A_1667 = tpu.memref_squeeze %dma_start3A_1666 : memref<1x128x64xf32, #tpu.memory_space<vmem>> -> memref<128x64xf32, #tpu.memory_space<vmem>>
    %dma_start3A_1668 = arith.constant 0 : i32
    %dma_start3A_1669 = tpu.memref_slice %arg10[%dma_start3A_1662, %dma_start3A_1668] : memref<4x128xi32, #tpu.memory_space<vmem>> -> memref<1x128xi32, #tpu.memory_space<vmem>>
    %dma_start3A_1670 = tpu.memref_squeeze %dma_start3A_1669 : memref<1x128xi32, #tpu.memory_space<vmem>> -> memref<128xi32, #tpu.memory_space<vmem>>
    %dma_start3A_1671 = arith.constant 0 : i32
    %dma_start3A_1672 = arith.constant 0 : i32
    %dma_start3A_1673 = tpu.memref_slice %arg2[%dma_start3A_1671, %dma_start3A_1672] : memref<20000x64xf32, #tpu.memory_space<hbm>> -> memref<20000x64xf32, #tpu.memory_space<hbm>>
    tpu.enqueue_indirect_dma source(%dma_start3A_1673 : memref<20000x64xf32, #tpu.memory_space<hbm>>) target(%dma_start3A_1667 : memref<128x64xf32, #tpu.memory_space<vmem>>) offsets(%dma_start3A_1670 : memref<128xi32, #tpu.memory_space<vmem>>) semaphore(%arg26 : memref<!tpu.dma_semaphore, #tpu.memory_space<semaphore_mem>>)
    %dma_wait3A_1674 = arith.constant 1 : i32
    %dma_wait3A_1675 = arith.constant 1 : i32
    %dma_wait3A_1676 = arith.constant 0 : i32
    %dma_wait3A_1677 = arith.constant 0 : i32
    %dma_wait3A_1678 = tpu.memref_slice %arg12[%dma_wait3A_1675, %dma_wait3A_1676, %dma_wait3A_1677] : memref<4x128x64xf32, #tpu.memory_space<vmem>> -> memref<1x128x64xf32, #tpu.memory_space<vmem>>
    %dma_wait3A_1679 = tpu.memref_squeeze %dma_wait3A_1678 : memref<1x128x64xf32, #tpu.memory_space<vmem>> -> memref<128x64xf32, #tpu.memory_space<vmem>>
    %dma_wait3A_1680 = arith.constant 0 : i32
    %dma_wait3A_1681 = tpu.memref_slice %arg10[%dma_wait3A_1674, %dma_wait3A_1680] : memref<4x128xi32, #tpu.memory_space<vmem>> -> memref<1x128xi32, #tpu.memory_space<vmem>>
    %dma_wait3A_1682 = tpu.memref_squeeze %dma_wait3A_1681 : memref<1x128xi32, #tpu.memory_space<vmem>> -> memref<128xi32, #tpu.memory_space<vmem>>
    %dma_wait3A_1683 = arith.constant 0 : i32
    %dma_wait3A_1684 = arith.constant 0 : i32
    %dma_wait3A_1685 = tpu.memref_slice %arg2[%dma_wait3A_1683, %dma_wait3A_1684] : memref<20000x64xf32, #tpu.memory_space<hbm>> -> memref<20000x64xf32, #tpu.memory_space<hbm>>
    tpu.wait_indirect_dma semaphore(%arg25 : memref<!tpu.dma_semaphore, #tpu.memory_space<semaphore_mem>>) src(%dma_wait3A_1685 : memref<20000x64xf32, #tpu.memory_space<hbm>>) dst(%dma_wait3A_1679 : memref<128x64xf32, #tpu.memory_space<vmem>>)
    %eq3A_1686 = arith.constant 0 : i32
    %eq3A_1687 = arith.cmpi eq, %arg0, %eq3A_1686 : i32
    %convert_element_type3A_1688 = arith.extui %eq3A_1687 : i1 to i32
    %cond3A_1689 = arith.constant 0 : i32
    %cond3A_1690 = arith.cmpi ne, %convert_element_type3A_1688, %cond3A_1689 : i32
    scf.if %cond3A_1690 {
      %dma_wait3A_2065 = arith.constant 1 : i32
      %dma_wait3A_2066 = arith.constant 0 : i32
      %dma_wait3A_2067 = arith.constant 0 : i32
      %dma_wait3A_2068 = tpu.memref_slice %arg13[%dma_wait3A_2065, %dma_wait3A_2066, %dma_wait3A_2067] : memref<4x128x16xf32, #tpu.memory_space<vmem>> -> memref<1x128x16xf32, #tpu.memory_space<vmem>>
      %dma_wait3A_2069 = tpu.memref_squeeze %dma_wait3A_2068 : memref<1x128x16xf32, #tpu.memory_space<vmem>> -> memref<128x16xf32, #tpu.memory_space<vmem>>
      %dma_wait3A_2070 = arith.constant 0 : i32
      %dma_wait3A_2071 = arith.constant 0 : i32
      %dma_wait3A_2072 = tpu.memref_slice %arg5[%dma_wait3A_2070, %dma_wait3A_2071] : memref<320000x16xf32, #tpu.memory_space<hbm>> -> memref<128x16xf32, #tpu.memory_space<hbm>>
      %dma_wait3A_2073 = arith.constant 0 : i32
      %dma_wait3A_2074 = arith.constant 0 : i32
      %dma_wait3A_2075 = tpu.memref_slice %arg13[%dma_wait3A_2065, %dma_wait3A_2073, %dma_wait3A_2074] : memref<4x128x16xf32, #tpu.memory_space<vmem>> -> memref<1x128x16xf32, #tpu.memory_space<vmem>>
      %dma_wait3A_2076 = tpu.memref_squeeze %dma_wait3A_2075 : memref<1x128x16xf32, #tpu.memory_space<vmem>> -> memref<128x16xf32, #tpu.memory_space<vmem>>
      %dma_wait3A_2077 = arith.constant 0 : i32
      %dma_wait3A_2078 = arith.constant 0 : i32
      %dma_wait3A_2079 = tpu.memref_slice %arg5[%dma_wait3A_2077, %dma_wait3A_2078] : memref<320000x16xf32, #tpu.memory_space<hbm>> -> memref<128x16xf32, #tpu.memory_space<hbm>>
      tpu.wait_dma2 semaphore(%arg21 : memref<!tpu.dma_semaphore, #tpu.memory_space<semaphore_mem>>) src(%dma_wait3A_2079 : memref<128x16xf32, #tpu.memory_space<hbm>>) dst(%dma_wait3A_2076 : memref<128x16xf32, #tpu.memory_space<vmem>>)
    } else {
    }
    %dma_start3A_1691 = arith.constant 1 : i32
    %dma_start3A_1692 = arith.constant 1 : i32
    %dma_start3A_1693 = arith.constant 0 : i32
    %dma_start3A_1694 = arith.constant 0 : i32
    %dma_start3A_1695 = tpu.memref_slice %arg12[%dma_start3A_1691, %dma_start3A_1693, %dma_start3A_1694] : memref<4x128x64xf32, #tpu.memory_space<vmem>> -> memref<1x128x64xf32, #tpu.memory_space<vmem>>
    %dma_start3A_1696 = tpu.memref_squeeze %dma_start3A_1695 : memref<1x128x64xf32, #tpu.memory_space<vmem>> -> memref<128x64xf32, #tpu.memory_space<vmem>>
    %dma_start3A_1697 = arith.constant 0 : i32
    %dma_start3A_1698 = tpu.memref_slice %arg11[%dma_start3A_1692, %dma_start3A_1697] : memref<4x128xi32, #tpu.memory_space<vmem>> -> memref<1x128xi32, #tpu.memory_space<vmem>>
    %dma_start3A_1699 = tpu.memref_squeeze %dma_start3A_1698 : memref<1x128xi32, #tpu.memory_space<vmem>> -> memref<128xi32, #tpu.memory_space<vmem>>
    %dma_start3A_1700 = arith.constant 0 : i32
    %dma_start3A_1701 = arith.constant 0 : i32
    %dma_start3A_1702 = tpu.memref_slice %arg14[%dma_start3A_1700, %dma_start3A_1701] : memref<10000x64xf32, #tpu.memory_space<vmem_shared>> -> memref<10000x64xf32, #tpu.memory_space<vmem_shared>>
    tpu.enqueue_indirect_dma source(%dma_start3A_1696 : memref<128x64xf32, #tpu.memory_space<vmem>>) target(%dma_start3A_1702 : memref<10000x64xf32, #tpu.memory_space<vmem_shared>>) offsets(%dma_start3A_1699 : memref<128xi32, #tpu.memory_space<vmem>>) semaphore(%arg29 : memref<!tpu.dma_semaphore, #tpu.memory_space<semaphore_mem>>) {add = true}
    %dma_start3A_1703 = arith.constant 1 : i32
    %dma_start3A_1704 = arith.constant 1 : i32
    %dma_start3A_1705 = arith.constant 0 : i32
    %dma_start3A_1706 = arith.constant 0 : i32
    %dma_start3A_1707 = tpu.memref_slice %arg13[%dma_start3A_1703, %dma_start3A_1705, %dma_start3A_1706] : memref<4x128x16xf32, #tpu.memory_space<vmem>> -> memref<1x128x16xf32, #tpu.memory_space<vmem>>
    %dma_start3A_1708 = tpu.memref_squeeze %dma_start3A_1707 : memref<1x128x16xf32, #tpu.memory_space<vmem>> -> memref<128x16xf32, #tpu.memory_space<vmem>>
    %dma_start3A_1709 = arith.constant 0 : i32
    %dma_start3A_1710 = tpu.memref_slice %arg11[%dma_start3A_1704, %dma_start3A_1709] : memref<4x128xi32, #tpu.memory_space<vmem>> -> memref<1x128xi32, #tpu.memory_space<vmem>>
    %dma_start3A_1711 = tpu.memref_squeeze %dma_start3A_1710 : memref<1x128xi32, #tpu.memory_space<vmem>> -> memref<128xi32, #tpu.memory_space<vmem>>
    %dma_start3A_1712 = arith.constant 0 : i32
    %dma_start3A_1713 = arith.constant 0 : i32
    %dma_start3A_1714 = tpu.memref_slice %arg15[%dma_start3A_1712, %dma_start3A_1713] : memref<10000x16xf32, #tpu.memory_space<vmem_shared>> -> memref<10000x16xf32, #tpu.memory_space<vmem_shared>>
    tpu.enqueue_indirect_dma source(%dma_start3A_1708 : memref<128x16xf32, #tpu.memory_space<vmem>>) target(%dma_start3A_1714 : memref<10000x16xf32, #tpu.memory_space<vmem_shared>>) offsets(%dma_start3A_1711 : memref<128xi32, #tpu.memory_space<vmem>>) semaphore(%arg29 : memref<!tpu.dma_semaphore, #tpu.memory_space<semaphore_mem>>) {add = true}
    %dma_wait3A_1715 = arith.constant 0 : i32
    %dma_wait3A_1716 = arith.constant 0 : i32
    %dma_wait3A_1717 = arith.constant 0 : i32
    %dma_wait3A_1718 = arith.constant 0 : i32
    %dma_wait3A_1719 = tpu.memref_slice %arg12[%dma_wait3A_1715, %dma_wait3A_1717, %dma_wait3A_1718] : memref<4x128x64xf32, #tpu.memory_space<vmem>> -> memref<1x128x64xf32, #tpu.memory_space<vmem>>
    %dma_wait3A_1720 = tpu.memref_squeeze %dma_wait3A_1719 : memref<1x128x64xf32, #tpu.memory_space<vmem>> -> memref<128x64xf32, #tpu.memory_space<vmem>>
    %dma_wait3A_1721 = arith.constant 0 : i32
    %dma_wait3A_1722 = tpu.memref_slice %arg11[%dma_wait3A_1716, %dma_wait3A_1721] : memref<4x128xi32, #tpu.memory_space<vmem>> -> memref<1x128xi32, #tpu.memory_space<vmem>>
    %dma_wait3A_1723 = tpu.memref_squeeze %dma_wait3A_1722 : memref<1x128xi32, #tpu.memory_space<vmem>> -> memref<128xi32, #tpu.memory_space<vmem>>
    %dma_wait3A_1724 = arith.constant 0 : i32
    %dma_wait3A_1725 = arith.constant 0 : i32
    %dma_wait3A_1726 = tpu.memref_slice %arg14[%dma_wait3A_1724, %dma_wait3A_1725] : memref<10000x64xf32, #tpu.memory_space<vmem_shared>> -> memref<10000x64xf32, #tpu.memory_space<vmem_shared>>
    tpu.wait_indirect_dma semaphore(%arg28 : memref<!tpu.dma_semaphore, #tpu.memory_space<semaphore_mem>>) src(%dma_wait3A_1720 : memref<128x64xf32, #tpu.memory_space<vmem>>) dst(%dma_wait3A_1726 : memref<10000x64xf32, #tpu.memory_space<vmem_shared>>)
    %dma_wait3A_1727 = arith.constant 0 : i32
    %dma_wait3A_1728 = arith.constant 0 : i32
    %dma_wait3A_1729 = arith.constant 0 : i32
    %dma_wait3A_1730 = arith.constant 0 : i32
    %dma_wait3A_1731 = tpu.memref_slice %arg13[%dma_wait3A_1727, %dma_wait3A_1729, %dma_wait3A_1730] : memref<4x128x16xf32, #tpu.memory_space<vmem>> -> memref<1x128x16xf32, #tpu.memory_space<vmem>>
    %dma_wait3A_1732 = tpu.memref_squeeze %dma_wait3A_1731 : memref<1x128x16xf32, #tpu.memory_space<vmem>> -> memref<128x16xf32, #tpu.memory_space<vmem>>
    %dma_wait3A_1733 = arith.constant 0 : i32
    %dma_wait3A_1734 = tpu.memref_slice %arg11[%dma_wait3A_1728, %dma_wait3A_1733] : memref<4x128xi32, #tpu.memory_space<vmem>> -> memref<1x128xi32, #tpu.memory_space<vmem>>
    %dma_wait3A_1735 = tpu.memref_squeeze %dma_wait3A_1734 : memref<1x128xi32, #tpu.memory_space<vmem>> -> memref<128xi32, #tpu.memory_space<vmem>>
    %dma_wait3A_1736 = arith.constant 0 : i32
    %dma_wait3A_1737 = arith.constant 0 : i32
    %dma_wait3A_1738 = tpu.memref_slice %arg15[%dma_wait3A_1736, %dma_wait3A_1737] : memref<10000x16xf32, #tpu.memory_space<vmem_shared>> -> memref<10000x16xf32, #tpu.memory_space<vmem_shared>>
    tpu.wait_indirect_dma semaphore(%arg28 : memref<!tpu.dma_semaphore, #tpu.memory_space<semaphore_mem>>) src(%dma_wait3A_1732 : memref<128x16xf32, #tpu.memory_space<vmem>>) dst(%dma_wait3A_1738 : memref<10000x16xf32, #tpu.memory_space<vmem_shared>>)
    %dma_wait3A_1739 = arith.constant 3 : i32
    %dma_wait3A_1740 = arith.constant 0 : i32
    %dma_wait3A_1741 = tpu.memref_slice %arg10[%dma_wait3A_1739, %dma_wait3A_1740] : memref<4x128xi32, #tpu.memory_space<vmem>> -> memref<1x128xi32, #tpu.memory_space<vmem>>
    %dma_wait3A_1742 = tpu.memref_squeeze %dma_wait3A_1741 : memref<1x128xi32, #tpu.memory_space<vmem>> -> memref<128xi32, #tpu.memory_space<vmem>>
    %dma_wait3A_1743 = arith.constant 0 : i32
    %dma_wait3A_1744 = tpu.memref_slice %arg3[%dma_wait3A_1743] : memref<320000xi32, #tpu.memory_space<hbm>> -> memref<128xi32, #tpu.memory_space<hbm>>
    %dma_wait3A_1745 = arith.constant 0 : i32
    %dma_wait3A_1746 = tpu.memref_slice %arg10[%dma_wait3A_1739, %dma_wait3A_1745] : memref<4x128xi32, #tpu.memory_space<vmem>> -> memref<1x128xi32, #tpu.memory_space<vmem>>
    %dma_wait3A_1747 = tpu.memref_squeeze %dma_wait3A_1746 : memref<1x128xi32, #tpu.memory_space<vmem>> -> memref<128xi32, #tpu.memory_space<vmem>>
    %dma_wait3A_1748 = arith.constant 0 : i32
    %dma_wait3A_1749 = tpu.memref_slice %arg3[%dma_wait3A_1748] : memref<320000xi32, #tpu.memory_space<hbm>> -> memref<128xi32, #tpu.memory_space<hbm>>
    tpu.wait_dma2 semaphore(%arg19 : memref<!tpu.dma_semaphore, #tpu.memory_space<semaphore_mem>>) src(%dma_wait3A_1749 : memref<128xi32, #tpu.memory_space<hbm>>) dst(%dma_wait3A_1747 : memref<128xi32, #tpu.memory_space<vmem>>)
    %dma_wait3A_1750 = arith.constant 3 : i32
    %dma_wait3A_1751 = arith.constant 0 : i32
    %dma_wait3A_1752 = tpu.memref_slice %arg11[%dma_wait3A_1750, %dma_wait3A_1751] : memref<4x128xi32, #tpu.memory_space<vmem>> -> memref<1x128xi32, #tpu.memory_space<vmem>>
    %dma_wait3A_1753 = tpu.memref_squeeze %dma_wait3A_1752 : memref<1x128xi32, #tpu.memory_space<vmem>> -> memref<128xi32, #tpu.memory_space<vmem>>
    %dma_wait3A_1754 = arith.constant 0 : i32
    %dma_wait3A_1755 = tpu.memref_slice %arg4[%dma_wait3A_1754] : memref<320000xi32, #tpu.memory_space<hbm>> -> memref<128xi32, #tpu.memory_space<hbm>>
    %dma_wait3A_1756 = arith.constant 0 : i32
    %dma_wait3A_1757 = tpu.memref_slice %arg11[%dma_wait3A_1750, %dma_wait3A_1756] : memref<4x128xi32, #tpu.memory_space<vmem>> -> memref<1x128xi32, #tpu.memory_space<vmem>>
    %dma_wait3A_1758 = tpu.memref_squeeze %dma_wait3A_1757 : memref<1x128xi32, #tpu.memory_space<vmem>> -> memref<128xi32, #tpu.memory_space<vmem>>
    %dma_wait3A_1759 = arith.constant 0 : i32
    %dma_wait3A_1760 = tpu.memref_slice %arg4[%dma_wait3A_1759] : memref<320000xi32, #tpu.memory_space<hbm>> -> memref<128xi32, #tpu.memory_space<hbm>>
    tpu.wait_dma2 semaphore(%arg19 : memref<!tpu.dma_semaphore, #tpu.memory_space<semaphore_mem>>) src(%dma_wait3A_1760 : memref<128xi32, #tpu.memory_space<hbm>>) dst(%dma_wait3A_1758 : memref<128xi32, #tpu.memory_space<vmem>>)
    %get3A_1761 = arith.constant 3 : i32
    %get3A_1762 = arith.index_cast %get3A_1761 : i32 to index
    %get3A_1763 = arith.constant 0 : index
    %get3A_1764 = tpu.vector_load %arg10[%get3A_1762, %get3A_1763] {strides = array<i32>} : memref<4x128xi32, #tpu.memory_space<vmem>>, vector<1x16xi32>,
    %get3A_1765 = vector.shape_cast %get3A_1764 : vector<1x16xi32> to vector<16xi32>
    %mul3A_1766 = arith.constant 2 : i32
    %mul3A_1767 = vector.broadcast %mul3A_1766 : i32 to vector<16xi32>
    %mul3A_1768 = arith.muli %get3A_1765, %mul3A_1767 : vector<16xi32>
    %add3A_1769 = vector.broadcast %arg0 : i32 to vector<16xi32>
    %add3A_1770 = arith.addi %mul3A_1768, %add3A_1769 : vector<16xi32>
    %swap3A_1771 = arith.constant 3 : i32
    %swap3A_1772 = arith.index_cast %swap3A_1771 : i32 to index
    %swap3A_1773 = arith.constant 0 : index
    %swap3A_1774 = tpu.vector_load %arg10[%swap3A_1772, %swap3A_1773] {strides = array<i32>} : memref<4x128xi32, #tpu.memory_space<vmem>>, vector<1x16xi32>,
    %swap3A_1775 = vector.shape_cast %swap3A_1774 : vector<1x16xi32> to vector<16xi32>
    %swap3A_1776 = vector.shape_cast %add3A_1770 : vector<16xi32> to vector<1x16xi32>
    tpu.vector_store %arg10[%swap3A_1772, %swap3A_1773], %swap3A_1776 {strides = array<i32>} : memref<4x128xi32, #tpu.memory_space<vmem>>, vector<1x16xi32>,
    %get3A_1777 = arith.constant 3 : i32
    %get3A_1778 = arith.index_cast %get3A_1777 : i32 to index
    %get3A_1779 = arith.constant 16 : index
    %get3A_1780 = tpu.vector_load %arg10[%get3A_1778, %get3A_1779] {strides = array<i32>} : memref<4x128xi32, #tpu.memory_space<vmem>>, vector<1x16xi32>,
    %get3A_1781 = vector.shape_cast %get3A_1780 : vector<1x16xi32> to vector<16xi32>
    %mul3A_1782 = arith.constant 2 : i32
    %mul3A_1783 = vector.broadcast %mul3A_1782 : i32 to vector<16xi32>
    %mul3A_1784 = arith.muli %get3A_1781, %mul3A_1783 : vector<16xi32>
    %add3A_1785 = vector.broadcast %arg0 : i32 to vector<16xi32>
    %add3A_1786 = arith.addi %mul3A_1784, %add3A_1785 : vector<16xi32>
    %swap3A_1787 = arith.constant 3 : i32
    %swap3A_1788 = arith.index_cast %swap3A_1787 : i32 to index
    %swap3A_1789 = arith.constant 16 : index
    %swap3A_1790 = tpu.vector_load %arg10[%swap3A_1788, %swap3A_1789] {strides = array<i32>} : memref<4x128xi32, #tpu.memory_space<vmem>>, vector<1x16xi32>,
    %swap3A_1791 = vector.shape_cast %swap3A_1790 : vector<1x16xi32> to vector<16xi32>
    %swap3A_1792 = vector.shape_cast %add3A_1786 : vector<16xi32> to vector<1x16xi32>
    tpu.vector_store %arg10[%swap3A_1788, %swap3A_1789], %swap3A_1792 {strides = array<i32>} : memref<4x128xi32, #tpu.memory_space<vmem>>, vector<1x16xi32>,
    %get3A_1793 = arith.constant 3 : i32
    %get3A_1794 = arith.index_cast %get3A_1793 : i32 to index
    %get3A_1795 = arith.constant 32 : index
    %get3A_1796 = tpu.vector_load %arg10[%get3A_1794, %get3A_1795] {strides = array<i32>} : memref<4x128xi32, #tpu.memory_space<vmem>>, vector<1x16xi32>,
    %get3A_1797 = vector.shape_cast %get3A_1796 : vector<1x16xi32> to vector<16xi32>
    %mul3A_1798 = arith.constant 2 : i32
    %mul3A_1799 = vector.broadcast %mul3A_1798 : i32 to vector<16xi32>
    %mul3A_1800 = arith.muli %get3A_1797, %mul3A_1799 : vector<16xi32>
    %add3A_1801 = vector.broadcast %arg0 : i32 to vector<16xi32>
    %add3A_1802 = arith.addi %mul3A_1800, %add3A_1801 : vector<16xi32>
    %swap3A_1803 = arith.constant 3 : i32
    %swap3A_1804 = arith.index_cast %swap3A_1803 : i32 to index
    %swap3A_1805 = arith.constant 32 : index
    %swap3A_1806 = tpu.vector_load %arg10[%swap3A_1804, %swap3A_1805] {strides = array<i32>} : memref<4x128xi32, #tpu.memory_space<vmem>>, vector<1x16xi32>,
    %swap3A_1807 = vector.shape_cast %swap3A_1806 : vector<1x16xi32> to vector<16xi32>
    %swap3A_1808 = vector.shape_cast %add3A_1802 : vector<16xi32> to vector<1x16xi32>
    tpu.vector_store %arg10[%swap3A_1804, %swap3A_1805], %swap3A_1808 {strides = array<i32>} : memref<4x128xi32, #tpu.memory_space<vmem>>, vector<1x16xi32>,
    %get3A_1809 = arith.constant 3 : i32
    %get3A_1810 = arith.index_cast %get3A_1809 : i32 to index
    %get3A_1811 = arith.constant 48 : index
    %get3A_1812 = tpu.vector_load %arg10[%get3A_1810, %get3A_1811] {strides = array<i32>} : memref<4x128xi32, #tpu.memory_space<vmem>>, vector<1x16xi32>,
    %get3A_1813 = vector.shape_cast %get3A_1812 : vector<1x16xi32> to vector<16xi32>
    %mul3A_1814 = arith.constant 2 : i32
    %mul3A_1815 = vector.broadcast %mul3A_1814 : i32 to vector<16xi32>
    %mul3A_1816 = arith.muli %get3A_1813, %mul3A_1815 : vector<16xi32>
    %add3A_1817 = vector.broadcast %arg0 : i32 to vector<16xi32>
    %add3A_1818 = arith.addi %mul3A_1816, %add3A_1817 : vector<16xi32>
    %swap3A_1819 = arith.constant 3 : i32
    %swap3A_1820 = arith.index_cast %swap3A_1819 : i32 to index
    %swap3A_1821 = arith.constant 48 : index
    %swap3A_1822 = tpu.vector_load %arg10[%swap3A_1820, %swap3A_1821] {strides = array<i32>} : memref<4x128xi32, #tpu.memory_space<vmem>>, vector<1x16xi32>,
    %swap3A_1823 = vector.shape_cast %swap3A_1822 : vector<1x16xi32> to vector<16xi32>
    %swap3A_1824 = vector.shape_cast %add3A_1818 : vector<16xi32> to vector<1x16xi32>
    tpu.vector_store %arg10[%swap3A_1820, %swap3A_1821], %swap3A_1824 {strides = array<i32>} : memref<4x128xi32, #tpu.memory_space<vmem>>, vector<1x16xi32>,
    %get3A_1825 = arith.constant 3 : i32
    %get3A_1826 = arith.index_cast %get3A_1825 : i32 to index
    %get3A_1827 = arith.constant 64 : index
    %get3A_1828 = tpu.vector_load %arg10[%get3A_1826, %get3A_1827] {strides = array<i32>} : memref<4x128xi32, #tpu.memory_space<vmem>>, vector<1x16xi32>,
    %get3A_1829 = vector.shape_cast %get3A_1828 : vector<1x16xi32> to vector<16xi32>
    %mul3A_1830 = arith.constant 2 : i32
    %mul3A_1831 = vector.broadcast %mul3A_1830 : i32 to vector<16xi32>
    %mul3A_1832 = arith.muli %get3A_1829, %mul3A_1831 : vector<16xi32>
    %add3A_1833 = vector.broadcast %arg0 : i32 to vector<16xi32>
    %add3A_1834 = arith.addi %mul3A_1832, %add3A_1833 : vector<16xi32>
    %swap3A_1835 = arith.constant 3 : i32
    %swap3A_1836 = arith.index_cast %swap3A_1835 : i32 to index
    %swap3A_1837 = arith.constant 64 : index
    %swap3A_1838 = tpu.vector_load %arg10[%swap3A_1836, %swap3A_1837] {strides = array<i32>} : memref<4x128xi32, #tpu.memory_space<vmem>>, vector<1x16xi32>,
    %swap3A_1839 = vector.shape_cast %swap3A_1838 : vector<1x16xi32> to vector<16xi32>
    %swap3A_1840 = vector.shape_cast %add3A_1834 : vector<16xi32> to vector<1x16xi32>
    tpu.vector_store %arg10[%swap3A_1836, %swap3A_1837], %swap3A_1840 {strides = array<i32>} : memref<4x128xi32, #tpu.memory_space<vmem>>, vector<1x16xi32>,
    %get3A_1841 = arith.constant 3 : i32
    %get3A_1842 = arith.index_cast %get3A_1841 : i32 to index
    %get3A_1843 = arith.constant 80 : index
    %get3A_1844 = tpu.vector_load %arg10[%get3A_1842, %get3A_1843] {strides = array<i32>} : memref<4x128xi32, #tpu.memory_space<vmem>>, vector<1x16xi32>,
    %get3A_1845 = vector.shape_cast %get3A_1844 : vector<1x16xi32> to vector<16xi32>
    %mul3A_1846 = arith.constant 2 : i32
    %mul3A_1847 = vector.broadcast %mul3A_1846 : i32 to vector<16xi32>
    %mul3A_1848 = arith.muli %get3A_1845, %mul3A_1847 : vector<16xi32>
    %add3A_1849 = vector.broadcast %arg0 : i32 to vector<16xi32>
    %add3A_1850 = arith.addi %mul3A_1848, %add3A_1849 : vector<16xi32>
    %swap3A_1851 = arith.constant 3 : i32
    %swap3A_1852 = arith.index_cast %swap3A_1851 : i32 to index
    %swap3A_1853 = arith.constant 80 : index
    %swap3A_1854 = tpu.vector_load %arg10[%swap3A_1852, %swap3A_1853] {strides = array<i32>} : memref<4x128xi32, #tpu.memory_space<vmem>>, vector<1x16xi32>,
    %swap3A_1855 = vector.shape_cast %swap3A_1854 : vector<1x16xi32> to vector<16xi32>
    %swap3A_1856 = vector.shape_cast %add3A_1850 : vector<16xi32> to vector<1x16xi32>
    tpu.vector_store %arg10[%swap3A_1852, %swap3A_1853], %swap3A_1856 {strides = array<i32>} : memref<4x128xi32, #tpu.memory_space<vmem>>, vector<1x16xi32>,
    %get3A_1857 = arith.constant 3 : i32
    %get3A_1858 = arith.index_cast %get3A_1857 : i32 to index
    %get3A_1859 = arith.constant 96 : index
    %get3A_1860 = tpu.vector_load %arg10[%get3A_1858, %get3A_1859] {strides = array<i32>} : memref<4x128xi32, #tpu.memory_space<vmem>>, vector<1x16xi32>,
    %get3A_1861 = vector.shape_cast %get3A_1860 : vector<1x16xi32> to vector<16xi32>
    %mul3A_1862 = arith.constant 2 : i32
    %mul3A_1863 = vector.broadcast %mul3A_1862 : i32 to vector<16xi32>
    %mul3A_1864 = arith.muli %get3A_1861, %mul3A_1863 : vector<16xi32>
    %add3A_1865 = vector.broadcast %arg0 : i32 to vector<16xi32>
    %add3A_1866 = arith.addi %mul3A_1864, %add3A_1865 : vector<16xi32>
    %swap3A_1867 = arith.constant 3 : i32
    %swap3A_1868 = arith.index_cast %swap3A_1867 : i32 to index
    %swap3A_1869 = arith.constant 96 : index
    %swap3A_1870 = tpu.vector_load %arg10[%swap3A_1868, %swap3A_1869] {strides = array<i32>} : memref<4x128xi32, #tpu.memory_space<vmem>>, vector<1x16xi32>,
    %swap3A_1871 = vector.shape_cast %swap3A_1870 : vector<1x16xi32> to vector<16xi32>
    %swap3A_1872 = vector.shape_cast %add3A_1866 : vector<16xi32> to vector<1x16xi32>
    tpu.vector_store %arg10[%swap3A_1868, %swap3A_1869], %swap3A_1872 {strides = array<i32>} : memref<4x128xi32, #tpu.memory_space<vmem>>, vector<1x16xi32>,
    %get3A_1873 = arith.constant 3 : i32
    %get3A_1874 = arith.index_cast %get3A_1873 : i32 to index
    %get3A_1875 = arith.constant 112 : index
    %get3A_1876 = tpu.vector_load %arg10[%get3A_1874, %get3A_1875] {strides = array<i32>} : memref<4x128xi32, #tpu.memory_space<vmem>>, vector<1x16xi32>,
    %get3A_1877 = vector.shape_cast %get3A_1876 : vector<1x16xi32> to vector<16xi32>
    %mul3A_1878 = arith.constant 2 : i32
    %mul3A_1879 = vector.broadcast %mul3A_1878 : i32 to vector<16xi32>
    %mul3A_1880 = arith.muli %get3A_1877, %mul3A_1879 : vector<16xi32>
    %add3A_1881 = vector.broadcast %arg0 : i32 to vector<16xi32>
    %add3A_1882 = arith.addi %mul3A_1880, %add3A_1881 : vector<16xi32>
    %swap3A_1883 = arith.constant 3 : i32
    %swap3A_1884 = arith.index_cast %swap3A_1883 : i32 to index
    %swap3A_1885 = arith.constant 112 : index
    %swap3A_1886 = tpu.vector_load %arg10[%swap3A_1884, %swap3A_1885] {strides = array<i32>} : memref<4x128xi32, #tpu.memory_space<vmem>>, vector<1x16xi32>,
    %swap3A_1887 = vector.shape_cast %swap3A_1886 : vector<1x16xi32> to vector<16xi32>
    %swap3A_1888 = vector.shape_cast %add3A_1882 : vector<16xi32> to vector<1x16xi32>
    tpu.vector_store %arg10[%swap3A_1884, %swap3A_1885], %swap3A_1888 {strides = array<i32>} : memref<4x128xi32, #tpu.memory_space<vmem>>, vector<1x16xi32>,
    %dma_start3A_1889 = arith.constant 3 : i32
    %dma_start3A_1890 = arith.constant 3 : i32
    %dma_start3A_1891 = arith.constant 0 : i32
    %dma_start3A_1892 = arith.constant 0 : i32
    %dma_start3A_1893 = tpu.memref_slice %arg12[%dma_start3A_1890, %dma_start3A_1891, %dma_start3A_1892] : memref<4x128x64xf32, #tpu.memory_space<vmem>> -> memref<1x128x64xf32, #tpu.memory_space<vmem>>
    %dma_start3A_1894 = tpu.memref_squeeze %dma_start3A_1893 : memref<1x128x64xf32, #tpu.memory_space<vmem>> -> memref<128x64xf32, #tpu.memory_space<vmem>>
    %dma_start3A_1895 = arith.constant 0 : i32
    %dma_start3A_1896 = tpu.memref_slice %arg10[%dma_start3A_1889, %dma_start3A_1895] : memref<4x128xi32, #tpu.memory_space<vmem>> -> memref<1x128xi32, #tpu.memory_space<vmem>>
    %dma_start3A_1897 = tpu.memref_squeeze %dma_start3A_1896 : memref<1x128xi32, #tpu.memory_space<vmem>> -> memref<128xi32, #tpu.memory_space<vmem>>
    %dma_start3A_1898 = arith.constant 0 : i32
    %dma_start3A_1899 = arith.constant 0 : i32
    %dma_start3A_1900 = tpu.memref_slice %arg2[%dma_start3A_1898, %dma_start3A_1899] : memref<20000x64xf32, #tpu.memory_space<hbm>> -> memref<20000x64xf32, #tpu.memory_space<hbm>>
    tpu.enqueue_indirect_dma source(%dma_start3A_1900 : memref<20000x64xf32, #tpu.memory_space<hbm>>) target(%dma_start3A_1894 : memref<128x64xf32, #tpu.memory_space<vmem>>) offsets(%dma_start3A_1897 : memref<128xi32, #tpu.memory_space<vmem>>) semaphore(%arg27 : memref<!tpu.dma_semaphore, #tpu.memory_space<semaphore_mem>>)
    %dma_wait3A_1901 = arith.constant 2 : i32
    %dma_wait3A_1902 = arith.constant 2 : i32
    %dma_wait3A_1903 = arith.constant 0 : i32
    %dma_wait3A_1904 = arith.constant 0 : i32
    %dma_wait3A_1905 = tpu.memref_slice %arg12[%dma_wait3A_1902, %dma_wait3A_1903, %dma_wait3A_1904] : memref<4x128x64xf32, #tpu.memory_space<vmem>> -> memref<1x128x64xf32, #tpu.memory_space<vmem>>
    %dma_wait3A_1906 = tpu.memref_squeeze %dma_wait3A_1905 : memref<1x128x64xf32, #tpu.memory_space<vmem>> -> memref<128x64xf32, #tpu.memory_space<vmem>>
    %dma_wait3A_1907 = arith.constant 0 : i32
    %dma_wait3A_1908 = tpu.memref_slice %arg10[%dma_wait3A_1901, %dma_wait3A_1907] : memref<4x128xi32, #tpu.memory_space<vmem>> -> memref<1x128xi32, #tpu.memory_space<vmem>>
    %dma_wait3A_1909 = tpu.memref_squeeze %dma_wait3A_1908 : memref<1x128xi32, #tpu.memory_space<vmem>> -> memref<128xi32, #tpu.memory_space<vmem>>
    %dma_wait3A_1910 = arith.constant 0 : i32
    %dma_wait3A_1911 = arith.constant 0 : i32
    %dma_wait3A_1912 = tpu.memref_slice %arg2[%dma_wait3A_1910, %dma_wait3A_1911] : memref<20000x64xf32, #tpu.memory_space<hbm>> -> memref<20000x64xf32, #tpu.memory_space<hbm>>
    tpu.wait_indirect_dma semaphore(%arg26 : memref<!tpu.dma_semaphore, #tpu.memory_space<semaphore_mem>>) src(%dma_wait3A_1912 : memref<20000x64xf32, #tpu.memory_space<hbm>>) dst(%dma_wait3A_1906 : memref<128x64xf32, #tpu.memory_space<vmem>>)
    %eq3A_1913 = arith.constant 0 : i32
    %eq3A_1914 = arith.cmpi eq, %arg0, %eq3A_1913 : i32
    %convert_element_type3A_1915 = arith.extui %eq3A_1914 : i1 to i32
    %cond3A_1916 = arith.constant 0 : i32
    %cond3A_1917 = arith.cmpi ne, %convert_element_type3A_1915, %cond3A_1916 : i32
    scf.if %cond3A_1917 {
      %dma_wait3A_2065 = arith.constant 2 : i32
      %dma_wait3A_2066 = arith.constant 0 : i32
      %dma_wait3A_2067 = arith.constant 0 : i32
      %dma_wait3A_2068 = tpu.memref_slice %arg13[%dma_wait3A_2065, %dma_wait3A_2066, %dma_wait3A_2067] : memref<4x128x16xf32, #tpu.memory_space<vmem>> -> memref<1x128x16xf32, #tpu.memory_space<vmem>>
      %dma_wait3A_2069 = tpu.memref_squeeze %dma_wait3A_2068 : memref<1x128x16xf32, #tpu.memory_space<vmem>> -> memref<128x16xf32, #tpu.memory_space<vmem>>
      %dma_wait3A_2070 = arith.constant 0 : i32
      %dma_wait3A_2071 = arith.constant 0 : i32
      %dma_wait3A_2072 = tpu.memref_slice %arg5[%dma_wait3A_2070, %dma_wait3A_2071] : memref<320000x16xf32, #tpu.memory_space<hbm>> -> memref<128x16xf32, #tpu.memory_space<hbm>>
      %dma_wait3A_2073 = arith.constant 0 : i32
      %dma_wait3A_2074 = arith.constant 0 : i32
      %dma_wait3A_2075 = tpu.memref_slice %arg13[%dma_wait3A_2065, %dma_wait3A_2073, %dma_wait3A_2074] : memref<4x128x16xf32, #tpu.memory_space<vmem>> -> memref<1x128x16xf32, #tpu.memory_space<vmem>>
      %dma_wait3A_2076 = tpu.memref_squeeze %dma_wait3A_2075 : memref<1x128x16xf32, #tpu.memory_space<vmem>> -> memref<128x16xf32, #tpu.memory_space<vmem>>
      %dma_wait3A_2077 = arith.constant 0 : i32
      %dma_wait3A_2078 = arith.constant 0 : i32
      %dma_wait3A_2079 = tpu.memref_slice %arg5[%dma_wait3A_2077, %dma_wait3A_2078] : memref<320000x16xf32, #tpu.memory_space<hbm>> -> memref<128x16xf32, #tpu.memory_space<hbm>>
      tpu.wait_dma2 semaphore(%arg22 : memref<!tpu.dma_semaphore, #tpu.memory_space<semaphore_mem>>) src(%dma_wait3A_2079 : memref<128x16xf32, #tpu.memory_space<hbm>>) dst(%dma_wait3A_2076 : memref<128x16xf32, #tpu.memory_space<vmem>>)
    } else {
    }
    %dma_start3A_1918 = arith.constant 2 : i32
    %dma_start3A_1919 = arith.constant 2 : i32
    %dma_start3A_1920 = arith.constant 0 : i32
    %dma_start3A_1921 = arith.constant 0 : i32
    %dma_start3A_1922 = tpu.memref_slice %arg12[%dma_start3A_1918, %dma_start3A_1920, %dma_start3A_1921] : memref<4x128x64xf32, #tpu.memory_space<vmem>> -> memref<1x128x64xf32, #tpu.memory_space<vmem>>
    %dma_start3A_1923 = tpu.memref_squeeze %dma_start3A_1922 : memref<1x128x64xf32, #tpu.memory_space<vmem>> -> memref<128x64xf32, #tpu.memory_space<vmem>>
    %dma_start3A_1924 = arith.constant 0 : i32
    %dma_start3A_1925 = tpu.memref_slice %arg11[%dma_start3A_1919, %dma_start3A_1924] : memref<4x128xi32, #tpu.memory_space<vmem>> -> memref<1x128xi32, #tpu.memory_space<vmem>>
    %dma_start3A_1926 = tpu.memref_squeeze %dma_start3A_1925 : memref<1x128xi32, #tpu.memory_space<vmem>> -> memref<128xi32, #tpu.memory_space<vmem>>
    %dma_start3A_1927 = arith.constant 0 : i32
    %dma_start3A_1928 = arith.constant 0 : i32
    %dma_start3A_1929 = tpu.memref_slice %arg14[%dma_start3A_1927, %dma_start3A_1928] : memref<10000x64xf32, #tpu.memory_space<vmem_shared>> -> memref<10000x64xf32, #tpu.memory_space<vmem_shared>>
    tpu.enqueue_indirect_dma source(%dma_start3A_1923 : memref<128x64xf32, #tpu.memory_space<vmem>>) target(%dma_start3A_1929 : memref<10000x64xf32, #tpu.memory_space<vmem_shared>>) offsets(%dma_start3A_1926 : memref<128xi32, #tpu.memory_space<vmem>>) semaphore(%arg30 : memref<!tpu.dma_semaphore, #tpu.memory_space<semaphore_mem>>) {add = true}
    %dma_start3A_1930 = arith.constant 2 : i32
    %dma_start3A_1931 = arith.constant 2 : i32
    %dma_start3A_1932 = arith.constant 0 : i32
    %dma_start3A_1933 = arith.constant 0 : i32
    %dma_start3A_1934 = tpu.memref_slice %arg13[%dma_start3A_1930, %dma_start3A_1932, %dma_start3A_1933] : memref<4x128x16xf32, #tpu.memory_space<vmem>> -> memref<1x128x16xf32, #tpu.memory_space<vmem>>
    %dma_start3A_1935 = tpu.memref_squeeze %dma_start3A_1934 : memref<1x128x16xf32, #tpu.memory_space<vmem>> -> memref<128x16xf32, #tpu.memory_space<vmem>>
    %dma_start3A_1936 = arith.constant 0 : i32
    %dma_start3A_1937 = tpu.memref_slice %arg11[%dma_start3A_1931, %dma_start3A_1936] : memref<4x128xi32, #tpu.memory_space<vmem>> -> memref<1x128xi32, #tpu.memory_space<vmem>>
    %dma_start3A_1938 = tpu.memref_squeeze %dma_start3A_1937 : memref<1x128xi32, #tpu.memory_space<vmem>> -> memref<128xi32, #tpu.memory_space<vmem>>
    %dma_start3A_1939 = arith.constant 0 : i32
    %dma_start3A_1940 = arith.constant 0 : i32
    %dma_start3A_1941 = tpu.memref_slice %arg15[%dma_start3A_1939, %dma_start3A_1940] : memref<10000x16xf32, #tpu.memory_space<vmem_shared>> -> memref<10000x16xf32, #tpu.memory_space<vmem_shared>>
    tpu.enqueue_indirect_dma source(%dma_start3A_1935 : memref<128x16xf32, #tpu.memory_space<vmem>>) target(%dma_start3A_1941 : memref<10000x16xf32, #tpu.memory_space<vmem_shared>>) offsets(%dma_start3A_1938 : memref<128xi32, #tpu.memory_space<vmem>>) semaphore(%arg30 : memref<!tpu.dma_semaphore, #tpu.memory_space<semaphore_mem>>) {add = true}
    %dma_wait3A_1942 = arith.constant 1 : i32
    %dma_wait3A_1943 = arith.constant 1 : i32
    %dma_wait3A_1944 = arith.constant 0 : i32
    %dma_wait3A_1945 = arith.constant 0 : i32
    %dma_wait3A_1946 = tpu.memref_slice %arg12[%dma_wait3A_1942, %dma_wait3A_1944, %dma_wait3A_1945] : memref<4x128x64xf32, #tpu.memory_space<vmem>> -> memref<1x128x64xf32, #tpu.memory_space<vmem>>
    %dma_wait3A_1947 = tpu.memref_squeeze %dma_wait3A_1946 : memref<1x128x64xf32, #tpu.memory_space<vmem>> -> memref<128x64xf32, #tpu.memory_space<vmem>>
    %dma_wait3A_1948 = arith.constant 0 : i32
    %dma_wait3A_1949 = tpu.memref_slice %arg11[%dma_wait3A_1943, %dma_wait3A_1948] : memref<4x128xi32, #tpu.memory_space<vmem>> -> memref<1x128xi32, #tpu.memory_space<vmem>>
    %dma_wait3A_1950 = tpu.memref_squeeze %dma_wait3A_1949 : memref<1x128xi32, #tpu.memory_space<vmem>> -> memref<128xi32, #tpu.memory_space<vmem>>
    %dma_wait3A_1951 = arith.constant 0 : i32
    %dma_wait3A_1952 = arith.constant 0 : i32
    %dma_wait3A_1953 = tpu.memref_slice %arg14[%dma_wait3A_1951, %dma_wait3A_1952] : memref<10000x64xf32, #tpu.memory_space<vmem_shared>> -> memref<10000x64xf32, #tpu.memory_space<vmem_shared>>
    tpu.wait_indirect_dma semaphore(%arg29 : memref<!tpu.dma_semaphore, #tpu.memory_space<semaphore_mem>>) src(%dma_wait3A_1947 : memref<128x64xf32, #tpu.memory_space<vmem>>) dst(%dma_wait3A_1953 : memref<10000x64xf32, #tpu.memory_space<vmem_shared>>)
    %dma_wait3A_1954 = arith.constant 1 : i32
    %dma_wait3A_1955 = arith.constant 1 : i32
    %dma_wait3A_1956 = arith.constant 0 : i32
    %dma_wait3A_1957 = arith.constant 0 : i32
    %dma_wait3A_1958 = tpu.memref_slice %arg13[%dma_wait3A_1954, %dma_wait3A_1956, %dma_wait3A_1957] : memref<4x128x16xf32, #tpu.memory_space<vmem>> -> memref<1x128x16xf32, #tpu.memory_space<vmem>>
    %dma_wait3A_1959 = tpu.memref_squeeze %dma_wait3A_1958 : memref<1x128x16xf32, #tpu.memory_space<vmem>> -> memref<128x16xf32, #tpu.memory_space<vmem>>
    %dma_wait3A_1960 = arith.constant 0 : i32
    %dma_wait3A_1961 = tpu.memref_slice %arg11[%dma_wait3A_1955, %dma_wait3A_1960] : memref<4x128xi32, #tpu.memory_space<vmem>> -> memref<1x128xi32, #tpu.memory_space<vmem>>
    %dma_wait3A_1962 = tpu.memref_squeeze %dma_wait3A_1961 : memref<1x128xi32, #tpu.memory_space<vmem>> -> memref<128xi32, #tpu.memory_space<vmem>>
    %dma_wait3A_1963 = arith.constant 0 : i32
    %dma_wait3A_1964 = arith.constant 0 : i32
    %dma_wait3A_1965 = tpu.memref_slice %arg15[%dma_wait3A_1963, %dma_wait3A_1964] : memref<10000x16xf32, #tpu.memory_space<vmem_shared>> -> memref<10000x16xf32, #tpu.memory_space<vmem_shared>>
    tpu.wait_indirect_dma semaphore(%arg29 : memref<!tpu.dma_semaphore, #tpu.memory_space<semaphore_mem>>) src(%dma_wait3A_1959 : memref<128x16xf32, #tpu.memory_space<vmem>>) dst(%dma_wait3A_1965 : memref<10000x16xf32, #tpu.memory_space<vmem_shared>>)
    %dma_wait3A_1966 = arith.constant 3 : i32
    %dma_wait3A_1967 = arith.constant 3 : i32
    %dma_wait3A_1968 = arith.constant 0 : i32
    %dma_wait3A_1969 = arith.constant 0 : i32
    %dma_wait3A_1970 = tpu.memref_slice %arg12[%dma_wait3A_1967, %dma_wait3A_1968, %dma_wait3A_1969] : memref<4x128x64xf32, #tpu.memory_space<vmem>> -> memref<1x128x64xf32, #tpu.memory_space<vmem>>
    %dma_wait3A_1971 = tpu.memref_squeeze %dma_wait3A_1970 : memref<1x128x64xf32, #tpu.memory_space<vmem>> -> memref<128x64xf32, #tpu.memory_space<vmem>>
    %dma_wait3A_1972 = arith.constant 0 : i32
    %dma_wait3A_1973 = tpu.memref_slice %arg10[%dma_wait3A_1966, %dma_wait3A_1972] : memref<4x128xi32, #tpu.memory_space<vmem>> -> memref<1x128xi32, #tpu.memory_space<vmem>>
    %dma_wait3A_1974 = tpu.memref_squeeze %dma_wait3A_1973 : memref<1x128xi32, #tpu.memory_space<vmem>> -> memref<128xi32, #tpu.memory_space<vmem>>
    %dma_wait3A_1975 = arith.constant 0 : i32
    %dma_wait3A_1976 = arith.constant 0 : i32
    %dma_wait3A_1977 = tpu.memref_slice %arg2[%dma_wait3A_1975, %dma_wait3A_1976] : memref<20000x64xf32, #tpu.memory_space<hbm>> -> memref<20000x64xf32, #tpu.memory_space<hbm>>
    tpu.wait_indirect_dma semaphore(%arg27 : memref<!tpu.dma_semaphore, #tpu.memory_space<semaphore_mem>>) src(%dma_wait3A_1977 : memref<20000x64xf32, #tpu.memory_space<hbm>>) dst(%dma_wait3A_1971 : memref<128x64xf32, #tpu.memory_space<vmem>>)
    %eq3A_1978 = arith.constant 0 : i32
    %eq3A_1979 = arith.cmpi eq, %arg0, %eq3A_1978 : i32
    %convert_element_type3A_1980 = arith.extui %eq3A_1979 : i1 to i32
    %cond3A_1981 = arith.constant 0 : i32
    %cond3A_1982 = arith.cmpi ne, %convert_element_type3A_1980, %cond3A_1981 : i32
    scf.if %cond3A_1982 {
      %dma_wait3A_2065 = arith.constant 3 : i32
      %dma_wait3A_2066 = arith.constant 0 : i32
      %dma_wait3A_2067 = arith.constant 0 : i32
      %dma_wait3A_2068 = tpu.memref_slice %arg13[%dma_wait3A_2065, %dma_wait3A_2066, %dma_wait3A_2067] : memref<4x128x16xf32, #tpu.memory_space<vmem>> -> memref<1x128x16xf32, #tpu.memory_space<vmem>>
      %dma_wait3A_2069 = tpu.memref_squeeze %dma_wait3A_2068 : memref<1x128x16xf32, #tpu.memory_space<vmem>> -> memref<128x16xf32, #tpu.memory_space<vmem>>
      %dma_wait3A_2070 = arith.constant 0 : i32
      %dma_wait3A_2071 = arith.constant 0 : i32
      %dma_wait3A_2072 = tpu.memref_slice %arg5[%dma_wait3A_2070, %dma_wait3A_2071] : memref<320000x16xf32, #tpu.memory_space<hbm>> -> memref<128x16xf32, #tpu.memory_space<hbm>>
      %dma_wait3A_2073 = arith.constant 0 : i32
      %dma_wait3A_2074 = arith.constant 0 : i32
      %dma_wait3A_2075 = tpu.memref_slice %arg13[%dma_wait3A_2065, %dma_wait3A_2073, %dma_wait3A_2074] : memref<4x128x16xf32, #tpu.memory_space<vmem>> -> memref<1x128x16xf32, #tpu.memory_space<vmem>>
      %dma_wait3A_2076 = tpu.memref_squeeze %dma_wait3A_2075 : memref<1x128x16xf32, #tpu.memory_space<vmem>> -> memref<128x16xf32, #tpu.memory_space<vmem>>
      %dma_wait3A_2077 = arith.constant 0 : i32
      %dma_wait3A_2078 = arith.constant 0 : i32
      %dma_wait3A_2079 = tpu.memref_slice %arg5[%dma_wait3A_2077, %dma_wait3A_2078] : memref<320000x16xf32, #tpu.memory_space<hbm>> -> memref<128x16xf32, #tpu.memory_space<hbm>>
      tpu.wait_dma2 semaphore(%arg23 : memref<!tpu.dma_semaphore, #tpu.memory_space<semaphore_mem>>) src(%dma_wait3A_2079 : memref<128x16xf32, #tpu.memory_space<hbm>>) dst(%dma_wait3A_2076 : memref<128x16xf32, #tpu.memory_space<vmem>>)
    } else {
    }
    %dma_start3A_1983 = arith.constant 3 : i32
    %dma_start3A_1984 = arith.constant 3 : i32
    %dma_start3A_1985 = arith.constant 0 : i32
    %dma_start3A_1986 = arith.constant 0 : i32
    %dma_start3A_1987 = tpu.memref_slice %arg12[%dma_start3A_1983, %dma_start3A_1985, %dma_start3A_1986] : memref<4x128x64xf32, #tpu.memory_space<vmem>> -> memref<1x128x64xf32, #tpu.memory_space<vmem>>
    %dma_start3A_1988 = tpu.memref_squeeze %dma_start3A_1987 : memref<1x128x64xf32, #tpu.memory_space<vmem>> -> memref<128x64xf32, #tpu.memory_space<vmem>>
    %dma_start3A_1989 = arith.constant 0 : i32
    %dma_start3A_1990 = tpu.memref_slice %arg11[%dma_start3A_1984, %dma_start3A_1989] : memref<4x128xi32, #tpu.memory_space<vmem>> -> memref<1x128xi32, #tpu.memory_space<vmem>>
    %dma_start3A_1991 = tpu.memref_squeeze %dma_start3A_1990 : memref<1x128xi32, #tpu.memory_space<vmem>> -> memref<128xi32, #tpu.memory_space<vmem>>
    %dma_start3A_1992 = arith.constant 0 : i32
    %dma_start3A_1993 = arith.constant 0 : i32
    %dma_start3A_1994 = tpu.memref_slice %arg14[%dma_start3A_1992, %dma_start3A_1993] : memref<10000x64xf32, #tpu.memory_space<vmem_shared>> -> memref<10000x64xf32, #tpu.memory_space<vmem_shared>>
    tpu.enqueue_indirect_dma source(%dma_start3A_1988 : memref<128x64xf32, #tpu.memory_space<vmem>>) target(%dma_start3A_1994 : memref<10000x64xf32, #tpu.memory_space<vmem_shared>>) offsets(%dma_start3A_1991 : memref<128xi32, #tpu.memory_space<vmem>>) semaphore(%arg31 : memref<!tpu.dma_semaphore, #tpu.memory_space<semaphore_mem>>) {add = true}
    %dma_start3A_1995 = arith.constant 3 : i32
    %dma_start3A_1996 = arith.constant 3 : i32
    %dma_start3A_1997 = arith.constant 0 : i32
    %dma_start3A_1998 = arith.constant 0 : i32
    %dma_start3A_1999 = tpu.memref_slice %arg13[%dma_start3A_1995, %dma_start3A_1997, %dma_start3A_1998] : memref<4x128x16xf32, #tpu.memory_space<vmem>> -> memref<1x128x16xf32, #tpu.memory_space<vmem>>
    %dma_start3A_2000 = tpu.memref_squeeze %dma_start3A_1999 : memref<1x128x16xf32, #tpu.memory_space<vmem>> -> memref<128x16xf32, #tpu.memory_space<vmem>>
    %dma_start3A_2001 = arith.constant 0 : i32
    %dma_start3A_2002 = tpu.memref_slice %arg11[%dma_start3A_1996, %dma_start3A_2001] : memref<4x128xi32, #tpu.memory_space<vmem>> -> memref<1x128xi32, #tpu.memory_space<vmem>>
    %dma_start3A_2003 = tpu.memref_squeeze %dma_start3A_2002 : memref<1x128xi32, #tpu.memory_space<vmem>> -> memref<128xi32, #tpu.memory_space<vmem>>
    %dma_start3A_2004 = arith.constant 0 : i32
    %dma_start3A_2005 = arith.constant 0 : i32
    %dma_start3A_2006 = tpu.memref_slice %arg15[%dma_start3A_2004, %dma_start3A_2005] : memref<10000x16xf32, #tpu.memory_space<vmem_shared>> -> memref<10000x16xf32, #tpu.memory_space<vmem_shared>>
    tpu.enqueue_indirect_dma source(%dma_start3A_2000 : memref<128x16xf32, #tpu.memory_space<vmem>>) target(%dma_start3A_2006 : memref<10000x16xf32, #tpu.memory_space<vmem_shared>>) offsets(%dma_start3A_2003 : memref<128xi32, #tpu.memory_space<vmem>>) semaphore(%arg31 : memref<!tpu.dma_semaphore, #tpu.memory_space<semaphore_mem>>) {add = true}
    %dma_wait3A_2007 = arith.constant 2 : i32
    %dma_wait3A_2008 = arith.constant 2 : i32
    %dma_wait3A_2009 = arith.constant 0 : i32
    %dma_wait3A_2010 = arith.constant 0 : i32
    %dma_wait3A_2011 = tpu.memref_slice %arg12[%dma_wait3A_2007, %dma_wait3A_2009, %dma_wait3A_2010] : memref<4x128x64xf32, #tpu.memory_space<vmem>> -> memref<1x128x64xf32, #tpu.memory_space<vmem>>
    %dma_wait3A_2012 = tpu.memref_squeeze %dma_wait3A_2011 : memref<1x128x64xf32, #tpu.memory_space<vmem>> -> memref<128x64xf32, #tpu.memory_space<vmem>>
    %dma_wait3A_2013 = arith.constant 0 : i32
    %dma_wait3A_2014 = tpu.memref_slice %arg11[%dma_wait3A_2008, %dma_wait3A_2013] : memref<4x128xi32, #tpu.memory_space<vmem>> -> memref<1x128xi32, #tpu.memory_space<vmem>>
    %dma_wait3A_2015 = tpu.memref_squeeze %dma_wait3A_2014 : memref<1x128xi32, #tpu.memory_space<vmem>> -> memref<128xi32, #tpu.memory_space<vmem>>
    %dma_wait3A_2016 = arith.constant 0 : i32
    %dma_wait3A_2017 = arith.constant 0 : i32
    %dma_wait3A_2018 = tpu.memref_slice %arg14[%dma_wait3A_2016, %dma_wait3A_2017] : memref<10000x64xf32, #tpu.memory_space<vmem_shared>> -> memref<10000x64xf32, #tpu.memory_space<vmem_shared>>
    tpu.wait_indirect_dma semaphore(%arg30 : memref<!tpu.dma_semaphore, #tpu.memory_space<semaphore_mem>>) src(%dma_wait3A_2012 : memref<128x64xf32, #tpu.memory_space<vmem>>) dst(%dma_wait3A_2018 : memref<10000x64xf32, #tpu.memory_space<vmem_shared>>)
    %dma_wait3A_2019 = arith.constant 2 : i32
    %dma_wait3A_2020 = arith.constant 2 : i32
    %dma_wait3A_2021 = arith.constant 0 : i32
    %dma_wait3A_2022 = arith.constant 0 : i32
    %dma_wait3A_2023 = tpu.memref_slice %arg13[%dma_wait3A_2019, %dma_wait3A_2021, %dma_wait3A_2022] : memref<4x128x16xf32, #tpu.memory_space<vmem>> -> memref<1x128x16xf32, #tpu.memory_space<vmem>>
    %dma_wait3A_2024 = tpu.memref_squeeze %dma_wait3A_2023 : memref<1x128x16xf32, #tpu.memory_space<vmem>> -> memref<128x16xf32, #tpu.memory_space<vmem>>
    %dma_wait3A_2025 = arith.constant 0 : i32
    %dma_wait3A_2026 = tpu.memref_slice %arg11[%dma_wait3A_2020, %dma_wait3A_2025] : memref<4x128xi32, #tpu.memory_space<vmem>> -> memref<1x128xi32, #tpu.memory_space<vmem>>
    %dma_wait3A_2027 = tpu.memref_squeeze %dma_wait3A_2026 : memref<1x128xi32, #tpu.memory_space<vmem>> -> memref<128xi32, #tpu.memory_space<vmem>>
    %dma_wait3A_2028 = arith.constant 0 : i32
    %dma_wait3A_2029 = arith.constant 0 : i32
    %dma_wait3A_2030 = tpu.memref_slice %arg15[%dma_wait3A_2028, %dma_wait3A_2029] : memref<10000x16xf32, #tpu.memory_space<vmem_shared>> -> memref<10000x16xf32, #tpu.memory_space<vmem_shared>>
    tpu.wait_indirect_dma semaphore(%arg30 : memref<!tpu.dma_semaphore, #tpu.memory_space<semaphore_mem>>) src(%dma_wait3A_2024 : memref<128x16xf32, #tpu.memory_space<vmem>>) dst(%dma_wait3A_2030 : memref<10000x16xf32, #tpu.memory_space<vmem_shared>>)
    %dma_wait3A_2031 = arith.constant 3 : i32
    %dma_wait3A_2032 = arith.constant 3 : i32
    %dma_wait3A_2033 = arith.constant 0 : i32
    %dma_wait3A_2034 = arith.constant 0 : i32
    %dma_wait3A_2035 = tpu.memref_slice %arg12[%dma_wait3A_2031, %dma_wait3A_2033, %dma_wait3A_2034] : memref<4x128x64xf32, #tpu.memory_space<vmem>> -> memref<1x128x64xf32, #tpu.memory_space<vmem>>
    %dma_wait3A_2036 = tpu.memref_squeeze %dma_wait3A_2035 : memref<1x128x64xf32, #tpu.memory_space<vmem>> -> memref<128x64xf32, #tpu.memory_space<vmem>>
    %dma_wait3A_2037 = arith.constant 0 : i32
    %dma_wait3A_2038 = tpu.memref_slice %arg11[%dma_wait3A_2032, %dma_wait3A_2037] : memref<4x128xi32, #tpu.memory_space<vmem>> -> memref<1x128xi32, #tpu.memory_space<vmem>>
    %dma_wait3A_2039 = tpu.memref_squeeze %dma_wait3A_2038 : memref<1x128xi32, #tpu.memory_space<vmem>> -> memref<128xi32, #tpu.memory_space<vmem>>
    %dma_wait3A_2040 = arith.constant 0 : i32
    %dma_wait3A_2041 = arith.constant 0 : i32
    %dma_wait3A_2042 = tpu.memref_slice %arg14[%dma_wait3A_2040, %dma_wait3A_2041] : memref<10000x64xf32, #tpu.memory_space<vmem_shared>> -> memref<10000x64xf32, #tpu.memory_space<vmem_shared>>
    tpu.wait_indirect_dma semaphore(%arg31 : memref<!tpu.dma_semaphore, #tpu.memory_space<semaphore_mem>>) src(%dma_wait3A_2036 : memref<128x64xf32, #tpu.memory_space<vmem>>) dst(%dma_wait3A_2042 : memref<10000x64xf32, #tpu.memory_space<vmem_shared>>)
    %dma_wait3A_2043 = arith.constant 3 : i32
    %dma_wait3A_2044 = arith.constant 3 : i32
    %dma_wait3A_2045 = arith.constant 0 : i32
    %dma_wait3A_2046 = arith.constant 0 : i32
    %dma_wait3A_2047 = tpu.memref_slice %arg13[%dma_wait3A_2043, %dma_wait3A_2045, %dma_wait3A_2046] : memref<4x128x16xf32, #tpu.memory_space<vmem>> -> memref<1x128x16xf32, #tpu.memory_space<vmem>>
    %dma_wait3A_2048 = tpu.memref_squeeze %dma_wait3A_2047 : memref<1x128x16xf32, #tpu.memory_space<vmem>> -> memref<128x16xf32, #tpu.memory_space<vmem>>
    %dma_wait3A_2049 = arith.constant 0 : i32
    %dma_wait3A_2050 = tpu.memref_slice %arg11[%dma_wait3A_2044, %dma_wait3A_2049] : memref<4x128xi32, #tpu.memory_space<vmem>> -> memref<1x128xi32, #tpu.memory_space<vmem>>
    %dma_wait3A_2051 = tpu.memref_squeeze %dma_wait3A_2050 : memref<1x128xi32, #tpu.memory_space<vmem>> -> memref<128xi32, #tpu.memory_space<vmem>>
    %dma_wait3A_2052 = arith.constant 0 : i32
    %dma_wait3A_2053 = arith.constant 0 : i32
    %dma_wait3A_2054 = tpu.memref_slice %arg15[%dma_wait3A_2052, %dma_wait3A_2053] : memref<10000x16xf32, #tpu.memory_space<vmem_shared>> -> memref<10000x16xf32, #tpu.memory_space<vmem_shared>>
    tpu.wait_indirect_dma semaphore(%arg31 : memref<!tpu.dma_semaphore, #tpu.memory_space<semaphore_mem>>) src(%dma_wait3A_2048 : memref<128x16xf32, #tpu.memory_space<vmem>>) dst(%dma_wait3A_2054 : memref<10000x16xf32, #tpu.memory_space<vmem_shared>>)
    %lt3A = arith.constant 4 : i32
    %lt3A_2055 = arith.cmpi slt, %arg1, %lt3A : i32
    %convert_element_type3A_2056 = arith.extui %lt3A_2055 : i1 to i32
    %cond3A_2057 = arith.constant 0 : i32
    %cond3A_2058 = arith.cmpi ne, %convert_element_type3A_2056, %cond3A_2057 : i32
    scf.if %cond3A_2058 {
      %add3A_2065 = arith.constant 2496 : i32
      %add3A_2066 = arith.addi %add3A_2065, %arg1 : i32
      %mul3A_2067 = arith.constant 128 : i32
      %mul3A_2068 = arith.muli %add3A_2066, %mul3A_2067 : i32
      %dma_start3A_2069 = arith.constant 0 : i32
      %dma_start3A_2070 = arith.constant 0 : i32
      %dma_start3A_2071 = tpu.memref_slice %arg10[%dma_start3A_2069, %dma_start3A_2070] : memref<4x128xi32, #tpu.memory_space<vmem>> -> memref<1x128xi32, #tpu.memory_space<vmem>>
      %dma_start3A_2072 = tpu.memref_squeeze %dma_start3A_2071 : memref<1x128xi32, #tpu.memory_space<vmem>> -> memref<128xi32, #tpu.memory_space<vmem>>
      %dma_start3A_2073 = tpu.memref_slice %arg3[%mul3A_2068] : memref<320000xi32, #tpu.memory_space<hbm>> -> memref<128xi32, #tpu.memory_space<hbm>>
      %dma_start3A_2074 = arith.constant 0 : i32
      %dma_start3A_2075 = tpu.memref_slice %arg10[%dma_start3A_2069, %dma_start3A_2074] : memref<4x128xi32, #tpu.memory_space<vmem>> -> memref<1x128xi32, #tpu.memory_space<vmem>>
      %dma_start3A_2076 = tpu.memref_squeeze %dma_start3A_2075 : memref<1x128xi32, #tpu.memory_space<vmem>> -> memref<128xi32, #tpu.memory_space<vmem>>
      %dma_start3A_2077 = tpu.memref_slice %arg3[%mul3A_2068] : memref<320000xi32, #tpu.memory_space<hbm>> -> memref<128xi32, #tpu.memory_space<hbm>>
      tpu.enqueue_dma source(%dma_start3A_2077 : memref<128xi32, #tpu.memory_space<hbm>>) target(%dma_start3A_2076 : memref<128xi32, #tpu.memory_space<vmem>>) target_semaphore(%arg16 : memref<!tpu.dma_semaphore, #tpu.memory_space<semaphore_mem>>)
      %dma_start3A_2078 = arith.constant 0 : i32
      %dma_start3A_2079 = arith.constant 0 : i32
      %dma_start3A_2080 = tpu.memref_slice %arg11[%dma_start3A_2078, %dma_start3A_2079] : memref<4x128xi32, #tpu.memory_space<vmem>> -> memref<1x128xi32, #tpu.memory_space<vmem>>
      %dma_start3A_2081 = tpu.memref_squeeze %dma_start3A_2080 : memref<1x128xi32, #tpu.memory_space<vmem>> -> memref<128xi32, #tpu.memory_space<vmem>>
      %dma_start3A_2082 = tpu.memref_slice %arg4[%mul3A_2068] : memref<320000xi32, #tpu.memory_space<hbm>> -> memref<128xi32, #tpu.memory_space<hbm>>
      %dma_start3A_2083 = arith.constant 0 : i32
      %dma_start3A_2084 = tpu.memref_slice %arg11[%dma_start3A_2078, %dma_start3A_2083] : memref<4x128xi32, #tpu.memory_space<vmem>> -> memref<1x128xi32, #tpu.memory_space<vmem>>
      %dma_start3A_2085 = tpu.memref_squeeze %dma_start3A_2084 : memref<1x128xi32, #tpu.memory_space<vmem>> -> memref<128xi32, #tpu.memory_space<vmem>>
      %dma_start3A_2086 = tpu.memref_slice %arg4[%mul3A_2068] : memref<320000xi32, #tpu.memory_space<hbm>> -> memref<128xi32, #tpu.memory_space<hbm>>
      tpu.enqueue_dma source(%dma_start3A_2086 : memref<128xi32, #tpu.memory_space<hbm>>) target(%dma_start3A_2085 : memref<128xi32, #tpu.memory_space<vmem>>) target_semaphore(%arg16 : memref<!tpu.dma_semaphore, #tpu.memory_space<semaphore_mem>>)
      %eq3A_2087 = arith.constant 0 : i32
      %eq3A_2088 = arith.cmpi eq, %arg0, %eq3A_2087 : i32
      %convert_element_type3A_2089 = arith.extui %eq3A_2088 : i1 to i32
      %cond3A_2090 = arith.constant 0 : i32
      %cond3A_2091 = arith.cmpi ne, %convert_element_type3A_2089, %cond3A_2090 : i32
      scf.if %cond3A_2091 {
        %dma_start3A_2319 = arith.constant 0 : i32
        %dma_start3A_2320 = arith.constant 0 : i32
        %dma_start3A_2321 = arith.constant 0 : i32
        %dma_start3A_2322 = tpu.memref_slice %arg13[%dma_start3A_2319, %dma_start3A_2320, %dma_start3A_2321] : memref<4x128x16xf32, #tpu.memory_space<vmem>> -> memref<1x128x16xf32, #tpu.memory_space<vmem>>
        %dma_start3A_2323 = tpu.memref_squeeze %dma_start3A_2322 : memref<1x128x16xf32, #tpu.memory_space<vmem>> -> memref<128x16xf32, #tpu.memory_space<vmem>>
        %dma_start3A_2324 = arith.constant 0 : i32
        %dma_start3A_2325 = tpu.memref_slice %arg5[%mul3A_2068, %dma_start3A_2324] : memref<320000x16xf32, #tpu.memory_space<hbm>> -> memref<128x16xf32, #tpu.memory_space<hbm>>
        %dma_start3A_2326 = arith.constant 0 : i32
        %dma_start3A_2327 = arith.constant 0 : i32
        %dma_start3A_2328 = tpu.memref_slice %arg13[%dma_start3A_2319, %dma_start3A_2326, %dma_start3A_2327] : memref<4x128x16xf32, #tpu.memory_space<vmem>> -> memref<1x128x16xf32, #tpu.memory_space<vmem>>
        %dma_start3A_2329 = tpu.memref_squeeze %dma_start3A_2328 : memref<1x128x16xf32, #tpu.memory_space<vmem>> -> memref<128x16xf32, #tpu.memory_space<vmem>>
        %dma_start3A_2330 = arith.constant 0 : i32
        %dma_start3A_2331 = tpu.memref_slice %arg5[%mul3A_2068, %dma_start3A_2330] : memref<320000x16xf32, #tpu.memory_space<hbm>> -> memref<128x16xf32, #tpu.memory_space<hbm>>
        tpu.enqueue_dma source(%dma_start3A_2331 : memref<128x16xf32, #tpu.memory_space<hbm>>) target(%dma_start3A_2329 : memref<128x16xf32, #tpu.memory_space<vmem>>) target_semaphore(%arg20 : memref<!tpu.dma_semaphore, #tpu.memory_space<semaphore_mem>>)
      } else {
      }
      %dma_wait3A_2092 = arith.constant 0 : i32
      %dma_wait3A_2093 = arith.constant 0 : i32
      %dma_wait3A_2094 = tpu.memref_slice %arg10[%dma_wait3A_2092, %dma_wait3A_2093] : memref<4x128xi32, #tpu.memory_space<vmem>> -> memref<1x128xi32, #tpu.memory_space<vmem>>
      %dma_wait3A_2095 = tpu.memref_squeeze %dma_wait3A_2094 : memref<1x128xi32, #tpu.memory_space<vmem>> -> memref<128xi32, #tpu.memory_space<vmem>>
      %dma_wait3A_2096 = arith.constant 0 : i32
      %dma_wait3A_2097 = tpu.memref_slice %arg3[%dma_wait3A_2096] : memref<320000xi32, #tpu.memory_space<hbm>> -> memref<128xi32, #tpu.memory_space<hbm>>
      %dma_wait3A_2098 = arith.constant 0 : i32
      %dma_wait3A_2099 = tpu.memref_slice %arg10[%dma_wait3A_2092, %dma_wait3A_2098] : memref<4x128xi32, #tpu.memory_space<vmem>> -> memref<1x128xi32, #tpu.memory_space<vmem>>
      %dma_wait3A_2100 = tpu.memref_squeeze %dma_wait3A_2099 : memref<1x128xi32, #tpu.memory_space<vmem>> -> memref<128xi32, #tpu.memory_space<vmem>>
      %dma_wait3A_2101 = arith.constant 0 : i32
      %dma_wait3A_2102 = tpu.memref_slice %arg3[%dma_wait3A_2101] : memref<320000xi32, #tpu.memory_space<hbm>> -> memref<128xi32, #tpu.memory_space<hbm>>
      tpu.wait_dma2 semaphore(%arg16 : memref<!tpu.dma_semaphore, #tpu.memory_space<semaphore_mem>>) src(%dma_wait3A_2102 : memref<128xi32, #tpu.memory_space<hbm>>) dst(%dma_wait3A_2100 : memref<128xi32, #tpu.memory_space<vmem>>)
      %dma_wait3A_2103 = arith.constant 0 : i32
      %dma_wait3A_2104 = arith.constant 0 : i32
      %dma_wait3A_2105 = tpu.memref_slice %arg11[%dma_wait3A_2103, %dma_wait3A_2104] : memref<4x128xi32, #tpu.memory_space<vmem>> -> memref<1x128xi32, #tpu.memory_space<vmem>>
      %dma_wait3A_2106 = tpu.memref_squeeze %dma_wait3A_2105 : memref<1x128xi32, #tpu.memory_space<vmem>> -> memref<128xi32, #tpu.memory_space<vmem>>
      %dma_wait3A_2107 = arith.constant 0 : i32
      %dma_wait3A_2108 = tpu.memref_slice %arg4[%dma_wait3A_2107] : memref<320000xi32, #tpu.memory_space<hbm>> -> memref<128xi32, #tpu.memory_space<hbm>>
      %dma_wait3A_2109 = arith.constant 0 : i32
      %dma_wait3A_2110 = tpu.memref_slice %arg11[%dma_wait3A_2103, %dma_wait3A_2109] : memref<4x128xi32, #tpu.memory_space<vmem>> -> memref<1x128xi32, #tpu.memory_space<vmem>>
      %dma_wait3A_2111 = tpu.memref_squeeze %dma_wait3A_2110 : memref<1x128xi32, #tpu.memory_space<vmem>> -> memref<128xi32, #tpu.memory_space<vmem>>
      %dma_wait3A_2112 = arith.constant 0 : i32
      %dma_wait3A_2113 = tpu.memref_slice %arg4[%dma_wait3A_2112] : memref<320000xi32, #tpu.memory_space<hbm>> -> memref<128xi32, #tpu.memory_space<hbm>>
      tpu.wait_dma2 semaphore(%arg16 : memref<!tpu.dma_semaphore, #tpu.memory_space<semaphore_mem>>) src(%dma_wait3A_2113 : memref<128xi32, #tpu.memory_space<hbm>>) dst(%dma_wait3A_2111 : memref<128xi32, #tpu.memory_space<vmem>>)
      %get3A_2114 = arith.constant 0 : i32
      %get3A_2115 = arith.index_cast %get3A_2114 : i32 to index
      %get3A_2116 = arith.constant 0 : index
      %get3A_2117 = tpu.vector_load %arg10[%get3A_2115, %get3A_2116] {strides = array<i32>} : memref<4x128xi32, #tpu.memory_space<vmem>>, vector<1x16xi32>,
      %get3A_2118 = vector.shape_cast %get3A_2117 : vector<1x16xi32> to vector<16xi32>
      %mul3A_2119 = arith.constant 2 : i32
      %mul3A_2120 = vector.broadcast %mul3A_2119 : i32 to vector<16xi32>
      %mul3A_2121 = arith.muli %get3A_2118, %mul3A_2120 : vector<16xi32>
      %add3A_2122 = vector.broadcast %arg0 : i32 to vector<16xi32>
      %add3A_2123 = arith.addi %mul3A_2121, %add3A_2122 : vector<16xi32>
      %swap3A_2124 = arith.constant 0 : i32
      %swap3A_2125 = arith.index_cast %swap3A_2124 : i32 to index
      %swap3A_2126 = arith.constant 0 : index
      %swap3A_2127 = tpu.vector_load %arg10[%swap3A_2125, %swap3A_2126] {strides = array<i32>} : memref<4x128xi32, #tpu.memory_space<vmem>>, vector<1x16xi32>,
      %swap3A_2128 = vector.shape_cast %swap3A_2127 : vector<1x16xi32> to vector<16xi32>
      %swap3A_2129 = vector.shape_cast %add3A_2123 : vector<16xi32> to vector<1x16xi32>
      tpu.vector_store %arg10[%swap3A_2125, %swap3A_2126], %swap3A_2129 {strides = array<i32>} : memref<4x128xi32, #tpu.memory_space<vmem>>, vector<1x16xi32>,
      %get3A_2130 = arith.constant 0 : i32
      %get3A_2131 = arith.index_cast %get3A_2130 : i32 to index
      %get3A_2132 = arith.constant 16 : index
      %get3A_2133 = tpu.vector_load %arg10[%get3A_2131, %get3A_2132] {strides = array<i32>} : memref<4x128xi32, #tpu.memory_space<vmem>>, vector<1x16xi32>,
      %get3A_2134 = vector.shape_cast %get3A_2133 : vector<1x16xi32> to vector<16xi32>
      %mul3A_2135 = arith.constant 2 : i32
      %mul3A_2136 = vector.broadcast %mul3A_2135 : i32 to vector<16xi32>
      %mul3A_2137 = arith.muli %get3A_2134, %mul3A_2136 : vector<16xi32>
      %add3A_2138 = vector.broadcast %arg0 : i32 to vector<16xi32>
      %add3A_2139 = arith.addi %mul3A_2137, %add3A_2138 : vector<16xi32>
      %swap3A_2140 = arith.constant 0 : i32
      %swap3A_2141 = arith.index_cast %swap3A_2140 : i32 to index
      %swap3A_2142 = arith.constant 16 : index
      %swap3A_2143 = tpu.vector_load %arg10[%swap3A_2141, %swap3A_2142] {strides = array<i32>} : memref<4x128xi32, #tpu.memory_space<vmem>>, vector<1x16xi32>,
      %swap3A_2144 = vector.shape_cast %swap3A_2143 : vector<1x16xi32> to vector<16xi32>
      %swap3A_2145 = vector.shape_cast %add3A_2139 : vector<16xi32> to vector<1x16xi32>
      tpu.vector_store %arg10[%swap3A_2141, %swap3A_2142], %swap3A_2145 {strides = array<i32>} : memref<4x128xi32, #tpu.memory_space<vmem>>, vector<1x16xi32>,
      %get3A_2146 = arith.constant 0 : i32
      %get3A_2147 = arith.index_cast %get3A_2146 : i32 to index
      %get3A_2148 = arith.constant 32 : index
      %get3A_2149 = tpu.vector_load %arg10[%get3A_2147, %get3A_2148] {strides = array<i32>} : memref<4x128xi32, #tpu.memory_space<vmem>>, vector<1x16xi32>,
      %get3A_2150 = vector.shape_cast %get3A_2149 : vector<1x16xi32> to vector<16xi32>
      %mul3A_2151 = arith.constant 2 : i32
      %mul3A_2152 = vector.broadcast %mul3A_2151 : i32 to vector<16xi32>
      %mul3A_2153 = arith.muli %get3A_2150, %mul3A_2152 : vector<16xi32>
      %add3A_2154 = vector.broadcast %arg0 : i32 to vector<16xi32>
      %add3A_2155 = arith.addi %mul3A_2153, %add3A_2154 : vector<16xi32>
      %swap3A_2156 = arith.constant 0 : i32
      %swap3A_2157 = arith.index_cast %swap3A_2156 : i32 to index
      %swap3A_2158 = arith.constant 32 : index
      %swap3A_2159 = tpu.vector_load %arg10[%swap3A_2157, %swap3A_2158] {strides = array<i32>} : memref<4x128xi32, #tpu.memory_space<vmem>>, vector<1x16xi32>,
      %swap3A_2160 = vector.shape_cast %swap3A_2159 : vector<1x16xi32> to vector<16xi32>
      %swap3A_2161 = vector.shape_cast %add3A_2155 : vector<16xi32> to vector<1x16xi32>
      tpu.vector_store %arg10[%swap3A_2157, %swap3A_2158], %swap3A_2161 {strides = array<i32>} : memref<4x128xi32, #tpu.memory_space<vmem>>, vector<1x16xi32>,
      %get3A_2162 = arith.constant 0 : i32
      %get3A_2163 = arith.index_cast %get3A_2162 : i32 to index
      %get3A_2164 = arith.constant 48 : index
      %get3A_2165 = tpu.vector_load %arg10[%get3A_2163, %get3A_2164] {strides = array<i32>} : memref<4x128xi32, #tpu.memory_space<vmem>>, vector<1x16xi32>,
      %get3A_2166 = vector.shape_cast %get3A_2165 : vector<1x16xi32> to vector<16xi32>
      %mul3A_2167 = arith.constant 2 : i32
      %mul3A_2168 = vector.broadcast %mul3A_2167 : i32 to vector<16xi32>
      %mul3A_2169 = arith.muli %get3A_2166, %mul3A_2168 : vector<16xi32>
      %add3A_2170 = vector.broadcast %arg0 : i32 to vector<16xi32>
      %add3A_2171 = arith.addi %mul3A_2169, %add3A_2170 : vector<16xi32>
      %swap3A_2172 = arith.constant 0 : i32
      %swap3A_2173 = arith.index_cast %swap3A_2172 : i32 to index
      %swap3A_2174 = arith.constant 48 : index
      %swap3A_2175 = tpu.vector_load %arg10[%swap3A_2173, %swap3A_2174] {strides = array<i32>} : memref<4x128xi32, #tpu.memory_space<vmem>>, vector<1x16xi32>,
      %swap3A_2176 = vector.shape_cast %swap3A_2175 : vector<1x16xi32> to vector<16xi32>
      %swap3A_2177 = vector.shape_cast %add3A_2171 : vector<16xi32> to vector<1x16xi32>
      tpu.vector_store %arg10[%swap3A_2173, %swap3A_2174], %swap3A_2177 {strides = array<i32>} : memref<4x128xi32, #tpu.memory_space<vmem>>, vector<1x16xi32>,
      %get3A_2178 = arith.constant 0 : i32
      %get3A_2179 = arith.index_cast %get3A_2178 : i32 to index
      %get3A_2180 = arith.constant 64 : index
      %get3A_2181 = tpu.vector_load %arg10[%get3A_2179, %get3A_2180] {strides = array<i32>} : memref<4x128xi32, #tpu.memory_space<vmem>>, vector<1x16xi32>,
      %get3A_2182 = vector.shape_cast %get3A_2181 : vector<1x16xi32> to vector<16xi32>
      %mul3A_2183 = arith.constant 2 : i32
      %mul3A_2184 = vector.broadcast %mul3A_2183 : i32 to vector<16xi32>
      %mul3A_2185 = arith.muli %get3A_2182, %mul3A_2184 : vector<16xi32>
      %add3A_2186 = vector.broadcast %arg0 : i32 to vector<16xi32>
      %add3A_2187 = arith.addi %mul3A_2185, %add3A_2186 : vector<16xi32>
      %swap3A_2188 = arith.constant 0 : i32
      %swap3A_2189 = arith.index_cast %swap3A_2188 : i32 to index
      %swap3A_2190 = arith.constant 64 : index
      %swap3A_2191 = tpu.vector_load %arg10[%swap3A_2189, %swap3A_2190] {strides = array<i32>} : memref<4x128xi32, #tpu.memory_space<vmem>>, vector<1x16xi32>,
      %swap3A_2192 = vector.shape_cast %swap3A_2191 : vector<1x16xi32> to vector<16xi32>
      %swap3A_2193 = vector.shape_cast %add3A_2187 : vector<16xi32> to vector<1x16xi32>
      tpu.vector_store %arg10[%swap3A_2189, %swap3A_2190], %swap3A_2193 {strides = array<i32>} : memref<4x128xi32, #tpu.memory_space<vmem>>, vector<1x16xi32>,
      %get3A_2194 = arith.constant 0 : i32
      %get3A_2195 = arith.index_cast %get3A_2194 : i32 to index
      %get3A_2196 = arith.constant 80 : index
      %get3A_2197 = tpu.vector_load %arg10[%get3A_2195, %get3A_2196] {strides = array<i32>} : memref<4x128xi32, #tpu.memory_space<vmem>>, vector<1x16xi32>,
      %get3A_2198 = vector.shape_cast %get3A_2197 : vector<1x16xi32> to vector<16xi32>
      %mul3A_2199 = arith.constant 2 : i32
      %mul3A_2200 = vector.broadcast %mul3A_2199 : i32 to vector<16xi32>
      %mul3A_2201 = arith.muli %get3A_2198, %mul3A_2200 : vector<16xi32>
      %add3A_2202 = vector.broadcast %arg0 : i32 to vector<16xi32>
      %add3A_2203 = arith.addi %mul3A_2201, %add3A_2202 : vector<16xi32>
      %swap3A_2204 = arith.constant 0 : i32
      %swap3A_2205 = arith.index_cast %swap3A_2204 : i32 to index
      %swap3A_2206 = arith.constant 80 : index
      %swap3A_2207 = tpu.vector_load %arg10[%swap3A_2205, %swap3A_2206] {strides = array<i32>} : memref<4x128xi32, #tpu.memory_space<vmem>>, vector<1x16xi32>,
      %swap3A_2208 = vector.shape_cast %swap3A_2207 : vector<1x16xi32> to vector<16xi32>
      %swap3A_2209 = vector.shape_cast %add3A_2203 : vector<16xi32> to vector<1x16xi32>
      tpu.vector_store %arg10[%swap3A_2205, %swap3A_2206], %swap3A_2209 {strides = array<i32>} : memref<4x128xi32, #tpu.memory_space<vmem>>, vector<1x16xi32>,
      %get3A_2210 = arith.constant 0 : i32
      %get3A_2211 = arith.index_cast %get3A_2210 : i32 to index
      %get3A_2212 = arith.constant 96 : index
      %get3A_2213 = tpu.vector_load %arg10[%get3A_2211, %get3A_2212] {strides = array<i32>} : memref<4x128xi32, #tpu.memory_space<vmem>>, vector<1x16xi32>,
      %get3A_2214 = vector.shape_cast %get3A_2213 : vector<1x16xi32> to vector<16xi32>
      %mul3A_2215 = arith.constant 2 : i32
      %mul3A_2216 = vector.broadcast %mul3A_2215 : i32 to vector<16xi32>
      %mul3A_2217 = arith.muli %get3A_2214, %mul3A_2216 : vector<16xi32>
      %add3A_2218 = vector.broadcast %arg0 : i32 to vector<16xi32>
      %add3A_2219 = arith.addi %mul3A_2217, %add3A_2218 : vector<16xi32>
      %swap3A_2220 = arith.constant 0 : i32
      %swap3A_2221 = arith.index_cast %swap3A_2220 : i32 to index
      %swap3A_2222 = arith.constant 96 : index
      %swap3A_2223 = tpu.vector_load %arg10[%swap3A_2221, %swap3A_2222] {strides = array<i32>} : memref<4x128xi32, #tpu.memory_space<vmem>>, vector<1x16xi32>,
      %swap3A_2224 = vector.shape_cast %swap3A_2223 : vector<1x16xi32> to vector<16xi32>
      %swap3A_2225 = vector.shape_cast %add3A_2219 : vector<16xi32> to vector<1x16xi32>
      tpu.vector_store %arg10[%swap3A_2221, %swap3A_2222], %swap3A_2225 {strides = array<i32>} : memref<4x128xi32, #tpu.memory_space<vmem>>, vector<1x16xi32>,
      %get3A_2226 = arith.constant 0 : i32
      %get3A_2227 = arith.index_cast %get3A_2226 : i32 to index
      %get3A_2228 = arith.constant 112 : index
      %get3A_2229 = tpu.vector_load %arg10[%get3A_2227, %get3A_2228] {strides = array<i32>} : memref<4x128xi32, #tpu.memory_space<vmem>>, vector<1x16xi32>,
      %get3A_2230 = vector.shape_cast %get3A_2229 : vector<1x16xi32> to vector<16xi32>
      %mul3A_2231 = arith.constant 2 : i32
      %mul3A_2232 = vector.broadcast %mul3A_2231 : i32 to vector<16xi32>
      %mul3A_2233 = arith.muli %get3A_2230, %mul3A_2232 : vector<16xi32>
      %add3A_2234 = vector.broadcast %arg0 : i32 to vector<16xi32>
      %add3A_2235 = arith.addi %mul3A_2233, %add3A_2234 : vector<16xi32>
      %swap3A_2236 = arith.constant 0 : i32
      %swap3A_2237 = arith.index_cast %swap3A_2236 : i32 to index
      %swap3A_2238 = arith.constant 112 : index
      %swap3A_2239 = tpu.vector_load %arg10[%swap3A_2237, %swap3A_2238] {strides = array<i32>} : memref<4x128xi32, #tpu.memory_space<vmem>>, vector<1x16xi32>,
      %swap3A_2240 = vector.shape_cast %swap3A_2239 : vector<1x16xi32> to vector<16xi32>
      %swap3A_2241 = vector.shape_cast %add3A_2235 : vector<16xi32> to vector<1x16xi32>
      tpu.vector_store %arg10[%swap3A_2237, %swap3A_2238], %swap3A_2241 {strides = array<i32>} : memref<4x128xi32, #tpu.memory_space<vmem>>, vector<1x16xi32>,
      %dma_start3A_2242 = arith.constant 0 : i32
      %dma_start3A_2243 = arith.constant 0 : i32
      %dma_start3A_2244 = arith.constant 0 : i32
      %dma_start3A_2245 = arith.constant 0 : i32
      %dma_start3A_2246 = tpu.memref_slice %arg12[%dma_start3A_2243, %dma_start3A_2244, %dma_start3A_2245] : memref<4x128x64xf32, #tpu.memory_space<vmem>> -> memref<1x128x64xf32, #tpu.memory_space<vmem>>
      %dma_start3A_2247 = tpu.memref_squeeze %dma_start3A_2246 : memref<1x128x64xf32, #tpu.memory_space<vmem>> -> memref<128x64xf32, #tpu.memory_space<vmem>>
      %dma_start3A_2248 = arith.constant 0 : i32
      %dma_start3A_2249 = tpu.memref_slice %arg10[%dma_start3A_2242, %dma_start3A_2248] : memref<4x128xi32, #tpu.memory_space<vmem>> -> memref<1x128xi32, #tpu.memory_space<vmem>>
      %dma_start3A_2250 = tpu.memref_squeeze %dma_start3A_2249 : memref<1x128xi32, #tpu.memory_space<vmem>> -> memref<128xi32, #tpu.memory_space<vmem>>
      %dma_start3A_2251 = arith.constant 0 : i32
      %dma_start3A_2252 = arith.constant 0 : i32
      %dma_start3A_2253 = tpu.memref_slice %arg2[%dma_start3A_2251, %dma_start3A_2252] : memref<20000x64xf32, #tpu.memory_space<hbm>> -> memref<20000x64xf32, #tpu.memory_space<hbm>>
      tpu.enqueue_indirect_dma source(%dma_start3A_2253 : memref<20000x64xf32, #tpu.memory_space<hbm>>) target(%dma_start3A_2247 : memref<128x64xf32, #tpu.memory_space<vmem>>) offsets(%dma_start3A_2250 : memref<128xi32, #tpu.memory_space<vmem>>) semaphore(%arg24 : memref<!tpu.dma_semaphore, #tpu.memory_space<semaphore_mem>>)
      %dma_wait3A_2254 = arith.constant 0 : i32
      %dma_wait3A_2255 = arith.constant 0 : i32
      %dma_wait3A_2256 = arith.constant 0 : i32
      %dma_wait3A_2257 = arith.constant 0 : i32
      %dma_wait3A_2258 = tpu.memref_slice %arg12[%dma_wait3A_2255, %dma_wait3A_2256, %dma_wait3A_2257] : memref<4x128x64xf32, #tpu.memory_space<vmem>> -> memref<1x128x64xf32, #tpu.memory_space<vmem>>
      %dma_wait3A_2259 = tpu.memref_squeeze %dma_wait3A_2258 : memref<1x128x64xf32, #tpu.memory_space<vmem>> -> memref<128x64xf32, #tpu.memory_space<vmem>>
      %dma_wait3A_2260 = arith.constant 0 : i32
      %dma_wait3A_2261 = tpu.memref_slice %arg10[%dma_wait3A_2254, %dma_wait3A_2260] : memref<4x128xi32, #tpu.memory_space<vmem>> -> memref<1x128xi32, #tpu.memory_space<vmem>>
      %dma_wait3A_2262 = tpu.memref_squeeze %dma_wait3A_2261 : memref<1x128xi32, #tpu.memory_space<vmem>> -> memref<128xi32, #tpu.memory_space<vmem>>
      %dma_wait3A_2263 = arith.constant 0 : i32
      %dma_wait3A_2264 = arith.constant 0 : i32
      %dma_wait3A_2265 = tpu.memref_slice %arg2[%dma_wait3A_2263, %dma_wait3A_2264] : memref<20000x64xf32, #tpu.memory_space<hbm>> -> memref<20000x64xf32, #tpu.memory_space<hbm>>
      tpu.wait_indirect_dma semaphore(%arg24 : memref<!tpu.dma_semaphore, #tpu.memory_space<semaphore_mem>>) src(%dma_wait3A_2265 : memref<20000x64xf32, #tpu.memory_space<hbm>>) dst(%dma_wait3A_2259 : memref<128x64xf32, #tpu.memory_space<vmem>>)
      %eq3A_2266 = arith.constant 0 : i32
      %eq3A_2267 = arith.cmpi eq, %arg0, %eq3A_2266 : i32
      %convert_element_type3A_2268 = arith.extui %eq3A_2267 : i1 to i32
      %cond3A_2269 = arith.constant 0 : i32
      %cond3A_2270 = arith.cmpi ne, %convert_element_type3A_2268, %cond3A_2269 : i32
      scf.if %cond3A_2270 {
        %dma_wait3A_2319 = arith.constant 0 : i32
        %dma_wait3A_2320 = arith.constant 0 : i32
        %dma_wait3A_2321 = arith.constant 0 : i32
        %dma_wait3A_2322 = tpu.memref_slice %arg13[%dma_wait3A_2319, %dma_wait3A_2320, %dma_wait3A_2321] : memref<4x128x16xf32, #tpu.memory_space<vmem>> -> memref<1x128x16xf32, #tpu.memory_space<vmem>>
        %dma_wait3A_2323 = tpu.memref_squeeze %dma_wait3A_2322 : memref<1x128x16xf32, #tpu.memory_space<vmem>> -> memref<128x16xf32, #tpu.memory_space<vmem>>
        %dma_wait3A_2324 = arith.constant 0 : i32
        %dma_wait3A_2325 = arith.constant 0 : i32
        %dma_wait3A_2326 = tpu.memref_slice %arg5[%dma_wait3A_2324, %dma_wait3A_2325] : memref<320000x16xf32, #tpu.memory_space<hbm>> -> memref<128x16xf32, #tpu.memory_space<hbm>>
        %dma_wait3A_2327 = arith.constant 0 : i32
        %dma_wait3A_2328 = arith.constant 0 : i32
        %dma_wait3A_2329 = tpu.memref_slice %arg13[%dma_wait3A_2319, %dma_wait3A_2327, %dma_wait3A_2328] : memref<4x128x16xf32, #tpu.memory_space<vmem>> -> memref<1x128x16xf32, #tpu.memory_space<vmem>>
        %dma_wait3A_2330 = tpu.memref_squeeze %dma_wait3A_2329 : memref<1x128x16xf32, #tpu.memory_space<vmem>> -> memref<128x16xf32, #tpu.memory_space<vmem>>
        %dma_wait3A_2331 = arith.constant 0 : i32
        %dma_wait3A_2332 = arith.constant 0 : i32
        %dma_wait3A_2333 = tpu.memref_slice %arg5[%dma_wait3A_2331, %dma_wait3A_2332] : memref<320000x16xf32, #tpu.memory_space<hbm>> -> memref<128x16xf32, #tpu.memory_space<hbm>>
        tpu.wait_dma2 semaphore(%arg20 : memref<!tpu.dma_semaphore, #tpu.memory_space<semaphore_mem>>) src(%dma_wait3A_2333 : memref<128x16xf32, #tpu.memory_space<hbm>>) dst(%dma_wait3A_2330 : memref<128x16xf32, #tpu.memory_space<vmem>>)
      } else {
      }
      %dma_start3A_2271 = arith.constant 0 : i32
      %dma_start3A_2272 = arith.constant 0 : i32
      %dma_start3A_2273 = arith.constant 0 : i32
      %dma_start3A_2274 = arith.constant 0 : i32
      %dma_start3A_2275 = tpu.memref_slice %arg12[%dma_start3A_2271, %dma_start3A_2273, %dma_start3A_2274] : memref<4x128x64xf32, #tpu.memory_space<vmem>> -> memref<1x128x64xf32, #tpu.memory_space<vmem>>
      %dma_start3A_2276 = tpu.memref_squeeze %dma_start3A_2275 : memref<1x128x64xf32, #tpu.memory_space<vmem>> -> memref<128x64xf32, #tpu.memory_space<vmem>>
      %dma_start3A_2277 = arith.constant 0 : i32
      %dma_start3A_2278 = tpu.memref_slice %arg11[%dma_start3A_2272, %dma_start3A_2277] : memref<4x128xi32, #tpu.memory_space<vmem>> -> memref<1x128xi32, #tpu.memory_space<vmem>>
      %dma_start3A_2279 = tpu.memref_squeeze %dma_start3A_2278 : memref<1x128xi32, #tpu.memory_space<vmem>> -> memref<128xi32, #tpu.memory_space<vmem>>
      %dma_start3A_2280 = arith.constant 0 : i32
      %dma_start3A_2281 = arith.constant 0 : i32
      %dma_start3A_2282 = tpu.memref_slice %arg14[%dma_start3A_2280, %dma_start3A_2281] : memref<10000x64xf32, #tpu.memory_space<vmem_shared>> -> memref<10000x64xf32, #tpu.memory_space<vmem_shared>>
      tpu.enqueue_indirect_dma source(%dma_start3A_2276 : memref<128x64xf32, #tpu.memory_space<vmem>>) target(%dma_start3A_2282 : memref<10000x64xf32, #tpu.memory_space<vmem_shared>>) offsets(%dma_start3A_2279 : memref<128xi32, #tpu.memory_space<vmem>>) semaphore(%arg28 : memref<!tpu.dma_semaphore, #tpu.memory_space<semaphore_mem>>) {add = true}
      %dma_start3A_2283 = arith.constant 0 : i32
      %dma_start3A_2284 = arith.constant 0 : i32
      %dma_start3A_2285 = arith.constant 0 : i32
      %dma_start3A_2286 = arith.constant 0 : i32
      %dma_start3A_2287 = tpu.memref_slice %arg13[%dma_start3A_2283, %dma_start3A_2285, %dma_start3A_2286] : memref<4x128x16xf32, #tpu.memory_space<vmem>> -> memref<1x128x16xf32, #tpu.memory_space<vmem>>
      %dma_start3A_2288 = tpu.memref_squeeze %dma_start3A_2287 : memref<1x128x16xf32, #tpu.memory_space<vmem>> -> memref<128x16xf32, #tpu.memory_space<vmem>>
      %dma_start3A_2289 = arith.constant 0 : i32
      %dma_start3A_2290 = tpu.memref_slice %arg11[%dma_start3A_2284, %dma_start3A_2289] : memref<4x128xi32, #tpu.memory_space<vmem>> -> memref<1x128xi32, #tpu.memory_space<vmem>>
      %dma_start3A_2291 = tpu.memref_squeeze %dma_start3A_2290 : memref<1x128xi32, #tpu.memory_space<vmem>> -> memref<128xi32, #tpu.memory_space<vmem>>
      %dma_start3A_2292 = arith.constant 0 : i32
      %dma_start3A_2293 = arith.constant 0 : i32
      %dma_start3A_2294 = tpu.memref_slice %arg15[%dma_start3A_2292, %dma_start3A_2293] : memref<10000x16xf32, #tpu.memory_space<vmem_shared>> -> memref<10000x16xf32, #tpu.memory_space<vmem_shared>>
      tpu.enqueue_indirect_dma source(%dma_start3A_2288 : memref<128x16xf32, #tpu.memory_space<vmem>>) target(%dma_start3A_2294 : memref<10000x16xf32, #tpu.memory_space<vmem_shared>>) offsets(%dma_start3A_2291 : memref<128xi32, #tpu.memory_space<vmem>>) semaphore(%arg28 : memref<!tpu.dma_semaphore, #tpu.memory_space<semaphore_mem>>) {add = true}
      %dma_wait3A_2295 = arith.constant 0 : i32
      %dma_wait3A_2296 = arith.constant 0 : i32
      %dma_wait3A_2297 = arith.constant 0 : i32
      %dma_wait3A_2298 = arith.constant 0 : i32
      %dma_wait3A_2299 = tpu.memref_slice %arg12[%dma_wait3A_2295, %dma_wait3A_2297, %dma_wait3A_2298] : memref<4x128x64xf32, #tpu.memory_space<vmem>> -> memref<1x128x64xf32, #tpu.memory_space<vmem>>
      %dma_wait3A_2300 = tpu.memref_squeeze %dma_wait3A_2299 : memref<1x128x64xf32, #tpu.memory_space<vmem>> -> memref<128x64xf32, #tpu.memory_space<vmem>>
      %dma_wait3A_2301 = arith.constant 0 : i32
      %dma_wait3A_2302 = tpu.memref_slice %arg11[%dma_wait3A_2296, %dma_wait3A_2301] : memref<4x128xi32, #tpu.memory_space<vmem>> -> memref<1x128xi32, #tpu.memory_space<vmem>>
      %dma_wait3A_2303 = tpu.memref_squeeze %dma_wait3A_2302 : memref<1x128xi32, #tpu.memory_space<vmem>> -> memref<128xi32, #tpu.memory_space<vmem>>
      %dma_wait3A_2304 = arith.constant 0 : i32
      %dma_wait3A_2305 = arith.constant 0 : i32
      %dma_wait3A_2306 = tpu.memref_slice %arg14[%dma_wait3A_2304, %dma_wait3A_2305] : memref<10000x64xf32, #tpu.memory_space<vmem_shared>> -> memref<10000x64xf32, #tpu.memory_space<vmem_shared>>
      tpu.wait_indirect_dma semaphore(%arg28 : memref<!tpu.dma_semaphore, #tpu.memory_space<semaphore_mem>>) src(%dma_wait3A_2300 : memref<128x64xf32, #tpu.memory_space<vmem>>) dst(%dma_wait3A_2306 : memref<10000x64xf32, #tpu.memory_space<vmem_shared>>)
      %dma_wait3A_2307 = arith.constant 0 : i32
      %dma_wait3A_2308 = arith.constant 0 : i32
      %dma_wait3A_2309 = arith.constant 0 : i32
      %dma_wait3A_2310 = arith.constant 0 : i32
      %dma_wait3A_2311 = tpu.memref_slice %arg13[%dma_wait3A_2307, %dma_wait3A_2309, %dma_wait3A_2310] : memref<4x128x16xf32, #tpu.memory_space<vmem>> -> memref<1x128x16xf32, #tpu.memory_space<vmem>>
      %dma_wait3A_2312 = tpu.memref_squeeze %dma_wait3A_2311 : memref<1x128x16xf32, #tpu.memory_space<vmem>> -> memref<128x16xf32, #tpu.memory_space<vmem>>
      %dma_wait3A_2313 = arith.constant 0 : i32
      %dma_wait3A_2314 = tpu.memref_slice %arg11[%dma_wait3A_2308, %dma_wait3A_2313] : memref<4x128xi32, #tpu.memory_space<vmem>> -> memref<1x128xi32, #tpu.memory_space<vmem>>
      %dma_wait3A_2315 = tpu.memref_squeeze %dma_wait3A_2314 : memref<1x128xi32, #tpu.memory_space<vmem>> -> memref<128xi32, #tpu.memory_space<vmem>>
      %dma_wait3A_2316 = arith.constant 0 : i32
      %dma_wait3A_2317 = arith.constant 0 : i32
      %dma_wait3A_2318 = tpu.memref_slice %arg15[%dma_wait3A_2316, %dma_wait3A_2317] : memref<10000x16xf32, #tpu.memory_space<vmem_shared>> -> memref<10000x16xf32, #tpu.memory_space<vmem_shared>>
      tpu.wait_indirect_dma semaphore(%arg28 : memref<!tpu.dma_semaphore, #tpu.memory_space<semaphore_mem>>) src(%dma_wait3A_2312 : memref<128x16xf32, #tpu.memory_space<vmem>>) dst(%dma_wait3A_2318 : memref<10000x16xf32, #tpu.memory_space<vmem_shared>>)
    } else {
    }
    %barrier3A_2059 = arith.constant 0 : index
    tpu.barrier barrier_id(%barrier3A_2059)
    "tpu.region"() ({
      %run_scoped3A = tpu.sem_alloc : memref<!tpu.dma_semaphore, #tpu.memory_space<semaphore_mem>>
      %dma_start3A_2065 = arith.constant 0 : i32
      %dma_start3A_2066 = tpu.memref_slice %arg8[%arg0, %mul3A_4, %dma_start3A_2065] : memref<2x10000x64xf32, #tpu.memory_space<hbm>> -> memref<1x624x64xf32, #tpu.memory_space<hbm>>
      %dma_start3A_2067 = tpu.memref_squeeze %dma_start3A_2066 : memref<1x624x64xf32, #tpu.memory_space<hbm>> -> memref<624x64xf32, #tpu.memory_space<hbm>>
      %dma_start3A_2068 = arith.constant 0 : i32
      %dma_start3A_2069 = tpu.memref_slice %arg14[%mul3A_4, %dma_start3A_2068] : memref<10000x64xf32, #tpu.memory_space<vmem_shared>> -> memref<624x64xf32, #tpu.memory_space<vmem_shared>>
      tpu.enqueue_dma source(%dma_start3A_2069 : memref<624x64xf32, #tpu.memory_space<vmem_shared>>) target(%dma_start3A_2067 : memref<624x64xf32, #tpu.memory_space<hbm>>) target_semaphore(%run_scoped3A : memref<!tpu.dma_semaphore, #tpu.memory_space<semaphore_mem>>)
      %dma_wait3A_2070 = arith.constant 0 : i32
      %dma_wait3A_2071 = tpu.memref_slice %arg8[%arg0, %mul3A_4, %dma_wait3A_2070] : memref<2x10000x64xf32, #tpu.memory_space<hbm>> -> memref<1x624x64xf32, #tpu.memory_space<hbm>>
      %dma_wait3A_2072 = tpu.memref_squeeze %dma_wait3A_2071 : memref<1x624x64xf32, #tpu.memory_space<hbm>> -> memref<624x64xf32, #tpu.memory_space<hbm>>
      %dma_wait3A_2073 = arith.constant 0 : i32
      %dma_wait3A_2074 = tpu.memref_slice %arg14[%mul3A_4, %dma_wait3A_2073] : memref<10000x64xf32, #tpu.memory_space<vmem_shared>> -> memref<624x64xf32, #tpu.memory_space<vmem_shared>>
      tpu.wait_dma2 semaphore(%run_scoped3A : memref<!tpu.dma_semaphore, #tpu.memory_space<semaphore_mem>>) src(%dma_wait3A_2074 : memref<624x64xf32, #tpu.memory_space<vmem_shared>>) dst(%dma_wait3A_2072 : memref<624x64xf32, #tpu.memory_space<hbm>>)
      tpu.yield
    }) : () -> ()
    "tpu.region"() ({
      %run_scoped3A = tpu.sem_alloc : memref<!tpu.dma_semaphore, #tpu.memory_space<semaphore_mem>>
      %dma_start3A_2065 = arith.constant 0 : i32
      %dma_start3A_2066 = tpu.memref_slice %arg9[%arg0, %mul3A_4, %dma_start3A_2065] : memref<2x10000x16xf32, #tpu.memory_space<hbm>> -> memref<1x624x16xf32, #tpu.memory_space<hbm>>
      %dma_start3A_2067 = tpu.memref_squeeze %dma_start3A_2066 : memref<1x624x16xf32, #tpu.memory_space<hbm>> -> memref<624x16xf32, #tpu.memory_space<hbm>>
      %dma_start3A_2068 = arith.constant 0 : i32
      %dma_start3A_2069 = tpu.memref_slice %arg15[%mul3A_4, %dma_start3A_2068] : memref<10000x16xf32, #tpu.memory_space<vmem_shared>> -> memref<624x16xf32, #tpu.memory_space<vmem_shared>>
      tpu.enqueue_dma source(%dma_start3A_2069 : memref<624x16xf32, #tpu.memory_space<vmem_shared>>) target(%dma_start3A_2067 : memref<624x16xf32, #tpu.memory_space<hbm>>) target_semaphore(%run_scoped3A : memref<!tpu.dma_semaphore, #tpu.memory_space<semaphore_mem>>)
      %dma_wait3A_2070 = arith.constant 0 : i32
      %dma_wait3A_2071 = tpu.memref_slice %arg9[%arg0, %mul3A_4, %dma_wait3A_2070] : memref<2x10000x16xf32, #tpu.memory_space<hbm>> -> memref<1x624x16xf32, #tpu.memory_space<hbm>>
      %dma_wait3A_2072 = tpu.memref_squeeze %dma_wait3A_2071 : memref<1x624x16xf32, #tpu.memory_space<hbm>> -> memref<624x16xf32, #tpu.memory_space<hbm>>
      %dma_wait3A_2073 = arith.constant 0 : i32
      %dma_wait3A_2074 = tpu.memref_slice %arg15[%mul3A_4, %dma_wait3A_2073] : memref<10000x16xf32, #tpu.memory_space<vmem_shared>> -> memref<624x16xf32, #tpu.memory_space<vmem_shared>>
      tpu.wait_dma2 semaphore(%run_scoped3A : memref<!tpu.dma_semaphore, #tpu.memory_space<semaphore_mem>>) src(%dma_wait3A_2074 : memref<624x16xf32, #tpu.memory_space<vmem_shared>>) dst(%dma_wait3A_2072 : memref<624x16xf32, #tpu.memory_space<hbm>>)
      tpu.yield
    }) : () -> ()
    %eq3A_2060 = arith.constant 15 : i32
    %eq3A_2061 = arith.cmpi eq, %arg1, %eq3A_2060 : i32
    %convert_element_type3A_2062 = arith.extui %eq3A_2061 : i1 to i32
    %cond3A_2063 = arith.constant 0 : i32
    %cond3A_2064 = arith.cmpi ne, %convert_element_type3A_2062, %cond3A_2063 : i32
    scf.if %cond3A_2064 {
      "tpu.region"() ({
        %run_scoped3A = tpu.sem_alloc : memref<!tpu.dma_semaphore, #tpu.memory_space<semaphore_mem>>
        %dma_start3A_2065 = arith.constant 9984 : i32
        %dma_start3A_2066 = arith.constant 0 : i32
        %dma_start3A_2067 = tpu.memref_slice %arg8[%arg0, %dma_start3A_2065, %dma_start3A_2066] : memref<2x10000x64xf32, #tpu.memory_space<hbm>> -> memref<1x16x64xf32, #tpu.memory_space<hbm>>
        %dma_start3A_2068 = tpu.memref_squeeze %dma_start3A_2067 : memref<1x16x64xf32, #tpu.memory_space<hbm>> -> memref<16x64xf32, #tpu.memory_space<hbm>>
        %dma_start3A_2069 = arith.constant 9984 : i32
        %dma_start3A_2070 = arith.constant 0 : i32
        %dma_start3A_2071 = tpu.memref_slice %arg14[%dma_start3A_2069, %dma_start3A_2070] : memref<10000x64xf32, #tpu.memory_space<vmem_shared>> -> memref<16x64xf32, #tpu.memory_space<vmem_shared>>
        tpu.enqueue_dma source(%dma_start3A_2071 : memref<16x64xf32, #tpu.memory_space<vmem_shared>>) target(%dma_start3A_2068 : memref<16x64xf32, #tpu.memory_space<hbm>>) target_semaphore(%run_scoped3A : memref<!tpu.dma_semaphore, #tpu.memory_space<semaphore_mem>>)
        %dma_wait3A_2072 = arith.constant 9984 : i32
        %dma_wait3A_2073 = arith.constant 0 : i32
        %dma_wait3A_2074 = tpu.memref_slice %arg8[%arg0, %dma_wait3A_2072, %dma_wait3A_2073] : memref<2x10000x64xf32, #tpu.memory_space<hbm>> -> memref<1x16x64xf32, #tpu.memory_space<hbm>>
        %dma_wait3A_2075 = tpu.memref_squeeze %dma_wait3A_2074 : memref<1x16x64xf32, #tpu.memory_space<hbm>> -> memref<16x64xf32, #tpu.memory_space<hbm>>
        %dma_wait3A_2076 = arith.constant 9984 : i32
        %dma_wait3A_2077 = arith.constant 0 : i32
        %dma_wait3A_2078 = tpu.memref_slice %arg14[%dma_wait3A_2076, %dma_wait3A_2077] : memref<10000x64xf32, #tpu.memory_space<vmem_shared>> -> memref<16x64xf32, #tpu.memory_space<vmem_shared>>
        tpu.wait_dma2 semaphore(%run_scoped3A : memref<!tpu.dma_semaphore, #tpu.memory_space<semaphore_mem>>) src(%dma_wait3A_2078 : memref<16x64xf32, #tpu.memory_space<vmem_shared>>) dst(%dma_wait3A_2075 : memref<16x64xf32, #tpu.memory_space<hbm>>)
        tpu.yield
      }) : () -> ()
      "tpu.region"() ({
        %run_scoped3A = tpu.sem_alloc : memref<!tpu.dma_semaphore, #tpu.memory_space<semaphore_mem>>
        %dma_start3A_2065 = arith.constant 9984 : i32
        %dma_start3A_2066 = arith.constant 0 : i32
        %dma_start3A_2067 = tpu.memref_slice %arg9[%arg0, %dma_start3A_2065, %dma_start3A_2066] : memref<2x10000x16xf32, #tpu.memory_space<hbm>> -> memref<1x16x16xf32, #tpu.memory_space<hbm>>
        %dma_start3A_2068 = tpu.memref_squeeze %dma_start3A_2067 : memref<1x16x16xf32, #tpu.memory_space<hbm>> -> memref<16x16xf32, #tpu.memory_space<hbm>>
        %dma_start3A_2069 = arith.constant 9984 : i32
        %dma_start3A_2070 = arith.constant 0 : i32
        %dma_start3A_2071 = tpu.memref_slice %arg15[%dma_start3A_2069, %dma_start3A_2070] : memref<10000x16xf32, #tpu.memory_space<vmem_shared>> -> memref<16x16xf32, #tpu.memory_space<vmem_shared>>
        tpu.enqueue_dma source(%dma_start3A_2071 : memref<16x16xf32, #tpu.memory_space<vmem_shared>>) target(%dma_start3A_2068 : memref<16x16xf32, #tpu.memory_space<hbm>>) target_semaphore(%run_scoped3A : memref<!tpu.dma_semaphore, #tpu.memory_space<semaphore_mem>>)
        %dma_wait3A_2072 = arith.constant 9984 : i32
        %dma_wait3A_2073 = arith.constant 0 : i32
        %dma_wait3A_2074 = tpu.memref_slice %arg9[%arg0, %dma_wait3A_2072, %dma_wait3A_2073] : memref<2x10000x16xf32, #tpu.memory_space<hbm>> -> memref<1x16x16xf32, #tpu.memory_space<hbm>>
        %dma_wait3A_2075 = tpu.memref_squeeze %dma_wait3A_2074 : memref<1x16x16xf32, #tpu.memory_space<hbm>> -> memref<16x16xf32, #tpu.memory_space<hbm>>
        %dma_wait3A_2076 = arith.constant 9984 : i32
        %dma_wait3A_2077 = arith.constant 0 : i32
        %dma_wait3A_2078 = tpu.memref_slice %arg15[%dma_wait3A_2076, %dma_wait3A_2077] : memref<10000x16xf32, #tpu.memory_space<vmem_shared>> -> memref<16x16xf32, #tpu.memory_space<vmem_shared>>
        tpu.wait_dma2 semaphore(%run_scoped3A : memref<!tpu.dma_semaphore, #tpu.memory_space<semaphore_mem>>) src(%dma_wait3A_2078 : memref<16x16xf32, #tpu.memory_space<vmem_shared>>) dst(%dma_wait3A_2075 : memref<16x16xf32, #tpu.memory_space<hbm>>)
        tpu.yield
      }) : () -> ()
    } else {
    }
    return
  }
}

module attributes {stable_mosaic.version = 14 : i64} {
  func.func @_tc_body(%arg0: i32, %arg1: memref<1000x128xf32, #tpu.memory_space<vmem>>, %arg2: memref<1x1000x64xf32, #tpu.memory_space<vmem>>, %arg3: memref<1x1000x64xf32, #tpu.memory_space<vmem>>, %arg4: memref<1x1000x16xf32, #tpu.memory_space<vmem>>, %arg5: memref<1x1000x16xf32, #tpu.memory_space<vmem>>, %arg6: memref<272x128xf32, #tpu.memory_space<vmem>>, %arg7: memref<1x128xf32, #tpu.memory_space<vmem>>, %arg8: memref<1000x128xf32, #tpu.memory_space<vmem>>) attributes {dimension_semantics = [#tpu.dimension_semantics<arbitrary>], iteration_bounds = array<i64: 10>, scalar_prefetch = 0 : i64, scratch_operands = 0 : i64, tpu.core_type = #tpu.core_type<tc>, window_params = [{transform_indices = @transform_0, window_bounds = array<i64: 1000, 128>}, {transform_indices = @transform_1, window_bounds = array<i64: 1, 1000, 64>}, {transform_indices = @transform_2, window_bounds = array<i64: 1, 1000, 64>}, {transform_indices = @transform_3, window_bounds = array<i64: 1, 1000, 16>}, {transform_indices = @transform_4, window_bounds = array<i64: 1, 1000, 16>}, {pipeline_mode = #tpu.pipeline_mode<synchronous>, transform_indices = @transform_5, window_bounds = array<i64: 272, 128>}, {pipeline_mode = #tpu.pipeline_mode<synchronous>, transform_indices = @transform_6, window_bounds = array<i64: 1, 128>}, {transform_indices = @transform_7, window_bounds = array<i64: 1000, 128>}]} {
    %get3A = arith.constant 0 : index
    %get3A_0 = arith.constant 0 : index
    %get3A_1 = arith.constant 0 : index
    %get3A_2 = vector.load %arg5[%get3A, %get3A_0, %get3A_1] : memref<1x1000x16xf32, #tpu.memory_space<vmem>>, vector<1x1000x16xf32>
    %get3A_3 = vector.shape_cast %get3A_2 : vector<1x1000x16xf32> to vector<1000x16xf32>
    %slice3A = vector.extract_strided_slice %get3A_3 {offsets = [0, 0], sizes = [1000, 1], strides = [1, 1]} : vector<1000x16xf32> to vector<1000x1xf32>
    %max3A = arith.constant 1.000000e+00 : f32
    %max3A_4 = vector.broadcast %max3A : f32 to vector<1000x1xf32>
    %max3A_5 = arith.maximumf %slice3A, %max3A_4 : vector<1000x1xf32>
    %div3A = arith.constant 1.000000e+00 : f32
    %div3A_6 = vector.broadcast %div3A : f32 to vector<1000x1xf32>
    %div3A_7 = arith.divf %div3A_6, %max3A_5 : vector<1000x1xf32>
    %get3A_8 = arith.constant 0 : index
    %get3A_9 = arith.constant 0 : index
    %get3A_10 = vector.load %arg1[%get3A_8, %get3A_9] : memref<1000x128xf32, #tpu.memory_space<vmem>>, vector<1000x128xf32>
    %get3A_11 = arith.constant 0 : index
    %get3A_12 = arith.constant 0 : index
    %get3A_13 = vector.load %arg6[%get3A_11, %get3A_12] : memref<272x128xf32, #tpu.memory_space<vmem>>, vector<128x128xf32>
    %dot_general3A = arith.constant dense<0.000000e+00> : vector<1000x128xf32>
    %dot_general3A_14 = tpu.matmul %get3A_10, %get3A_13, %dot_general3A {dimension_numbers = #tpu.dot_dimension_numbers<[1], [0], [0], [1], [0, 0, 1, 1], [], []>, transpose_lhs_hint = false} : vector<1000x128xf32>, vector<128x128xf32>, vector<1000x128xf32> -> vector<1000x128xf32>
    %get3A_15 = arith.constant 0 : index
    %get3A_16 = arith.constant 0 : index
    %get3A_17 = arith.constant 0 : index
    %get3A_18 = vector.load %arg2[%get3A_15, %get3A_16, %get3A_17] : memref<1x1000x64xf32, #tpu.memory_space<vmem>>, vector<1x1000x64xf32>
    %get3A_19 = vector.shape_cast %get3A_18 : vector<1x1000x64xf32> to vector<1000x64xf32>
    %get3A_20 = arith.constant 128 : index
    %get3A_21 = arith.constant 0 : index
    %get3A_22 = vector.load %arg6[%get3A_20, %get3A_21] : memref<272x128xf32, #tpu.memory_space<vmem>>, vector<64x128xf32>
    %dot_general3A_23 = arith.constant dense<0.000000e+00> : vector<1000x128xf32>
    %dot_general3A_24 = tpu.matmul %get3A_19, %get3A_22, %dot_general3A_23 {dimension_numbers = #tpu.dot_dimension_numbers<[1], [0], [0], [1], [0, 0, 1, 1], [], []>, transpose_lhs_hint = false} : vector<1000x64xf32>, vector<64x128xf32>, vector<1000x128xf32> -> vector<1000x128xf32>
    %get3A_25 = arith.constant 0 : index
    %get3A_26 = arith.constant 0 : index
    %get3A_27 = arith.constant 0 : index
    %get3A_28 = vector.load %arg3[%get3A_25, %get3A_26, %get3A_27] : memref<1x1000x64xf32, #tpu.memory_space<vmem>>, vector<1x1000x64xf32>
    %get3A_29 = vector.shape_cast %get3A_28 : vector<1x1000x64xf32> to vector<1000x64xf32>
    %get3A_30 = arith.constant 192 : index
    %get3A_31 = arith.constant 0 : index
    %get3A_32 = vector.load %arg6[%get3A_30, %get3A_31] : memref<272x128xf32, #tpu.memory_space<vmem>>, vector<64x128xf32>
    %dot_general3A_33 = arith.constant dense<0.000000e+00> : vector<1000x128xf32>
    %dot_general3A_34 = tpu.matmul %get3A_29, %get3A_32, %dot_general3A_33 {dimension_numbers = #tpu.dot_dimension_numbers<[1], [0], [0], [1], [0, 0, 1, 1], [], []>, transpose_lhs_hint = false} : vector<1000x64xf32>, vector<64x128xf32>, vector<1000x128xf32> -> vector<1000x128xf32>
    %add3A = arith.addf %dot_general3A_24, %dot_general3A_34 : vector<1000x128xf32>
    %get3A_35 = arith.constant 0 : index
    %get3A_36 = arith.constant 0 : index
    %get3A_37 = arith.constant 0 : index
    %get3A_38 = vector.load %arg4[%get3A_35, %get3A_36, %get3A_37] : memref<1x1000x16xf32, #tpu.memory_space<vmem>>, vector<1x1000x16xf32>
    %get3A_39 = vector.shape_cast %get3A_38 : vector<1x1000x16xf32> to vector<1000x16xf32>
    %get3A_40 = arith.constant 256 : index
    %get3A_41 = arith.constant 0 : index
    %get3A_42 = vector.load %arg6[%get3A_40, %get3A_41] : memref<272x128xf32, #tpu.memory_space<vmem>>, vector<16x128xf32>
    %dot_general3A_43 = arith.constant dense<0.000000e+00> : vector<1000x128xf32>
    %dot_general3A_44 = tpu.matmul %get3A_39, %get3A_42, %dot_general3A_43 {dimension_numbers = #tpu.dot_dimension_numbers<[1], [0], [0], [1], [0, 0, 1, 1], [], []>, transpose_lhs_hint = false} : vector<1000x16xf32>, vector<16x128xf32>, vector<1000x128xf32> -> vector<1000x128xf32>
    %add3A_45 = arith.addf %add3A, %dot_general3A_44 : vector<1000x128xf32>
    %mul3A = vector.broadcast %div3A_7 : vector<1000x1xf32> to vector<1000x128xf32>
    %mul3A_46 = arith.mulf %add3A_45, %mul3A : vector<1000x128xf32>
    %add3A_47 = arith.addf %dot_general3A_14, %mul3A_46 : vector<1000x128xf32>
    %get3A_48 = arith.constant 0 : index
    %get3A_49 = arith.constant 0 : index
    %get3A_50 = vector.load %arg7[%get3A_48, %get3A_49] : memref<1x128xf32, #tpu.memory_space<vmem>>, vector<1x128xf32>
    %add3A_51 = vector.broadcast %get3A_50 : vector<1x128xf32> to vector<1000x128xf32>
    %add3A_52 = arith.addf %add3A_47, %add3A_51 : vector<1000x128xf32>
    %max3A_53 = arith.constant 0.000000e+00 : f32
    %max3A_54 = vector.broadcast %max3A_53 : f32 to vector<1000x128xf32>
    %max3A_55 = arith.maximumf %add3A_52, %max3A_54 : vector<1000x128xf32>
    %swap3A = arith.constant 0 : index
    %swap3A_56 = arith.constant 0 : index
    %swap3A_57 = vector.load %arg8[%swap3A, %swap3A_56] : memref<1000x128xf32, #tpu.memory_space<vmem>>, vector<1000x128xf32>
    tpu.vector_store %arg8[%swap3A, %swap3A_56], %max3A_55 {strides = array<i32>} : memref<1000x128xf32, #tpu.memory_space<vmem>>, vector<1000x128xf32>,
    return
  }
  func.func @transform_0(%arg0: i32) -> (i32, i32) {
    %c0_i32 = arith.constant 0 : i32
    %c0_i32_0 = arith.constant 0 : i32
    return %arg0, %c0_i32 : i32, i32
  }
  func.func @transform_1(%arg0: i32) -> (i32, i32, i32) {
    %c0_i32 = arith.constant 0 : i32
    %c0_i32_0 = arith.constant 0 : i32
    %c0_i32_1 = arith.constant 0 : i32
    return %c0_i32, %arg0, %c0_i32_0 : i32, i32, i32
  }
  func.func @transform_2(%arg0: i32) -> (i32, i32, i32) {
    %c1_i32 = arith.constant 1 : i32
    %c0_i32 = arith.constant 0 : i32
    %c0_i32_0 = arith.constant 0 : i32
    return %c1_i32, %arg0, %c0_i32 : i32, i32, i32
  }
  func.func @transform_3(%arg0: i32) -> (i32, i32, i32) {
    %c0_i32 = arith.constant 0 : i32
    %c0_i32_0 = arith.constant 0 : i32
    %c0_i32_1 = arith.constant 0 : i32
    return %c0_i32, %arg0, %c0_i32_0 : i32, i32, i32
  }
  func.func @transform_4(%arg0: i32) -> (i32, i32, i32) {
    %c1_i32 = arith.constant 1 : i32
    %c0_i32 = arith.constant 0 : i32
    %c0_i32_0 = arith.constant 0 : i32
    return %c1_i32, %arg0, %c0_i32 : i32, i32, i32
  }
  func.func @transform_5(%arg0: i32) -> (i32, i32) {
    %c0_i32 = arith.constant 0 : i32
    %c0_i32_0 = arith.constant 0 : i32
    %c0_i32_1 = arith.constant 0 : i32
    return %c0_i32, %c0_i32_0 : i32, i32
  }
  func.func @transform_6(%arg0: i32) -> (i32, i32) {
    %c0_i32 = arith.constant 0 : i32
    %c0_i32_0 = arith.constant 0 : i32
    %c0_i32_1 = arith.constant 0 : i32
    return %c0_i32, %c0_i32_0 : i32, i32
  }
  func.func @transform_7(%arg0: i32) -> (i32, i32) {
    %c0_i32 = arith.constant 0 : i32
    %c0_i32_0 = arith.constant 0 : i32
    return %arg0, %c0_i32 : i32, i32
  }
}

</mosaic_0001>

<sc_bundles>
// kernel: kernel.4.cloned.1.call-start
scs
__scs_entry_jumppad:
0x0: {  	(pc) =	sbr.rel $0x88, $3  }
0x1: {  	(tag) =	ssettag $0x0;
	lr =	simm.s32 $0x1  }
0x2: {  	[smem:$0x3F9C] =	sst lr;
	_ =	strace $0xD0000000  }
0x3: {  	_ = 	snop  }
0x4: {  	_ = 	snop  }
0x5: {  	_ = 	snop  }
0x6: {  	_ = 	snop  }
0x7: {  	_ = 	snop  }
__scs_overlays_trampoline_lowered:
0x8: {  	[smem:$0x3FAB] =	sst s0  }
0x9: {  	[smem:$0x3FAC] =	sst s1  }
0xa: {  	[smem:$0x3FAD] =	sst s2  }
0xb: {  	[smem:$0x3FAE] =	sst s3  }
0xc: {  	[smem:$0x3FAF] =	sst s4  }
0xd: {  	[smem:$0x3FB0] =	sst s5  }
0xe: {  	[smem:$0x3FB1] =	sst s6  }
0xf: {  	[smem:$0x3FB2] =	sst s7  }
0x10: {  	[smem:$0x3FB3] =	sst s8  }
0x11: {  	[smem:$0x3FB4] =	sst s9;
	s0 =	simm.s32 @!p0 $0x0  }
0x12: {  	s1 =	sld [smem:$0x3F9A];
	s0 =	simm.s32 @p0 $0x1  }
0x13: {  	[smem:$0x3FB5] =	sst s0;
	s0 =	simm.s32 @!p1 $0x0  }
0x14: {  	s2 =	sld [smem:$0x3F99];
	s0 =	simm.s32 @p1 $0x1  }
0x15: {  	[smem:$0x3FB6] =	sst s0;
	s0 =	simm.s32 @!p2 $0x0  }
0x16: {  	s3 =	sld [smem:$0x3FDB];
	s0 =	simm.s32 @p2 $0x1  }
0x17: {  	s4 =	simm.s32 $0x1BF5;
	[smem:$0x3FB8] =	sst s0  }
0x18: {  	s0 =	sld [smem:$0x3F9B];
	_ =	swait.ge [sflag:s4], $0x0  }
0x19: {  	s7 =	sld [smem:$0x3F9C]  }
0x1a: {  	s8 =	sadd.s32 $0xFFFFE003, lr  }
0x1b: {  	s9 =	sadd.s32 $0xFFFFFEF7, lr;
	s5 =	simm.s32 $0xFFFFFFFF;
	p2 =	slt.u32 s8, $0xFFFFF086  }
0x1c: {  	p1 =	slt.u32 s9, $0xF7A;
	s5 =	simm.s32 @!p2 $0x0  }
0x1d: {  	s5 =	simm.s32 @p1 $0x1;
	p0 =	seq.s32 s7, s2  }
0x1e: {  	s7 =	smul.u32 @!p0 $0xF7A, s2;
	p2 =	seq.s32 @!p0 s5, $0x0  }
0x1f: {  	s9 =	smul.u32 $0xF7A, s1;
	s8 =	simm.s32 @!p0 $0x1BF5;
	p2 =	por !p2, p0  }
0x20: {  	[sflag:s8] =	ssyncset.s32 @!p0 $0xFFFFF086;
	s6 =	sadd.s32 @!p0 s3, s7;
	s7 =	simm.s32 @!p0 $0x108  }
0x21: {  	s3 =	sadd.s32 s3, s9;
	s6 =	sadd.s32 @!p0 $0x88, s6;
	s7 =	simm.s32 @p2 $0x1082  }
0x22: {  	[simem:s7], [sflag:s8] =	dma.local @!p0 [hbm:s6], $0xF7A  }
0x23: {  	s9 =	sor.u32 $0xD0000000, s2;
	s6 =	simm.s32 $0x108;
	_ =	swait.ge @!p0 [sflag:s8], $0x0  }
0x24: {  	s3 =	sadd.s32 $0x88, s3;
	s6 =	simm.s32 @!p1 $0x1082;
	[sflag:s4] =	ssyncset.s32 $0xFFFFF086  }
0x25: {  	[simem:s6], [sflag:s4] =	dma.local [hbm:s3], $0xF7A  }
0x26: {  	[smem:$0x3F9C] =	sst s1;
	(tag) =	ssettag s2;
	_ =	strace s9  }
0x27: {  	s1 =	sld [smem:$0x3FAC]  }
0x28: {  	s2 =	sld [smem:$0x3FAD]  }
0x29: {  	s4 =	sld [smem:$0x3FAF]  }
0x2a: {  	p0 =	seq.s32 s5, $0x0;
	s5 =	sld [smem:$0x3FB0]  }
0x2b: {  	s6 =	sld [smem:$0x3FB1]  }
0x2c: {  	s7 =	sld [smem:$0x3FB2]  }
0x2d: {  	s3 =	simm.s32 $0x108;
	s8 =	sld [smem:$0x3FB3]  }
0x2e: {  	s3 =	simm.s32 @!p0 $0x1082;
	s9 =	sld [smem:$0x3FB4]  }
0x2f: {  	lr =	sadd.s32 s0, s3;
	s0 =	sld [smem:$0x3FAB]  }
0x30: {  	s3 =	sld [smem:$0x3FAE]  }
0x31: {  	[smem:$0x3FB7] =	sst s10  }
0x32: {  	s10 =	sld [smem:$0x3FB5];
	_ =	sdelay $0x3  }
0x33: {  	p0 =	seq.s32 s10, $0x1;
	s10 =	sld [smem:$0x3FB7];
	_ =	sdelay $0x3  }
0x34: {  	[smem:$0x3FB7] =	sst s10  }
0x35: {  	s10 =	sld [smem:$0x3FB6];
	_ =	sdelay $0x3  }
0x36: {  	p1 =	seq.s32 s10, $0x1;
	s10 =	sld [smem:$0x3FB7];
	_ =	sdelay $0x3  }
0x37: {  	[smem:$0x3FB7] =	sst s10  }
0x38: {  	s10 =	sld [smem:$0x3FB8]  }
0x39: {  	_ = 	snop;
	(pc) =	sbr.ind lr, $3  }
0x3a: {  	_ = 	snop  }
0x3b: {  	_ = 	snop  }
0x3c: {  	p2 =	seq.s32 s10, $0x1;
	s10 =	sld [smem:$0x3FB7]  }
0x3d: {  	_ =	shalt  }
0x3e: {  	_ =	shalt  }
0x3f: {  	_ =	shalt  }
0x40: {  	_ =	shalt  }
0x41: {  	_ =	shalt  }
0x42: {  	_ =	shalt  }
0x43: {  	_ =	shalt  }
0x44: {  	_ =	shalt  }
0x45: {  	_ =	shalt  }
0x46: {  	_ =	shalt  }
0x47: {  	_ =	shalt  }
0x48: {  	_ =	shalt  }
0x49: {  	_ =	shalt  }
0x4a: {  	_ =	shalt  }
0x4b: {  	_ =	shalt  }
0x4c: {  	_ =	shalt  }
0x4d: {  	_ =	shalt  }
0x4e: {  	_ =	shalt  }
0x4f: {  	_ =	shalt  }
0x50: {  	_ =	shalt  }
0x51: {  	_ =	shalt  }
0x52: {  	_ =	shalt  }
0x53: {  	_ =	shalt  }
0x54: {  	_ =	shalt  }
0x55: {  	_ =	shalt  }
0x56: {  	_ =	shalt  }
0x57: {  	_ =	shalt  }
0x58: {  	_ =	shalt  }
0x59: {  	_ =	shalt  }
0x5a: {  	_ =	shalt  }
0x5b: {  	_ =	shalt  }
0x5c: {  	_ =	shalt  }
0x5d: {  	_ =	shalt  }
0x5e: {  	_ =	shalt  }
0x5f: {  	_ =	shalt  }
0x60: {  	_ =	shalt  }
0x61: {  	_ =	shalt  }
0x62: {  	_ =	shalt  }
0x63: {  	_ =	shalt  }
0x64: {  	_ =	shalt  }
0x65: {  	_ =	shalt  }
0x66: {  	_ =	shalt  }
0x67: {  	_ =	shalt  }
0x68: {  	_ =	shalt  }
0x69: {  	_ =	shalt  }
0x6a: {  	_ =	shalt  }
0x6b: {  	_ =	shalt  }
0x6c: {  	_ =	shalt  }
0x6d: {  	_ =	shalt  }
0x6e: {  	_ =	shalt  }
0x6f: {  	_ =	shalt  }
0x70: {  	_ =	shalt  }
0x71: {  	_ =	shalt  }
0x72: {  	_ =	shalt  }
0x73: {  	_ =	shalt  }
0x74: {  	_ =	shalt  }
0x75: {  	_ =	shalt  }
0x76: {  	_ =	shalt  }
0x77: {  	_ =	shalt  }
0x78: {  	_ =	shalt  }
0x79: {  	_ =	shalt  }
0x7a: {  	_ =	shalt  }
0x7b: {  	_ =	shalt  }
0x7c: {  	_ =	shalt  }
0x7d: {  	_ =	shalt  }
0x7e: {  	_ =	shalt  }
0x7f: {  	_ =	shalt  }
0x80: {  	_ =	shalt  }
0x81: {  	_ =	shalt  }
0x82: {  	_ =	shalt  }
0x83: {  	_ =	shalt  }
0x84: {  	_ =	shalt  }
0x85: {  	_ =	shalt  }
0x86: {  	_ =	shalt  }
0x87: {  	_ =	shalt  }
.Lfunc_end0:
.L_simem_size_0:
called_computation_lowered:
.L_overlay_start_0:
0x88: {  	s2 =	sld [smem:$0x3FD9]  }
0x89: {  	s3 =	sld [smem:$0x3FFE];
	_ =	sdelay $0x1  }
0x8a: {  	s1 =	srdreg.scid  }
0x8b: {  	s0 =	sand.u32 $0x1, s1  }
0x8c: {  	s14 =	sshll.u32 s0, $0xA;
	s2 =	sadd.s32 s3, s2  }
0x8d: {  	s2 =	sadd.s32 s2, s14  }
0x8e: {  	[smem:$0x3FC3] =	sst s2  }
0x8f: {  	_ = 	snop  }
0x90: {  	s2 =	sld [smem:$0x3FD0];
	_ =	sdelay $0x2  }
0x91: {  	s4 =	simm.s32 $0xA;
	s5 =	simm.s32 $0x10;
	s15 =	sld [smem:$0x3FC9]  }
0x92: {  	[smem:s5], [sflag:s4] =	dma.local [hbm:s2], $0x1  }
0x93: {  	_ =	swait.eq [sflag:s4], $0x1  }
0x94: {  	[sflag:s4] =	ssyncset.done $0x0  }
0x95: {  	s16 =	sld [smem:$0x10];
	[sflag:s4] =	ssyncadd.s32 $0xFFFFFFFF  }
0x96: {  	s17 =	sld [smem:$0x11];
	(tm) =	ssettm $0x1  }
0x97: {  	s18 =	sld [smem:$0x3FFB];
	_ =	sdelay $0x3  }
0x98: {  	_ =	strace s18  }
0x99: {  	s5 =	sld [smem:$0x3FFC];
	_ =	sdelay $0x3  }
0x9a: {  	_ =	strace s5  }
0x9b: {  	s5 =	sld [smem:$0x3FFD];
	_ =	sdelay $0x3  }
0x9c: {  	_ =	strace s5  }
0x9d: {  	_ =	strace $0x8FFFFFFF  }
0x9e: {  	s19 =	sld [smem:$0x3FDB];
	_ =	sdelay $0x1  }
0x9f: {  	s6 =	simm.s32 $_scs_section_size  }
0xa0: {  	s7 =	simm.s32 $_size__tile_overlayer_lowered;
	s8 =	simm.s32 $_tile_overlayer_lowered  }
0xa1: {  	s22 =	simm.s32 $0x1BFF;
	s21 =	sshll.u32 s8, $0x1;
	s5 =	sadd.s32 s6, s19  }
0xa2: {  	s9 =	simm.s32 $0x0;
	s20 =	sshll.u32 s7, $0x1;
	s7 =	sadd.s32 s21, s5  }
0xa3: {  	[timem:s9], [sflag:s22] =	dma.local [hbm:s7], s20  }
0xa4: {  	_ =	swait.ge [sflag:s22], s20  }
0xa5: {  	s6 =	ssub.s32 $0x0, s20;
	[sflag:s22] =	ssyncset.done $0x0  }
0xa6: {  	[sflag:s22] =	ssyncadd.s32 s6;
	_ =	sdelay $0x1  }
0xa7: {  	s23 =	simm.s32 $0x1B8B  }
0xa8: {  	_ =	swait.ge [sflag:s23], $0x1  }
0xa9: {  	[sflag:s23] =	ssyncset.done $0x0  }
0xaa: {  	s25 =	simm.s32 $0x1B8E;
	s24 =	sld [smem:$0x3FFE];
	[sflag:s23] =	ssyncadd.s32 $0xFFFFFFFF  }
0xab: {  	s26 =	simm.s32 $execute0_lowered;
	[smem:$0x3FD2] =	sst s25  }
0xac: {  	s7 =	sshll.u32 s26, $0x1;
	_ =	strace $0x80000046;
	[dreg:$0x1] =	wrdreg $0xFFFFFFFF  }
0xad: {  	s28 =	simm.s32 $_size_execute0_lowered;
	s5 =	sadd.s32 s5, s7;
	[dreg:$0x0] =	wrdreg $0x0  }
0xae: {  	s7 =	sshll.u32 s28, $0x1;
	[dreg:$0x2] =	wrdreg s5  }
0xaf: {  	[dreg:$0x3] =	wrdreg s7  }
0xb0: {  	[dreg:$0x4] =	wrdreg $0xC0  }
0xb1: {  	_ =	task [dreg:s9], $0x5FFFF  }
0xb2: {  	[dreg:$0x1] =	wrdreg $0xFFFFFFFF  }
0xb3: {  	[dreg:$0x0] =	wrdreg $0x60  }
0xb4: {  	[dreg:$0x2] =	wrdreg s15  }
0xb5: {  	[dreg:$0x3] =	wrdreg s24  }
0xb6: {  	[dreg:$0x4] =	wrdreg s17  }
0xb7: {  	[dreg:$0x5] =	wrdreg s16  }
0xb8: {  	[dreg:$0x6] =	wrdreg $0xA4000  }
0xb9: {  	[dreg:$0x7] =	wrdreg $0x140400  }
0xba: {  	[dreg:$0x8] =	wrdreg $0x9  }
0xbb: {  	_ =	task.clear_ibuf [dreg:s9], $0x9FFFF;
	_ =	strace $0x90000046  }
0xbc: {  	s29 =	simm.s32 $0x9;
	_ =	strace $0x80000048  }
0xbd: {  	_ =	swait.ge [sflag:s29], $0x1  }
0xbe: {  	[sflag:s29] =	ssyncadd.s32 $0xFFFFFFFF  }
0xbf: {  	_ =	strace $0x90000048  }
0xc0: {  	_ =	sfence  }
0xc1: {  	s30 =	sld [smem:$0x0];
	_ =	sdelay $0x2  }
0xc2: {  	s31 =	sshll.u32 s1, $0xD;
	s1 =	sshrl.u32 s1, $0x2  }
0xc3: {  	s3 =	sand.u32 $0x4000, s31;
	s1 =	sadd.s32 s1, s30  }
0xc4: {  	s0 =	sor.u32 s3, s0;
	s1 =	sshll.u32 s1, $0x11  }
0xc5: {  	s0 =	sor.u32 s1, s0  }
0xc6: {  	s0 =	sadd.s32 $0x8F2B, s0  }
0xc7: {  	[sflag:s0] =	ssyncadd.remote.s32 $0x1  }
0xc8: {  	_ =	sfence.sel $0xFFFF  }
0xc9: {  	[dreg:$0x0] =	wrdreg $0xFFFFFFFF;
	(pc) =	sbr.abs _section_cstart, $3  }
0xca: {  	[dreg:$0x1] =	wrdreg $0xFFFFFFFF  }
0xcb: {  	_ =	task.clear_ibuf [dreg:s9], $0x2FFFF;
	_ =	strace $0x9FFFFFFF  }
0xcc: {  	(tm) =	ssettm $0x7FFFFFFF  }
0xcd: {  	_ =	shalt  }
tec
execute0_lowered:
.L_overlay_start_1:
0x0: {  	(tag) =	ssettag $0x1  }
0x1: {  	s0 =	srdreg.scid  }
0x2: {  	s2 =	rddreg [dreg:$0x1];
	s15 =	stileid.u32  }
0x3: {  	s29 =	simm.s32 $0x0;
	s1 =	sand.u32 $0x1, s0;
	s0 =	sadd.s32 $0xAC00, s2  }
0x4: {  	s4 =	sadd.s32 $0xE00, s2;
	s6 =	sshll.u32 s15, $0x7;
	s13 =	sshll.u32 s15, $0x4  }
0x5: {  	[smem:$0x7FF] =	sst s29;
	s3 =	ssub.s32 $0x2, s1;
	s7 =	sor.u32 $0x800, s6  }
0x6: {  	s26 =	sadd.s32 s0, s13;
	s9 =	sor.u32 $0x1000, s6;
	s23 =	sadd.s32 s4, s13  }
0x7: {  	s10 =	sor.u32 $0x2000, s6;
	s12 =	sor.u32 $0x2800, s6;
	s8 =	sshrl.u32 s7, $0x3  }
0x8: {  	s13 =	sor.u32 $0x4D800, s6;
	s5 =	sshrl.u32 s3, $0x1;
	s14 =	sadd.s32 s0, s8  }
0x9: {  	s16 =	sshrl.u32 s9, $0x3;
	s8 =	sadd.s32 s4, s8;
	[dreg:$0x7] =	wrdreg s14  }
0xa: {  	s19 =	sshrl.u32 s10, $0x3;
	s17 =	sadd.s32 s0, s16;
	[dreg:$0x8] =	wrdreg s8  }
0xb: {  	s3 =	ssub.s32 s3, s5;
	s5 =	sadd.s32 s4, s16;
	[dreg:$0x9] =	wrdreg s17  }
0xc: {  	s21 =	sshrl.u32 s12, $0x3;
	s20 =	sadd.s32 s0, s19;
	[dreg:$0xa] =	wrdreg s5  }
0xd: {  	s25 =	sshrl.u32 s13, $0x3;
	s22 =	sadd.s32 s0, s21;
	[dreg:$0xd] =	wrdreg s20  }
0xe: {  	s16 =	sadd.s32 s0, s25;
	s8 =	sor.u32 $0x1800, s6;
	[dreg:$0xf] =	wrdreg s22  }
0xf: {  	[dreg:$0x13] =	wrdreg s16;
	s18 =	sshrl.u32 s8, $0x3  }
0x10: {  	s30 =	simm.s32 $0x1;
	s20 =	rddreg [dreg:$0x2];
	s11 =	sadd.s32 s0, s18  }
0x11: {  	s28 =	simm.s32 $0x2;
	s5 =	sadd.s32 s4, s18;
	[dreg:$0xb] =	wrdreg s11  }
0x12: {  	s22 =	sshll.u32 s9, $0x1;
	[dreg:$0xc] =	wrdreg s5;
	s11 =	sadd.s32 s4, s19  }
0x13: {  	s9 =	smul.u32 $0x9C400, s1;
	[dreg:$0xe] =	wrdreg s11;
	s11 =	sor.u32 $0x4D000, s6  }
0x14: {  	s5 =	sadd.s32 s4, s21;
	s19 =	sshll.u32 s7, $0x1;
	s24 =	sshrl.u32 s11, $0x3  }
0x15: {  	[dreg:$0x10] =	wrdreg s5;
	s6 =	sor.u32 $0x4E000, s6;
	s14 =	sadd.s32 s0, s24  }
0x16: {  	s17 =	sshrl.u32 s6, $0x3;
	s5 =	sadd.s32 s4, s24;
	[dreg:$0x11] =	wrdreg s14  }
0x17: {  	s21 =	sshll.u32 s15, $0x8;
	s0 =	sadd.s32 s0, s17;
	[dreg:$0x12] =	wrdreg s5  }
0x18: {  	s7 =	sshll.u32 s12, $0x1;
	s18 =	sadd.s32 s4, s17;
	[dreg:$0x15] =	wrdreg s0  }
0x19: {  	s12 =	sshll.u32 s6, $0x1;
	s24 =	sshll.u32 s8, $0x1;
	[dreg:$0x16] =	wrdreg s18  }
0x1a: {  	s8 =	sshll.u32 s11, $0x1;
	s14 =	sadd.s32 s4, s25;
	s18 =	rddreg [dreg:$0x3]  }
0x1b: {  	s11 =	sshll.u32 s13, $0x1;
	s0 =	sadd.s32 s20, s19;
	[dreg:$0x14] =	wrdreg s14  }
0x1c: {  	s25 =	sshll.u32 s10, $0x1;
	s10 =	sadd.s32 s20, s8;
	[dreg:$0x18] =	wrdreg s0  }
0x1d: {  	s17 =	smul.u32 $0x2700, s15;
	s0 =	sadd.s32 s20, s22;
	[dreg:$0x1d] =	wrdreg s10  }
0x1e: {  	s19 =	smul.u32 $0x27100, s1;
	s5 =	sadd.s32 s20, s25;
	[dreg:$0x19] =	wrdreg s0  }
0x1f: {  	s14 =	sadd.s32 s20, s21;
	s0 =	sadd.s32 s20, s24;
	[dreg:$0x1b] =	wrdreg s5  }
0x20: {  	s5 =	smul.u32 $0x9C00, s15;
	[dreg:$0x1a] =	wrdreg s0;
	s0 =	sadd.s32 s20, s7  }
0x21: {  	s21 =	sadd.s32 s17, s19;
	[dreg:$0x1c] =	wrdreg s0;
	s0 =	sadd.s32 s20, s11  }
0x22: {  	s24 =	sadd.s32 $0x2D400, s2;
	s22 =	sshrl.u32 s21, $0x3;
	[dreg:$0x1e] =	wrdreg s0  }
0x23: {  	s8 =	sadd.s32 s24, s22;
	s0 =	sadd.s32 s20, s12;
	s12 =	rddreg [dreg:$0x0]  }
0x24: {  	s31 =	simm.s32 $0x2400;
	s13 =	sadd.s32 s5, s9;
	[smem:$0x7EE] =	sst s8  }
0x25: {  	s16 =	sshrl.u32 s13, $0x3;
	s20 =	sshrl.u32 s9, $0x3;
	[dreg:$0x1f] =	wrdreg s0  }
0x26: {  	s0 =	sadd.s32 s18, s16;
	s6 =	sadd.s32 s18, s20;
	s18 =	rddreg [dreg:$0x4]  }
0x27: {  	p0 =	sne.s32 s15, $0xF;
	s25 =	sshrl.u32 s5, $0x3;
	s16 =	rddreg [dreg:$0x5]  }
0x28: {  	s8 =	sadd.s32 s25, s2;
	[smem:$0x7ED] =	sst s0;
	s5 =	sadd.s32 s5, s18  }
0x29: {  	s10 =	sadd.s32 $0x14A00, s8;
	_ =	strace $0x80000047;
	[smem:$0x7EF] =	sst s5  }
0x2a: {  	s7 =	sshrl.u32 s19, $0x3;
	s4 =	sadd.s32 s17, s16;
	[smem:$0x7F0] =	sst s10  }
0x2b: {  	s7 =	sadd.s32 s24, s7;
	s13 =	sadd.s32 $0x28200, s2;
	[smem:$0x7F1] =	sst s4  }
0x2c: {  	s0 =	sshrl.u32 s17, $0x3;
	s17 =	sadd.s32 $0x13800, s6;
	[smem:$0x7F3] =	sst s13  }
0x2d: {  	p2 =	sgt.u32 s15, $0x3;
	s19 =	sadd.s32 $0x4E00, s7;
	[smem:$0x7F5] =	sst s17  }
0x2e: {  	p1 =	sne.s32 s1, $0x0;
	s20 =	smax.u32 s3, $0x1;
	[smem:$0x7F6] =	sst s19  }
0x2f: {  	s21 =	sshll.u32 s15, $0x6;
	s15 =	simm.s32 $0x400;
	[smem:$0x7F7] =	sst s20  }
0x30: {  	s25 =	sadd.s32 $0x9000, s14;
	s22 =	sadd.s32 $0x9C000, s18;
	[smem:$0x7F8] =	sst s21  }
0x31: {  	s7 =	simm.s32 $0x0;
	s24 =	sadd.s32 $0x27000, s16;
	[smem:$0x7FA] =	sst s22  }
0x32: {  	s8 =	simm.s32 $0xE;
	s6 =	simm.s32 $0x200;
	[smem:$0x7FB] =	sst s24  }
0x33: {  	s9 =	sadd.s32 s0, s2;
	s2 =	sadd.s32 $0x2D200, s2;
	[dreg:$0x17] =	wrdreg s14  }
0x34: {  	[smem:$0x7FC] =	sst s25;
	s25 =	simm.s32 $0x100;
	s4 =	simm.s32 $0x300  }
0x35: {  	s17 =	simm.s32 $0x80;
	s0 =	simm.s32 $0x8400;
	s10 =	simm.s32 $0x3  }
.Ltmp0:
0x36: {  	s13 =	simm.s32 $0xA;
	s22 =	simm.s32 $0x280;
	(pc) =	sbr.rel .LBB2_1-.Ltmp0, $4  }
0x37: {  	s20 =	simm.s32 $0xD;
	s19 =	simm.s32 $0x6400;
	[smem:$0x7FD] =	sst s23  }
0x38: {  	s14 =	simm.s32 $0x10;
	s11 =	sadd.s32 $0x28400, s9;
	[smem:$0x7F4] =	sst s2  }
0x39: {  	s2 =	sor.u32 $0x1C11, s21;
	s21 =	simm.s32 $0x4;
	[smem:$0x7F2] =	sst s11  }
0x3a: {  	v1 =	vimm.f32 $1.000000000e+00;
	v0 =	vmov s1;
	s9 =	simm.s32 $0xF;
	[smem:$0x7F9] =	sst s2;
	s11 =	simm.s32 $0x9  }
.LBB2_7:
0x3b: {  	[bflag:$0x0] =	sbarrier.arrive $0xFFFF  }
0x3c: {  	s1 =	sld [smem:$0x7F8]  }
0x3d: {  	s2 =	sld [smem:$0x7ED]  }
0x3e: {  	s3 =	sld [smem:$0x7E8];
	_ =	sdelay $0x1  }
0x3f: {  	s24 =	simm.s32 $0x12;
	s1 =	sor.u32 $0x1C12, s1  }
0x40: {  	[hbm:s2], [sflag:s1] =	dma.local [spmem:s3], $0x1380  }
0x41: {  	_ =	swait.ge [sflag:s24], $0x1380  }
0x42: {  	s23 =	sld [smem:$0x7EE]  }
0x43: {  	s5 =	sld [smem:$0x7E9]  }
0x44: {  	[sflag:s24] =	ssyncset.done $0x0  }
0x45: {  	[sflag:s24] =	ssyncadd.s32 $0xFFFFEC80  }
0x46: {  	[hbm:s23], [sflag:s1] =	dma.local [spmem:s5], $0x4E0  }
0x47: {  	_ =	swait.ge [sflag:s24], $0x4E0  }
0x48: {  	s2 =	sld [smem:$0x7F5]  }
0x49: {  	s3 =	sld [smem:$0x7EA]  }
0x4a: {  	[sflag:s24] =	ssyncset.done $0x0  }
0x4b: {  	[sflag:s24] =	ssyncadd.s32 $0xFFFFFB20  }
0x4c: {  	[hbm:s2], [sflag:s1] =	dma.local @!p0 [spmem:s3], $0x80  }
0x4d: {  	s2 =	simm.s32 @!p0 $0x12  }
0x4e: {  	_ =	swait.ge @!p0 [sflag:s2], $0x80  }
0x4f: {  	s3 =	sld [smem:$0x7F6]  }
0x50: {  	s5 =	sld [smem:$0x7EB]  }
0x51: {  	[sflag:s2] =	ssyncset.done @!p0 $0x0  }
0x52: {  	[sflag:s2] =	ssyncadd.s32 @!p0 $0xFFFFFF80  }
0x53: {  	[hbm:s3], [sflag:s1] =	dma.local @!p0 [spmem:s5], $0x20  }
0x54: {  	_ =	swait.ge @!p0 [sflag:s2], $0x20  }
0x55: {  	s24 =	sld [smem:$0x7F7];
	_ =	sdelay $0x1  }
0x56: {  	s7 =	sadd.s32 $0x1, s7  }
0x57: {  	p3 =	sne.s32 s7, s24  }
.Ltmp1:
0x58: {  	_ = 	snop;
	(pc) =	sbr.rel @!p3 .LBB2_8-.Ltmp1, $3  }
0x59: {  	_ =	sdelay $0x1  }
0x5a: {  	[sflag:s2] =	ssyncset.done @!p0 $0x0  }
0x5b: {  	s23 =	sld [smem:$0x7FD];
	[sflag:s2] =	ssyncadd.s32 @!p0 $0xFFFFFFE0  }
.LBB2_1:
0x5c: {  	[smem:$0x7EC] =	sst s7;
	s2 =	simm.s32 $0x40;
	s1 =	simm.s32 $0x0  }
.LBB2_2:
0x5d: {  	p3 =	sne.s32 s2, $0x1FC0;
	[tilespmem:s1+$0x9C00] =	vst v1;
	s3 =	smov.u32 s2;
	s2 =	sadd.s32 $0x40, s2  }
.Ltmp2:
0x5e: {  	[tilespmem:s1+$0x9400] =	vst v1;
	(pc) =	sbr.rel @p3 .LBB2_2-.Ltmp2, $3  }
0x5f: {  	[tilespmem:s1+$0x8400] =	vst v1  }
0x60: {  	[tilespmem:s1+$0x8C00] =	vst v1;
	_ =	sdelay $0x1  }
0x61: {  	s1 =	sshra.s32 s3, $0x2  }
0x62: {  	s3 =	sld [smem:$0x7EF];
	_ =	sdelay $0x1  }
0x63: {  	[tilespmem:s1+$0x9C00] =	vst v1;
	s5 =	sld [smem:$0x7F0]  }
0x64: {  	[tilespmem:s1+$0x9400] =	vst v1;
	s2 =	sshrl.u32 s3, $0x3;
	s3 =	sld [smem:$0x7F9]  }
0x65: {  	[tilespmem:s1+$0x8400] =	vst v1  }
0x66: {  	[tilespmem:s1+$0x8C00] =	vst v1;
	[smem:$0x7E8] =	sst s2  }
0x67: {  	[spmem:s2], [sflag:s3] =	dma.local [hbm:s5], $0x1380  }
0x68: {  	s2 =	simm.s32 $0x11  }
0x69: {  	_ =	swait.ge [sflag:s2], $0x1380  }
0x6a: {  	s7 =	sld [smem:$0x7F1];
	_ =	sdelay $0x1  }
0x6b: {  	s24 =	sld [smem:$0x7F2]  }
0x6c: {  	[sflag:s2] =	ssyncset.done $0x0;
	s5 =	sshrl.u32 s7, $0x3  }
0x6d: {  	[sflag:s2] =	ssyncadd.s32 $0xFFFFEC80;
	[smem:$0x7E9] =	sst s5  }
0x6e: {  	[spmem:s5], [sflag:s3] =	dma.local [hbm:s24], $0x4E0  }
0x6f: {  	_ =	swait.ge [sflag:s2], $0x4E0  }
0x70: {  	s1 =	sld [smem:$0x7FA];
	_ =	sdelay $0x1  }
0x71: {  	[sflag:s2] =	ssyncset.done $0x0  }
0x72: {  	[sflag:s2] =	ssyncadd.s32 $0xFFFFFB20;
	s2 =	sshrl.u32 @!p0 s1, $0x3;
	s1 =	sld [smem:$0x7F3]  }
0x73: {  	_ = 	snop  }
0x74: {  	[smem:$0x7EA] =	sst s2  }
0x75: {  	[spmem:s2], [sflag:s3] =	dma.local @!p0 [hbm:s1], $0x80  }
0x76: {  	s1 =	simm.s32 @!p0 $0x11  }
0x77: {  	_ =	swait.ge @!p0 [sflag:s1], $0x80  }
0x78: {  	s2 =	sld [smem:$0x7FB];
	_ =	sdelay $0x2  }
0x79: {  	s5 =	sshrl.u32 @!p0 s2, $0x3;
	s2 =	sld [smem:$0x7F4]  }
0x7a: {  	[sflag:s1] =	ssyncset.done @!p0 $0x0  }
0x7b: {  	[sflag:s1] =	ssyncadd.s32 @!p0 $0xFFFFFF80;
	[smem:$0x7EB] =	sst s5  }
0x7c: {  	[spmem:s5], [sflag:s3] =	dma.local @!p0 [hbm:s2], $0x20  }
0x7d: {  	_ =	swait.ge @!p0 [sflag:s1], $0x20  }
0x7e: {  	[sflag:s1] =	ssyncset.done @!p0 $0x0  }
0x7f: {  	[sflag:s1] =	ssyncadd.s32 @!p0 $0xFFFFFFE0  }
0x80: {  	[bflag:$0x0] =	sbarrier.arrive $0xFFFF  }
0x81: {  	[tilespmem:s29], [sflag:$0x1] =	stream.linear.gather [hbm4b:s26+s29], $0x80, $0x38;
	[tilespmem:$0x16750] =	vst v63  }
0x82: {  	_ = 	snop  }
0x83: {  	[tilespmem:s6], [sflag:$0x1] =	stream.linear.gather [hbm4b:s23+s29], $0x80, $0x38;
	[tilespmem:$0x16750] =	vst v63  }
0x84: {  	s2 =	simm.s32 @p1 $0x80;
	s1 =	simm.s32 @p1 $0x0;
	s3 =	rddreg [dreg:$0x7]  }
0x85: {  	[tilespmem:s2], [sflag:$0x2] =	stream.linear.gather @p1 [hbm4b:s3+s1], $0x80, $0x38;
	[tilespmem:$0x16750] =	vst v63  }
0x86: {  	s5 =	rddreg [dreg:$0x8];
	s2 =	simm.s32 @p1 $0x280  }
0x87: {  	[tilespmem:s2], [sflag:$0x2] =	stream.linear.gather @p1 [hbm4b:s5+s1], $0x80, $0x38;
	[tilespmem:$0x16750] =	vst v63  }
0x88: {  	s7 =	simm.s32 @!p1 $0x0;
	s24 =	simm.s32 @!p1 $0x8400;
	s2 =	rddreg [dreg:$0x17]  }
0x89: {  	[tilespmem:s24], [sflag:$0x5] =	stream.linear.gather @!p1 [hbm4b:s2+s7], $0x800, $0x38;
	[tilespmem:$0x16750] =	vst v63  }
0x8a: {  	s2 =	simm.s32 @!p1 $0x80  }
0x8b: {  	[tilespmem:s2], [sflag:$0x2] =	stream.linear.gather @!p1 [hbm4b:s3+s7], $0x80, $0x38;
	[tilespmem:$0x16750] =	vst v63  }
0x8c: {  	s2 =	simm.s32 @!p1 $0x280  }
0x8d: {  	[tilespmem:s2], [sflag:$0x2] =	stream.linear.gather @!p1 [hbm4b:s5+s7], $0x80, $0x38;
	[tilespmem:$0x16750] =	vst v63  }
0x8e: {  	s3 =	simm.s32 @!p1 $0x8C00;
	s2 =	rddreg [dreg:$0x18]  }
0x8f: {  	[tilespmem:s3], [sflag:$0x6] =	stream.linear.gather @!p1 [hbm4b:s2+s7], $0x800, $0x38;
	[tilespmem:$0x16750] =	vst v63  }
0x90: {  	s5 =	rddreg [dreg:$0x9]  }
0x91: {  	[tilespmem:s25], [sflag:$0x3] =	stream.linear.gather [hbm4b:s5+s29], $0x80, $0x38;
	[tilespmem:$0x16750] =	vst v63  }
0x92: {  	s25 =	rddreg [dreg:$0xa]  }
0x93: {  	[tilespmem:s4], [sflag:$0x3] =	stream.linear.gather [hbm4b:s25+s29], $0x80, $0x38;
	[tilespmem:$0x16750] =	vst v63  }
0x94: {  	s2 =	simm.s32 @p1 $0x180;
	s3 =	rddreg [dreg:$0xb]  }
0x95: {  	[tilespmem:s2], [sflag:$0x4] =	stream.linear.gather @p1 [hbm4b:s3+s1], $0x80, $0x38;
	[tilespmem:$0x16750] =	vst v63  }
0x96: {  	s5 =	rddreg [dreg:$0xc];
	s2 =	simm.s32 @p1 $0x380  }
0x97: {  	[tilespmem:s2], [sflag:$0x4] =	stream.linear.gather @p1 [hbm4b:s5+s1], $0x80, $0x38;
	[tilespmem:$0x16750] =	vst v63  }
0x98: {  	s2 =	simm.s32 @!p1 $0x9400;
	s1 =	rddreg [dreg:$0x19]  }
0x99: {  	[tilespmem:s2], [sflag:$0x7] =	stream.linear.gather @!p1 [hbm4b:s1+s7], $0x800, $0x38;
	[tilespmem:$0x16750] =	vst v63  }
0x9a: {  	s1 =	simm.s32 @!p1 $0x180  }
0x9b: {  	[tilespmem:s1], [sflag:$0x4] =	stream.linear.gather @!p1 [hbm4b:s3+s7], $0x80, $0x38;
	[tilespmem:$0x16750] =	vst v63  }
0x9c: {  	s1 =	simm.s32 @!p1 $0x380  }
0x9d: {  	[tilespmem:s1], [sflag:$0x4] =	stream.linear.gather @!p1 [hbm4b:s5+s7], $0x80, $0x38;
	[tilespmem:$0x16750] =	vst v63  }
0x9e: {  	s2 =	simm.s32 @!p1 $0x9C00;
	s1 =	rddreg [dreg:$0x1a]  }
0x9f: {  	[tilespmem:s2], [sflag:$0x8] =	stream.linear.gather @!p1 [hbm4b:s1+s7], $0x800, $0x38;
	[tilespmem:$0x16750] =	vst v63  }
0xa0: {  	_ =	swait.ge [sflag:s30], $0x80  }
0xa1: {  	[sflag:s30] =	ssyncset.done $0x0  }
0xa2: {  	[sflag:s30] =	ssyncadd.s32 $0xFFFFFF80  }
0xa3: {  	_ =	swait.ge [sflag:s30], $0x80  }
0xa4: {  	[sflag:s30] =	ssyncset.done $0x0  }
0xa5: {  	[sflag:s30] =	ssyncadd.s32 $0xFFFFFF80  }
0xa6: {  	v2 =	vld [tilespmem:$0x0]  }
0xa7: {  	v3 =	vld [tilespmem:$0x10]  }
0xa8: {  	v4 =	vld [tilespmem:$0x20]  }
0xa9: {  	v5 =	vld [tilespmem:$0x30]  }
0xaa: {  	v6 =	vld [tilespmem:$0x40]  }
0xab: {  	v7 =	vld [tilespmem:$0x50];
	v2 =	vshll.u32 v2, $0x1  }
0xac: {  	v8 =	vld [tilespmem:$0x60];
	v3 =	vshll.u32 v3, $0x1;
	v2 =	vor.u32 v0, v2  }
0xad: {  	v23 =	vld [tilespmem:$0x70];
	[tilespmem:$0x0] =	vst v2;
	v2 =	vor.u32 v0, v3;
	v3 =	vshll.u32 v4, $0x1  }
0xae: {  	[tilespmem:$0x10] =	vst v2;
	v2 =	vor.u32 v0, v3;
	v3 =	vshll.u32 v5, $0x1  }
0xaf: {  	[tilespmem:$0x20] =	vst v2;
	v2 =	vor.u32 v0, v3;
	v3 =	vshll.u32 v6, $0x1  }
0xb0: {  	[tilespmem:$0x30] =	vst v2;
	v2 =	vor.u32 v0, v3;
	v3 =	vshll.u32 v7, $0x1  }
0xb1: {  	[tilespmem:$0x40] =	vst v2;
	v2 =	vor.u32 v0, v3;
	v3 =	vshll.u32 v8, $0x1  }
0xb2: {  	[tilespmem:$0x50] =	vst v2;
	v2 =	vor.u32 v0, v3;
	v3 =	vshll.u32 v23, $0x1  }
0xb3: {  	[tilespmem:$0x60] =	vst v2;
	v2 =	vor.u32 v0, v3  }
0xb4: {  	[tilespmem:$0x70] =	vst v2  }
0xb5: {  	[tilespmem:s15], [sflag:$0x9] =	stream.indirect.gather [hbm4b:s12+s17], $0x40, s29, s17, $0xb8;
	[tilespmem:$0x16750] =	vst v63  }
0xb6: {  	_ =	swait.ge [sflag:s28], $0x80  }
0xb7: {  	[sflag:s28] =	ssyncset.done $0x0  }
0xb8: {  	[sflag:s28] =	ssyncadd.s32 $0xFFFFFF80  }
0xb9: {  	_ =	swait.ge [sflag:s28], $0x80  }
0xba: {  	[sflag:s28] =	ssyncset.done $0x0  }
0xbb: {  	[sflag:s28] =	ssyncadd.s32 $0xFFFFFF80  }
0xbc: {  	v2 =	vld [tilespmem:$0x80]  }
0xbd: {  	v3 =	vld [tilespmem:$0x90]  }
0xbe: {  	v24 =	vld [tilespmem:$0xA0]  }
0xbf: {  	v25 =	vld [tilespmem:$0xB0]  }
0xc0: {  	v26 =	vld [tilespmem:$0xC0]  }
0xc1: {  	v27 =	vld [tilespmem:$0xD0];
	v2 =	vshll.u32 v2, $0x1  }
0xc2: {  	v28 =	vld [tilespmem:$0xE0];
	v3 =	vshll.u32 v3, $0x1;
	v2 =	vor.u32 v0, v2  }
0xc3: {  	v29 =	vld [tilespmem:$0xF0];
	[tilespmem:$0x80] =	vst v2;
	v2 =	vor.u32 v0, v3;
	v3 =	vshll.u32 v24, $0x1  }
0xc4: {  	[tilespmem:$0x90] =	vst v2;
	v2 =	vor.u32 v0, v3;
	v3 =	vshll.u32 v25, $0x1  }
0xc5: {  	[tilespmem:$0xA0] =	vst v2;
	v2 =	vor.u32 v0, v3;
	v3 =	vshll.u32 v26, $0x1  }
0xc6: {  	[tilespmem:$0xB0] =	vst v2;
	v2 =	vor.u32 v0, v3;
	v3 =	vshll.u32 v27, $0x1  }
0xc7: {  	[tilespmem:$0xC0] =	vst v2;
	v2 =	vor.u32 v0, v3;
	v3 =	vshll.u32 v28, $0x1  }
0xc8: {  	[tilespmem:$0xD0] =	vst v2;
	v2 =	vor.u32 v0, v3;
	v3 =	vshll.u32 v29, $0x1  }
0xc9: {  	[tilespmem:$0xE0] =	vst v2;
	v2 =	vor.u32 v0, v3  }
0xca: {  	[tilespmem:$0xF0] =	vst v2  }
0xcb: {  	[tilespmem:s31], [sflag:$0xA] =	stream.indirect.gather [hbm4b:s12+s17], $0x40, s17, s17, $0xb8;
	[tilespmem:$0x16750] =	vst v63  }
0xcc: {  	_ =	swait.ge [sflag:s11], $0x2000  }
0xcd: {  	[sflag:s11] =	ssyncset.done $0x0  }
0xce: {  	s31 =	simm.s32 @!p1 $0x5;
	[sflag:s11] =	ssyncadd.s32 $0xFFFFE000  }
0xcf: {  	_ =	swait.ge @!p1 [sflag:s31], $0x800  }
0xd0: {  	[sflag:s31] =	ssyncset.done @!p1 $0x0  }
0xd1: {  	[sflag:s31] =	ssyncadd.s32 @!p1 $0xFFFFF800  }
0xd2: {  	[spmem:s18] =	stream.indirect.scatter.add.f32 [tilespmem:s15], [sflag:$0xD], $0x40, s6, s17, $0xb8;
	[tilespmem:$0x16750] =	vst v63  }
0xd3: {  	_ = 	snop  }
0xd4: {  	[spmem:s16] =	stream.indirect.scatter.add.f32 [tilespmem:s0], [sflag:$0xD], $0x10, s6, s17, $0xb8;
	[tilespmem:$0x16750] =	vst v63  }
0xd5: {  	_ =	swait.ge [sflag:s10], $0x80  }
0xd6: {  	[sflag:s10] =	ssyncset.done $0x0  }
0xd7: {  	[sflag:s10] =	ssyncadd.s32 $0xFFFFFF80  }
0xd8: {  	_ =	swait.ge [sflag:s10], $0x80  }
0xd9: {  	[sflag:s10] =	ssyncset.done $0x0  }
0xda: {  	[sflag:s10] =	ssyncadd.s32 $0xFFFFFF80  }
0xdb: {  	v2 =	vld [tilespmem:$0x100]  }
0xdc: {  	v3 =	vld [tilespmem:$0x110]  }
0xdd: {  	v30 =	vld [tilespmem:$0x120]  }
0xde: {  	v31 =	vld [tilespmem:$0x130]  }
0xdf: {  	v32 =	vld [tilespmem:$0x140]  }
0xe0: {  	v33 =	vld [tilespmem:$0x150];
	v2 =	vshll.u32 v2, $0x1  }
0xe1: {  	v34 =	vld [tilespmem:$0x160];
	v3 =	vshll.u32 v3, $0x1;
	v2 =	vor.u32 v0, v2  }
0xe2: {  	v35 =	vld [tilespmem:$0x170];
	[tilespmem:$0x100] =	vst v2;
	v2 =	vor.u32 v0, v3;
	v3 =	vshll.u32 v30, $0x1  }
0xe3: {  	[tilespmem:$0x110] =	vst v2;
	v2 =	vor.u32 v0, v3;
	v3 =	vshll.u32 v31, $0x1  }
0xe4: {  	[tilespmem:$0x120] =	vst v2;
	v2 =	vor.u32 v0, v3;
	v3 =	vshll.u32 v32, $0x1  }
0xe5: {  	[tilespmem:$0x130] =	vst v2;
	v2 =	vor.u32 v0, v3;
	v3 =	vshll.u32 v33, $0x1  }
0xe6: {  	[tilespmem:$0x140] =	vst v2;
	v2 =	vor.u32 v0, v3;
	v3 =	vshll.u32 v34, $0x1  }
0xe7: {  	[tilespmem:$0x150] =	vst v2;
	v2 =	vor.u32 v0, v3;
	v3 =	vshll.u32 v35, $0x1  }
0xe8: {  	[tilespmem:$0x160] =	vst v2;
	v2 =	vor.u32 v0, v3  }
0xe9: {  	s3 =	simm.s32 $0x100;
	s11 =	simm.s32 $0x4400;
	[tilespmem:$0x170] =	vst v2  }
0xea: {  	[tilespmem:s11], [sflag:$0xB] =	stream.indirect.gather [hbm4b:s12+s17], $0x40, s3, s17, $0xb8;
	[tilespmem:$0x16750] =	vst v63  }
0xeb: {  	_ =	swait.ge [sflag:s13], $0x2000  }
0xec: {  	[sflag:s13] =	ssyncset.done $0x0  }
0xed: {  	s2 =	simm.s32 @!p1 $0x6;
	[sflag:s13] =	ssyncadd.s32 $0xFFFFE000  }
0xee: {  	_ =	swait.ge @!p1 [sflag:s2], $0x800  }
0xef: {  	[sflag:s2] =	ssyncset.done @!p1 $0x0  }
0xf0: {  	s5 =	simm.s32 $0x2400;
	[sflag:s2] =	ssyncadd.s32 @!p1 $0xFFFFF800  }
0xf1: {  	[spmem:s18] =	stream.indirect.scatter.add.f32 [tilespmem:s5], [sflag:$0xE], $0x40, s22, s17, $0xb8;
	[tilespmem:$0x16750] =	vst v63  }
0xf2: {  	s25 =	simm.s32 $0x8C00  }
0xf3: {  	[spmem:s16] =	stream.indirect.scatter.add.f32 [tilespmem:s25], [sflag:$0xE], $0x10, s22, s17, $0xb8;
	[tilespmem:$0x16750] =	vst v63  }
0xf4: {  	_ =	swait.ge [sflag:s20], $0x2000  }
0xf5: {  	[sflag:s20] =	ssyncset.done $0x0  }
0xf6: {  	[sflag:s20] =	ssyncadd.s32 $0xFFFFE000  }
0xf7: {  	_ =	swait.ge [sflag:s20], $0x800  }
0xf8: {  	[sflag:s20] =	ssyncset.done $0x0  }
0xf9: {  	s1 =	rddreg [dreg:$0xd];
	[sflag:s20] =	ssyncadd.s32 $0xFFFFF800  }
0xfa: {  	[tilespmem:s29], [sflag:$0x1] =	stream.linear.gather [hbm4b:s1+s29], $0x80, $0x38;
	[tilespmem:$0x16750] =	vst v63  }
0xfb: {  	s5 =	rddreg [dreg:$0xe]  }
0xfc: {  	[tilespmem:s6], [sflag:$0x1] =	stream.linear.gather [hbm4b:s5+s29], $0x80, $0x38;
	[tilespmem:$0x16750] =	vst v63  }
0xfd: {  	s24 =	simm.s32 @!p1 $0x8400;
	s3 =	rddreg [dreg:$0x1b]  }
0xfe: {  	[tilespmem:s24], [sflag:$0x5] =	stream.linear.gather @!p1 [hbm4b:s3+s7], $0x800, $0x38;
	[tilespmem:$0x16750] =	vst v63  }
0xff: {  	_ =	swait.ge [sflag:s21], $0x80  }
0x100: {  	[sflag:s21] =	ssyncset.done $0x0  }
0x101: {  	[sflag:s21] =	ssyncadd.s32 $0xFFFFFF80  }
0x102: {  	_ =	swait.ge [sflag:s21], $0x80  }
0x103: {  	[sflag:s21] =	ssyncset.done $0x0  }
0x104: {  	[sflag:s21] =	ssyncadd.s32 $0xFFFFFF80  }
0x105: {  	v2 =	vld [tilespmem:$0x180]  }
0x106: {  	v3 =	vld [tilespmem:$0x190]  }
0x107: {  	v36 =	vld [tilespmem:$0x1A0]  }
0x108: {  	v37 =	vld [tilespmem:$0x1B0]  }
0x109: {  	v38 =	vld [tilespmem:$0x1C0]  }
0x10a: {  	v39 =	vld [tilespmem:$0x1D0];
	v2 =	vshll.u32 v2, $0x1  }
0x10b: {  	v40 =	vld [tilespmem:$0x1E0];
	v3 =	vshll.u32 v3, $0x1;
	v2 =	vor.u32 v0, v2  }
0x10c: {  	v41 =	vld [tilespmem:$0x1F0];
	[tilespmem:$0x180] =	vst v2;
	v2 =	vor.u32 v0, v3;
	v3 =	vshll.u32 v36, $0x1  }
0x10d: {  	[tilespmem:$0x190] =	vst v2;
	v2 =	vor.u32 v0, v3;
	v3 =	vshll.u32 v37, $0x1  }
0x10e: {  	[tilespmem:$0x1A0] =	vst v2;
	v2 =	vor.u32 v0, v3;
	v3 =	vshll.u32 v38, $0x1  }
0x10f: {  	[tilespmem:$0x1B0] =	vst v2;
	v2 =	vor.u32 v0, v3;
	v3 =	vshll.u32 v39, $0x1  }
0x110: {  	[tilespmem:$0x1C0] =	vst v2;
	v2 =	vor.u32 v0, v3;
	v3 =	vshll.u32 v40, $0x1  }
0x111: {  	[tilespmem:$0x1D0] =	vst v2;
	v2 =	vor.u32 v0, v3;
	v3 =	vshll.u32 v41, $0x1  }
0x112: {  	[tilespmem:$0x1E0] =	vst v2;
	v2 =	vor.u32 v0, v3  }
0x113: {  	s13 =	simm.s32 $0x180;
	s22 =	simm.s32 $0xB;
	[tilespmem:$0x1F0] =	vst v2  }
0x114: {  	[tilespmem:s19], [sflag:$0xC] =	stream.indirect.gather [hbm4b:s12+s17], $0x40, s13, s17, $0xb8;
	[tilespmem:$0x16750] =	vst v63  }
0x115: {  	_ =	swait.ge [sflag:s22], $0x2000  }
0x116: {  	[sflag:s22] =	ssyncset.done $0x0  }
0x117: {  	s3 =	simm.s32 @!p1 $0x7;
	[sflag:s22] =	ssyncadd.s32 $0xFFFFE000  }
0x118: {  	_ =	swait.ge @!p1 [sflag:s3], $0x800  }
0x119: {  	[sflag:s3] =	ssyncset.done @!p1 $0x0  }
0x11a: {  	s24 =	simm.s32 $0x4400;
	[sflag:s3] =	ssyncadd.s32 @!p1 $0xFFFFF800  }
0x11b: {  	[spmem:s18] =	stream.indirect.scatter.add.f32 [tilespmem:s24], [sflag:$0xF], $0x40, s4, s17, $0xb8;
	[tilespmem:$0x16750] =	vst v63  }
0x11c: {  	s25 =	simm.s32 $0x9400  }
0x11d: {  	[spmem:s16] =	stream.indirect.scatter.add.f32 [tilespmem:s25], [sflag:$0xF], $0x10, s4, s17, $0xb8;
	[tilespmem:$0x16750] =	vst v63  }
0x11e: {  	_ =	swait.ge [sflag:s8], $0x2000  }
0x11f: {  	[sflag:s8] =	ssyncset.done $0x0  }
0x120: {  	[sflag:s8] =	ssyncadd.s32 $0xFFFFE000  }
0x121: {  	_ =	swait.ge [sflag:s8], $0x800  }
0x122: {  	[sflag:s8] =	ssyncset.done $0x0  }
0x123: {  	s5 =	rddreg [dreg:$0xf];
	[sflag:s8] =	ssyncadd.s32 $0xFFFFF800  }
0x124: {  	[tilespmem:s17], [sflag:$0x2] =	stream.linear.gather [hbm4b:s5+s29], $0x80, $0x38;
	[tilespmem:$0x16750] =	vst v63  }
0x125: {  	s1 =	simm.s32 $0x280;
	s13 =	rddreg [dreg:$0x10]  }
0x126: {  	[tilespmem:s1], [sflag:$0x2] =	stream.linear.gather [hbm4b:s13+s29], $0x80, $0x38;
	[tilespmem:$0x16750] =	vst v63  }
0x127: {  	s3 =	rddreg [dreg:$0x1c];
	s5 =	simm.s32 @!p1 $0x8C00  }
0x128: {  	[tilespmem:s5], [sflag:$0x6] =	stream.linear.gather @!p1 [hbm4b:s3+s7], $0x800, $0x38;
	[tilespmem:$0x16750] =	vst v63  }
0x129: {  	_ =	swait.ge [sflag:s30], $0x80  }
0x12a: {  	[sflag:s30] =	ssyncset.done $0x0  }
0x12b: {  	[sflag:s30] =	ssyncadd.s32 $0xFFFFFF80  }
0x12c: {  	_ =	swait.ge [sflag:s30], $0x80  }
0x12d: {  	[sflag:s30] =	ssyncset.done $0x0  }
0x12e: {  	[sflag:s30] =	ssyncadd.s32 $0xFFFFFF80  }
0x12f: {  	v2 =	vld [tilespmem:$0x70]  }
0x130: {  	v3 =	vld [tilespmem:$0x60]  }
0x131: {  	v42 =	vld [tilespmem:$0x50]  }
0x132: {  	v43 =	vld [tilespmem:$0x20]  }
0x133: {  	v44 =	vld [tilespmem:$0x10]  }
0x134: {  	v45 =	vld [tilespmem:$0x30];
	v2 =	vshll.u32 v2, $0x1  }
0x135: {  	v46 =	vld [tilespmem:$0x40];
	v3 =	vshll.u32 v3, $0x1;
	v2 =	vor.u32 v0, v2  }
0x136: {  	v9 =	vld [tilespmem:$0x0];
	v4 =	vshll.u32 v42, $0x1;
	v3 =	vor.u32 v0, v3;
	[tilespmem:$0x70] =	vst v2  }
0x137: {  	v4 =	vor.u32 v0, v4;
	v2 =	vshll.u32 v43, $0x1;
	[tilespmem:$0x60] =	vst v3  }
0x138: {  	v3 =	vshll.u32 v44, $0x1;
	[tilespmem:$0x50] =	vst v4;
	v2 =	vor.u32 v0, v2  }
0x139: {  	v3 =	vor.u32 v0, v3;
	[tilespmem:$0x20] =	vst v2;
	v2 =	vshll.u32 v45, $0x1  }
0x13a: {  	[tilespmem:$0x10] =	vst v3;
	v3 =	vshll.u32 v46, $0x1;
	v2 =	vor.u32 v0, v2  }
0x13b: {  	v47 =	vshll.u32 v9, $0x1;
	[tilespmem:$0x30] =	vst v2;
	v2 =	vor.u32 v0, v3  }
0x13c: {  	v3 =	vor.u32 v0, v47;
	[tilespmem:$0x40] =	vst v2  }
0x13d: {  	s22 =	simm.s32 $0xC;
	[tilespmem:$0x0] =	vst v3  }
0x13e: {  	[tilespmem:s15], [sflag:$0x9] =	stream.indirect.gather [hbm4b:s12+s17], $0x40, s29, s17, $0xb8;
	[tilespmem:$0x16750] =	vst v63  }
0x13f: {  	_ =	swait.ge [sflag:s22], $0x2000  }
0x140: {  	[sflag:s22] =	ssyncset.done $0x0  }
0x141: {  	s3 =	simm.s32 @!p1 $0x8;
	[sflag:s22] =	ssyncadd.s32 $0xFFFFE000  }
0x142: {  	_ =	swait.ge @!p1 [sflag:s3], $0x800  }
0x143: {  	[sflag:s3] =	ssyncset.done @!p1 $0x0  }
0x144: {  	s13 =	simm.s32 $0x380;
	[sflag:s3] =	ssyncadd.s32 @!p1 $0xFFFFF800  }
0x145: {  	[spmem:s18] =	stream.indirect.scatter.add.f32 [tilespmem:s19], [sflag:$0x10], $0x40, s13, s17, $0xb8;
	[tilespmem:$0x16750] =	vst v63  }
0x146: {  	s24 =	simm.s32 $0x9C00  }
0x147: {  	[spmem:s16] =	stream.indirect.scatter.add.f32 [tilespmem:s24], [sflag:$0x10], $0x10, s13, s17, $0xb8;
	[tilespmem:$0x16750] =	vst v63  }
0x148: {  	_ =	swait.ge [sflag:s9], $0x2000  }
0x149: {  	[sflag:s9] =	ssyncset.done $0x0  }
0x14a: {  	[sflag:s9] =	ssyncadd.s32 $0xFFFFE000  }
0x14b: {  	_ =	swait.ge [sflag:s9], $0x800  }
0x14c: {  	s11 =	simm.s32 $0x100;
	s19 =	sadd.s32 $0x0, s26;
	[sflag:s9] =	ssyncset.done $0x0  }
0x14d: {  	s5 =	sadd.s32 $0x0, s23;
	s25 =	sadd.s32 $0x600, s19;
	[sflag:s9] =	ssyncadd.s32 $0xFFFFF800  }
0x14e: {  	[tilespmem:s11], [sflag:$0x3] =	stream.linear.gather [hbm4b:s25+s29], $0x80, $0x38;
	[tilespmem:$0x16750] =	vst v63  }
0x14f: {  	s11 =	sadd.s32 $0x600, s5  }
0x150: {  	[tilespmem:s4], [sflag:$0x3] =	stream.linear.gather [hbm4b:s11+s29], $0x80, $0x38;
	[tilespmem:$0x16750] =	vst v63  }
0x151: {  	s11 =	sld [smem:$0x7FC];
	_ =	sdelay $0x2  }
0x152: {  	s25 =	simm.s32 @!p1 $0x9400;
	s3 =	sadd.s32 @!p1 $0xFFFFD000, s11  }
0x153: {  	[tilespmem:s25], [sflag:$0x7] =	stream.linear.gather @!p1 [hbm4b:s3+s7], $0x800, $0x38;
	[tilespmem:$0x16750] =	vst v63  }
0x154: {  	_ =	swait.ge [sflag:s28], $0x80  }
0x155: {  	[sflag:s28] =	ssyncset.done $0x0  }
0x156: {  	[sflag:s28] =	ssyncadd.s32 $0xFFFFFF80  }
0x157: {  	_ =	swait.ge [sflag:s28], $0x80  }
0x158: {  	[sflag:s28] =	ssyncset.done $0x0  }
0x159: {  	[sflag:s28] =	ssyncadd.s32 $0xFFFFFF80  }
0x15a: {  	v2 =	vld [tilespmem:$0xB0]  }
0x15b: {  	v3 =	vld [tilespmem:$0xF0]  }
0x15c: {  	v48 =	vld [tilespmem:$0xA0]  }
0x15d: {  	v49 =	vld [tilespmem:$0xE0]  }
0x15e: {  	v50 =	vld [tilespmem:$0xD0]  }
0x15f: {  	v51 =	vld [tilespmem:$0x90];
	v2 =	vshll.u32 v2, $0x1  }
0x160: {  	v52 =	vld [tilespmem:$0xC0];
	v3 =	vshll.u32 v3, $0x1;
	v2 =	vor.u32 v0, v2  }
0x161: {  	v53 =	vld [tilespmem:$0x80];
	v4 =	vshll.u32 v48, $0x1;
	[tilespmem:$0xB0] =	vst v2;
	v2 =	vor.u32 v0, v3  }
0x162: {  	v54 =	vshll.u32 v49, $0x1;
	v3 =	vor.u32 v0, v4;
	[tilespmem:$0xF0] =	vst v2  }
0x163: {  	[tilespmem:$0xA0] =	vst v3;
	v2 =	vshll.u32 v50, $0x1;
	v3 =	vor.u32 v0, v54  }
0x164: {  	v55 =	vshll.u32 v51, $0x1;
	v2 =	vor.u32 v0, v2;
	[tilespmem:$0xE0] =	vst v3  }
0x165: {  	v56 =	vshll.u32 v52, $0x1;
	v3 =	vor.u32 v0, v55;
	[tilespmem:$0xD0] =	vst v2  }
0x166: {  	v2 =	vshll.u32 v53, $0x1;
	[tilespmem:$0x90] =	vst v3;
	v3 =	vor.u32 v0, v56  }
0x167: {  	v2 =	vor.u32 v0, v2;
	[tilespmem:$0xC0] =	vst v3  }
0x168: {  	s4 =	simm.s32 $0x9;
	s25 =	simm.s32 $0x2400;
	[tilespmem:$0x80] =	vst v2  }
0x169: {  	[tilespmem:s25], [sflag:$0xA] =	stream.indirect.gather [hbm4b:s12+s17], $0x40, s17, s17, $0xb8;
	[tilespmem:$0x16750] =	vst v63  }
0x16a: {  	_ =	swait.ge [sflag:s4], $0x2000  }
0x16b: {  	[sflag:s4] =	ssyncset.done $0x0  }
0x16c: {  	[sflag:s4] =	ssyncadd.s32 $0xFFFFE000  }
0x16d: {  	_ =	swait.ge @!p1 [sflag:s31], $0x800  }
0x16e: {  	[sflag:s31] =	ssyncset.done @!p1 $0x0  }
0x16f: {  	[sflag:s31] =	ssyncadd.s32 @!p1 $0xFFFFF800  }
0x170: {  	[spmem:s18] =	stream.indirect.scatter.add.f32 [tilespmem:s15], [sflag:$0xD], $0x40, s6, s17, $0xb8;
	[tilespmem:$0x16750] =	vst v63  }
0x171: {  	s24 =	simm.s32 $0x8400  }
0x172: {  	[spmem:s16] =	stream.indirect.scatter.add.f32 [tilespmem:s24], [sflag:$0xD], $0x10, s6, s17, $0xb8;
	[tilespmem:$0x16750] =	vst v63  }
0x173: {  	_ =	swait.ge [sflag:s14], $0x2000  }
0x174: {  	[sflag:s14] =	ssyncset.done $0x0  }
0x175: {  	[sflag:s14] =	ssyncadd.s32 $0xFFFFE000  }
0x176: {  	_ =	swait.ge [sflag:s14], $0x800  }
0x177: {  	[sflag:s14] =	ssyncset.done $0x0  }
0x178: {  	s31 =	simm.s32 $0x180;
	s24 =	sadd.s32 $0x700, s19;
	[sflag:s14] =	ssyncadd.s32 $0xFFFFF800  }
0x179: {  	[tilespmem:s31], [sflag:$0x4] =	stream.linear.gather [hbm4b:s24+s29], $0x80, $0x38;
	[tilespmem:$0x16750] =	vst v63  }
0x17a: {  	s4 =	sadd.s32 $0x700, s5  }
0x17b: {  	[tilespmem:s13], [sflag:$0x4] =	stream.linear.gather [hbm4b:s4+s29], $0x80, $0x38;
	[tilespmem:$0x16750] =	vst v63  }
0x17c: {  	s3 =	sadd.s32 @!p1 $0xFFFFE000, s11;
	s4 =	simm.s32 @!p1 $0x9C00  }
0x17d: {  	[tilespmem:s4], [sflag:$0x8] =	stream.linear.gather @!p1 [hbm4b:s3+s7], $0x800, $0x38;
	[tilespmem:$0x16750] =	vst v63  }
0x17e: {  	_ =	swait.ge [sflag:s10], $0x80  }
0x17f: {  	[sflag:s10] =	ssyncset.done $0x0  }
0x180: {  	[sflag:s10] =	ssyncadd.s32 $0xFFFFFF80  }
0x181: {  	_ =	swait.ge [sflag:s10], $0x80  }
0x182: {  	[sflag:s10] =	ssyncset.done $0x0  }
0x183: {  	[sflag:s10] =	ssyncadd.s32 $0xFFFFFF80  }
0x184: {  	v2 =	vld [tilespmem:$0x100]  }
0x185: {  	v3 =	vld [tilespmem:$0x120]  }
0x186: {  	v57 =	vld [tilespmem:$0x130]  }
0x187: {  	v58 =	vld [tilespmem:$0x160]  }
0x188: {  	v60 =	vld [tilespmem:$0x140]  }
0x189: {  	v59 =	vld [tilespmem:$0x150];
	v2 =	vshll.u32 v2, $0x1  }
0x18a: {  	v61 =	vld [tilespmem:$0x110];
	v3 =	vshll.u32 v3, $0x1;
	v2 =	vor.u32 v0, v2  }
0x18b: {  	v62 =	vld [tilespmem:$0x170];
	[tilespmem:$0x100] =	vst v2;
	v2 =	vor.u32 v0, v3;
	v3 =	vshll.u32 v57, $0x1  }
0x18c: {  	v5 =	vshll.u32 v58, $0x1;
	[tilespmem:$0x120] =	vst v2;
	v2 =	vor.u32 v0, v3  }
0x18d: {  	v63 =	vshll.u32 v60, $0x1;
	v3 =	vor.u32 v0, v5;
	[tilespmem:$0x130] =	vst v2  }
0x18e: {  	v5 =	vor.u32 v0, v63;
	v2 =	vshll.u32 v59, $0x1;
	[tilespmem:$0x160] =	vst v3  }
0x18f: {  	v3 =	vshll.u32 v61, $0x1;
	[tilespmem:$0x140] =	vst v5;
	v2 =	vor.u32 v0, v2  }
0x190: {  	[tilespmem:$0x150] =	vst v2;
	v2 =	vor.u32 v0, v3;
	v3 =	vshll.u32 v62, $0x1  }
0x191: {  	[tilespmem:$0x110] =	vst v2;
	v2 =	vor.u32 v0, v3  }
0x192: {  	s0 =	simm.s32 $0xA;
	s22 =	simm.s32 $0x100;
	s15 =	simm.s32 $0x4400;
	[tilespmem:$0x170] =	vst v2  }
0x193: {  	[tilespmem:s15], [sflag:$0xB] =	stream.indirect.gather [hbm4b:s12+s17], $0x40, s22, s17, $0xb8;
	[tilespmem:$0x16750] =	vst v63  }
0x194: {  	_ =	swait.ge [sflag:s0], $0x2000  }
0x195: {  	[sflag:s0] =	ssyncset.done $0x0  }
0x196: {  	[sflag:s0] =	ssyncadd.s32 $0xFFFFE000  }
0x197: {  	_ =	swait.ge @!p1 [sflag:s2], $0x800  }
0x198: {  	[sflag:s2] =	ssyncset.done @!p1 $0x0  }
0x199: {  	[sflag:s2] =	ssyncadd.s32 @!p1 $0xFFFFF800  }
0x19a: {  	[spmem:s18] =	stream.indirect.scatter.add.f32 [tilespmem:s25], [sflag:$0xE], $0x40, s1, s17, $0xb8;
	[tilespmem:$0x16750] =	vst v63  }
0x19b: {  	s24 =	simm.s32 $0x8C00  }
0x19c: {  	[spmem:s16] =	stream.indirect.scatter.add.f32 [tilespmem:s24], [sflag:$0xE], $0x10, s1, s17, $0xb8;
	[tilespmem:$0x16750] =	vst v63  }
0x19d: {  	_ =	swait.ge [sflag:s20], $0x2000  }
0x19e: {  	[sflag:s20] =	ssyncset.done $0x0  }
0x19f: {  	[sflag:s20] =	ssyncadd.s32 $0xFFFFE000  }
0x1a0: {  	_ =	swait.ge [sflag:s20], $0x800  }
0x1a1: {  	[sflag:s20] =	ssyncset.done $0x0  }
0x1a2: {  	s25 =	sadd.s32 $0x800, s19;
	[sflag:s20] =	ssyncadd.s32 $0xFFFFF800  }
0x1a3: {  	[tilespmem:s29], [sflag:$0x1] =	stream.linear.gather [hbm4b:s25+s29], $0x80, $0x38;
	[tilespmem:$0x16750] =	vst v63  }
0x1a4: {  	s31 =	sadd.s32 $0x800, s5  }
0x1a5: {  	[tilespmem:s6], [sflag:$0x1] =	stream.linear.gather [hbm4b:s31+s29], $0x80, $0x38;
	[tilespmem:$0x16750] =	vst v63  }
0x1a6: {  	s3 =	sadd.s32 @!p1 $0xFFFFF000, s11;
	s0 =	simm.s32 @!p1 $0x8400  }
0x1a7: {  	[tilespmem:s0], [sflag:$0x5] =	stream.linear.gather @!p1 [hbm4b:s3+s7], $0x800, $0x38;
	[tilespmem:$0x16750] =	vst v63  }
0x1a8: {  	_ =	swait.ge [sflag:s21], $0x80  }
0x1a9: {  	[sflag:s21] =	ssyncset.done $0x0  }
0x1aa: {  	[sflag:s21] =	ssyncadd.s32 $0xFFFFFF80  }
0x1ab: {  	_ =	swait.ge [sflag:s21], $0x80  }
0x1ac: {  	[sflag:s21] =	ssyncset.done $0x0  }
0x1ad: {  	s15 =	simm.s32 $0x400;
	[sflag:s21] =	ssyncadd.s32 $0xFFFFFF80  }
0x1ae: {  	s0 =	smov.u32 s12;
	s3 =	smov.u32 s11;
	s12 =	smov.u32 s23;
	v2 =	vld [tilespmem:$0x180]  }
.LBB2_4:
0x1af: {  	v3 =	vld [tilespmem:$0x190];
	s3 =	sadd.s32 $0x4000, s3;
	s24 =	smov.u32 s15;
	s15 =	sadd.s32 $0x400, s15  }
0x1b0: {  	p3 =	sne.s32 s15, $0x9400;
	v4 =	vld [tilespmem:$0x1A0]  }
0x1b1: {  	v5 =	vld [tilespmem:$0x1C0]  }
0x1b2: {  	v6 =	vld [tilespmem:$0x1D0]  }
0x1b3: {  	v2 =	vshll.u32 v2, $0x1;
	v7 =	vld [tilespmem:$0x1E0]  }
0x1b4: {  	v2 =	vor.u32 v0, v2;
	v3 =	vshll.u32 v3, $0x1;
	v8 =	vld [tilespmem:$0x1B0]  }
0x1b5: {  	[tilespmem:$0x180] =	vst v2;
	v2 =	vor.u32 v0, v3;
	v3 =	vshll.u32 v4, $0x1;
	v4 =	vld [tilespmem:$0x1F0]  }
0x1b6: {  	[tilespmem:$0x190] =	vst v2;
	v2 =	vor.u32 v0, v3;
	v3 =	vshll.u32 v5, $0x1  }
0x1b7: {  	[tilespmem:$0x1A0] =	vst v2;
	v2 =	vor.u32 v0, v3;
	v3 =	vshll.u32 v6, $0x1  }
0x1b8: {  	[tilespmem:$0x1C0] =	vst v2;
	v2 =	vor.u32 v0, v3;
	v3 =	vshll.u32 v7, $0x1  }
0x1b9: {  	v5 =	vshll.u32 v8, $0x1;
	[tilespmem:$0x1D0] =	vst v2;
	v2 =	vor.u32 v0, v3  }
0x1ba: {  	v3 =	vor.u32 v0, v5;
	[tilespmem:$0x1E0] =	vst v2;
	v2 =	vshll.u32 v4, $0x1  }
0x1bb: {  	[tilespmem:$0x1B0] =	vst v3;
	v2 =	vor.u32 v0, v2  }
0x1bc: {  	s23 =	simm.s32 $0x180;
	s31 =	simm.s32 $0x6400;
	s6 =	simm.s32 $0xB;
	[tilespmem:$0x1F0] =	vst v2  }
0x1bd: {  	[tilespmem:s31], [sflag:$0xC] =	stream.indirect.gather [hbm4b:s0+s17], $0x40, s23, s17, $0xb8;
	[tilespmem:$0x16750] =	vst v63  }
0x1be: {  	_ =	swait.ge [sflag:s6], $0x2000  }
0x1bf: {  	[sflag:s6] =	ssyncset.done $0x0  }
0x1c0: {  	s1 =	simm.s32 @!p1 $0x7;
	[sflag:s6] =	ssyncadd.s32 $0xFFFFE000  }
0x1c1: {  	_ =	swait.ge @!p1 [sflag:s1], $0x800  }
0x1c2: {  	[sflag:s1] =	ssyncset.done @!p1 $0x0  }
0x1c3: {  	s22 =	simm.s32 $0x4400;
	s2 =	simm.s32 $0x300;
	[sflag:s1] =	ssyncadd.s32 @!p1 $0xFFFFF800  }
0x1c4: {  	[spmem:s18] =	stream.indirect.scatter.add.f32 [tilespmem:s22], [sflag:$0xF], $0x40, s2, s17, $0xb8;
	[tilespmem:$0x16750] =	vst v63  }
0x1c5: {  	s6 =	simm.s32 $0x9400  }
0x1c6: {  	[spmem:s16] =	stream.indirect.scatter.add.f32 [tilespmem:s6], [sflag:$0xF], $0x10, s2, s17, $0xb8;
	[tilespmem:$0x16750] =	vst v63  }
0x1c7: {  	_ =	swait.ge [sflag:s8], $0x2000  }
0x1c8: {  	[sflag:s8] =	ssyncset.done $0x0  }
0x1c9: {  	[sflag:s8] =	ssyncadd.s32 $0xFFFFE000  }
0x1ca: {  	_ =	swait.ge [sflag:s8], $0x800  }
0x1cb: {  	[sflag:s8] =	ssyncset.done $0x0  }
0x1cc: {  	s19 =	sadd.s32 $0x900, s19;
	[sflag:s8] =	ssyncadd.s32 $0xFFFFF800  }
0x1cd: {  	[tilespmem:s17], [sflag:$0x2] =	stream.linear.gather [hbm4b:s19+s29], $0x80, $0x38;
	[tilespmem:$0x16750] =	vst v63  }
0x1ce: {  	s5 =	sadd.s32 $0x900, s5;
	s1 =	simm.s32 $0x280  }
0x1cf: {  	[tilespmem:s1], [sflag:$0x2] =	stream.linear.gather [hbm4b:s5+s29], $0x80, $0x38;
	[tilespmem:$0x16750] =	vst v63  }
0x1d0: {  	s5 =	simm.s32 @!p1 $0x8C00  }
0x1d1: {  	[tilespmem:s5], [sflag:$0x6] =	stream.linear.gather @!p1 [hbm4b:s11+s7], $0x800, $0x38;
	[tilespmem:$0x16750] =	vst v63  }
0x1d2: {  	s11 =	smov.u32 s3;
	_ =	swait.ge [sflag:s30], $0x80  }
0x1d3: {  	[sflag:s30] =	ssyncset.done $0x0  }
0x1d4: {  	[sflag:s30] =	ssyncadd.s32 $0xFFFFFF80  }
0x1d5: {  	_ =	swait.ge [sflag:s30], $0x80  }
0x1d6: {  	[sflag:s30] =	ssyncset.done $0x0  }
0x1d7: {  	[sflag:s30] =	ssyncadd.s32 $0xFFFFFF80  }
0x1d8: {  	v2 =	vld [tilespmem:$0x70]  }
0x1d9: {  	v3 =	vld [tilespmem:$0x60]  }
0x1da: {  	v4 =	vld [tilespmem:$0x50]  }
0x1db: {  	v5 =	vld [tilespmem:$0x20]  }
0x1dc: {  	v6 =	vld [tilespmem:$0x10]  }
0x1dd: {  	v7 =	vld [tilespmem:$0x30];
	v2 =	vshll.u32 v2, $0x1  }
0x1de: {  	v8 =	vld [tilespmem:$0x40];
	v3 =	vshll.u32 v3, $0x1;
	v2 =	vor.u32 v0, v2  }
0x1df: {  	v9 =	vld [tilespmem:$0x0];
	v4 =	vshll.u32 v4, $0x1;
	v3 =	vor.u32 v0, v3;
	[tilespmem:$0x70] =	vst v2  }
0x1e0: {  	v2 =	vshll.u32 v5, $0x1;
	v4 =	vor.u32 v0, v4;
	[tilespmem:$0x60] =	vst v3  }
0x1e1: {  	v3 =	vshll.u32 v6, $0x1;
	v2 =	vor.u32 v0, v2;
	[tilespmem:$0x50] =	vst v4  }
0x1e2: {  	v3 =	vor.u32 v0, v3;
	[tilespmem:$0x20] =	vst v2;
	v2 =	vshll.u32 v7, $0x1  }
0x1e3: {  	[tilespmem:$0x10] =	vst v3;
	v2 =	vor.u32 v0, v2;
	v3 =	vshll.u32 v8, $0x1  }
0x1e4: {  	v4 =	vshll.u32 v9, $0x1;
	[tilespmem:$0x30] =	vst v2;
	v2 =	vor.u32 v0, v3  }
0x1e5: {  	v3 =	vor.u32 v0, v4;
	[tilespmem:$0x40] =	vst v2  }
0x1e6: {  	s25 =	simm.s32 $0x400;
	s5 =	simm.s32 $0xC;
	[tilespmem:$0x0] =	vst v3  }
0x1e7: {  	[tilespmem:s25], [sflag:$0x9] =	stream.indirect.gather [hbm4b:s0+s17], $0x40, s29, s17, $0xb8;
	[tilespmem:$0x16750] =	vst v63  }
0x1e8: {  	_ =	swait.ge [sflag:s5], $0x2000  }
0x1e9: {  	[sflag:s5] =	ssyncset.done $0x0  }
0x1ea: {  	[sflag:s5] =	ssyncadd.s32 $0xFFFFE000;
	s5 =	simm.s32 @!p1 $0x8  }
0x1eb: {  	_ =	swait.ge @!p1 [sflag:s5], $0x800  }
0x1ec: {  	[sflag:s5] =	ssyncset.done @!p1 $0x0  }
0x1ed: {  	s13 =	simm.s32 $0x380;
	[sflag:s5] =	ssyncadd.s32 @!p1 $0xFFFFF800  }
0x1ee: {  	[spmem:s18] =	stream.indirect.scatter.add.f32 [tilespmem:s31], [sflag:$0x10], $0x40, s13, s17, $0xb8;
	[tilespmem:$0x16750] =	vst v63  }
0x1ef: {  	s5 =	simm.s32 $0x9C00  }
0x1f0: {  	[spmem:s16] =	stream.indirect.scatter.add.f32 [tilespmem:s5], [sflag:$0x10], $0x10, s13, s17, $0xb8;
	[tilespmem:$0x16750] =	vst v63  }
0x1f1: {  	_ =	swait.ge [sflag:s9], $0x2000  }
0x1f2: {  	[sflag:s9] =	ssyncset.done $0x0  }
0x1f3: {  	[sflag:s9] =	ssyncadd.s32 $0xFFFFE000  }
0x1f4: {  	s4 =	simm.s32 $0x100;
	_ =	swait.ge [sflag:s9], $0x800  }
0x1f5: {  	s6 =	smov.u32 s26;
	s19 =	sadd.s32 s24, s26;
	[sflag:s9] =	ssyncset.done $0x0  }
0x1f6: {  	s26 =	sadd.s32 $0x600, s19;
	s5 =	sadd.s32 s24, s12;
	[sflag:s9] =	ssyncadd.s32 $0xFFFFF800  }
0x1f7: {  	[tilespmem:s4], [sflag:$0x3] =	stream.linear.gather [hbm4b:s26+s29], $0x80, $0x38;
	[tilespmem:$0x16750] =	vst v63  }
0x1f8: {  	s26 =	smov.u32 s6;
	s6 =	simm.s32 $0x200  }
0x1f9: {  	s24 =	sadd.s32 $0x600, s5  }
0x1fa: {  	[tilespmem:s2], [sflag:$0x3] =	stream.linear.gather [hbm4b:s24+s29], $0x80, $0x38;
	[tilespmem:$0x16750] =	vst v63  }
0x1fb: {  	s31 =	simm.s32 @!p1 $0x9400;
	s24 =	sadd.s32 @!p1 $0xFFFFD000, s3  }
0x1fc: {  	[tilespmem:s31], [sflag:$0x7] =	stream.linear.gather @!p1 [hbm4b:s24+s7], $0x800, $0x38;
	[tilespmem:$0x16750] =	vst v63  }
0x1fd: {  	_ =	swait.ge [sflag:s28], $0x80  }
0x1fe: {  	[sflag:s28] =	ssyncset.done $0x0  }
0x1ff: {  	[sflag:s28] =	ssyncadd.s32 $0xFFFFFF80  }
0x200: {  	_ =	swait.ge [sflag:s28], $0x80  }
0x201: {  	[sflag:s28] =	ssyncset.done $0x0  }
0x202: {  	[sflag:s28] =	ssyncadd.s32 $0xFFFFFF80  }
0x203: {  	v2 =	vld [tilespmem:$0xB0]  }
0x204: {  	v3 =	vld [tilespmem:$0xF0]  }
0x205: {  	v4 =	vld [tilespmem:$0xA0]  }
0x206: {  	v5 =	vld [tilespmem:$0xE0]  }
0x207: {  	v6 =	vld [tilespmem:$0xD0]  }
0x208: {  	v7 =	vld [tilespmem:$0x90];
	v2 =	vshll.u32 v2, $0x1  }
0x209: {  	v2 =	vor.u32 v0, v2;
	v8 =	vld [tilespmem:$0xC0];
	v3 =	vshll.u32 v3, $0x1  }
0x20a: {  	v9 =	vld [tilespmem:$0x80];
	v4 =	vshll.u32 v4, $0x1;
	[tilespmem:$0xB0] =	vst v2;
	v2 =	vor.u32 v0, v3  }
0x20b: {  	v3 =	vor.u32 v0, v4;
	v4 =	vshll.u32 v5, $0x1;
	[tilespmem:$0xF0] =	vst v2  }
0x20c: {  	[tilespmem:$0xA0] =	vst v3;
	v2 =	vshll.u32 v6, $0x1;
	v3 =	vor.u32 v0, v4  }
0x20d: {  	v4 =	vshll.u32 v7, $0x1;
	v2 =	vor.u32 v0, v2;
	[tilespmem:$0xE0] =	vst v3  }
0x20e: {  	v3 =	vor.u32 v0, v4;
	v4 =	vshll.u32 v8, $0x1;
	[tilespmem:$0xD0] =	vst v2  }
0x20f: {  	v2 =	vshll.u32 v9, $0x1;
	[tilespmem:$0x90] =	vst v3;
	v3 =	vor.u32 v0, v4  }
0x210: {  	v2 =	vor.u32 v0, v2;
	[tilespmem:$0xC0] =	vst v3  }
0x211: {  	s31 =	simm.s32 $0x2400;
	s24 =	simm.s32 $0x9;
	[tilespmem:$0x80] =	vst v2  }
0x212: {  	[tilespmem:s31], [sflag:$0xA] =	stream.indirect.gather [hbm4b:s0+s17], $0x40, s17, s17, $0xb8;
	[tilespmem:$0x16750] =	vst v63  }
0x213: {  	_ =	swait.ge [sflag:s24], $0x2000  }
0x214: {  	[sflag:s24] =	ssyncset.done $0x0  }
0x215: {  	[sflag:s24] =	ssyncadd.s32 $0xFFFFE000;
	s24 =	simm.s32 @!p1 $0x5  }
0x216: {  	_ =	swait.ge @!p1 [sflag:s24], $0x800  }
0x217: {  	[sflag:s24] =	ssyncset.done @!p1 $0x0  }
0x218: {  	[sflag:s24] =	ssyncadd.s32 @!p1 $0xFFFFF800  }
0x219: {  	[spmem:s18] =	stream.indirect.scatter.add.f32 [tilespmem:s25], [sflag:$0xD], $0x40, s6, s17, $0xb8;
	[tilespmem:$0x16750] =	vst v63  }
0x21a: {  	s24 =	simm.s32 $0x8400  }
0x21b: {  	[spmem:s16] =	stream.indirect.scatter.add.f32 [tilespmem:s24], [sflag:$0xD], $0x10, s6, s17, $0xb8;
	[tilespmem:$0x16750] =	vst v63  }
0x21c: {  	_ =	swait.ge [sflag:s14], $0x2000  }
0x21d: {  	[sflag:s14] =	ssyncset.done $0x0  }
0x21e: {  	[sflag:s14] =	ssyncadd.s32 $0xFFFFE000  }
0x21f: {  	_ =	swait.ge [sflag:s14], $0x800  }
0x220: {  	[sflag:s14] =	ssyncset.done $0x0  }
0x221: {  	s24 =	sadd.s32 $0x700, s19;
	[sflag:s14] =	ssyncadd.s32 $0xFFFFF800  }
0x222: {  	[tilespmem:s23], [sflag:$0x4] =	stream.linear.gather [hbm4b:s24+s29], $0x80, $0x38;
	[tilespmem:$0x16750] =	vst v63  }
0x223: {  	s24 =	sadd.s32 $0x700, s5  }
0x224: {  	[tilespmem:s13], [sflag:$0x4] =	stream.linear.gather [hbm4b:s24+s29], $0x80, $0x38;
	[tilespmem:$0x16750] =	vst v63  }
0x225: {  	s24 =	sadd.s32 @!p1 $0xFFFFE000, s3;
	s13 =	simm.s32 @!p1 $0x9C00  }
0x226: {  	[tilespmem:s13], [sflag:$0x8] =	stream.linear.gather @!p1 [hbm4b:s24+s7], $0x800, $0x38;
	[tilespmem:$0x16750] =	vst v63  }
0x227: {  	_ =	swait.ge [sflag:s10], $0x80  }
0x228: {  	[sflag:s10] =	ssyncset.done $0x0  }
0x229: {  	[sflag:s10] =	ssyncadd.s32 $0xFFFFFF80  }
0x22a: {  	_ =	swait.ge [sflag:s10], $0x80  }
0x22b: {  	[sflag:s10] =	ssyncset.done $0x0  }
0x22c: {  	[sflag:s10] =	ssyncadd.s32 $0xFFFFFF80  }
0x22d: {  	v2 =	vld [tilespmem:$0x100]  }
0x22e: {  	v3 =	vld [tilespmem:$0x120]  }
0x22f: {  	v4 =	vld [tilespmem:$0x160]  }
0x230: {  	v5 =	vld [tilespmem:$0x130];
	_ =	sdelay $0x1  }
0x231: {  	v2 =	vshll.u32 v2, $0x1;
	v6 =	vld [tilespmem:$0x150]  }
0x232: {  	v2 =	vor.u32 v0, v2;
	v7 =	vld [tilespmem:$0x140]  }
0x233: {  	v3 =	vshll.u32 v3, $0x1;
	[tilespmem:$0x100] =	vst v2;
	v2 =	vld [tilespmem:$0x110];
	v4 =	vshll.u32 v4, $0x1  }
0x234: {  	v3 =	vor.u32 v0, v3;
	v5 =	vshll.u32 v5, $0x1;
	v4 =	vor.u32 v0, v4;
	v8 =	vld [tilespmem:$0x170]  }
0x235: {  	[tilespmem:$0x120] =	vst v3;
	v3 =	vor.u32 v0, v5  }
0x236: {  	[tilespmem:$0x130] =	vst v3;
	v3 =	vshll.u32 v6, $0x1  }
0x237: {  	v5 =	vshll.u32 v7, $0x1;
	v3 =	vor.u32 v0, v3;
	[tilespmem:$0x160] =	vst v4  }
0x238: {  	v2 =	vshll.u32 v2, $0x1;
	v4 =	vor.u32 v0, v5;
	[tilespmem:$0x150] =	vst v3  }
0x239: {  	v2 =	vor.u32 v0, v2;
	[tilespmem:$0x140] =	vst v4;
	v3 =	vshll.u32 v8, $0x1  }
0x23a: {  	[tilespmem:$0x110] =	vst v2;
	v2 =	vor.u32 v0, v3  }
0x23b: {  	s13 =	simm.s32 $0xA;
	[tilespmem:$0x170] =	vst v2  }
0x23c: {  	[tilespmem:s22], [sflag:$0xB] =	stream.indirect.gather [hbm4b:s0+s17], $0x40, s4, s17, $0xb8;
	[tilespmem:$0x16750] =	vst v63  }
0x23d: {  	_ =	swait.ge [sflag:s13], $0x2000  }
0x23e: {  	[sflag:s13] =	ssyncset.done $0x0  }
0x23f: {  	s2 =	simm.s32 @!p1 $0x6;
	[sflag:s13] =	ssyncadd.s32 $0xFFFFE000  }
0x240: {  	_ =	swait.ge @!p1 [sflag:s2], $0x800  }
0x241: {  	[sflag:s2] =	ssyncset.done @!p1 $0x0  }
0x242: {  	[sflag:s2] =	ssyncadd.s32 @!p1 $0xFFFFF800  }
0x243: {  	[spmem:s18] =	stream.indirect.scatter.add.f32 [tilespmem:s31], [sflag:$0xE], $0x40, s1, s17, $0xb8;
	[tilespmem:$0x16750] =	vst v63  }
0x244: {  	s13 =	simm.s32 $0x8C00  }
0x245: {  	[spmem:s16] =	stream.indirect.scatter.add.f32 [tilespmem:s13], [sflag:$0xE], $0x10, s1, s17, $0xb8;
	[tilespmem:$0x16750] =	vst v63  }
0x246: {  	_ =	swait.ge [sflag:s20], $0x2000  }
0x247: {  	[sflag:s20] =	ssyncset.done $0x0  }
0x248: {  	[sflag:s20] =	ssyncadd.s32 $0xFFFFE000  }
0x249: {  	_ =	swait.ge [sflag:s20], $0x800  }
0x24a: {  	[sflag:s20] =	ssyncset.done $0x0  }
0x24b: {  	s24 =	sadd.s32 $0x800, s19;
	[sflag:s20] =	ssyncadd.s32 $0xFFFFF800  }
0x24c: {  	[tilespmem:s29], [sflag:$0x1] =	stream.linear.gather [hbm4b:s24+s29], $0x80, $0x38;
	[tilespmem:$0x16750] =	vst v63  }
0x24d: {  	s24 =	sadd.s32 $0x800, s5  }
0x24e: {  	[tilespmem:s6], [sflag:$0x1] =	stream.linear.gather [hbm4b:s24+s29], $0x80, $0x38;
	[tilespmem:$0x16750] =	vst v63  }
0x24f: {  	s1 =	simm.s32 @!p1 $0x8400;
	s24 =	sadd.s32 @!p1 $0xFFFFF000, s3  }
0x250: {  	[tilespmem:s1], [sflag:$0x5] =	stream.linear.gather @!p1 [hbm4b:s24+s7], $0x800, $0x38;
	[tilespmem:$0x16750] =	vst v63  }
0x251: {  	_ =	swait.ge [sflag:s21], $0x80  }
0x252: {  	[sflag:s21] =	ssyncset.done $0x0  }
.Ltmp3:
0x253: {  	[sflag:s21] =	ssyncadd.s32 $0xFFFFFF80;
	(pc) =	sbr.rel @p3 .LBB2_4-.Ltmp3, $4  }
0x254: {  	_ =	swait.ge [sflag:s21], $0x80  }
0x255: {  	[sflag:s21] =	ssyncset.done $0x0  }
0x256: {  	[sflag:s21] =	ssyncadd.s32 $0xFFFFFF80  }
0x257: {  	v2 =	vld [tilespmem:$0x180]  }
0x258: {  	v3 =	vld [tilespmem:$0x190]  }
0x259: {  	v4 =	vld [tilespmem:$0x1A0]  }
0x25a: {  	v5 =	vld [tilespmem:$0x1C0]  }
0x25b: {  	v6 =	vld [tilespmem:$0x1D0]  }
0x25c: {  	v7 =	vld [tilespmem:$0x1E0];
	v2 =	vshll.u32 v2, $0x1  }
0x25d: {  	v8 =	vld [tilespmem:$0x1B0];
	v2 =	vor.u32 v0, v2;
	v3 =	vshll.u32 v3, $0x1  }
0x25e: {  	v38 =	vld [tilespmem:$0x1F0];
	[tilespmem:$0x180] =	vst v2;
	v2 =	vor.u32 v0, v3;
	v3 =	vshll.u32 v4, $0x1  }
0x25f: {  	[tilespmem:$0x190] =	vst v2;
	v2 =	vor.u32 v0, v3;
	v3 =	vshll.u32 v5, $0x1  }
0x260: {  	[tilespmem:$0x1A0] =	vst v2;
	v2 =	vor.u32 v0, v3;
	v3 =	vshll.u32 v6, $0x1  }
0x261: {  	[tilespmem:$0x1C0] =	vst v2;
	v2 =	vor.u32 v0, v3;
	v3 =	vshll.u32 v7, $0x1  }
0x262: {  	v39 =	vshll.u32 v8, $0x1;
	[tilespmem:$0x1D0] =	vst v2;
	v2 =	vor.u32 v0, v3  }
0x263: {  	v3 =	vor.u32 v0, v39;
	[tilespmem:$0x1E0] =	vst v2;
	v2 =	vshll.u32 v38, $0x1  }
0x264: {  	[tilespmem:$0x1B0] =	vst v3;
	v2 =	vor.u32 v0, v2  }
0x265: {  	s23 =	simm.s32 $0x180;
	s13 =	simm.s32 $0x6400;
	s15 =	simm.s32 $0xB;
	[tilespmem:$0x1F0] =	vst v2  }
0x266: {  	[tilespmem:s13], [sflag:$0xC] =	stream.indirect.gather [hbm4b:s0+s17], $0x40, s23, s17, $0xb8;
	[tilespmem:$0x16750] =	vst v63  }
0x267: {  	_ =	swait.ge [sflag:s15], $0x2000  }
0x268: {  	[sflag:s15] =	ssyncset.done $0x0  }
0x269: {  	s1 =	simm.s32 @!p1 $0x7;
	[sflag:s15] =	ssyncadd.s32 $0xFFFFE000  }
0x26a: {  	_ =	swait.ge @!p1 [sflag:s1], $0x800  }
0x26b: {  	[sflag:s1] =	ssyncset.done @!p1 $0x0  }
0x26c: {  	s22 =	simm.s32 $0x4400;
	s12 =	simm.s32 $0x300;
	[sflag:s1] =	ssyncadd.s32 @!p1 $0xFFFFF800  }
0x26d: {  	[spmem:s18] =	stream.indirect.scatter.add.f32 [tilespmem:s22], [sflag:$0xF], $0x40, s12, s17, $0xb8;
	[tilespmem:$0x16750] =	vst v63  }
0x26e: {  	s24 =	simm.s32 $0x9400  }
0x26f: {  	[spmem:s16] =	stream.indirect.scatter.add.f32 [tilespmem:s24], [sflag:$0xF], $0x10, s12, s17, $0xb8;
	[tilespmem:$0x16750] =	vst v63  }
0x270: {  	_ =	swait.ge [sflag:s8], $0x2000  }
0x271: {  	[sflag:s8] =	ssyncset.done $0x0  }
0x272: {  	[sflag:s8] =	ssyncadd.s32 $0xFFFFE000  }
0x273: {  	_ =	swait.ge [sflag:s8], $0x800  }
0x274: {  	[sflag:s8] =	ssyncset.done $0x0  }
0x275: {  	s25 =	sadd.s32 $0x900, s19;
	[sflag:s8] =	ssyncadd.s32 $0xFFFFF800  }
0x276: {  	[tilespmem:s17], [sflag:$0x2] =	stream.linear.gather [hbm4b:s25+s29], $0x80, $0x38;
	[tilespmem:$0x16750] =	vst v63  }
0x277: {  	s2 =	sadd.s32 $0x900, s5;
	s25 =	simm.s32 $0x280  }
0x278: {  	[tilespmem:s25], [sflag:$0x2] =	stream.linear.gather [hbm4b:s2+s29], $0x80, $0x38;
	[tilespmem:$0x16750] =	vst v63  }
0x279: {  	s1 =	simm.s32 @!p1 $0x8C00  }
0x27a: {  	[tilespmem:s1], [sflag:$0x6] =	stream.linear.gather @!p1 [hbm4b:s11+s7], $0x800, $0x38;
	[tilespmem:$0x16750] =	vst v63  }
0x27b: {  	_ =	swait.ge [sflag:s30], $0x80  }
0x27c: {  	[sflag:s30] =	ssyncset.done $0x0  }
0x27d: {  	[sflag:s30] =	ssyncadd.s32 $0xFFFFFF80  }
0x27e: {  	_ =	swait.ge [sflag:s30], $0x80  }
0x27f: {  	[sflag:s30] =	ssyncset.done $0x0  }
0x280: {  	[sflag:s30] =	ssyncadd.s32 $0xFFFFFF80  }
0x281: {  	v2 =	vld [tilespmem:$0x0]  }
0x282: {  	v3 =	vld [tilespmem:$0x10]  }
0x283: {  	v40 =	vld [tilespmem:$0x20]  }
0x284: {  	v41 =	vld [tilespmem:$0x30]  }
0x285: {  	v42 =	vld [tilespmem:$0x40]  }
0x286: {  	v43 =	vld [tilespmem:$0x50];
	v2 =	vshll.u32 v2, $0x1  }
0x287: {  	v44 =	vld [tilespmem:$0x60];
	v3 =	vshll.u32 v3, $0x1;
	v2 =	vor.u32 v0, v2  }
0x288: {  	v45 =	vld [tilespmem:$0x70];
	[tilespmem:$0x0] =	vst v2;
	v2 =	vor.u32 v0, v3;
	v3 =	vshll.u32 v40, $0x1  }
0x289: {  	[tilespmem:$0x10] =	vst v2;
	v2 =	vor.u32 v0, v3;
	v3 =	vshll.u32 v41, $0x1  }
0x28a: {  	[tilespmem:$0x20] =	vst v2;
	v2 =	vor.u32 v0, v3;
	v3 =	vshll.u32 v42, $0x1  }
0x28b: {  	[tilespmem:$0x30] =	vst v2;
	v2 =	vor.u32 v0, v3;
	v3 =	vshll.u32 v43, $0x1  }
0x28c: {  	[tilespmem:$0x40] =	vst v2;
	v2 =	vor.u32 v0, v3;
	v3 =	vshll.u32 v44, $0x1  }
0x28d: {  	[tilespmem:$0x50] =	vst v2;
	v2 =	vor.u32 v0, v3;
	v3 =	vshll.u32 v45, $0x1  }
0x28e: {  	[tilespmem:$0x60] =	vst v2;
	v2 =	vor.u32 v0, v3  }
0x28f: {  	s5 =	simm.s32 $0x400;
	s7 =	simm.s32 $0xC;
	[tilespmem:$0x70] =	vst v2  }
0x290: {  	[tilespmem:s5], [sflag:$0x9] =	stream.indirect.gather [hbm4b:s0+s17], $0x40, s29, s17, $0xb8;
	[tilespmem:$0x16750] =	vst v63  }
0x291: {  	_ =	swait.ge [sflag:s7], $0x2000  }
0x292: {  	[sflag:s7] =	ssyncset.done $0x0  }
0x293: {  	s11 =	simm.s32 @!p1 $0x8;
	[sflag:s7] =	ssyncadd.s32 $0xFFFFE000  }
0x294: {  	_ =	swait.ge @!p1 [sflag:s11], $0x800  }
0x295: {  	[sflag:s11] =	ssyncset.done @!p1 $0x0  }
0x296: {  	s19 =	simm.s32 $0x380;
	[sflag:s11] =	ssyncadd.s32 @!p1 $0xFFFFF800  }
0x297: {  	[spmem:s18] =	stream.indirect.scatter.add.f32 [tilespmem:s13], [sflag:$0x10], $0x40, s19, s17, $0xb8;
	[tilespmem:$0x16750] =	vst v63  }
0x298: {  	s24 =	simm.s32 $0x9C00  }
0x299: {  	[spmem:s16] =	stream.indirect.scatter.add.f32 [tilespmem:s24], [sflag:$0x10], $0x10, s19, s17, $0xb8;
	[tilespmem:$0x16750] =	vst v63  }
0x29a: {  	_ =	swait.ge [sflag:s9], $0x2000  }
0x29b: {  	[sflag:s9] =	ssyncset.done $0x0  }
0x29c: {  	[sflag:s9] =	ssyncadd.s32 $0xFFFFE000  }
0x29d: {  	_ =	swait.ge [sflag:s9], $0x800  }
0x29e: {  	[sflag:s9] =	ssyncset.done $0x0  }
0x29f: {  	s4 =	simm.s32 $0x100;
	s3 =	rddreg [dreg:$0x11];
	[sflag:s9] =	ssyncadd.s32 $0xFFFFF800  }
0x2a0: {  	[tilespmem:s4], [sflag:$0x3] =	stream.linear.gather [hbm4b:s3+s29], $0x80, $0x38;
	[tilespmem:$0x16750] =	vst v63  }
0x2a1: {  	s2 =	rddreg [dreg:$0x12]  }
0x2a2: {  	[tilespmem:s12], [sflag:$0x3] =	stream.linear.gather [hbm4b:s2+s29], $0x80, $0x38;
	[tilespmem:$0x16750] =	vst v63  }
0x2a3: {  	s1 =	simm.s32 @!p1 $0x0;
	s3 =	rddreg [dreg:$0x1d];
	s2 =	simm.s32 @!p1 $0x9400  }
0x2a4: {  	[tilespmem:s2], [sflag:$0x7] =	stream.linear.gather @!p1 [hbm4b:s3+s1], $0x800, $0x38;
	[tilespmem:$0x16750] =	vst v63  }
0x2a5: {  	_ =	swait.ge [sflag:s28], $0x80  }
0x2a6: {  	[sflag:s28] =	ssyncset.done $0x0  }
0x2a7: {  	[sflag:s28] =	ssyncadd.s32 $0xFFFFFF80  }
0x2a8: {  	_ =	swait.ge [sflag:s28], $0x80  }
0x2a9: {  	[sflag:s28] =	ssyncset.done $0x0  }
0x2aa: {  	[sflag:s28] =	ssyncadd.s32 $0xFFFFFF80  }
0x2ab: {  	v2 =	vld [tilespmem:$0x80]  }
0x2ac: {  	v3 =	vld [tilespmem:$0x90]  }
0x2ad: {  	v46 =	vld [tilespmem:$0xA0]  }
0x2ae: {  	v47 =	vld [tilespmem:$0xB0]  }
0x2af: {  	v48 =	vld [tilespmem:$0xC0]  }
0x2b0: {  	v49 =	vld [tilespmem:$0xD0];
	v2 =	vshll.u32 v2, $0x1  }
0x2b1: {  	v50 =	vld [tilespmem:$0xE0];
	v3 =	vshll.u32 v3, $0x1;
	v2 =	vor.u32 v0, v2  }
0x2b2: {  	v51 =	vld [tilespmem:$0xF0];
	[tilespmem:$0x80] =	vst v2;
	v2 =	vor.u32 v0, v3;
	v3 =	vshll.u32 v46, $0x1  }
0x2b3: {  	[tilespmem:$0x90] =	vst v2;
	v2 =	vor.u32 v0, v3;
	v3 =	vshll.u32 v47, $0x1  }
0x2b4: {  	[tilespmem:$0xA0] =	vst v2;
	v2 =	vor.u32 v0, v3;
	v3 =	vshll.u32 v48, $0x1  }
0x2b5: {  	[tilespmem:$0xB0] =	vst v2;
	v2 =	vor.u32 v0, v3;
	v3 =	vshll.u32 v49, $0x1  }
0x2b6: {  	[tilespmem:$0xC0] =	vst v2;
	v2 =	vor.u32 v0, v3;
	v3 =	vshll.u32 v50, $0x1  }
0x2b7: {  	[tilespmem:$0xD0] =	vst v2;
	v2 =	vor.u32 v0, v3;
	v3 =	vshll.u32 v51, $0x1  }
0x2b8: {  	[tilespmem:$0xE0] =	vst v2;
	v2 =	vor.u32 v0, v3  }
0x2b9: {  	s31 =	simm.s32 $0x2400;
	s3 =	simm.s32 $0x9;
	[tilespmem:$0xF0] =	vst v2  }
0x2ba: {  	[tilespmem:s31], [sflag:$0xA] =	stream.indirect.gather [hbm4b:s0+s17], $0x40, s17, s17, $0xb8;
	[tilespmem:$0x16750] =	vst v63  }
0x2bb: {  	_ =	swait.ge [sflag:s3], $0x2000  }
0x2bc: {  	[sflag:s3] =	ssyncset.done $0x0  }
0x2bd: {  	s2 =	simm.s32 @!p1 $0x5;
	[sflag:s3] =	ssyncadd.s32 $0xFFFFE000  }
0x2be: {  	_ =	swait.ge @!p1 [sflag:s2], $0x800  }
0x2bf: {  	[sflag:s2] =	ssyncset.done @!p1 $0x0  }
0x2c0: {  	[sflag:s2] =	ssyncadd.s32 @!p1 $0xFFFFF800  }
0x2c1: {  	[spmem:s18] =	stream.indirect.scatter.add.f32 [tilespmem:s5], [sflag:$0xD], $0x40, s6, s17, $0xb8;
	[tilespmem:$0x16750] =	vst v63  }
0x2c2: {  	s5 =	simm.s32 $0x8400  }
0x2c3: {  	[spmem:s16] =	stream.indirect.scatter.add.f32 [tilespmem:s5], [sflag:$0xD], $0x10, s6, s17, $0xb8;
	[tilespmem:$0x16750] =	vst v63  }
0x2c4: {  	_ =	swait.ge [sflag:s14], $0x2000  }
0x2c5: {  	[sflag:s14] =	ssyncset.done $0x0  }
0x2c6: {  	[sflag:s14] =	ssyncadd.s32 $0xFFFFE000  }
0x2c7: {  	_ =	swait.ge [sflag:s14], $0x800  }
0x2c8: {  	[sflag:s14] =	ssyncset.done $0x0  }
0x2c9: {  	s5 =	rddreg [dreg:$0x13];
	[sflag:s14] =	ssyncadd.s32 $0xFFFFF800  }
0x2ca: {  	[tilespmem:s23], [sflag:$0x4] =	stream.linear.gather [hbm4b:s5+s29], $0x80, $0x38;
	[tilespmem:$0x16750] =	vst v63  }
0x2cb: {  	s5 =	rddreg [dreg:$0x14]  }
0x2cc: {  	[tilespmem:s19], [sflag:$0x4] =	stream.linear.gather [hbm4b:s5+s29], $0x80, $0x38;
	[tilespmem:$0x16750] =	vst v63  }
0x2cd: {  	s3 =	simm.s32 @!p1 $0x9C00;
	s5 =	rddreg [dreg:$0x1e]  }
0x2ce: {  	[tilespmem:s3], [sflag:$0x8] =	stream.linear.gather @!p1 [hbm4b:s5+s1], $0x800, $0x38;
	[tilespmem:$0x16750] =	vst v63  }
0x2cf: {  	_ =	swait.ge [sflag:s10], $0x80  }
0x2d0: {  	[sflag:s10] =	ssyncset.done $0x0  }
0x2d1: {  	[sflag:s10] =	ssyncadd.s32 $0xFFFFFF80  }
0x2d2: {  	_ =	swait.ge [sflag:s10], $0x80  }
0x2d3: {  	[sflag:s10] =	ssyncset.done $0x0  }
0x2d4: {  	[sflag:s10] =	ssyncadd.s32 $0xFFFFFF80  }
0x2d5: {  	v2 =	vld [tilespmem:$0x100]  }
0x2d6: {  	v3 =	vld [tilespmem:$0x110]  }
0x2d7: {  	v52 =	vld [tilespmem:$0x120]  }
0x2d8: {  	v53 =	vld [tilespmem:$0x130]  }
0x2d9: {  	v54 =	vld [tilespmem:$0x140]  }
0x2da: {  	v55 =	vld [tilespmem:$0x150];
	v2 =	vshll.u32 v2, $0x1  }
0x2db: {  	v56 =	vld [tilespmem:$0x160];
	v3 =	vshll.u32 v3, $0x1;
	v2 =	vor.u32 v0, v2  }
0x2dc: {  	v57 =	vld [tilespmem:$0x170];
	[tilespmem:$0x100] =	vst v2;
	v2 =	vor.u32 v0, v3;
	v3 =	vshll.u32 v52, $0x1  }
0x2dd: {  	[tilespmem:$0x110] =	vst v2;
	v2 =	vor.u32 v0, v3;
	v3 =	vshll.u32 v53, $0x1  }
0x2de: {  	[tilespmem:$0x120] =	vst v2;
	v2 =	vor.u32 v0, v3;
	v3 =	vshll.u32 v54, $0x1  }
0x2df: {  	[tilespmem:$0x130] =	vst v2;
	v2 =	vor.u32 v0, v3;
	v3 =	vshll.u32 v55, $0x1  }
0x2e0: {  	[tilespmem:$0x140] =	vst v2;
	v2 =	vor.u32 v0, v3;
	v3 =	vshll.u32 v56, $0x1  }
0x2e1: {  	[tilespmem:$0x150] =	vst v2;
	v2 =	vor.u32 v0, v3;
	v3 =	vshll.u32 v57, $0x1  }
0x2e2: {  	[tilespmem:$0x160] =	vst v2;
	v2 =	vor.u32 v0, v3  }
0x2e3: {  	[tilespmem:$0x170] =	vst v2  }
0x2e4: {  	[tilespmem:s22], [sflag:$0xB] =	stream.indirect.gather [hbm4b:s0+s17], $0x40, s4, s17, $0xb8;
	[tilespmem:$0x16750] =	vst v63  }
0x2e5: {  	s4 =	simm.s32 $0xA  }
0x2e6: {  	_ =	swait.ge [sflag:s4], $0x2000  }
0x2e7: {  	[sflag:s4] =	ssyncset.done $0x0  }
0x2e8: {  	s3 =	simm.s32 @!p1 $0x6;
	[sflag:s4] =	ssyncadd.s32 $0xFFFFE000  }
0x2e9: {  	_ =	swait.ge @!p1 [sflag:s3], $0x800  }
0x2ea: {  	[sflag:s3] =	ssyncset.done @!p1 $0x0  }
0x2eb: {  	[sflag:s3] =	ssyncadd.s32 @!p1 $0xFFFFF800  }
0x2ec: {  	[spmem:s18] =	stream.indirect.scatter.add.f32 [tilespmem:s31], [sflag:$0xE], $0x40, s25, s17, $0xb8;
	[tilespmem:$0x16750] =	vst v63  }
0x2ed: {  	s5 =	simm.s32 $0x8C00  }
0x2ee: {  	[spmem:s16] =	stream.indirect.scatter.add.f32 [tilespmem:s5], [sflag:$0xE], $0x10, s25, s17, $0xb8;
	[tilespmem:$0x16750] =	vst v63  }
0x2ef: {  	_ =	swait.ge [sflag:s20], $0x2000  }
0x2f0: {  	[sflag:s20] =	ssyncset.done $0x0  }
0x2f1: {  	[sflag:s20] =	ssyncadd.s32 $0xFFFFE000  }
0x2f2: {  	_ =	swait.ge [sflag:s20], $0x800  }
0x2f3: {  	[sflag:s20] =	ssyncset.done $0x0  }
0x2f4: {  	[sflag:s20] =	ssyncadd.s32 $0xFFFFF800  }
0x2f5: {  	_ =	swait.ge [sflag:s21], $0x80  }
0x2f6: {  	[sflag:s21] =	ssyncset.done $0x0  }
0x2f7: {  	[sflag:s21] =	ssyncadd.s32 $0xFFFFFF80  }
0x2f8: {  	_ =	swait.ge [sflag:s21], $0x80  }
0x2f9: {  	[sflag:s21] =	ssyncset.done $0x0  }
0x2fa: {  	[sflag:s21] =	ssyncadd.s32 $0xFFFFFF80  }
0x2fb: {  	v2 =	vld [tilespmem:$0x180]  }
0x2fc: {  	v3 =	vld [tilespmem:$0x190]  }
0x2fd: {  	v58 =	vld [tilespmem:$0x1A0]  }
0x2fe: {  	v59 =	vld [tilespmem:$0x1B0]  }
0x2ff: {  	v60 =	vld [tilespmem:$0x1C0]  }
0x300: {  	v61 =	vld [tilespmem:$0x1D0];
	v2 =	vshll.u32 v2, $0x1  }
0x301: {  	v62 =	vld [tilespmem:$0x1E0];
	v3 =	vshll.u32 v3, $0x1;
	v2 =	vor.u32 v0, v2  }
0x302: {  	v63 =	vld [tilespmem:$0x1F0];
	[tilespmem:$0x180] =	vst v2;
	v2 =	vor.u32 v0, v3;
	v3 =	vshll.u32 v58, $0x1  }
0x303: {  	[tilespmem:$0x190] =	vst v2;
	v2 =	vor.u32 v0, v3;
	v3 =	vshll.u32 v59, $0x1  }
0x304: {  	[tilespmem:$0x1A0] =	vst v2;
	v2 =	vor.u32 v0, v3;
	v3 =	vshll.u32 v60, $0x1  }
0x305: {  	[tilespmem:$0x1B0] =	vst v2;
	v2 =	vor.u32 v0, v3;
	v3 =	vshll.u32 v61, $0x1  }
0x306: {  	[tilespmem:$0x1C0] =	vst v2;
	v2 =	vor.u32 v0, v3;
	v3 =	vshll.u32 v62, $0x1  }
0x307: {  	[tilespmem:$0x1D0] =	vst v2;
	v2 =	vor.u32 v0, v3;
	v3 =	vshll.u32 v63, $0x1  }
0x308: {  	[tilespmem:$0x1E0] =	vst v2;
	v2 =	vor.u32 v0, v3  }
0x309: {  	[tilespmem:$0x1F0] =	vst v2  }
0x30a: {  	[tilespmem:s13], [sflag:$0xC] =	stream.indirect.gather [hbm4b:s0+s17], $0x40, s23, s17, $0xb8;
	[tilespmem:$0x16750] =	vst v63  }
0x30b: {  	_ =	swait.ge [sflag:s15], $0x2000  }
0x30c: {  	[sflag:s15] =	ssyncset.done $0x0  }
0x30d: {  	s3 =	simm.s32 @!p1 $0x7;
	[sflag:s15] =	ssyncadd.s32 $0xFFFFE000  }
0x30e: {  	_ =	swait.ge @!p1 [sflag:s3], $0x800  }
0x30f: {  	[sflag:s3] =	ssyncset.done @!p1 $0x0  }
0x310: {  	[sflag:s3] =	ssyncadd.s32 @!p1 $0xFFFFF800  }
0x311: {  	[spmem:s18] =	stream.indirect.scatter.add.f32 [tilespmem:s22], [sflag:$0xF], $0x40, s12, s17, $0xb8;
	[tilespmem:$0x16750] =	vst v63  }
0x312: {  	s25 =	simm.s32 $0x9400  }
0x313: {  	[spmem:s16] =	stream.indirect.scatter.add.f32 [tilespmem:s25], [sflag:$0xF], $0x10, s12, s17, $0xb8;
	[tilespmem:$0x16750] =	vst v63  }
0x314: {  	_ =	swait.ge [sflag:s8], $0x2000  }
0x315: {  	[sflag:s8] =	ssyncset.done $0x0  }
0x316: {  	[sflag:s8] =	ssyncadd.s32 $0xFFFFE000  }
0x317: {  	_ =	swait.ge [sflag:s8], $0x800  }
0x318: {  	[sflag:s8] =	ssyncset.done $0x0  }
0x319: {  	[sflag:s8] =	ssyncadd.s32 $0xFFFFF800  }
0x31a: {  	_ =	swait.ge [sflag:s7], $0x2000  }
0x31b: {  	[sflag:s7] =	ssyncset.done $0x0  }
0x31c: {  	[sflag:s7] =	ssyncadd.s32 $0xFFFFE000  }
0x31d: {  	_ =	swait.ge @!p1 [sflag:s11], $0x800  }
0x31e: {  	[sflag:s11] =	ssyncset.done @!p1 $0x0  }
0x31f: {  	[sflag:s11] =	ssyncadd.s32 @!p1 $0xFFFFF800  }
0x320: {  	[spmem:s18] =	stream.indirect.scatter.add.f32 [tilespmem:s13], [sflag:$0x10], $0x40, s19, s17, $0xb8;
	[tilespmem:$0x16750] =	vst v63  }
0x321: {  	_ = 	snop  }
0x322: {  	[spmem:s16] =	stream.indirect.scatter.add.f32 [tilespmem:s24], [sflag:$0x10], $0x10, s19, s17, $0xb8;
	[tilespmem:$0x16750] =	vst v63  }
0x323: {  	_ =	swait.ge [sflag:s9], $0x2000  }
0x324: {  	[sflag:s9] =	ssyncset.done $0x0  }
0x325: {  	[sflag:s9] =	ssyncadd.s32 $0xFFFFE000  }
0x326: {  	_ =	swait.ge [sflag:s9], $0x800  }
0x327: {  	[sflag:s9] =	ssyncset.done $0x0  }
0x328: {  	[sflag:s9] =	ssyncadd.s32 $0xFFFFF800  }
0x329: {  	s4 =	simm.s32 $0x300;
	s31 =	simm.s32 $0x2400;
	_ =	swait.ge [sflag:s14], $0x2000  }
.Ltmp4:
0x32a: {  	s15 =	simm.s32 $0x400;
	[sflag:s14] =	ssyncset.done $0x0;
	(pc) =	sbr.rel @p2 .LBB2_7-.Ltmp4, $4  }
0x32b: {  	s22 =	simm.s32 $0x280;
	s25 =	simm.s32 $0x100;
	[sflag:s14] =	ssyncadd.s32 $0xFFFFE000  }
0x32c: {  	s12 =	smov.u32 s0;
	s0 =	simm.s32 $0x8400;
	_ =	swait.ge [sflag:s14], $0x800  }
0x32d: {  	s11 =	simm.s32 $0x9;
	s13 =	simm.s32 $0xA;
	[sflag:s14] =	ssyncset.done $0x0  }
0x32e: {  	s19 =	simm.s32 $0x6400;
	s7 =	sld [smem:$0x7EC];
	[sflag:s14] =	ssyncadd.s32 $0xFFFFF800  }
0x32f: {  	s3 =	rddreg [dreg:$0x15]  }
0x330: {  	[tilespmem:s29], [sflag:$0x1] =	stream.linear.gather [hbm4b:s3+s29], $0x80, $0x38;
	[tilespmem:$0x16750] =	vst v63  }
0x331: {  	s24 =	rddreg [dreg:$0x16]  }
0x332: {  	[tilespmem:s6], [sflag:$0x1] =	stream.linear.gather [hbm4b:s24+s29], $0x80, $0x38;
	[tilespmem:$0x16750] =	vst v63  }
0x333: {  	s5 =	rddreg [dreg:$0x1f];
	s3 =	simm.s32 @!p1 $0x8400  }
0x334: {  	[tilespmem:s3], [sflag:$0x5] =	stream.linear.gather @!p1 [hbm4b:s5+s1], $0x800, $0x38;
	[tilespmem:$0x16750] =	vst v63  }
0x335: {  	_ =	swait.ge [sflag:s30], $0x80  }
0x336: {  	[sflag:s30] =	ssyncset.done $0x0  }
0x337: {  	[sflag:s30] =	ssyncadd.s32 $0xFFFFFF80  }
0x338: {  	_ =	swait.ge [sflag:s30], $0x80  }
0x339: {  	[sflag:s30] =	ssyncset.done $0x0  }
0x33a: {  	[sflag:s30] =	ssyncadd.s32 $0xFFFFFF80  }
0x33b: {  	v2 =	vld [tilespmem:$0x0]  }
0x33c: {  	v3 =	vld [tilespmem:$0x10]  }
0x33d: {  	v4 =	vld [tilespmem:$0x20]  }
0x33e: {  	v5 =	vld [tilespmem:$0x30]  }
0x33f: {  	v6 =	vld [tilespmem:$0x40]  }
0x340: {  	v7 =	vld [tilespmem:$0x50];
	v2 =	vshll.u32 v2, $0x1  }
0x341: {  	v8 =	vld [tilespmem:$0x60];
	v3 =	vshll.u32 v3, $0x1;
	v2 =	vor.u32 v0, v2  }
0x342: {  	v63 =	vld [tilespmem:$0x70];
	[tilespmem:$0x0] =	vst v2;
	v2 =	vor.u32 v0, v3;
	v3 =	vshll.u32 v4, $0x1  }
0x343: {  	[tilespmem:$0x10] =	vst v2;
	v2 =	vor.u32 v0, v3;
	v3 =	vshll.u32 v5, $0x1  }
0x344: {  	[tilespmem:$0x20] =	vst v2;
	v2 =	vor.u32 v0, v3;
	v3 =	vshll.u32 v6, $0x1  }
0x345: {  	[tilespmem:$0x30] =	vst v2;
	v2 =	vor.u32 v0, v3;
	v3 =	vshll.u32 v7, $0x1  }
0x346: {  	[tilespmem:$0x40] =	vst v2;
	v2 =	vor.u32 v0, v3;
	v3 =	vshll.u32 v8, $0x1  }
0x347: {  	[tilespmem:$0x50] =	vst v2;
	v2 =	vor.u32 v0, v3;
	v3 =	vshll.u32 v63, $0x1  }
0x348: {  	[tilespmem:$0x60] =	vst v2;
	v2 =	vor.u32 v0, v3  }
0x349: {  	[tilespmem:$0x70] =	vst v2  }
0x34a: {  	[tilespmem:s15], [sflag:$0x9] =	stream.indirect.gather [hbm4b:s12+s17], $0x40, s29, s17, $0xb8;
	[tilespmem:$0x16750] =	vst v63  }
0x34b: {  	_ =	swait.ge [sflag:s11], $0x2000  }
0x34c: {  	[sflag:s11] =	ssyncset.done $0x0  }
0x34d: {  	[sflag:s11] =	ssyncadd.s32 $0xFFFFE000  }
0x34e: {  	_ =	swait.ge @!p1 [sflag:s2], $0x800  }
0x34f: {  	[sflag:s2] =	ssyncset.done @!p1 $0x0  }
0x350: {  	[sflag:s2] =	ssyncadd.s32 @!p1 $0xFFFFF800  }
0x351: {  	[spmem:s18] =	stream.indirect.scatter.add.f32 [tilespmem:s15], [sflag:$0xD], $0x40, s6, s17, $0xb8;
	[tilespmem:$0x16750] =	vst v63  }
0x352: {  	_ = 	snop  }
0x353: {  	[spmem:s16] =	stream.indirect.scatter.add.f32 [tilespmem:s0], [sflag:$0xD], $0x10, s6, s17, $0xb8;
	[tilespmem:$0x16750] =	vst v63  }
0x354: {  	_ =	swait.ge [sflag:s20], $0x2000  }
.Ltmp5:
0x355: {  	[sflag:s20] =	ssyncset.done $0x0;
	(pc) =	sbr.rel .LBB2_7-.Ltmp5, $4  }
0x356: {  	[sflag:s20] =	ssyncadd.s32 $0xFFFFE000  }
0x357: {  	_ =	swait.ge [sflag:s20], $0x800  }
0x358: {  	[sflag:s20] =	ssyncset.done $0x0  }
0x359: {  	[sflag:s20] =	ssyncadd.s32 $0xFFFFF800  }
.LBB2_8:
0x35a: {  	_ =	sfence.sel $0x180000  }
0x35b: {  	[bflag:$0x0] =	sbarrier.arrive $0xFFFF  }
0x35c: {  	_ =	strace $0x90000047  }
0x35d: {  	s0 =	stileid.u32;
	[bflag:$0x2] =	sbarrier.arrive $0xFFFF  }
0x35e: {  	p0 =	sne.s32 s0, $0x0;
	s0 =	rddreg [dreg:$0x6]  }
0x35f: {  	s0 =	sadd.s32 @!p0 $0x100000, s0  }
0x360: {  	[sflag:s0] =	ssyncadd.tile.s32 @!p0 $0x1;
	_ =	shalt  }
.Lfunc_end2:
_tile_overlayer_lowered:
.L_overlay_start_2:
0x361: {  	(tag) =	ssettag $0x2  }
0x362: {  	s0 =	rddreg [dreg:$0x0];
	s2 =	stileid.u32  }
0x363: {  	s1 =	rddreg [dreg:$0x1];
	p0 =	sne.s32 s2, $0x0  }
0x364: {  	s3 =	rddreg [dreg:$0x2];
	[bflag:$0x3] =	sbarrier.arrive $0xFFFF;
	s2 =	simm.s32 @!p0 $0x1C12  }
0x365: {  	[timem:s3], [sflag:s2] =	dma.local @!p0 [hbm:s0], s1  }
0x366: {  	s0 =	simm.s32 @!p0 $0x12  }
0x367: {  	_ =	swait.ge @!p0 [sflag:s0], s1  }
0x368: {  	s1 =	ssub.s32 @!p0 $0x0, s1;
	[sflag:s0] =	ssyncset.done @!p0 $0x0  }
0x369: {  	[sflag:s0] =	ssyncadd.s32 @!p0 s1  }
0x36a: {  	[bflag:$0x3] =	sbarrier.arrive $0xFFFF  }
0x36b: {  	_ =	shalt  }

</sc_bundles>
